<compile_context>
chip_gen: v7x
topology: tpu7x:2x2x1
jax: 0.10.2.dev20260603
libtpu: 0.0.44.dev20260713+nightly
codegen_flags: <defaults>
</compile_context>

<pallas_src>
import functools

import jax
import jax.numpy as jnp
from jax import lax
from jax.experimental import pallas as pl
from jax.experimental.pallas import tpu as pltpu
from jax.experimental.pallas import tpu_sc as plsc

_ANCHORS = ((116.0, 90.0), (156.0, 198.0), (373.0, 326.0))
_IMG_SIZE = 416.0
_NUM_CLASSES = 80
_NA = 3
_NCH_PER_A = 5 + _NUM_CLASSES


def _prep_fields(b, cl, xx, yy, ww, hh, nB, nH, nW, anchors):
    valid = (b == jnp.floor(b)) & (b >= 0) & (b < nB)
    gx = xx * nW
    gy = yy * nH
    gw = ww * nW
    gh = hh * nH
    ious = []
    for (aw, ah) in anchors:
        inter = jnp.minimum(aw, gw) * jnp.minimum(ah, gh)
        union = aw * ah + gw * gh - inter
        ious.append(inter / (union + 1e-16))
    bn = jnp.where(ious[1] > ious[0], 1, 0)
    best = jnp.maximum(ious[0], ious[1])
    bn = jnp.where(ious[2] > best, 2, bn)
    gi = jnp.clip(gx.astype(jnp.int32), 0, nW - 1)
    gj = jnp.clip(gy.astype(jnp.int32), 0, nH - 1)
    bi = b.astype(jnp.int32)
    key = ((bi * _NA + bn) * nH + gj) * nW + gi
    cli = cl.astype(jnp.int32)
    clsok = valid & (cli < _NUM_CLASSES)
    clc = jnp.clip(cli, 0, _NUM_CLASSES - 1)
    return dict(valid=valid, gx=gx, gy=gy, gw=gw, gh=gh, bn=bn,
                gi=gi, gj=gj, bi=bi, key=key, clsok=clsok, clc=clc)


_cond = lax.cond


def _tc_body(nB, nCh, nH, nW, anchors,
             x_ref, tgt_ref, tgtT_ref, csum_ref, tf_ref, ti_ref, nv_ref):
    HW = nH * nW
    r = pl.program_id(0)
    x = x_ref[...]
    rsel = lax.broadcasted_iota(jnp.int32, (nCh, 128), 0)
    csel = lax.broadcasted_iota(jnp.int32, (nCh, 128), 1)
    onehot = jnp.where(((csel == 0) & (rsel == 4))
                       | ((csel == 1) & (rsel == 4 + _NCH_PER_A))
                       | ((csel == 2) & (rsel == 4 + 2 * _NCH_PER_A)),
                       1.0, 0.0)
    y = jnp.dot(x, onehot, preferred_element_type=jnp.float32)
    keep = lax.broadcasted_iota(jnp.int32, y.shape, 1) < _NA
    s = jax.nn.sigmoid(jnp.where(keep, y, -1e30))
    part = jnp.sum(s * s)

    @pl.when(r == 0)
    def _init():
        csum_ref[0, 0] = part

    @pl.when(r > 0)
    def _acc():
        csum_ref[0, 0] += part

    @pl.when(r == 0)
    def _prep():
        T = tgt_ref.shape[0]
        fc = _prep_fields(tgt_ref[:, 0:1], tgt_ref[:, 1:2], tgt_ref[:, 2:3],
                          tgt_ref[:, 3:4], tgt_ref[:, 4:5], tgt_ref[:, 5:6],
                          nB, nH, nW, anchors)
        fr = _prep_fields(tgtT_ref[0:1, :], tgtT_ref[1:2, :], tgtT_ref[2:3, :],
                          tgtT_ref[3:4, :], tgtT_ref[4:5, :], tgtT_ref[5:6, :],
                          nB, nH, nW, anchors)
        eq = fc["key"] == fr["key"]
        later = (lax.broadcasted_iota(jnp.int32, (T, T), 0)
                 > lax.broadcasted_iota(jnp.int32, (T, T), 1))
        supw = jnp.max(jnp.where(eq & later & fc["valid"], 1.0, 0.0),
                       axis=0, keepdims=True)
        winner = fr["valid"] & (supw < 0.5)
        eqc = fc["clc"] == fr["clc"]
        supc = jnp.max(jnp.where(eq & eqc & later & fc["clsok"], 1.0, 0.0),
                       axis=0, keepdims=True)
        crep = fr["clsok"] & (supc < 0.5)

        gx, gy, gw, gh, bn = fr["gx"], fr["gy"], fr["gw"], fr["gh"], fr["bn"]
        aw = jnp.where(bn == 0, anchors[0][0],
                       jnp.where(bn == 1, anchors[1][0], anchors[2][0]))
        ah = jnp.where(bn == 0, anchors[0][1],
                       jnp.where(bn == 1, anchors[1][1], anchors[2][1]))
        tf_ref[0:1, :] = gx - jnp.floor(gx)
        tf_ref[1:2, :] = gy - jnp.floor(gy)
        tf_ref[2:3, :] = jnp.log(gw / aw + 1e-16)
        tf_ref[3:4, :] = jnp.log(gh / ah + 1e-16)
        off = (fr["bi"] * nCh + bn * _NCH_PER_A) * HW + fr["gj"] * nW + fr["gi"]
        ti_ref[0:1, :] = jnp.where(fr["valid"], off, 0)
        ti_ref[1:2, :] = fr["clc"]
        ti_ref[2:3, :] = winner.astype(jnp.int32)
        ti_ref[3:4, :] = crep.astype(jnp.int32)
        nv_ref[0, 0] = jnp.sum(fr["valid"].astype(jnp.int32))


def _make_sc_loss(N, HW):
    n_grp = (_NCH_PER_A * 16 + 127) // 128

    @functools.partial(
        pl.kernel,
        out_type=jax.ShapeDtypeStruct((32 * 96,), jnp.float32),
        mesh=plsc.VectorSubcoreMesh(core_axis_name="c", subcore_axis_name="s"),
        scratch_types=[
            pltpu.VMEM((n_grp, 128), jnp.int32),
            pltpu.VMEM((n_grp, 128), jnp.float32),
            pltpu.VMEM((64,), jnp.int32),
            pltpu.VMEM((64,), jnp.float32),
            pltpu.VMEM((96,), jnp.float32),
            pltpu.SemaphoreType.DMA,
        ],
    )
    def sc_loss(flat_hbm, ti_hbm, tf_hbm, out_hbm,
                idx_v, val_v, ti_v, tf_v, res_v, sem):
        wid = lax.axis_index("s") * 2 + lax.axis_index("c")
        base = wid * 16
        for r in range(4):
            pltpu.sync_copy(ti_hbm.at[pl.ds(r * 512 + base, 16)],
                            ti_v.at[pl.ds(r * 16, 16)])
            pltpu.sync_copy(tf_hbm.at[pl.ds(r * 512 + base, 16)],
                            tf_v.at[pl.ds(r * 16, 16)])
        off = ti_v[pl.ds(0, 16)]
        cls = ti_v[pl.ds(16, 16)]
        win = ti_v[pl.ds(32, 16)] > 0
        crep = ti_v[pl.ds(48, 16)] > 0
        winf = jnp.where(win, 1.0, 0.0)
        for g in range(n_grp):
            for k in range(8):
                j = g * 8 + k
                ch = j if j < _NCH_PER_A else _NCH_PER_A - 1
                idx_v[g, pl.ds(k * 16, 16)] = off + ch * HW
        cps = [pltpu.async_copy(flat_hbm.at[idx_v.at[g]], val_v.at[g], sem)
               for g in range(n_grp)]
        for cp in cps:
            cp.wait()

        def chan(j):
            g, k = divmod(j, 8)
            return val_v[g, pl.ds(k * 16, 16)]

        def sig(v):
            return 1.0 / (1.0 + jnp.exp(-v))

        tx = tf_v[pl.ds(0, 16)]
        ty = tf_v[pl.ds(16, 16)]
        tw = tf_v[pl.ds(32, 16)]
        th = tf_v[pl.ds(48, 16)]
        px = sig(chan(0))
        py = sig(chan(1))
        pw = chan(2)
        ph = chan(3)
        pc = sig(chan(4))
        res_v[pl.ds(0, 16)] = winf * (px - tx) * (px - tx)
        res_v[pl.ds(16, 16)] = winf * (py - ty) * (py - ty)
        res_v[pl.ds(32, 16)] = winf * (pw - tw) * (pw - tw)
        res_v[pl.ds(48, 16)] = winf * (ph - th) * (ph - th)
        res_v[pl.ds(64, 16)] = winf * ((pc - 1.0) * (pc - 1.0) - 0.5 * pc * pc)
        zeros = jnp.zeros((16,), jnp.float32)
        acc = zeros
        for j in range(5, _NCH_PER_A):
            sc = sig(chan(j))
            acc = acc + winf * sc * sc
            acc = acc + jnp.where(crep & (cls == (j - 5)), 1.0 - 2.0 * sc,
                                  zeros)
        res_v[pl.ds(80, 16)] = acc
        pltpu.sync_copy(res_v, out_hbm.at[pl.ds(wid * 96, 96)])

    return sc_loss


def kernel(input, targets):
    nB, nCh, nH, nW = input.shape
    HW = nH * nW
    T = targets.shape[0]
    stride = _IMG_SIZE / nH
    anchors = tuple((w / stride, h / stride) for (w, h) in _ANCHORS)

    nRows = nH * nW * nB
    xr = jnp.transpose(input, (2, 3, 0, 1)).reshape(nRows, nCh)
    NSTEP = 32
    BR = nRows // NSTEP
    tc = pl.pallas_call(
        functools.partial(_tc_body, nB, nCh, nH, nW, anchors),
        grid=(NSTEP,),
        in_specs=[
            pl.BlockSpec((BR, nCh), lambda r: (r, 0)),
            pl.BlockSpec((T, 6), lambda r: (0, 0)),
            pl.BlockSpec((6, T), lambda r: (0, 0)),
        ],
        out_specs=[
            pl.BlockSpec((1, 1), lambda r: (0, 0), memory_space=pltpu.SMEM),
            pl.BlockSpec((4, T), lambda r: (0, 0)),
            pl.BlockSpec((4, T), lambda r: (0, 0)),
            pl.BlockSpec((1, 1), lambda r: (0, 0), memory_space=pltpu.SMEM),
        ],
        out_shape=[
            jax.ShapeDtypeStruct((1, 1), jnp.float32),
            jax.ShapeDtypeStruct((4, T), jnp.float32),
            jax.ShapeDtypeStruct((4, T), jnp.int32),
            jax.ShapeDtypeStruct((1, 1), jnp.int32),
        ],
    )
    csum, tf, ti, nv = tc(xr, targets, targets.T)

    sc_loss = _make_sc_loss(nB * nCh * HW, HW)
    partials = _cond(
        nv[0, 0] > 0,
        lambda: sc_loss(input.reshape(-1), ti.reshape(-1), tf.reshape(-1)),
        lambda: jnp.zeros((32 * 96,), jnp.float32),
    )
    S = jnp.sum(partials.reshape(32, 6, 16), axis=(0, 2))
    lconf = S[4] + 0.5 * csum[0, 0]
    comps = jnp.stack([S[0], S[1], S[2], S[3], lconf, S[5]]) / nB
    loss = (S[0] + S[1] + S[2] + S[3] + lconf + S[5]) / nB
    return (loss, comps)

# --- scband reference (transcript-rebuilt; emitter-appended) ---
"""Pipeline reference for scband-yololoss-58033598103858 (READ-ONLY COPY).

The authoritative reference and input builder live on the scoring server;
editing this copy changes nothing except your own understanding.
"""

import jax, jax.numpy as jnp
import numpy as np

NUM_CLASSES = 80
ANCHORS = jnp.array([[116.0, 90.0], [156.0, 198.0], [373.0, 326.0]], dtype=jnp.float32)
IMG_SIZE = 416.0


def setup_inputs(seed: int = 0) -> dict:
    key = jax.random.key(seed)
    k1, k2 = jax.random.split(key)
    inp = jax.random.normal(k1, (64, 255, 52, 52), dtype=jnp.float32)
    targets = jax.random.uniform(k2, (512, 6), dtype=jnp.float32)
    return {"input": inp, "targets": targets}


def build_targets(targets, scaled_anchors, nB, nH, nW):
    nA = scaled_anchors.shape[0]
    shape = (nB, nA, nH, nW)
    mask = jnp.zeros(shape, dtype=jnp.float32)
    noobj_mask = jnp.ones(shape, dtype=jnp.float32)
    tx = jnp.zeros(shape, dtype=jnp.float32)
    ty = jnp.zeros(shape, dtype=jnp.float32)
    tw = jnp.zeros(shape, dtype=jnp.float32)
    th = jnp.zeros(shape, dtype=jnp.float32)
    tconf = jnp.zeros(shape, dtype=jnp.float32)
    tcls = jnp.zeros(shape + (NUM_CLASSES,), dtype=jnp.float32)

    bcol = targets[:, 0]
    # torch code selects targets whose batch column exactly equals an integer b in [0, nB)
    valid = (bcol == jnp.floor(bcol)) & (bcol >= 0) & (bcol < nB)
    b_idx = jnp.where(valid, bcol.astype(jnp.int32), nB)  # out-of-bounds -> dropped by scatter

    gxy = targets[:, 2:4] * jnp.array([nW, nH], dtype=jnp.float32)
    gwh = targets[:, 4:6] * jnp.array([nW, nH], dtype=jnp.float32)

    # IoU of each anchor (wh only) against each gt wh: [nA, T]
    w1 = scaled_anchors[:, 0:1]
    h1 = scaled_anchors[:, 1:2]
    w2 = gwh[None, :, 0]
    h2 = gwh[None, :, 1]
    inter = jnp.minimum(w1, w2) * jnp.minimum(h1, h2)
    union = w1 * h1 + w2 * h2 - inter
    ious = inter / (union + 1e-16)
    best_n = jnp.argmax(ious, axis=0)

    gx = gxy[:, 0]
    gy = gxy[:, 1]
    gw = gwh[:, 0]
    gh = gwh[:, 1]
    gi = jnp.clip(gxy[:, 0].astype(jnp.int32), 0, nW - 1)
    gj = jnp.clip(gxy[:, 1].astype(jnp.int32), 0, nH - 1)

    idx = (b_idx, best_n, gj, gi)
    mask = mask.at[idx].set(1.0, mode='drop')
    noobj_mask = noobj_mask.at[idx].set(0.0, mode='drop')
    tx = tx.at[idx].set(gx - jnp.floor(gx), mode='drop')
    ty = ty.at[idx].set(gy - jnp.floor(gy), mode='drop')
    anchor_w = scaled_anchors[best_n, 0]
    anchor_h = scaled_anchors[best_n, 1]
    tw = tw.at[idx].set(jnp.log(gw / anchor_w + 1e-16), mode='drop')
    th = th.at[idx].set(jnp.log(gh / anchor_h + 1e-16), mode='drop')
    tconf = tconf.at[idx].set(1.0, mode='drop')

    cls_idx = targets[:, 1].astype(jnp.int32)
    b_cls = jnp.where(valid & (cls_idx < NUM_CLASSES), b_idx, nB)
    tcls = tcls.at[b_cls, best_n, gj, gi, jnp.clip(cls_idx, 0, NUM_CLASSES - 1)].set(1.0, mode='drop')
    return mask, noobj_mask, tx, ty, tw, th, tconf, tcls


def reference(input, targets):
    nB, _, nH, nW = input.shape
    nA = ANCHORS.shape[0]
    stride = IMG_SIZE / nH
    scaled_anchors = ANCHORS / stride

    prediction = input.reshape(nB, nA, 5 + NUM_CLASSES, nH, nW).transpose(0, 1, 3, 4, 2)
    x = jax.nn.sigmoid(prediction[..., 0])
    y = jax.nn.sigmoid(prediction[..., 1])
    w = prediction[..., 2]
    h = prediction[..., 3]
    conf = jax.nn.sigmoid(prediction[..., 4])
    pred_cls = jax.nn.sigmoid(prediction[..., 5:])

    mask, noobj_mask, tx, ty, tw, th, tconf, tcls = build_targets(targets, scaled_anchors, nB, nH, nW)

    loss_x = jnp.sum((x * mask - tx * mask) ** 2)
    loss_y = jnp.sum((y * mask - ty * mask) ** 2)
    loss_w = jnp.sum((w * mask - tw * mask) ** 2)
    loss_h = jnp.sum((h * mask - th * mask) ** 2)
    loss_conf = jnp.sum((conf * mask - tconf * mask) ** 2) + 0.5 * jnp.sum((conf * noobj_mask - tconf * noobj_mask) ** 2)
    loss_cls = jnp.sum((pred_cls * mask[..., None] - tcls * mask[..., None]) ** 2)

    loss = (loss_x + loss_y + loss_w + loss_h + loss_conf + loss_cls) / nB
    components = jnp.stack([loss_x, loss_y, loss_w, loss_h, loss_conf, loss_cls]) / nB
    return (loss, components)

if __name__ == "__main__":
    import jax
    _d = setup_inputs()
    print(jax.jit(kernel)(*tuple(_d.values())))

</pallas_src>

<mosaic_0001>
#map = affine_map<(d0, d1) -> (0)>
module attributes {stable_mosaic.version = 14 : i64} {
  func.func @sc_loss(%arg0: i32, %arg1: i32, %arg2: memref<44129280xf32, #tpu.memory_space<hbm>>, %arg3: memref<2048xi32, #tpu.memory_space<hbm>>, %arg4: memref<2048xf32, #tpu.memory_space<hbm>>, %arg5: memref<3072xf32, #tpu.memory_space<hbm>>, %arg6: memref<11x128xi32, #tpu.memory_space<vmem>>, %arg7: memref<11x128xf32, #tpu.memory_space<vmem>>, %arg8: memref<64xi32, #tpu.memory_space<vmem>>, %arg9: memref<64xf32, #tpu.memory_space<vmem>>, %arg10: memref<96xf32, #tpu.memory_space<vmem>>, %arg11: memref<!tpu.dma_semaphore, #tpu.memory_space<semaphore_mem>>) attributes {dimension_semantics = [#tpu.dimension_semantics<core_parallel>, #tpu.dimension_semantics<subcore_parallel>], iteration_bounds = array<i64: 2, 16>, scalar_prefetch = 0 : i64, scratch_operands = 6 : i64, tpu.core_type = #tpu.core_type<sc_vector_subcore>, window_params = [{transform_indices = #map}, {transform_indices = #map}, {transform_indices = #map}, {transform_indices = #map}]} {
    %mul3A = arith.constant 2 : i32
    %mul3A_0 = arith.muli %arg1, %mul3A : i32
    %add3A = arith.addi %mul3A_0, %arg0 : i32
    %mul3A_1 = arith.constant 16 : i32
    %mul3A_2 = arith.muli %add3A, %mul3A_1 : i32
    %add3A_3 = arith.constant 0 : i32
    %add3A_4 = arith.addi %add3A_3, %mul3A_2 : i32
    "tpu.region"() ({
      %run_scoped3A = tpu.sem_alloc : memref<!tpu.dma_semaphore, #tpu.memory_space<semaphore_mem>>
      %dma_start3A_3564 = arith.constant 0 : i32
      %dma_start3A_3565 = tpu.memref_slice %arg8[%dma_start3A_3564] : memref<64xi32, #tpu.memory_space<vmem>> -> memref<16xi32, #tpu.memory_space<vmem>>
      %dma_start3A_3566 = tpu.memref_slice %arg3[%add3A_4] : memref<2048xi32, #tpu.memory_space<hbm>> -> memref<16xi32, #tpu.memory_space<hbm>>
      %dma_start3A_3567 = arith.constant 0 : i32
      %dma_start3A_3568 = tpu.memref_slice %arg8[%dma_start3A_3567] : memref<64xi32, #tpu.memory_space<vmem>> -> memref<16xi32, #tpu.memory_space<vmem>>
      %dma_start3A_3569 = tpu.memref_slice %arg3[%add3A_4] : memref<2048xi32, #tpu.memory_space<hbm>> -> memref<16xi32, #tpu.memory_space<hbm>>
      tpu.enqueue_dma source(%dma_start3A_3569 : memref<16xi32, #tpu.memory_space<hbm>>) target(%dma_start3A_3568 : memref<16xi32, #tpu.memory_space<vmem>>) target_semaphore(%run_scoped3A : memref<!tpu.dma_semaphore, #tpu.memory_space<semaphore_mem>>)
      %dma_wait3A_3570 = arith.constant 0 : i32
      %dma_wait3A_3571 = tpu.memref_slice %arg8[%dma_wait3A_3570] : memref<64xi32, #tpu.memory_space<vmem>> -> memref<16xi32, #tpu.memory_space<vmem>>
      %dma_wait3A_3572 = tpu.memref_slice %arg3[%add3A_4] : memref<2048xi32, #tpu.memory_space<hbm>> -> memref<16xi32, #tpu.memory_space<hbm>>
      %dma_wait3A_3573 = arith.constant 0 : i32
      %dma_wait3A_3574 = tpu.memref_slice %arg8[%dma_wait3A_3573] : memref<64xi32, #tpu.memory_space<vmem>> -> memref<16xi32, #tpu.memory_space<vmem>>
      %dma_wait3A_3575 = tpu.memref_slice %arg3[%add3A_4] : memref<2048xi32, #tpu.memory_space<hbm>> -> memref<16xi32, #tpu.memory_space<hbm>>
      tpu.wait_dma2 semaphore(%run_scoped3A : memref<!tpu.dma_semaphore, #tpu.memory_space<semaphore_mem>>) src(%dma_wait3A_3575 : memref<16xi32, #tpu.memory_space<hbm>>) dst(%dma_wait3A_3574 : memref<16xi32, #tpu.memory_space<vmem>>)
      tpu.yield
    }) : () -> ()
    %add3A_5 = arith.constant 0 : i32
    %add3A_6 = arith.addi %add3A_5, %mul3A_2 : i32
    "tpu.region"() ({
      %run_scoped3A = tpu.sem_alloc : memref<!tpu.dma_semaphore, #tpu.memory_space<semaphore_mem>>
      %dma_start3A_3564 = arith.constant 0 : i32
      %dma_start3A_3565 = tpu.memref_slice %arg9[%dma_start3A_3564] : memref<64xf32, #tpu.memory_space<vmem>> -> memref<16xf32, #tpu.memory_space<vmem>>
      %dma_start3A_3566 = tpu.memref_slice %arg4[%add3A_6] : memref<2048xf32, #tpu.memory_space<hbm>> -> memref<16xf32, #tpu.memory_space<hbm>>
      %dma_start3A_3567 = arith.constant 0 : i32
      %dma_start3A_3568 = tpu.memref_slice %arg9[%dma_start3A_3567] : memref<64xf32, #tpu.memory_space<vmem>> -> memref<16xf32, #tpu.memory_space<vmem>>
      %dma_start3A_3569 = tpu.memref_slice %arg4[%add3A_6] : memref<2048xf32, #tpu.memory_space<hbm>> -> memref<16xf32, #tpu.memory_space<hbm>>
      tpu.enqueue_dma source(%dma_start3A_3569 : memref<16xf32, #tpu.memory_space<hbm>>) target(%dma_start3A_3568 : memref<16xf32, #tpu.memory_space<vmem>>) target_semaphore(%run_scoped3A : memref<!tpu.dma_semaphore, #tpu.memory_space<semaphore_mem>>)
      %dma_wait3A_3570 = arith.constant 0 : i32
      %dma_wait3A_3571 = tpu.memref_slice %arg9[%dma_wait3A_3570] : memref<64xf32, #tpu.memory_space<vmem>> -> memref<16xf32, #tpu.memory_space<vmem>>
      %dma_wait3A_3572 = tpu.memref_slice %arg4[%add3A_6] : memref<2048xf32, #tpu.memory_space<hbm>> -> memref<16xf32, #tpu.memory_space<hbm>>
      %dma_wait3A_3573 = arith.constant 0 : i32
      %dma_wait3A_3574 = tpu.memref_slice %arg9[%dma_wait3A_3573] : memref<64xf32, #tpu.memory_space<vmem>> -> memref<16xf32, #tpu.memory_space<vmem>>
      %dma_wait3A_3575 = tpu.memref_slice %arg4[%add3A_6] : memref<2048xf32, #tpu.memory_space<hbm>> -> memref<16xf32, #tpu.memory_space<hbm>>
      tpu.wait_dma2 semaphore(%run_scoped3A : memref<!tpu.dma_semaphore, #tpu.memory_space<semaphore_mem>>) src(%dma_wait3A_3575 : memref<16xf32, #tpu.memory_space<hbm>>) dst(%dma_wait3A_3574 : memref<16xf32, #tpu.memory_space<vmem>>)
      tpu.yield
    }) : () -> ()
    %add3A_7 = arith.constant 512 : i32
    %add3A_8 = arith.addi %add3A_7, %mul3A_2 : i32
    "tpu.region"() ({
      %run_scoped3A = tpu.sem_alloc : memref<!tpu.dma_semaphore, #tpu.memory_space<semaphore_mem>>
      %dma_start3A_3564 = arith.constant 16 : i32
      %dma_start3A_3565 = tpu.memref_slice %arg8[%dma_start3A_3564] : memref<64xi32, #tpu.memory_space<vmem>> -> memref<16xi32, #tpu.memory_space<vmem>>
      %dma_start3A_3566 = tpu.memref_slice %arg3[%add3A_8] : memref<2048xi32, #tpu.memory_space<hbm>> -> memref<16xi32, #tpu.memory_space<hbm>>
      %dma_start3A_3567 = arith.constant 16 : i32
      %dma_start3A_3568 = tpu.memref_slice %arg8[%dma_start3A_3567] : memref<64xi32, #tpu.memory_space<vmem>> -> memref<16xi32, #tpu.memory_space<vmem>>
      %dma_start3A_3569 = tpu.memref_slice %arg3[%add3A_8] : memref<2048xi32, #tpu.memory_space<hbm>> -> memref<16xi32, #tpu.memory_space<hbm>>
      tpu.enqueue_dma source(%dma_start3A_3569 : memref<16xi32, #tpu.memory_space<hbm>>) target(%dma_start3A_3568 : memref<16xi32, #tpu.memory_space<vmem>>) target_semaphore(%run_scoped3A : memref<!tpu.dma_semaphore, #tpu.memory_space<semaphore_mem>>)
      %dma_wait3A_3570 = arith.constant 16 : i32
      %dma_wait3A_3571 = tpu.memref_slice %arg8[%dma_wait3A_3570] : memref<64xi32, #tpu.memory_space<vmem>> -> memref<16xi32, #tpu.memory_space<vmem>>
      %dma_wait3A_3572 = tpu.memref_slice %arg3[%add3A_8] : memref<2048xi32, #tpu.memory_space<hbm>> -> memref<16xi32, #tpu.memory_space<hbm>>
      %dma_wait3A_3573 = arith.constant 16 : i32
      %dma_wait3A_3574 = tpu.memref_slice %arg8[%dma_wait3A_3573] : memref<64xi32, #tpu.memory_space<vmem>> -> memref<16xi32, #tpu.memory_space<vmem>>
      %dma_wait3A_3575 = tpu.memref_slice %arg3[%add3A_8] : memref<2048xi32, #tpu.memory_space<hbm>> -> memref<16xi32, #tpu.memory_space<hbm>>
      tpu.wait_dma2 semaphore(%run_scoped3A : memref<!tpu.dma_semaphore, #tpu.memory_space<semaphore_mem>>) src(%dma_wait3A_3575 : memref<16xi32, #tpu.memory_space<hbm>>) dst(%dma_wait3A_3574 : memref<16xi32, #tpu.memory_space<vmem>>)
      tpu.yield
    }) : () -> ()
    %add3A_9 = arith.constant 512 : i32
    %add3A_10 = arith.addi %add3A_9, %mul3A_2 : i32
    "tpu.region"() ({
      %run_scoped3A = tpu.sem_alloc : memref<!tpu.dma_semaphore, #tpu.memory_space<semaphore_mem>>
      %dma_start3A_3564 = arith.constant 16 : i32
      %dma_start3A_3565 = tpu.memref_slice %arg9[%dma_start3A_3564] : memref<64xf32, #tpu.memory_space<vmem>> -> memref<16xf32, #tpu.memory_space<vmem>>
      %dma_start3A_3566 = tpu.memref_slice %arg4[%add3A_10] : memref<2048xf32, #tpu.memory_space<hbm>> -> memref<16xf32, #tpu.memory_space<hbm>>
      %dma_start3A_3567 = arith.constant 16 : i32
      %dma_start3A_3568 = tpu.memref_slice %arg9[%dma_start3A_3567] : memref<64xf32, #tpu.memory_space<vmem>> -> memref<16xf32, #tpu.memory_space<vmem>>
      %dma_start3A_3569 = tpu.memref_slice %arg4[%add3A_10] : memref<2048xf32, #tpu.memory_space<hbm>> -> memref<16xf32, #tpu.memory_space<hbm>>
      tpu.enqueue_dma source(%dma_start3A_3569 : memref<16xf32, #tpu.memory_space<hbm>>) target(%dma_start3A_3568 : memref<16xf32, #tpu.memory_space<vmem>>) target_semaphore(%run_scoped3A : memref<!tpu.dma_semaphore, #tpu.memory_space<semaphore_mem>>)
      %dma_wait3A_3570 = arith.constant 16 : i32
      %dma_wait3A_3571 = tpu.memref_slice %arg9[%dma_wait3A_3570] : memref<64xf32, #tpu.memory_space<vmem>> -> memref<16xf32, #tpu.memory_space<vmem>>
      %dma_wait3A_3572 = tpu.memref_slice %arg4[%add3A_10] : memref<2048xf32, #tpu.memory_space<hbm>> -> memref<16xf32, #tpu.memory_space<hbm>>
      %dma_wait3A_3573 = arith.constant 16 : i32
      %dma_wait3A_3574 = tpu.memref_slice %arg9[%dma_wait3A_3573] : memref<64xf32, #tpu.memory_space<vmem>> -> memref<16xf32, #tpu.memory_space<vmem>>
      %dma_wait3A_3575 = tpu.memref_slice %arg4[%add3A_10] : memref<2048xf32, #tpu.memory_space<hbm>> -> memref<16xf32, #tpu.memory_space<hbm>>
      tpu.wait_dma2 semaphore(%run_scoped3A : memref<!tpu.dma_semaphore, #tpu.memory_space<semaphore_mem>>) src(%dma_wait3A_3575 : memref<16xf32, #tpu.memory_space<hbm>>) dst(%dma_wait3A_3574 : memref<16xf32, #tpu.memory_space<vmem>>)
      tpu.yield
    }) : () -> ()
    %add3A_11 = arith.constant 1024 : i32
    %add3A_12 = arith.addi %add3A_11, %mul3A_2 : i32
    "tpu.region"() ({
      %run_scoped3A = tpu.sem_alloc : memref<!tpu.dma_semaphore, #tpu.memory_space<semaphore_mem>>
      %dma_start3A_3564 = arith.constant 32 : i32
      %dma_start3A_3565 = tpu.memref_slice %arg8[%dma_start3A_3564] : memref<64xi32, #tpu.memory_space<vmem>> -> memref<16xi32, #tpu.memory_space<vmem>>
      %dma_start3A_3566 = tpu.memref_slice %arg3[%add3A_12] : memref<2048xi32, #tpu.memory_space<hbm>> -> memref<16xi32, #tpu.memory_space<hbm>>
      %dma_start3A_3567 = arith.constant 32 : i32
      %dma_start3A_3568 = tpu.memref_slice %arg8[%dma_start3A_3567] : memref<64xi32, #tpu.memory_space<vmem>> -> memref<16xi32, #tpu.memory_space<vmem>>
      %dma_start3A_3569 = tpu.memref_slice %arg3[%add3A_12] : memref<2048xi32, #tpu.memory_space<hbm>> -> memref<16xi32, #tpu.memory_space<hbm>>
      tpu.enqueue_dma source(%dma_start3A_3569 : memref<16xi32, #tpu.memory_space<hbm>>) target(%dma_start3A_3568 : memref<16xi32, #tpu.memory_space<vmem>>) target_semaphore(%run_scoped3A : memref<!tpu.dma_semaphore, #tpu.memory_space<semaphore_mem>>)
      %dma_wait3A_3570 = arith.constant 32 : i32
      %dma_wait3A_3571 = tpu.memref_slice %arg8[%dma_wait3A_3570] : memref<64xi32, #tpu.memory_space<vmem>> -> memref<16xi32, #tpu.memory_space<vmem>>
      %dma_wait3A_3572 = tpu.memref_slice %arg3[%add3A_12] : memref<2048xi32, #tpu.memory_space<hbm>> -> memref<16xi32, #tpu.memory_space<hbm>>
      %dma_wait3A_3573 = arith.constant 32 : i32
      %dma_wait3A_3574 = tpu.memref_slice %arg8[%dma_wait3A_3573] : memref<64xi32, #tpu.memory_space<vmem>> -> memref<16xi32, #tpu.memory_space<vmem>>
      %dma_wait3A_3575 = tpu.memref_slice %arg3[%add3A_12] : memref<2048xi32, #tpu.memory_space<hbm>> -> memref<16xi32, #tpu.memory_space<hbm>>
      tpu.wait_dma2 semaphore(%run_scoped3A : memref<!tpu.dma_semaphore, #tpu.memory_space<semaphore_mem>>) src(%dma_wait3A_3575 : memref<16xi32, #tpu.memory_space<hbm>>) dst(%dma_wait3A_3574 : memref<16xi32, #tpu.memory_space<vmem>>)
      tpu.yield
    }) : () -> ()
    %add3A_13 = arith.constant 1024 : i32
    %add3A_14 = arith.addi %add3A_13, %mul3A_2 : i32
    "tpu.region"() ({
      %run_scoped3A = tpu.sem_alloc : memref<!tpu.dma_semaphore, #tpu.memory_space<semaphore_mem>>
      %dma_start3A_3564 = arith.constant 32 : i32
      %dma_start3A_3565 = tpu.memref_slice %arg9[%dma_start3A_3564] : memref<64xf32, #tpu.memory_space<vmem>> -> memref<16xf32, #tpu.memory_space<vmem>>
      %dma_start3A_3566 = tpu.memref_slice %arg4[%add3A_14] : memref<2048xf32, #tpu.memory_space<hbm>> -> memref<16xf32, #tpu.memory_space<hbm>>
      %dma_start3A_3567 = arith.constant 32 : i32
      %dma_start3A_3568 = tpu.memref_slice %arg9[%dma_start3A_3567] : memref<64xf32, #tpu.memory_space<vmem>> -> memref<16xf32, #tpu.memory_space<vmem>>
      %dma_start3A_3569 = tpu.memref_slice %arg4[%add3A_14] : memref<2048xf32, #tpu.memory_space<hbm>> -> memref<16xf32, #tpu.memory_space<hbm>>
      tpu.enqueue_dma source(%dma_start3A_3569 : memref<16xf32, #tpu.memory_space<hbm>>) target(%dma_start3A_3568 : memref<16xf32, #tpu.memory_space<vmem>>) target_semaphore(%run_scoped3A : memref<!tpu.dma_semaphore, #tpu.memory_space<semaphore_mem>>)
      %dma_wait3A_3570 = arith.constant 32 : i32
      %dma_wait3A_3571 = tpu.memref_slice %arg9[%dma_wait3A_3570] : memref<64xf32, #tpu.memory_space<vmem>> -> memref<16xf32, #tpu.memory_space<vmem>>
      %dma_wait3A_3572 = tpu.memref_slice %arg4[%add3A_14] : memref<2048xf32, #tpu.memory_space<hbm>> -> memref<16xf32, #tpu.memory_space<hbm>>
      %dma_wait3A_3573 = arith.constant 32 : i32
      %dma_wait3A_3574 = tpu.memref_slice %arg9[%dma_wait3A_3573] : memref<64xf32, #tpu.memory_space<vmem>> -> memref<16xf32, #tpu.memory_space<vmem>>
      %dma_wait3A_3575 = tpu.memref_slice %arg4[%add3A_14] : memref<2048xf32, #tpu.memory_space<hbm>> -> memref<16xf32, #tpu.memory_space<hbm>>
      tpu.wait_dma2 semaphore(%run_scoped3A : memref<!tpu.dma_semaphore, #tpu.memory_space<semaphore_mem>>) src(%dma_wait3A_3575 : memref<16xf32, #tpu.memory_space<hbm>>) dst(%dma_wait3A_3574 : memref<16xf32, #tpu.memory_space<vmem>>)
      tpu.yield
    }) : () -> ()
    %add3A_15 = arith.constant 1536 : i32
    %add3A_16 = arith.addi %add3A_15, %mul3A_2 : i32
    "tpu.region"() ({
      %run_scoped3A = tpu.sem_alloc : memref<!tpu.dma_semaphore, #tpu.memory_space<semaphore_mem>>
      %dma_start3A_3564 = arith.constant 48 : i32
      %dma_start3A_3565 = tpu.memref_slice %arg8[%dma_start3A_3564] : memref<64xi32, #tpu.memory_space<vmem>> -> memref<16xi32, #tpu.memory_space<vmem>>
      %dma_start3A_3566 = tpu.memref_slice %arg3[%add3A_16] : memref<2048xi32, #tpu.memory_space<hbm>> -> memref<16xi32, #tpu.memory_space<hbm>>
      %dma_start3A_3567 = arith.constant 48 : i32
      %dma_start3A_3568 = tpu.memref_slice %arg8[%dma_start3A_3567] : memref<64xi32, #tpu.memory_space<vmem>> -> memref<16xi32, #tpu.memory_space<vmem>>
      %dma_start3A_3569 = tpu.memref_slice %arg3[%add3A_16] : memref<2048xi32, #tpu.memory_space<hbm>> -> memref<16xi32, #tpu.memory_space<hbm>>
      tpu.enqueue_dma source(%dma_start3A_3569 : memref<16xi32, #tpu.memory_space<hbm>>) target(%dma_start3A_3568 : memref<16xi32, #tpu.memory_space<vmem>>) target_semaphore(%run_scoped3A : memref<!tpu.dma_semaphore, #tpu.memory_space<semaphore_mem>>)
      %dma_wait3A_3570 = arith.constant 48 : i32
      %dma_wait3A_3571 = tpu.memref_slice %arg8[%dma_wait3A_3570] : memref<64xi32, #tpu.memory_space<vmem>> -> memref<16xi32, #tpu.memory_space<vmem>>
      %dma_wait3A_3572 = tpu.memref_slice %arg3[%add3A_16] : memref<2048xi32, #tpu.memory_space<hbm>> -> memref<16xi32, #tpu.memory_space<hbm>>
      %dma_wait3A_3573 = arith.constant 48 : i32
      %dma_wait3A_3574 = tpu.memref_slice %arg8[%dma_wait3A_3573] : memref<64xi32, #tpu.memory_space<vmem>> -> memref<16xi32, #tpu.memory_space<vmem>>
      %dma_wait3A_3575 = tpu.memref_slice %arg3[%add3A_16] : memref<2048xi32, #tpu.memory_space<hbm>> -> memref<16xi32, #tpu.memory_space<hbm>>
      tpu.wait_dma2 semaphore(%run_scoped3A : memref<!tpu.dma_semaphore, #tpu.memory_space<semaphore_mem>>) src(%dma_wait3A_3575 : memref<16xi32, #tpu.memory_space<hbm>>) dst(%dma_wait3A_3574 : memref<16xi32, #tpu.memory_space<vmem>>)
      tpu.yield
    }) : () -> ()
    %add3A_17 = arith.constant 1536 : i32
    %add3A_18 = arith.addi %add3A_17, %mul3A_2 : i32
    "tpu.region"() ({
      %run_scoped3A = tpu.sem_alloc : memref<!tpu.dma_semaphore, #tpu.memory_space<semaphore_mem>>
      %dma_start3A_3564 = arith.constant 48 : i32
      %dma_start3A_3565 = tpu.memref_slice %arg9[%dma_start3A_3564] : memref<64xf32, #tpu.memory_space<vmem>> -> memref<16xf32, #tpu.memory_space<vmem>>
      %dma_start3A_3566 = tpu.memref_slice %arg4[%add3A_18] : memref<2048xf32, #tpu.memory_space<hbm>> -> memref<16xf32, #tpu.memory_space<hbm>>
      %dma_start3A_3567 = arith.constant 48 : i32
      %dma_start3A_3568 = tpu.memref_slice %arg9[%dma_start3A_3567] : memref<64xf32, #tpu.memory_space<vmem>> -> memref<16xf32, #tpu.memory_space<vmem>>
      %dma_start3A_3569 = tpu.memref_slice %arg4[%add3A_18] : memref<2048xf32, #tpu.memory_space<hbm>> -> memref<16xf32, #tpu.memory_space<hbm>>
      tpu.enqueue_dma source(%dma_start3A_3569 : memref<16xf32, #tpu.memory_space<hbm>>) target(%dma_start3A_3568 : memref<16xf32, #tpu.memory_space<vmem>>) target_semaphore(%run_scoped3A : memref<!tpu.dma_semaphore, #tpu.memory_space<semaphore_mem>>)
      %dma_wait3A_3570 = arith.constant 48 : i32
      %dma_wait3A_3571 = tpu.memref_slice %arg9[%dma_wait3A_3570] : memref<64xf32, #tpu.memory_space<vmem>> -> memref<16xf32, #tpu.memory_space<vmem>>
      %dma_wait3A_3572 = tpu.memref_slice %arg4[%add3A_18] : memref<2048xf32, #tpu.memory_space<hbm>> -> memref<16xf32, #tpu.memory_space<hbm>>
      %dma_wait3A_3573 = arith.constant 48 : i32
      %dma_wait3A_3574 = tpu.memref_slice %arg9[%dma_wait3A_3573] : memref<64xf32, #tpu.memory_space<vmem>> -> memref<16xf32, #tpu.memory_space<vmem>>
      %dma_wait3A_3575 = tpu.memref_slice %arg4[%add3A_18] : memref<2048xf32, #tpu.memory_space<hbm>> -> memref<16xf32, #tpu.memory_space<hbm>>
      tpu.wait_dma2 semaphore(%run_scoped3A : memref<!tpu.dma_semaphore, #tpu.memory_space<semaphore_mem>>) src(%dma_wait3A_3575 : memref<16xf32, #tpu.memory_space<hbm>>) dst(%dma_wait3A_3574 : memref<16xf32, #tpu.memory_space<vmem>>)
      tpu.yield
    }) : () -> ()
    %get3A = arith.constant 0 : index
    %get3A_19 = tpu.vector_load %arg8[%get3A] {strides = array<i32>} : memref<64xi32, #tpu.memory_space<vmem>>, vector<16xi32>,
    %get3A_20 = vector.shape_cast %get3A_19 : vector<16xi32> to vector<16xi32>
    %get3A_21 = arith.constant 16 : index
    %get3A_22 = tpu.vector_load %arg8[%get3A_21] {strides = array<i32>} : memref<64xi32, #tpu.memory_space<vmem>>, vector<16xi32>,
    %get3A_23 = vector.shape_cast %get3A_22 : vector<16xi32> to vector<16xi32>
    %get3A_24 = arith.constant 32 : index
    %get3A_25 = tpu.vector_load %arg8[%get3A_24] {strides = array<i32>} : memref<64xi32, #tpu.memory_space<vmem>>, vector<16xi32>,
    %get3A_26 = vector.shape_cast %get3A_25 : vector<16xi32> to vector<16xi32>
    %gt3A = arith.constant 0 : i32
    %gt3A_27 = vector.broadcast %gt3A : i32 to vector<16xi32>
    %gt3A_28 = arith.cmpi sgt, %get3A_26, %gt3A_27 : vector<16xi32>
    %get3A_29 = arith.constant 48 : index
    %get3A_30 = tpu.vector_load %arg8[%get3A_29] {strides = array<i32>} : memref<64xi32, #tpu.memory_space<vmem>>, vector<16xi32>,
    %get3A_31 = vector.shape_cast %get3A_30 : vector<16xi32> to vector<16xi32>
    %gt3A_32 = arith.constant 0 : i32
    %gt3A_33 = vector.broadcast %gt3A_32 : i32 to vector<16xi32>
    %gt3A_34 = arith.cmpi sgt, %get3A_31, %gt3A_33 : vector<16xi32>
    %jit3A = arith.constant 1.000000e+00 : f32
    %jit3A_35 = arith.constant 0.000000e+00 : f32
    %broadcast_in_dim3A = vector.broadcast %jit3A : f32 to vector<16xf32>
    %broadcast_in_dim3A_36 = vector.broadcast %jit3A_35 : f32 to vector<16xf32>
    %select_n3A = arith.select %gt3A_28, %broadcast_in_dim3A, %broadcast_in_dim3A_36 : vector<16xi1>, vector<16xf32>
    %add3A_37 = arith.constant 0 : i32
    %add3A_38 = vector.broadcast %add3A_37 : i32 to vector<16xi32>
    %add3A_39 = arith.addi %get3A_20, %add3A_38 : vector<16xi32>
    %swap3A = arith.constant 0 : i32
    %swap3A_40 = arith.index_cast %swap3A : i32 to index
    %swap3A_41 = arith.constant 0 : index
    %swap3A_42 = tpu.vector_load %arg6[%swap3A_40, %swap3A_41] {strides = array<i32>} : memref<11x128xi32, #tpu.memory_space<vmem>>, vector<1x16xi32>,
    %swap3A_43 = vector.shape_cast %swap3A_42 : vector<1x16xi32> to vector<16xi32>
    %swap3A_44 = vector.shape_cast %add3A_39 : vector<16xi32> to vector<1x16xi32>
    tpu.vector_store %arg6[%swap3A_40, %swap3A_41], %swap3A_44 {strides = array<i32>} : memref<11x128xi32, #tpu.memory_space<vmem>>, vector<1x16xi32>,
    %add3A_45 = arith.constant 2704 : i32
    %add3A_46 = vector.broadcast %add3A_45 : i32 to vector<16xi32>
    %add3A_47 = arith.addi %get3A_20, %add3A_46 : vector<16xi32>
    %swap3A_48 = arith.constant 0 : i32
    %swap3A_49 = arith.index_cast %swap3A_48 : i32 to index
    %swap3A_50 = arith.constant 16 : index
    %swap3A_51 = tpu.vector_load %arg6[%swap3A_49, %swap3A_50] {strides = array<i32>} : memref<11x128xi32, #tpu.memory_space<vmem>>, vector<1x16xi32>,
    %swap3A_52 = vector.shape_cast %swap3A_51 : vector<1x16xi32> to vector<16xi32>
    %swap3A_53 = vector.shape_cast %add3A_47 : vector<16xi32> to vector<1x16xi32>
    tpu.vector_store %arg6[%swap3A_49, %swap3A_50], %swap3A_53 {strides = array<i32>} : memref<11x128xi32, #tpu.memory_space<vmem>>, vector<1x16xi32>,
    %add3A_54 = arith.constant 5408 : i32
    %add3A_55 = vector.broadcast %add3A_54 : i32 to vector<16xi32>
    %add3A_56 = arith.addi %get3A_20, %add3A_55 : vector<16xi32>
    %swap3A_57 = arith.constant 0 : i32
    %swap3A_58 = arith.index_cast %swap3A_57 : i32 to index
    %swap3A_59 = arith.constant 32 : index
    %swap3A_60 = tpu.vector_load %arg6[%swap3A_58, %swap3A_59] {strides = array<i32>} : memref<11x128xi32, #tpu.memory_space<vmem>>, vector<1x16xi32>,
    %swap3A_61 = vector.shape_cast %swap3A_60 : vector<1x16xi32> to vector<16xi32>
    %swap3A_62 = vector.shape_cast %add3A_56 : vector<16xi32> to vector<1x16xi32>
    tpu.vector_store %arg6[%swap3A_58, %swap3A_59], %swap3A_62 {strides = array<i32>} : memref<11x128xi32, #tpu.memory_space<vmem>>, vector<1x16xi32>,
    %add3A_63 = arith.constant 8112 : i32
    %add3A_64 = vector.broadcast %add3A_63 : i32 to vector<16xi32>
    %add3A_65 = arith.addi %get3A_20, %add3A_64 : vector<16xi32>
    %swap3A_66 = arith.constant 0 : i32
    %swap3A_67 = arith.index_cast %swap3A_66 : i32 to index
    %swap3A_68 = arith.constant 48 : index
    %swap3A_69 = tpu.vector_load %arg6[%swap3A_67, %swap3A_68] {strides = array<i32>} : memref<11x128xi32, #tpu.memory_space<vmem>>, vector<1x16xi32>,
    %swap3A_70 = vector.shape_cast %swap3A_69 : vector<1x16xi32> to vector<16xi32>
    %swap3A_71 = vector.shape_cast %add3A_65 : vector<16xi32> to vector<1x16xi32>
    tpu.vector_store %arg6[%swap3A_67, %swap3A_68], %swap3A_71 {strides = array<i32>} : memref<11x128xi32, #tpu.memory_space<vmem>>, vector<1x16xi32>,
    %add3A_72 = arith.constant 10816 : i32
    %add3A_73 = vector.broadcast %add3A_72 : i32 to vector<16xi32>
    %add3A_74 = arith.addi %get3A_20, %add3A_73 : vector<16xi32>
    %swap3A_75 = arith.constant 0 : i32
    %swap3A_76 = arith.index_cast %swap3A_75 : i32 to index
    %swap3A_77 = arith.constant 64 : index
    %swap3A_78 = tpu.vector_load %arg6[%swap3A_76, %swap3A_77] {strides = array<i32>} : memref<11x128xi32, #tpu.memory_space<vmem>>, vector<1x16xi32>,
    %swap3A_79 = vector.shape_cast %swap3A_78 : vector<1x16xi32> to vector<16xi32>
    %swap3A_80 = vector.shape_cast %add3A_74 : vector<16xi32> to vector<1x16xi32>
    tpu.vector_store %arg6[%swap3A_76, %swap3A_77], %swap3A_80 {strides = array<i32>} : memref<11x128xi32, #tpu.memory_space<vmem>>, vector<1x16xi32>,
    %add3A_81 = arith.constant 13520 : i32
    %add3A_82 = vector.broadcast %add3A_81 : i32 to vector<16xi32>
    %add3A_83 = arith.addi %get3A_20, %add3A_82 : vector<16xi32>
    %swap3A_84 = arith.constant 0 : i32
    %swap3A_85 = arith.index_cast %swap3A_84 : i32 to index
    %swap3A_86 = arith.constant 80 : index
    %swap3A_87 = tpu.vector_load %arg6[%swap3A_85, %swap3A_86] {strides = array<i32>} : memref<11x128xi32, #tpu.memory_space<vmem>>, vector<1x16xi32>,
    %swap3A_88 = vector.shape_cast %swap3A_87 : vector<1x16xi32> to vector<16xi32>
    %swap3A_89 = vector.shape_cast %add3A_83 : vector<16xi32> to vector<1x16xi32>
    tpu.vector_store %arg6[%swap3A_85, %swap3A_86], %swap3A_89 {strides = array<i32>} : memref<11x128xi32, #tpu.memory_space<vmem>>, vector<1x16xi32>,
    %add3A_90 = arith.constant 16224 : i32
    %add3A_91 = vector.broadcast %add3A_90 : i32 to vector<16xi32>
    %add3A_92 = arith.addi %get3A_20, %add3A_91 : vector<16xi32>
    %swap3A_93 = arith.constant 0 : i32
    %swap3A_94 = arith.index_cast %swap3A_93 : i32 to index
    %swap3A_95 = arith.constant 96 : index
    %swap3A_96 = tpu.vector_load %arg6[%swap3A_94, %swap3A_95] {strides = array<i32>} : memref<11x128xi32, #tpu.memory_space<vmem>>, vector<1x16xi32>,
    %swap3A_97 = vector.shape_cast %swap3A_96 : vector<1x16xi32> to vector<16xi32>
    %swap3A_98 = vector.shape_cast %add3A_92 : vector<16xi32> to vector<1x16xi32>
    tpu.vector_store %arg6[%swap3A_94, %swap3A_95], %swap3A_98 {strides = array<i32>} : memref<11x128xi32, #tpu.memory_space<vmem>>, vector<1x16xi32>,
    %add3A_99 = arith.constant 18928 : i32
    %add3A_100 = vector.broadcast %add3A_99 : i32 to vector<16xi32>
    %add3A_101 = arith.addi %get3A_20, %add3A_100 : vector<16xi32>
    %swap3A_102 = arith.constant 0 : i32
    %swap3A_103 = arith.index_cast %swap3A_102 : i32 to index
    %swap3A_104 = arith.constant 112 : index
    %swap3A_105 = tpu.vector_load %arg6[%swap3A_103, %swap3A_104] {strides = array<i32>} : memref<11x128xi32, #tpu.memory_space<vmem>>, vector<1x16xi32>,
    %swap3A_106 = vector.shape_cast %swap3A_105 : vector<1x16xi32> to vector<16xi32>
    %swap3A_107 = vector.shape_cast %add3A_101 : vector<16xi32> to vector<1x16xi32>
    tpu.vector_store %arg6[%swap3A_103, %swap3A_104], %swap3A_107 {strides = array<i32>} : memref<11x128xi32, #tpu.memory_space<vmem>>, vector<1x16xi32>,
    %add3A_108 = arith.constant 21632 : i32
    %add3A_109 = vector.broadcast %add3A_108 : i32 to vector<16xi32>
    %add3A_110 = arith.addi %get3A_20, %add3A_109 : vector<16xi32>
    %swap3A_111 = arith.constant 1 : i32
    %swap3A_112 = arith.index_cast %swap3A_111 : i32 to index
    %swap3A_113 = arith.constant 0 : index
    %swap3A_114 = tpu.vector_load %arg6[%swap3A_112, %swap3A_113] {strides = array<i32>} : memref<11x128xi32, #tpu.memory_space<vmem>>, vector<1x16xi32>,
    %swap3A_115 = vector.shape_cast %swap3A_114 : vector<1x16xi32> to vector<16xi32>
    %swap3A_116 = vector.shape_cast %add3A_110 : vector<16xi32> to vector<1x16xi32>
    tpu.vector_store %arg6[%swap3A_112, %swap3A_113], %swap3A_116 {strides = array<i32>} : memref<11x128xi32, #tpu.memory_space<vmem>>, vector<1x16xi32>,
    %add3A_117 = arith.constant 24336 : i32
    %add3A_118 = vector.broadcast %add3A_117 : i32 to vector<16xi32>
    %add3A_119 = arith.addi %get3A_20, %add3A_118 : vector<16xi32>
    %swap3A_120 = arith.constant 1 : i32
    %swap3A_121 = arith.index_cast %swap3A_120 : i32 to index
    %swap3A_122 = arith.constant 16 : index
    %swap3A_123 = tpu.vector_load %arg6[%swap3A_121, %swap3A_122] {strides = array<i32>} : memref<11x128xi32, #tpu.memory_space<vmem>>, vector<1x16xi32>,
    %swap3A_124 = vector.shape_cast %swap3A_123 : vector<1x16xi32> to vector<16xi32>
    %swap3A_125 = vector.shape_cast %add3A_119 : vector<16xi32> to vector<1x16xi32>
    tpu.vector_store %arg6[%swap3A_121, %swap3A_122], %swap3A_125 {strides = array<i32>} : memref<11x128xi32, #tpu.memory_space<vmem>>, vector<1x16xi32>,
    %add3A_126 = arith.constant 27040 : i32
    %add3A_127 = vector.broadcast %add3A_126 : i32 to vector<16xi32>
    %add3A_128 = arith.addi %get3A_20, %add3A_127 : vector<16xi32>
    %swap3A_129 = arith.constant 1 : i32
    %swap3A_130 = arith.index_cast %swap3A_129 : i32 to index
    %swap3A_131 = arith.constant 32 : index
    %swap3A_132 = tpu.vector_load %arg6[%swap3A_130, %swap3A_131] {strides = array<i32>} : memref<11x128xi32, #tpu.memory_space<vmem>>, vector<1x16xi32>,
    %swap3A_133 = vector.shape_cast %swap3A_132 : vector<1x16xi32> to vector<16xi32>
    %swap3A_134 = vector.shape_cast %add3A_128 : vector<16xi32> to vector<1x16xi32>
    tpu.vector_store %arg6[%swap3A_130, %swap3A_131], %swap3A_134 {strides = array<i32>} : memref<11x128xi32, #tpu.memory_space<vmem>>, vector<1x16xi32>,
    %add3A_135 = arith.constant 29744 : i32
    %add3A_136 = vector.broadcast %add3A_135 : i32 to vector<16xi32>
    %add3A_137 = arith.addi %get3A_20, %add3A_136 : vector<16xi32>
    %swap3A_138 = arith.constant 1 : i32
    %swap3A_139 = arith.index_cast %swap3A_138 : i32 to index
    %swap3A_140 = arith.constant 48 : index
    %swap3A_141 = tpu.vector_load %arg6[%swap3A_139, %swap3A_140] {strides = array<i32>} : memref<11x128xi32, #tpu.memory_space<vmem>>, vector<1x16xi32>,
    %swap3A_142 = vector.shape_cast %swap3A_141 : vector<1x16xi32> to vector<16xi32>
    %swap3A_143 = vector.shape_cast %add3A_137 : vector<16xi32> to vector<1x16xi32>
    tpu.vector_store %arg6[%swap3A_139, %swap3A_140], %swap3A_143 {strides = array<i32>} : memref<11x128xi32, #tpu.memory_space<vmem>>, vector<1x16xi32>,
    %add3A_144 = arith.constant 32448 : i32
    %add3A_145 = vector.broadcast %add3A_144 : i32 to vector<16xi32>
    %add3A_146 = arith.addi %get3A_20, %add3A_145 : vector<16xi32>
    %swap3A_147 = arith.constant 1 : i32
    %swap3A_148 = arith.index_cast %swap3A_147 : i32 to index
    %swap3A_149 = arith.constant 64 : index
    %swap3A_150 = tpu.vector_load %arg6[%swap3A_148, %swap3A_149] {strides = array<i32>} : memref<11x128xi32, #tpu.memory_space<vmem>>, vector<1x16xi32>,
    %swap3A_151 = vector.shape_cast %swap3A_150 : vector<1x16xi32> to vector<16xi32>
    %swap3A_152 = vector.shape_cast %add3A_146 : vector<16xi32> to vector<1x16xi32>
    tpu.vector_store %arg6[%swap3A_148, %swap3A_149], %swap3A_152 {strides = array<i32>} : memref<11x128xi32, #tpu.memory_space<vmem>>, vector<1x16xi32>,
    %add3A_153 = arith.constant 35152 : i32
    %add3A_154 = vector.broadcast %add3A_153 : i32 to vector<16xi32>
    %add3A_155 = arith.addi %get3A_20, %add3A_154 : vector<16xi32>
    %swap3A_156 = arith.constant 1 : i32
    %swap3A_157 = arith.index_cast %swap3A_156 : i32 to index
    %swap3A_158 = arith.constant 80 : index
    %swap3A_159 = tpu.vector_load %arg6[%swap3A_157, %swap3A_158] {strides = array<i32>} : memref<11x128xi32, #tpu.memory_space<vmem>>, vector<1x16xi32>,
    %swap3A_160 = vector.shape_cast %swap3A_159 : vector<1x16xi32> to vector<16xi32>
    %swap3A_161 = vector.shape_cast %add3A_155 : vector<16xi32> to vector<1x16xi32>
    tpu.vector_store %arg6[%swap3A_157, %swap3A_158], %swap3A_161 {strides = array<i32>} : memref<11x128xi32, #tpu.memory_space<vmem>>, vector<1x16xi32>,
    %add3A_162 = arith.constant 37856 : i32
    %add3A_163 = vector.broadcast %add3A_162 : i32 to vector<16xi32>
    %add3A_164 = arith.addi %get3A_20, %add3A_163 : vector<16xi32>
    %swap3A_165 = arith.constant 1 : i32
    %swap3A_166 = arith.index_cast %swap3A_165 : i32 to index
    %swap3A_167 = arith.constant 96 : index
    %swap3A_168 = tpu.vector_load %arg6[%swap3A_166, %swap3A_167] {strides = array<i32>} : memref<11x128xi32, #tpu.memory_space<vmem>>, vector<1x16xi32>,
    %swap3A_169 = vector.shape_cast %swap3A_168 : vector<1x16xi32> to vector<16xi32>
    %swap3A_170 = vector.shape_cast %add3A_164 : vector<16xi32> to vector<1x16xi32>
    tpu.vector_store %arg6[%swap3A_166, %swap3A_167], %swap3A_170 {strides = array<i32>} : memref<11x128xi32, #tpu.memory_space<vmem>>, vector<1x16xi32>,
    %add3A_171 = arith.constant 40560 : i32
    %add3A_172 = vector.broadcast %add3A_171 : i32 to vector<16xi32>
    %add3A_173 = arith.addi %get3A_20, %add3A_172 : vector<16xi32>
    %swap3A_174 = arith.constant 1 : i32
    %swap3A_175 = arith.index_cast %swap3A_174 : i32 to index
    %swap3A_176 = arith.constant 112 : index
    %swap3A_177 = tpu.vector_load %arg6[%swap3A_175, %swap3A_176] {strides = array<i32>} : memref<11x128xi32, #tpu.memory_space<vmem>>, vector<1x16xi32>,
    %swap3A_178 = vector.shape_cast %swap3A_177 : vector<1x16xi32> to vector<16xi32>
    %swap3A_179 = vector.shape_cast %add3A_173 : vector<16xi32> to vector<1x16xi32>
    tpu.vector_store %arg6[%swap3A_175, %swap3A_176], %swap3A_179 {strides = array<i32>} : memref<11x128xi32, #tpu.memory_space<vmem>>, vector<1x16xi32>,
    %add3A_180 = arith.constant 43264 : i32
    %add3A_181 = vector.broadcast %add3A_180 : i32 to vector<16xi32>
    %add3A_182 = arith.addi %get3A_20, %add3A_181 : vector<16xi32>
    %swap3A_183 = arith.constant 2 : i32
    %swap3A_184 = arith.index_cast %swap3A_183 : i32 to index
    %swap3A_185 = arith.constant 0 : index
    %swap3A_186 = tpu.vector_load %arg6[%swap3A_184, %swap3A_185] {strides = array<i32>} : memref<11x128xi32, #tpu.memory_space<vmem>>, vector<1x16xi32>,
    %swap3A_187 = vector.shape_cast %swap3A_186 : vector<1x16xi32> to vector<16xi32>
    %swap3A_188 = vector.shape_cast %add3A_182 : vector<16xi32> to vector<1x16xi32>
    tpu.vector_store %arg6[%swap3A_184, %swap3A_185], %swap3A_188 {strides = array<i32>} : memref<11x128xi32, #tpu.memory_space<vmem>>, vector<1x16xi32>,
    %add3A_189 = arith.constant 45968 : i32
    %add3A_190 = vector.broadcast %add3A_189 : i32 to vector<16xi32>
    %add3A_191 = arith.addi %get3A_20, %add3A_190 : vector<16xi32>
    %swap3A_192 = arith.constant 2 : i32
    %swap3A_193 = arith.index_cast %swap3A_192 : i32 to index
    %swap3A_194 = arith.constant 16 : index
    %swap3A_195 = tpu.vector_load %arg6[%swap3A_193, %swap3A_194] {strides = array<i32>} : memref<11x128xi32, #tpu.memory_space<vmem>>, vector<1x16xi32>,
    %swap3A_196 = vector.shape_cast %swap3A_195 : vector<1x16xi32> to vector<16xi32>
    %swap3A_197 = vector.shape_cast %add3A_191 : vector<16xi32> to vector<1x16xi32>
    tpu.vector_store %arg6[%swap3A_193, %swap3A_194], %swap3A_197 {strides = array<i32>} : memref<11x128xi32, #tpu.memory_space<vmem>>, vector<1x16xi32>,
    %add3A_198 = arith.constant 48672 : i32
    %add3A_199 = vector.broadcast %add3A_198 : i32 to vector<16xi32>
    %add3A_200 = arith.addi %get3A_20, %add3A_199 : vector<16xi32>
    %swap3A_201 = arith.constant 2 : i32
    %swap3A_202 = arith.index_cast %swap3A_201 : i32 to index
    %swap3A_203 = arith.constant 32 : index
    %swap3A_204 = tpu.vector_load %arg6[%swap3A_202, %swap3A_203] {strides = array<i32>} : memref<11x128xi32, #tpu.memory_space<vmem>>, vector<1x16xi32>,
    %swap3A_205 = vector.shape_cast %swap3A_204 : vector<1x16xi32> to vector<16xi32>
    %swap3A_206 = vector.shape_cast %add3A_200 : vector<16xi32> to vector<1x16xi32>
    tpu.vector_store %arg6[%swap3A_202, %swap3A_203], %swap3A_206 {strides = array<i32>} : memref<11x128xi32, #tpu.memory_space<vmem>>, vector<1x16xi32>,
    %add3A_207 = arith.constant 51376 : i32
    %add3A_208 = vector.broadcast %add3A_207 : i32 to vector<16xi32>
    %add3A_209 = arith.addi %get3A_20, %add3A_208 : vector<16xi32>
    %swap3A_210 = arith.constant 2 : i32
    %swap3A_211 = arith.index_cast %swap3A_210 : i32 to index
    %swap3A_212 = arith.constant 48 : index
    %swap3A_213 = tpu.vector_load %arg6[%swap3A_211, %swap3A_212] {strides = array<i32>} : memref<11x128xi32, #tpu.memory_space<vmem>>, vector<1x16xi32>,
    %swap3A_214 = vector.shape_cast %swap3A_213 : vector<1x16xi32> to vector<16xi32>
    %swap3A_215 = vector.shape_cast %add3A_209 : vector<16xi32> to vector<1x16xi32>
    tpu.vector_store %arg6[%swap3A_211, %swap3A_212], %swap3A_215 {strides = array<i32>} : memref<11x128xi32, #tpu.memory_space<vmem>>, vector<1x16xi32>,
    %add3A_216 = arith.constant 54080 : i32
    %add3A_217 = vector.broadcast %add3A_216 : i32 to vector<16xi32>
    %add3A_218 = arith.addi %get3A_20, %add3A_217 : vector<16xi32>
    %swap3A_219 = arith.constant 2 : i32
    %swap3A_220 = arith.index_cast %swap3A_219 : i32 to index
    %swap3A_221 = arith.constant 64 : index
    %swap3A_222 = tpu.vector_load %arg6[%swap3A_220, %swap3A_221] {strides = array<i32>} : memref<11x128xi32, #tpu.memory_space<vmem>>, vector<1x16xi32>,
    %swap3A_223 = vector.shape_cast %swap3A_222 : vector<1x16xi32> to vector<16xi32>
    %swap3A_224 = vector.shape_cast %add3A_218 : vector<16xi32> to vector<1x16xi32>
    tpu.vector_store %arg6[%swap3A_220, %swap3A_221], %swap3A_224 {strides = array<i32>} : memref<11x128xi32, #tpu.memory_space<vmem>>, vector<1x16xi32>,
    %add3A_225 = arith.constant 56784 : i32
    %add3A_226 = vector.broadcast %add3A_225 : i32 to vector<16xi32>
    %add3A_227 = arith.addi %get3A_20, %add3A_226 : vector<16xi32>
    %swap3A_228 = arith.constant 2 : i32
    %swap3A_229 = arith.index_cast %swap3A_228 : i32 to index
    %swap3A_230 = arith.constant 80 : index
    %swap3A_231 = tpu.vector_load %arg6[%swap3A_229, %swap3A_230] {strides = array<i32>} : memref<11x128xi32, #tpu.memory_space<vmem>>, vector<1x16xi32>,
    %swap3A_232 = vector.shape_cast %swap3A_231 : vector<1x16xi32> to vector<16xi32>
    %swap3A_233 = vector.shape_cast %add3A_227 : vector<16xi32> to vector<1x16xi32>
    tpu.vector_store %arg6[%swap3A_229, %swap3A_230], %swap3A_233 {strides = array<i32>} : memref<11x128xi32, #tpu.memory_space<vmem>>, vector<1x16xi32>,
    %add3A_234 = arith.constant 59488 : i32
    %add3A_235 = vector.broadcast %add3A_234 : i32 to vector<16xi32>
    %add3A_236 = arith.addi %get3A_20, %add3A_235 : vector<16xi32>
    %swap3A_237 = arith.constant 2 : i32
    %swap3A_238 = arith.index_cast %swap3A_237 : i32 to index
    %swap3A_239 = arith.constant 96 : index
    %swap3A_240 = tpu.vector_load %arg6[%swap3A_238, %swap3A_239] {strides = array<i32>} : memref<11x128xi32, #tpu.memory_space<vmem>>, vector<1x16xi32>,
    %swap3A_241 = vector.shape_cast %swap3A_240 : vector<1x16xi32> to vector<16xi32>
    %swap3A_242 = vector.shape_cast %add3A_236 : vector<16xi32> to vector<1x16xi32>
    tpu.vector_store %arg6[%swap3A_238, %swap3A_239], %swap3A_242 {strides = array<i32>} : memref<11x128xi32, #tpu.memory_space<vmem>>, vector<1x16xi32>,
    %add3A_243 = arith.constant 62192 : i32
    %add3A_244 = vector.broadcast %add3A_243 : i32 to vector<16xi32>
    %add3A_245 = arith.addi %get3A_20, %add3A_244 : vector<16xi32>
    %swap3A_246 = arith.constant 2 : i32
    %swap3A_247 = arith.index_cast %swap3A_246 : i32 to index
    %swap3A_248 = arith.constant 112 : index
    %swap3A_249 = tpu.vector_load %arg6[%swap3A_247, %swap3A_248] {strides = array<i32>} : memref<11x128xi32, #tpu.memory_space<vmem>>, vector<1x16xi32>,
    %swap3A_250 = vector.shape_cast %swap3A_249 : vector<1x16xi32> to vector<16xi32>
    %swap3A_251 = vector.shape_cast %add3A_245 : vector<16xi32> to vector<1x16xi32>
    tpu.vector_store %arg6[%swap3A_247, %swap3A_248], %swap3A_251 {strides = array<i32>} : memref<11x128xi32, #tpu.memory_space<vmem>>, vector<1x16xi32>,
    %add3A_252 = arith.constant 64896 : i32
    %add3A_253 = vector.broadcast %add3A_252 : i32 to vector<16xi32>
    %add3A_254 = arith.addi %get3A_20, %add3A_253 : vector<16xi32>
    %swap3A_255 = arith.constant 3 : i32
    %swap3A_256 = arith.index_cast %swap3A_255 : i32 to index
    %swap3A_257 = arith.constant 0 : index
    %swap3A_258 = tpu.vector_load %arg6[%swap3A_256, %swap3A_257] {strides = array<i32>} : memref<11x128xi32, #tpu.memory_space<vmem>>, vector<1x16xi32>,
    %swap3A_259 = vector.shape_cast %swap3A_258 : vector<1x16xi32> to vector<16xi32>
    %swap3A_260 = vector.shape_cast %add3A_254 : vector<16xi32> to vector<1x16xi32>
    tpu.vector_store %arg6[%swap3A_256, %swap3A_257], %swap3A_260 {strides = array<i32>} : memref<11x128xi32, #tpu.memory_space<vmem>>, vector<1x16xi32>,
    %add3A_261 = arith.constant 67600 : i32
    %add3A_262 = vector.broadcast %add3A_261 : i32 to vector<16xi32>
    %add3A_263 = arith.addi %get3A_20, %add3A_262 : vector<16xi32>
    %swap3A_264 = arith.constant 3 : i32
    %swap3A_265 = arith.index_cast %swap3A_264 : i32 to index
    %swap3A_266 = arith.constant 16 : index
    %swap3A_267 = tpu.vector_load %arg6[%swap3A_265, %swap3A_266] {strides = array<i32>} : memref<11x128xi32, #tpu.memory_space<vmem>>, vector<1x16xi32>,
    %swap3A_268 = vector.shape_cast %swap3A_267 : vector<1x16xi32> to vector<16xi32>
    %swap3A_269 = vector.shape_cast %add3A_263 : vector<16xi32> to vector<1x16xi32>
    tpu.vector_store %arg6[%swap3A_265, %swap3A_266], %swap3A_269 {strides = array<i32>} : memref<11x128xi32, #tpu.memory_space<vmem>>, vector<1x16xi32>,
    %add3A_270 = arith.constant 70304 : i32
    %add3A_271 = vector.broadcast %add3A_270 : i32 to vector<16xi32>
    %add3A_272 = arith.addi %get3A_20, %add3A_271 : vector<16xi32>
    %swap3A_273 = arith.constant 3 : i32
    %swap3A_274 = arith.index_cast %swap3A_273 : i32 to index
    %swap3A_275 = arith.constant 32 : index
    %swap3A_276 = tpu.vector_load %arg6[%swap3A_274, %swap3A_275] {strides = array<i32>} : memref<11x128xi32, #tpu.memory_space<vmem>>, vector<1x16xi32>,
    %swap3A_277 = vector.shape_cast %swap3A_276 : vector<1x16xi32> to vector<16xi32>
    %swap3A_278 = vector.shape_cast %add3A_272 : vector<16xi32> to vector<1x16xi32>
    tpu.vector_store %arg6[%swap3A_274, %swap3A_275], %swap3A_278 {strides = array<i32>} : memref<11x128xi32, #tpu.memory_space<vmem>>, vector<1x16xi32>,
    %add3A_279 = arith.constant 73008 : i32
    %add3A_280 = vector.broadcast %add3A_279 : i32 to vector<16xi32>
    %add3A_281 = arith.addi %get3A_20, %add3A_280 : vector<16xi32>
    %swap3A_282 = arith.constant 3 : i32
    %swap3A_283 = arith.index_cast %swap3A_282 : i32 to index
    %swap3A_284 = arith.constant 48 : index
    %swap3A_285 = tpu.vector_load %arg6[%swap3A_283, %swap3A_284] {strides = array<i32>} : memref<11x128xi32, #tpu.memory_space<vmem>>, vector<1x16xi32>,
    %swap3A_286 = vector.shape_cast %swap3A_285 : vector<1x16xi32> to vector<16xi32>
    %swap3A_287 = vector.shape_cast %add3A_281 : vector<16xi32> to vector<1x16xi32>
    tpu.vector_store %arg6[%swap3A_283, %swap3A_284], %swap3A_287 {strides = array<i32>} : memref<11x128xi32, #tpu.memory_space<vmem>>, vector<1x16xi32>,
    %add3A_288 = arith.constant 75712 : i32
    %add3A_289 = vector.broadcast %add3A_288 : i32 to vector<16xi32>
    %add3A_290 = arith.addi %get3A_20, %add3A_289 : vector<16xi32>
    %swap3A_291 = arith.constant 3 : i32
    %swap3A_292 = arith.index_cast %swap3A_291 : i32 to index
    %swap3A_293 = arith.constant 64 : index
    %swap3A_294 = tpu.vector_load %arg6[%swap3A_292, %swap3A_293] {strides = array<i32>} : memref<11x128xi32, #tpu.memory_space<vmem>>, vector<1x16xi32>,
    %swap3A_295 = vector.shape_cast %swap3A_294 : vector<1x16xi32> to vector<16xi32>
    %swap3A_296 = vector.shape_cast %add3A_290 : vector<16xi32> to vector<1x16xi32>
    tpu.vector_store %arg6[%swap3A_292, %swap3A_293], %swap3A_296 {strides = array<i32>} : memref<11x128xi32, #tpu.memory_space<vmem>>, vector<1x16xi32>,
    %add3A_297 = arith.constant 78416 : i32
    %add3A_298 = vector.broadcast %add3A_297 : i32 to vector<16xi32>
    %add3A_299 = arith.addi %get3A_20, %add3A_298 : vector<16xi32>
    %swap3A_300 = arith.constant 3 : i32
    %swap3A_301 = arith.index_cast %swap3A_300 : i32 to index
    %swap3A_302 = arith.constant 80 : index
    %swap3A_303 = tpu.vector_load %arg6[%swap3A_301, %swap3A_302] {strides = array<i32>} : memref<11x128xi32, #tpu.memory_space<vmem>>, vector<1x16xi32>,
    %swap3A_304 = vector.shape_cast %swap3A_303 : vector<1x16xi32> to vector<16xi32>
    %swap3A_305 = vector.shape_cast %add3A_299 : vector<16xi32> to vector<1x16xi32>
    tpu.vector_store %arg6[%swap3A_301, %swap3A_302], %swap3A_305 {strides = array<i32>} : memref<11x128xi32, #tpu.memory_space<vmem>>, vector<1x16xi32>,
    %add3A_306 = arith.constant 81120 : i32
    %add3A_307 = vector.broadcast %add3A_306 : i32 to vector<16xi32>
    %add3A_308 = arith.addi %get3A_20, %add3A_307 : vector<16xi32>
    %swap3A_309 = arith.constant 3 : i32
    %swap3A_310 = arith.index_cast %swap3A_309 : i32 to index
    %swap3A_311 = arith.constant 96 : index
    %swap3A_312 = tpu.vector_load %arg6[%swap3A_310, %swap3A_311] {strides = array<i32>} : memref<11x128xi32, #tpu.memory_space<vmem>>, vector<1x16xi32>,
    %swap3A_313 = vector.shape_cast %swap3A_312 : vector<1x16xi32> to vector<16xi32>
    %swap3A_314 = vector.shape_cast %add3A_308 : vector<16xi32> to vector<1x16xi32>
    tpu.vector_store %arg6[%swap3A_310, %swap3A_311], %swap3A_314 {strides = array<i32>} : memref<11x128xi32, #tpu.memory_space<vmem>>, vector<1x16xi32>,
    %add3A_315 = arith.constant 83824 : i32
    %add3A_316 = vector.broadcast %add3A_315 : i32 to vector<16xi32>
    %add3A_317 = arith.addi %get3A_20, %add3A_316 : vector<16xi32>
    %swap3A_318 = arith.constant 3 : i32
    %swap3A_319 = arith.index_cast %swap3A_318 : i32 to index
    %swap3A_320 = arith.constant 112 : index
    %swap3A_321 = tpu.vector_load %arg6[%swap3A_319, %swap3A_320] {strides = array<i32>} : memref<11x128xi32, #tpu.memory_space<vmem>>, vector<1x16xi32>,
    %swap3A_322 = vector.shape_cast %swap3A_321 : vector<1x16xi32> to vector<16xi32>
    %swap3A_323 = vector.shape_cast %add3A_317 : vector<16xi32> to vector<1x16xi32>
    tpu.vector_store %arg6[%swap3A_319, %swap3A_320], %swap3A_323 {strides = array<i32>} : memref<11x128xi32, #tpu.memory_space<vmem>>, vector<1x16xi32>,
    %add3A_324 = arith.constant 86528 : i32
    %add3A_325 = vector.broadcast %add3A_324 : i32 to vector<16xi32>
    %add3A_326 = arith.addi %get3A_20, %add3A_325 : vector<16xi32>
    %swap3A_327 = arith.constant 4 : i32
    %swap3A_328 = arith.index_cast %swap3A_327 : i32 to index
    %swap3A_329 = arith.constant 0 : index
    %swap3A_330 = tpu.vector_load %arg6[%swap3A_328, %swap3A_329] {strides = array<i32>} : memref<11x128xi32, #tpu.memory_space<vmem>>, vector<1x16xi32>,
    %swap3A_331 = vector.shape_cast %swap3A_330 : vector<1x16xi32> to vector<16xi32>
    %swap3A_332 = vector.shape_cast %add3A_326 : vector<16xi32> to vector<1x16xi32>
    tpu.vector_store %arg6[%swap3A_328, %swap3A_329], %swap3A_332 {strides = array<i32>} : memref<11x128xi32, #tpu.memory_space<vmem>>, vector<1x16xi32>,
    %add3A_333 = arith.constant 89232 : i32
    %add3A_334 = vector.broadcast %add3A_333 : i32 to vector<16xi32>
    %add3A_335 = arith.addi %get3A_20, %add3A_334 : vector<16xi32>
    %swap3A_336 = arith.constant 4 : i32
    %swap3A_337 = arith.index_cast %swap3A_336 : i32 to index
    %swap3A_338 = arith.constant 16 : index
    %swap3A_339 = tpu.vector_load %arg6[%swap3A_337, %swap3A_338] {strides = array<i32>} : memref<11x128xi32, #tpu.memory_space<vmem>>, vector<1x16xi32>,
    %swap3A_340 = vector.shape_cast %swap3A_339 : vector<1x16xi32> to vector<16xi32>
    %swap3A_341 = vector.shape_cast %add3A_335 : vector<16xi32> to vector<1x16xi32>
    tpu.vector_store %arg6[%swap3A_337, %swap3A_338], %swap3A_341 {strides = array<i32>} : memref<11x128xi32, #tpu.memory_space<vmem>>, vector<1x16xi32>,
    %add3A_342 = arith.constant 91936 : i32
    %add3A_343 = vector.broadcast %add3A_342 : i32 to vector<16xi32>
    %add3A_344 = arith.addi %get3A_20, %add3A_343 : vector<16xi32>
    %swap3A_345 = arith.constant 4 : i32
    %swap3A_346 = arith.index_cast %swap3A_345 : i32 to index
    %swap3A_347 = arith.constant 32 : index
    %swap3A_348 = tpu.vector_load %arg6[%swap3A_346, %swap3A_347] {strides = array<i32>} : memref<11x128xi32, #tpu.memory_space<vmem>>, vector<1x16xi32>,
    %swap3A_349 = vector.shape_cast %swap3A_348 : vector<1x16xi32> to vector<16xi32>
    %swap3A_350 = vector.shape_cast %add3A_344 : vector<16xi32> to vector<1x16xi32>
    tpu.vector_store %arg6[%swap3A_346, %swap3A_347], %swap3A_350 {strides = array<i32>} : memref<11x128xi32, #tpu.memory_space<vmem>>, vector<1x16xi32>,
    %add3A_351 = arith.constant 94640 : i32
    %add3A_352 = vector.broadcast %add3A_351 : i32 to vector<16xi32>
    %add3A_353 = arith.addi %get3A_20, %add3A_352 : vector<16xi32>
    %swap3A_354 = arith.constant 4 : i32
    %swap3A_355 = arith.index_cast %swap3A_354 : i32 to index
    %swap3A_356 = arith.constant 48 : index
    %swap3A_357 = tpu.vector_load %arg6[%swap3A_355, %swap3A_356] {strides = array<i32>} : memref<11x128xi32, #tpu.memory_space<vmem>>, vector<1x16xi32>,
    %swap3A_358 = vector.shape_cast %swap3A_357 : vector<1x16xi32> to vector<16xi32>
    %swap3A_359 = vector.shape_cast %add3A_353 : vector<16xi32> to vector<1x16xi32>
    tpu.vector_store %arg6[%swap3A_355, %swap3A_356], %swap3A_359 {strides = array<i32>} : memref<11x128xi32, #tpu.memory_space<vmem>>, vector<1x16xi32>,
    %add3A_360 = arith.constant 97344 : i32
    %add3A_361 = vector.broadcast %add3A_360 : i32 to vector<16xi32>
    %add3A_362 = arith.addi %get3A_20, %add3A_361 : vector<16xi32>
    %swap3A_363 = arith.constant 4 : i32
    %swap3A_364 = arith.index_cast %swap3A_363 : i32 to index
    %swap3A_365 = arith.constant 64 : index
    %swap3A_366 = tpu.vector_load %arg6[%swap3A_364, %swap3A_365] {strides = array<i32>} : memref<11x128xi32, #tpu.memory_space<vmem>>, vector<1x16xi32>,
    %swap3A_367 = vector.shape_cast %swap3A_366 : vector<1x16xi32> to vector<16xi32>
    %swap3A_368 = vector.shape_cast %add3A_362 : vector<16xi32> to vector<1x16xi32>
    tpu.vector_store %arg6[%swap3A_364, %swap3A_365], %swap3A_368 {strides = array<i32>} : memref<11x128xi32, #tpu.memory_space<vmem>>, vector<1x16xi32>,
    %add3A_369 = arith.constant 100048 : i32
    %add3A_370 = vector.broadcast %add3A_369 : i32 to vector<16xi32>
    %add3A_371 = arith.addi %get3A_20, %add3A_370 : vector<16xi32>
    %swap3A_372 = arith.constant 4 : i32
    %swap3A_373 = arith.index_cast %swap3A_372 : i32 to index
    %swap3A_374 = arith.constant 80 : index
    %swap3A_375 = tpu.vector_load %arg6[%swap3A_373, %swap3A_374] {strides = array<i32>} : memref<11x128xi32, #tpu.memory_space<vmem>>, vector<1x16xi32>,
    %swap3A_376 = vector.shape_cast %swap3A_375 : vector<1x16xi32> to vector<16xi32>
    %swap3A_377 = vector.shape_cast %add3A_371 : vector<16xi32> to vector<1x16xi32>
    tpu.vector_store %arg6[%swap3A_373, %swap3A_374], %swap3A_377 {strides = array<i32>} : memref<11x128xi32, #tpu.memory_space<vmem>>, vector<1x16xi32>,
    %add3A_378 = arith.constant 102752 : i32
    %add3A_379 = vector.broadcast %add3A_378 : i32 to vector<16xi32>
    %add3A_380 = arith.addi %get3A_20, %add3A_379 : vector<16xi32>
    %swap3A_381 = arith.constant 4 : i32
    %swap3A_382 = arith.index_cast %swap3A_381 : i32 to index
    %swap3A_383 = arith.constant 96 : index
    %swap3A_384 = tpu.vector_load %arg6[%swap3A_382, %swap3A_383] {strides = array<i32>} : memref<11x128xi32, #tpu.memory_space<vmem>>, vector<1x16xi32>,
    %swap3A_385 = vector.shape_cast %swap3A_384 : vector<1x16xi32> to vector<16xi32>
    %swap3A_386 = vector.shape_cast %add3A_380 : vector<16xi32> to vector<1x16xi32>
    tpu.vector_store %arg6[%swap3A_382, %swap3A_383], %swap3A_386 {strides = array<i32>} : memref<11x128xi32, #tpu.memory_space<vmem>>, vector<1x16xi32>,
    %add3A_387 = arith.constant 105456 : i32
    %add3A_388 = vector.broadcast %add3A_387 : i32 to vector<16xi32>
    %add3A_389 = arith.addi %get3A_20, %add3A_388 : vector<16xi32>
    %swap3A_390 = arith.constant 4 : i32
    %swap3A_391 = arith.index_cast %swap3A_390 : i32 to index
    %swap3A_392 = arith.constant 112 : index
    %swap3A_393 = tpu.vector_load %arg6[%swap3A_391, %swap3A_392] {strides = array<i32>} : memref<11x128xi32, #tpu.memory_space<vmem>>, vector<1x16xi32>,
    %swap3A_394 = vector.shape_cast %swap3A_393 : vector<1x16xi32> to vector<16xi32>
    %swap3A_395 = vector.shape_cast %add3A_389 : vector<16xi32> to vector<1x16xi32>
    tpu.vector_store %arg6[%swap3A_391, %swap3A_392], %swap3A_395 {strides = array<i32>} : memref<11x128xi32, #tpu.memory_space<vmem>>, vector<1x16xi32>,
    %add3A_396 = arith.constant 108160 : i32
    %add3A_397 = vector.broadcast %add3A_396 : i32 to vector<16xi32>
    %add3A_398 = arith.addi %get3A_20, %add3A_397 : vector<16xi32>
    %swap3A_399 = arith.constant 5 : i32
    %swap3A_400 = arith.index_cast %swap3A_399 : i32 to index
    %swap3A_401 = arith.constant 0 : index
    %swap3A_402 = tpu.vector_load %arg6[%swap3A_400, %swap3A_401] {strides = array<i32>} : memref<11x128xi32, #tpu.memory_space<vmem>>, vector<1x16xi32>,
    %swap3A_403 = vector.shape_cast %swap3A_402 : vector<1x16xi32> to vector<16xi32>
    %swap3A_404 = vector.shape_cast %add3A_398 : vector<16xi32> to vector<1x16xi32>
    tpu.vector_store %arg6[%swap3A_400, %swap3A_401], %swap3A_404 {strides = array<i32>} : memref<11x128xi32, #tpu.memory_space<vmem>>, vector<1x16xi32>,
    %add3A_405 = arith.constant 110864 : i32
    %add3A_406 = vector.broadcast %add3A_405 : i32 to vector<16xi32>
    %add3A_407 = arith.addi %get3A_20, %add3A_406 : vector<16xi32>
    %swap3A_408 = arith.constant 5 : i32
    %swap3A_409 = arith.index_cast %swap3A_408 : i32 to index
    %swap3A_410 = arith.constant 16 : index
    %swap3A_411 = tpu.vector_load %arg6[%swap3A_409, %swap3A_410] {strides = array<i32>} : memref<11x128xi32, #tpu.memory_space<vmem>>, vector<1x16xi32>,
    %swap3A_412 = vector.shape_cast %swap3A_411 : vector<1x16xi32> to vector<16xi32>
    %swap3A_413 = vector.shape_cast %add3A_407 : vector<16xi32> to vector<1x16xi32>
    tpu.vector_store %arg6[%swap3A_409, %swap3A_410], %swap3A_413 {strides = array<i32>} : memref<11x128xi32, #tpu.memory_space<vmem>>, vector<1x16xi32>,
    %add3A_414 = arith.constant 113568 : i32
    %add3A_415 = vector.broadcast %add3A_414 : i32 to vector<16xi32>
    %add3A_416 = arith.addi %get3A_20, %add3A_415 : vector<16xi32>
    %swap3A_417 = arith.constant 5 : i32
    %swap3A_418 = arith.index_cast %swap3A_417 : i32 to index
    %swap3A_419 = arith.constant 32 : index
    %swap3A_420 = tpu.vector_load %arg6[%swap3A_418, %swap3A_419] {strides = array<i32>} : memref<11x128xi32, #tpu.memory_space<vmem>>, vector<1x16xi32>,
    %swap3A_421 = vector.shape_cast %swap3A_420 : vector<1x16xi32> to vector<16xi32>
    %swap3A_422 = vector.shape_cast %add3A_416 : vector<16xi32> to vector<1x16xi32>
    tpu.vector_store %arg6[%swap3A_418, %swap3A_419], %swap3A_422 {strides = array<i32>} : memref<11x128xi32, #tpu.memory_space<vmem>>, vector<1x16xi32>,
    %add3A_423 = arith.constant 116272 : i32
    %add3A_424 = vector.broadcast %add3A_423 : i32 to vector<16xi32>
    %add3A_425 = arith.addi %get3A_20, %add3A_424 : vector<16xi32>
    %swap3A_426 = arith.constant 5 : i32
    %swap3A_427 = arith.index_cast %swap3A_426 : i32 to index
    %swap3A_428 = arith.constant 48 : index
    %swap3A_429 = tpu.vector_load %arg6[%swap3A_427, %swap3A_428] {strides = array<i32>} : memref<11x128xi32, #tpu.memory_space<vmem>>, vector<1x16xi32>,
    %swap3A_430 = vector.shape_cast %swap3A_429 : vector<1x16xi32> to vector<16xi32>
    %swap3A_431 = vector.shape_cast %add3A_425 : vector<16xi32> to vector<1x16xi32>
    tpu.vector_store %arg6[%swap3A_427, %swap3A_428], %swap3A_431 {strides = array<i32>} : memref<11x128xi32, #tpu.memory_space<vmem>>, vector<1x16xi32>,
    %add3A_432 = arith.constant 118976 : i32
    %add3A_433 = vector.broadcast %add3A_432 : i32 to vector<16xi32>
    %add3A_434 = arith.addi %get3A_20, %add3A_433 : vector<16xi32>
    %swap3A_435 = arith.constant 5 : i32
    %swap3A_436 = arith.index_cast %swap3A_435 : i32 to index
    %swap3A_437 = arith.constant 64 : index
    %swap3A_438 = tpu.vector_load %arg6[%swap3A_436, %swap3A_437] {strides = array<i32>} : memref<11x128xi32, #tpu.memory_space<vmem>>, vector<1x16xi32>,
    %swap3A_439 = vector.shape_cast %swap3A_438 : vector<1x16xi32> to vector<16xi32>
    %swap3A_440 = vector.shape_cast %add3A_434 : vector<16xi32> to vector<1x16xi32>
    tpu.vector_store %arg6[%swap3A_436, %swap3A_437], %swap3A_440 {strides = array<i32>} : memref<11x128xi32, #tpu.memory_space<vmem>>, vector<1x16xi32>,
    %add3A_441 = arith.constant 121680 : i32
    %add3A_442 = vector.broadcast %add3A_441 : i32 to vector<16xi32>
    %add3A_443 = arith.addi %get3A_20, %add3A_442 : vector<16xi32>
    %swap3A_444 = arith.constant 5 : i32
    %swap3A_445 = arith.index_cast %swap3A_444 : i32 to index
    %swap3A_446 = arith.constant 80 : index
    %swap3A_447 = tpu.vector_load %arg6[%swap3A_445, %swap3A_446] {strides = array<i32>} : memref<11x128xi32, #tpu.memory_space<vmem>>, vector<1x16xi32>,
    %swap3A_448 = vector.shape_cast %swap3A_447 : vector<1x16xi32> to vector<16xi32>
    %swap3A_449 = vector.shape_cast %add3A_443 : vector<16xi32> to vector<1x16xi32>
    tpu.vector_store %arg6[%swap3A_445, %swap3A_446], %swap3A_449 {strides = array<i32>} : memref<11x128xi32, #tpu.memory_space<vmem>>, vector<1x16xi32>,
    %add3A_450 = arith.constant 124384 : i32
    %add3A_451 = vector.broadcast %add3A_450 : i32 to vector<16xi32>
    %add3A_452 = arith.addi %get3A_20, %add3A_451 : vector<16xi32>
    %swap3A_453 = arith.constant 5 : i32
    %swap3A_454 = arith.index_cast %swap3A_453 : i32 to index
    %swap3A_455 = arith.constant 96 : index
    %swap3A_456 = tpu.vector_load %arg6[%swap3A_454, %swap3A_455] {strides = array<i32>} : memref<11x128xi32, #tpu.memory_space<vmem>>, vector<1x16xi32>,
    %swap3A_457 = vector.shape_cast %swap3A_456 : vector<1x16xi32> to vector<16xi32>
    %swap3A_458 = vector.shape_cast %add3A_452 : vector<16xi32> to vector<1x16xi32>
    tpu.vector_store %arg6[%swap3A_454, %swap3A_455], %swap3A_458 {strides = array<i32>} : memref<11x128xi32, #tpu.memory_space<vmem>>, vector<1x16xi32>,
    %add3A_459 = arith.constant 127088 : i32
    %add3A_460 = vector.broadcast %add3A_459 : i32 to vector<16xi32>
    %add3A_461 = arith.addi %get3A_20, %add3A_460 : vector<16xi32>
    %swap3A_462 = arith.constant 5 : i32
    %swap3A_463 = arith.index_cast %swap3A_462 : i32 to index
    %swap3A_464 = arith.constant 112 : index
    %swap3A_465 = tpu.vector_load %arg6[%swap3A_463, %swap3A_464] {strides = array<i32>} : memref<11x128xi32, #tpu.memory_space<vmem>>, vector<1x16xi32>,
    %swap3A_466 = vector.shape_cast %swap3A_465 : vector<1x16xi32> to vector<16xi32>
    %swap3A_467 = vector.shape_cast %add3A_461 : vector<16xi32> to vector<1x16xi32>
    tpu.vector_store %arg6[%swap3A_463, %swap3A_464], %swap3A_467 {strides = array<i32>} : memref<11x128xi32, #tpu.memory_space<vmem>>, vector<1x16xi32>,
    %add3A_468 = arith.constant 129792 : i32
    %add3A_469 = vector.broadcast %add3A_468 : i32 to vector<16xi32>
    %add3A_470 = arith.addi %get3A_20, %add3A_469 : vector<16xi32>
    %swap3A_471 = arith.constant 6 : i32
    %swap3A_472 = arith.index_cast %swap3A_471 : i32 to index
    %swap3A_473 = arith.constant 0 : index
    %swap3A_474 = tpu.vector_load %arg6[%swap3A_472, %swap3A_473] {strides = array<i32>} : memref<11x128xi32, #tpu.memory_space<vmem>>, vector<1x16xi32>,
    %swap3A_475 = vector.shape_cast %swap3A_474 : vector<1x16xi32> to vector<16xi32>
    %swap3A_476 = vector.shape_cast %add3A_470 : vector<16xi32> to vector<1x16xi32>
    tpu.vector_store %arg6[%swap3A_472, %swap3A_473], %swap3A_476 {strides = array<i32>} : memref<11x128xi32, #tpu.memory_space<vmem>>, vector<1x16xi32>,
    %add3A_477 = arith.constant 132496 : i32
    %add3A_478 = vector.broadcast %add3A_477 : i32 to vector<16xi32>
    %add3A_479 = arith.addi %get3A_20, %add3A_478 : vector<16xi32>
    %swap3A_480 = arith.constant 6 : i32
    %swap3A_481 = arith.index_cast %swap3A_480 : i32 to index
    %swap3A_482 = arith.constant 16 : index
    %swap3A_483 = tpu.vector_load %arg6[%swap3A_481, %swap3A_482] {strides = array<i32>} : memref<11x128xi32, #tpu.memory_space<vmem>>, vector<1x16xi32>,
    %swap3A_484 = vector.shape_cast %swap3A_483 : vector<1x16xi32> to vector<16xi32>
    %swap3A_485 = vector.shape_cast %add3A_479 : vector<16xi32> to vector<1x16xi32>
    tpu.vector_store %arg6[%swap3A_481, %swap3A_482], %swap3A_485 {strides = array<i32>} : memref<11x128xi32, #tpu.memory_space<vmem>>, vector<1x16xi32>,
    %add3A_486 = arith.constant 135200 : i32
    %add3A_487 = vector.broadcast %add3A_486 : i32 to vector<16xi32>
    %add3A_488 = arith.addi %get3A_20, %add3A_487 : vector<16xi32>
    %swap3A_489 = arith.constant 6 : i32
    %swap3A_490 = arith.index_cast %swap3A_489 : i32 to index
    %swap3A_491 = arith.constant 32 : index
    %swap3A_492 = tpu.vector_load %arg6[%swap3A_490, %swap3A_491] {strides = array<i32>} : memref<11x128xi32, #tpu.memory_space<vmem>>, vector<1x16xi32>,
    %swap3A_493 = vector.shape_cast %swap3A_492 : vector<1x16xi32> to vector<16xi32>
    %swap3A_494 = vector.shape_cast %add3A_488 : vector<16xi32> to vector<1x16xi32>
    tpu.vector_store %arg6[%swap3A_490, %swap3A_491], %swap3A_494 {strides = array<i32>} : memref<11x128xi32, #tpu.memory_space<vmem>>, vector<1x16xi32>,
    %add3A_495 = arith.constant 137904 : i32
    %add3A_496 = vector.broadcast %add3A_495 : i32 to vector<16xi32>
    %add3A_497 = arith.addi %get3A_20, %add3A_496 : vector<16xi32>
    %swap3A_498 = arith.constant 6 : i32
    %swap3A_499 = arith.index_cast %swap3A_498 : i32 to index
    %swap3A_500 = arith.constant 48 : index
    %swap3A_501 = tpu.vector_load %arg6[%swap3A_499, %swap3A_500] {strides = array<i32>} : memref<11x128xi32, #tpu.memory_space<vmem>>, vector<1x16xi32>,
    %swap3A_502 = vector.shape_cast %swap3A_501 : vector<1x16xi32> to vector<16xi32>
    %swap3A_503 = vector.shape_cast %add3A_497 : vector<16xi32> to vector<1x16xi32>
    tpu.vector_store %arg6[%swap3A_499, %swap3A_500], %swap3A_503 {strides = array<i32>} : memref<11x128xi32, #tpu.memory_space<vmem>>, vector<1x16xi32>,
    %add3A_504 = arith.constant 140608 : i32
    %add3A_505 = vector.broadcast %add3A_504 : i32 to vector<16xi32>
    %add3A_506 = arith.addi %get3A_20, %add3A_505 : vector<16xi32>
    %swap3A_507 = arith.constant 6 : i32
    %swap3A_508 = arith.index_cast %swap3A_507 : i32 to index
    %swap3A_509 = arith.constant 64 : index
    %swap3A_510 = tpu.vector_load %arg6[%swap3A_508, %swap3A_509] {strides = array<i32>} : memref<11x128xi32, #tpu.memory_space<vmem>>, vector<1x16xi32>,
    %swap3A_511 = vector.shape_cast %swap3A_510 : vector<1x16xi32> to vector<16xi32>
    %swap3A_512 = vector.shape_cast %add3A_506 : vector<16xi32> to vector<1x16xi32>
    tpu.vector_store %arg6[%swap3A_508, %swap3A_509], %swap3A_512 {strides = array<i32>} : memref<11x128xi32, #tpu.memory_space<vmem>>, vector<1x16xi32>,
    %add3A_513 = arith.constant 143312 : i32
    %add3A_514 = vector.broadcast %add3A_513 : i32 to vector<16xi32>
    %add3A_515 = arith.addi %get3A_20, %add3A_514 : vector<16xi32>
    %swap3A_516 = arith.constant 6 : i32
    %swap3A_517 = arith.index_cast %swap3A_516 : i32 to index
    %swap3A_518 = arith.constant 80 : index
    %swap3A_519 = tpu.vector_load %arg6[%swap3A_517, %swap3A_518] {strides = array<i32>} : memref<11x128xi32, #tpu.memory_space<vmem>>, vector<1x16xi32>,
    %swap3A_520 = vector.shape_cast %swap3A_519 : vector<1x16xi32> to vector<16xi32>
    %swap3A_521 = vector.shape_cast %add3A_515 : vector<16xi32> to vector<1x16xi32>
    tpu.vector_store %arg6[%swap3A_517, %swap3A_518], %swap3A_521 {strides = array<i32>} : memref<11x128xi32, #tpu.memory_space<vmem>>, vector<1x16xi32>,
    %add3A_522 = arith.constant 146016 : i32
    %add3A_523 = vector.broadcast %add3A_522 : i32 to vector<16xi32>
    %add3A_524 = arith.addi %get3A_20, %add3A_523 : vector<16xi32>
    %swap3A_525 = arith.constant 6 : i32
    %swap3A_526 = arith.index_cast %swap3A_525 : i32 to index
    %swap3A_527 = arith.constant 96 : index
    %swap3A_528 = tpu.vector_load %arg6[%swap3A_526, %swap3A_527] {strides = array<i32>} : memref<11x128xi32, #tpu.memory_space<vmem>>, vector<1x16xi32>,
    %swap3A_529 = vector.shape_cast %swap3A_528 : vector<1x16xi32> to vector<16xi32>
    %swap3A_530 = vector.shape_cast %add3A_524 : vector<16xi32> to vector<1x16xi32>
    tpu.vector_store %arg6[%swap3A_526, %swap3A_527], %swap3A_530 {strides = array<i32>} : memref<11x128xi32, #tpu.memory_space<vmem>>, vector<1x16xi32>,
    %add3A_531 = arith.constant 148720 : i32
    %add3A_532 = vector.broadcast %add3A_531 : i32 to vector<16xi32>
    %add3A_533 = arith.addi %get3A_20, %add3A_532 : vector<16xi32>
    %swap3A_534 = arith.constant 6 : i32
    %swap3A_535 = arith.index_cast %swap3A_534 : i32 to index
    %swap3A_536 = arith.constant 112 : index
    %swap3A_537 = tpu.vector_load %arg6[%swap3A_535, %swap3A_536] {strides = array<i32>} : memref<11x128xi32, #tpu.memory_space<vmem>>, vector<1x16xi32>,
    %swap3A_538 = vector.shape_cast %swap3A_537 : vector<1x16xi32> to vector<16xi32>
    %swap3A_539 = vector.shape_cast %add3A_533 : vector<16xi32> to vector<1x16xi32>
    tpu.vector_store %arg6[%swap3A_535, %swap3A_536], %swap3A_539 {strides = array<i32>} : memref<11x128xi32, #tpu.memory_space<vmem>>, vector<1x16xi32>,
    %add3A_540 = arith.constant 151424 : i32
    %add3A_541 = vector.broadcast %add3A_540 : i32 to vector<16xi32>
    %add3A_542 = arith.addi %get3A_20, %add3A_541 : vector<16xi32>
    %swap3A_543 = arith.constant 7 : i32
    %swap3A_544 = arith.index_cast %swap3A_543 : i32 to index
    %swap3A_545 = arith.constant 0 : index
    %swap3A_546 = tpu.vector_load %arg6[%swap3A_544, %swap3A_545] {strides = array<i32>} : memref<11x128xi32, #tpu.memory_space<vmem>>, vector<1x16xi32>,
    %swap3A_547 = vector.shape_cast %swap3A_546 : vector<1x16xi32> to vector<16xi32>
    %swap3A_548 = vector.shape_cast %add3A_542 : vector<16xi32> to vector<1x16xi32>
    tpu.vector_store %arg6[%swap3A_544, %swap3A_545], %swap3A_548 {strides = array<i32>} : memref<11x128xi32, #tpu.memory_space<vmem>>, vector<1x16xi32>,
    %add3A_549 = arith.constant 154128 : i32
    %add3A_550 = vector.broadcast %add3A_549 : i32 to vector<16xi32>
    %add3A_551 = arith.addi %get3A_20, %add3A_550 : vector<16xi32>
    %swap3A_552 = arith.constant 7 : i32
    %swap3A_553 = arith.index_cast %swap3A_552 : i32 to index
    %swap3A_554 = arith.constant 16 : index
    %swap3A_555 = tpu.vector_load %arg6[%swap3A_553, %swap3A_554] {strides = array<i32>} : memref<11x128xi32, #tpu.memory_space<vmem>>, vector<1x16xi32>,
    %swap3A_556 = vector.shape_cast %swap3A_555 : vector<1x16xi32> to vector<16xi32>
    %swap3A_557 = vector.shape_cast %add3A_551 : vector<16xi32> to vector<1x16xi32>
    tpu.vector_store %arg6[%swap3A_553, %swap3A_554], %swap3A_557 {strides = array<i32>} : memref<11x128xi32, #tpu.memory_space<vmem>>, vector<1x16xi32>,
    %add3A_558 = arith.constant 156832 : i32
    %add3A_559 = vector.broadcast %add3A_558 : i32 to vector<16xi32>
    %add3A_560 = arith.addi %get3A_20, %add3A_559 : vector<16xi32>
    %swap3A_561 = arith.constant 7 : i32
    %swap3A_562 = arith.index_cast %swap3A_561 : i32 to index
    %swap3A_563 = arith.constant 32 : index
    %swap3A_564 = tpu.vector_load %arg6[%swap3A_562, %swap3A_563] {strides = array<i32>} : memref<11x128xi32, #tpu.memory_space<vmem>>, vector<1x16xi32>,
    %swap3A_565 = vector.shape_cast %swap3A_564 : vector<1x16xi32> to vector<16xi32>
    %swap3A_566 = vector.shape_cast %add3A_560 : vector<16xi32> to vector<1x16xi32>
    tpu.vector_store %arg6[%swap3A_562, %swap3A_563], %swap3A_566 {strides = array<i32>} : memref<11x128xi32, #tpu.memory_space<vmem>>, vector<1x16xi32>,
    %add3A_567 = arith.constant 159536 : i32
    %add3A_568 = vector.broadcast %add3A_567 : i32 to vector<16xi32>
    %add3A_569 = arith.addi %get3A_20, %add3A_568 : vector<16xi32>
    %swap3A_570 = arith.constant 7 : i32
    %swap3A_571 = arith.index_cast %swap3A_570 : i32 to index
    %swap3A_572 = arith.constant 48 : index
    %swap3A_573 = tpu.vector_load %arg6[%swap3A_571, %swap3A_572] {strides = array<i32>} : memref<11x128xi32, #tpu.memory_space<vmem>>, vector<1x16xi32>,
    %swap3A_574 = vector.shape_cast %swap3A_573 : vector<1x16xi32> to vector<16xi32>
    %swap3A_575 = vector.shape_cast %add3A_569 : vector<16xi32> to vector<1x16xi32>
    tpu.vector_store %arg6[%swap3A_571, %swap3A_572], %swap3A_575 {strides = array<i32>} : memref<11x128xi32, #tpu.memory_space<vmem>>, vector<1x16xi32>,
    %add3A_576 = arith.constant 162240 : i32
    %add3A_577 = vector.broadcast %add3A_576 : i32 to vector<16xi32>
    %add3A_578 = arith.addi %get3A_20, %add3A_577 : vector<16xi32>
    %swap3A_579 = arith.constant 7 : i32
    %swap3A_580 = arith.index_cast %swap3A_579 : i32 to index
    %swap3A_581 = arith.constant 64 : index
    %swap3A_582 = tpu.vector_load %arg6[%swap3A_580, %swap3A_581] {strides = array<i32>} : memref<11x128xi32, #tpu.memory_space<vmem>>, vector<1x16xi32>,
    %swap3A_583 = vector.shape_cast %swap3A_582 : vector<1x16xi32> to vector<16xi32>
    %swap3A_584 = vector.shape_cast %add3A_578 : vector<16xi32> to vector<1x16xi32>
    tpu.vector_store %arg6[%swap3A_580, %swap3A_581], %swap3A_584 {strides = array<i32>} : memref<11x128xi32, #tpu.memory_space<vmem>>, vector<1x16xi32>,
    %add3A_585 = arith.constant 164944 : i32
    %add3A_586 = vector.broadcast %add3A_585 : i32 to vector<16xi32>
    %add3A_587 = arith.addi %get3A_20, %add3A_586 : vector<16xi32>
    %swap3A_588 = arith.constant 7 : i32
    %swap3A_589 = arith.index_cast %swap3A_588 : i32 to index
    %swap3A_590 = arith.constant 80 : index
    %swap3A_591 = tpu.vector_load %arg6[%swap3A_589, %swap3A_590] {strides = array<i32>} : memref<11x128xi32, #tpu.memory_space<vmem>>, vector<1x16xi32>,
    %swap3A_592 = vector.shape_cast %swap3A_591 : vector<1x16xi32> to vector<16xi32>
    %swap3A_593 = vector.shape_cast %add3A_587 : vector<16xi32> to vector<1x16xi32>
    tpu.vector_store %arg6[%swap3A_589, %swap3A_590], %swap3A_593 {strides = array<i32>} : memref<11x128xi32, #tpu.memory_space<vmem>>, vector<1x16xi32>,
    %add3A_594 = arith.constant 167648 : i32
    %add3A_595 = vector.broadcast %add3A_594 : i32 to vector<16xi32>
    %add3A_596 = arith.addi %get3A_20, %add3A_595 : vector<16xi32>
    %swap3A_597 = arith.constant 7 : i32
    %swap3A_598 = arith.index_cast %swap3A_597 : i32 to index
    %swap3A_599 = arith.constant 96 : index
    %swap3A_600 = tpu.vector_load %arg6[%swap3A_598, %swap3A_599] {strides = array<i32>} : memref<11x128xi32, #tpu.memory_space<vmem>>, vector<1x16xi32>,
    %swap3A_601 = vector.shape_cast %swap3A_600 : vector<1x16xi32> to vector<16xi32>
    %swap3A_602 = vector.shape_cast %add3A_596 : vector<16xi32> to vector<1x16xi32>
    tpu.vector_store %arg6[%swap3A_598, %swap3A_599], %swap3A_602 {strides = array<i32>} : memref<11x128xi32, #tpu.memory_space<vmem>>, vector<1x16xi32>,
    %add3A_603 = arith.constant 170352 : i32
    %add3A_604 = vector.broadcast %add3A_603 : i32 to vector<16xi32>
    %add3A_605 = arith.addi %get3A_20, %add3A_604 : vector<16xi32>
    %swap3A_606 = arith.constant 7 : i32
    %swap3A_607 = arith.index_cast %swap3A_606 : i32 to index
    %swap3A_608 = arith.constant 112 : index
    %swap3A_609 = tpu.vector_load %arg6[%swap3A_607, %swap3A_608] {strides = array<i32>} : memref<11x128xi32, #tpu.memory_space<vmem>>, vector<1x16xi32>,
    %swap3A_610 = vector.shape_cast %swap3A_609 : vector<1x16xi32> to vector<16xi32>
    %swap3A_611 = vector.shape_cast %add3A_605 : vector<16xi32> to vector<1x16xi32>
    tpu.vector_store %arg6[%swap3A_607, %swap3A_608], %swap3A_611 {strides = array<i32>} : memref<11x128xi32, #tpu.memory_space<vmem>>, vector<1x16xi32>,
    %add3A_612 = arith.constant 173056 : i32
    %add3A_613 = vector.broadcast %add3A_612 : i32 to vector<16xi32>
    %add3A_614 = arith.addi %get3A_20, %add3A_613 : vector<16xi32>
    %swap3A_615 = arith.constant 8 : i32
    %swap3A_616 = arith.index_cast %swap3A_615 : i32 to index
    %swap3A_617 = arith.constant 0 : index
    %swap3A_618 = tpu.vector_load %arg6[%swap3A_616, %swap3A_617] {strides = array<i32>} : memref<11x128xi32, #tpu.memory_space<vmem>>, vector<1x16xi32>,
    %swap3A_619 = vector.shape_cast %swap3A_618 : vector<1x16xi32> to vector<16xi32>
    %swap3A_620 = vector.shape_cast %add3A_614 : vector<16xi32> to vector<1x16xi32>
    tpu.vector_store %arg6[%swap3A_616, %swap3A_617], %swap3A_620 {strides = array<i32>} : memref<11x128xi32, #tpu.memory_space<vmem>>, vector<1x16xi32>,
    %add3A_621 = arith.constant 175760 : i32
    %add3A_622 = vector.broadcast %add3A_621 : i32 to vector<16xi32>
    %add3A_623 = arith.addi %get3A_20, %add3A_622 : vector<16xi32>
    %swap3A_624 = arith.constant 8 : i32
    %swap3A_625 = arith.index_cast %swap3A_624 : i32 to index
    %swap3A_626 = arith.constant 16 : index
    %swap3A_627 = tpu.vector_load %arg6[%swap3A_625, %swap3A_626] {strides = array<i32>} : memref<11x128xi32, #tpu.memory_space<vmem>>, vector<1x16xi32>,
    %swap3A_628 = vector.shape_cast %swap3A_627 : vector<1x16xi32> to vector<16xi32>
    %swap3A_629 = vector.shape_cast %add3A_623 : vector<16xi32> to vector<1x16xi32>
    tpu.vector_store %arg6[%swap3A_625, %swap3A_626], %swap3A_629 {strides = array<i32>} : memref<11x128xi32, #tpu.memory_space<vmem>>, vector<1x16xi32>,
    %add3A_630 = arith.constant 178464 : i32
    %add3A_631 = vector.broadcast %add3A_630 : i32 to vector<16xi32>
    %add3A_632 = arith.addi %get3A_20, %add3A_631 : vector<16xi32>
    %swap3A_633 = arith.constant 8 : i32
    %swap3A_634 = arith.index_cast %swap3A_633 : i32 to index
    %swap3A_635 = arith.constant 32 : index
    %swap3A_636 = tpu.vector_load %arg6[%swap3A_634, %swap3A_635] {strides = array<i32>} : memref<11x128xi32, #tpu.memory_space<vmem>>, vector<1x16xi32>,
    %swap3A_637 = vector.shape_cast %swap3A_636 : vector<1x16xi32> to vector<16xi32>
    %swap3A_638 = vector.shape_cast %add3A_632 : vector<16xi32> to vector<1x16xi32>
    tpu.vector_store %arg6[%swap3A_634, %swap3A_635], %swap3A_638 {strides = array<i32>} : memref<11x128xi32, #tpu.memory_space<vmem>>, vector<1x16xi32>,
    %add3A_639 = arith.constant 181168 : i32
    %add3A_640 = vector.broadcast %add3A_639 : i32 to vector<16xi32>
    %add3A_641 = arith.addi %get3A_20, %add3A_640 : vector<16xi32>
    %swap3A_642 = arith.constant 8 : i32
    %swap3A_643 = arith.index_cast %swap3A_642 : i32 to index
    %swap3A_644 = arith.constant 48 : index
    %swap3A_645 = tpu.vector_load %arg6[%swap3A_643, %swap3A_644] {strides = array<i32>} : memref<11x128xi32, #tpu.memory_space<vmem>>, vector<1x16xi32>,
    %swap3A_646 = vector.shape_cast %swap3A_645 : vector<1x16xi32> to vector<16xi32>
    %swap3A_647 = vector.shape_cast %add3A_641 : vector<16xi32> to vector<1x16xi32>
    tpu.vector_store %arg6[%swap3A_643, %swap3A_644], %swap3A_647 {strides = array<i32>} : memref<11x128xi32, #tpu.memory_space<vmem>>, vector<1x16xi32>,
    %add3A_648 = arith.constant 183872 : i32
    %add3A_649 = vector.broadcast %add3A_648 : i32 to vector<16xi32>
    %add3A_650 = arith.addi %get3A_20, %add3A_649 : vector<16xi32>
    %swap3A_651 = arith.constant 8 : i32
    %swap3A_652 = arith.index_cast %swap3A_651 : i32 to index
    %swap3A_653 = arith.constant 64 : index
    %swap3A_654 = tpu.vector_load %arg6[%swap3A_652, %swap3A_653] {strides = array<i32>} : memref<11x128xi32, #tpu.memory_space<vmem>>, vector<1x16xi32>,
    %swap3A_655 = vector.shape_cast %swap3A_654 : vector<1x16xi32> to vector<16xi32>
    %swap3A_656 = vector.shape_cast %add3A_650 : vector<16xi32> to vector<1x16xi32>
    tpu.vector_store %arg6[%swap3A_652, %swap3A_653], %swap3A_656 {strides = array<i32>} : memref<11x128xi32, #tpu.memory_space<vmem>>, vector<1x16xi32>,
    %add3A_657 = arith.constant 186576 : i32
    %add3A_658 = vector.broadcast %add3A_657 : i32 to vector<16xi32>
    %add3A_659 = arith.addi %get3A_20, %add3A_658 : vector<16xi32>
    %swap3A_660 = arith.constant 8 : i32
    %swap3A_661 = arith.index_cast %swap3A_660 : i32 to index
    %swap3A_662 = arith.constant 80 : index
    %swap3A_663 = tpu.vector_load %arg6[%swap3A_661, %swap3A_662] {strides = array<i32>} : memref<11x128xi32, #tpu.memory_space<vmem>>, vector<1x16xi32>,
    %swap3A_664 = vector.shape_cast %swap3A_663 : vector<1x16xi32> to vector<16xi32>
    %swap3A_665 = vector.shape_cast %add3A_659 : vector<16xi32> to vector<1x16xi32>
    tpu.vector_store %arg6[%swap3A_661, %swap3A_662], %swap3A_665 {strides = array<i32>} : memref<11x128xi32, #tpu.memory_space<vmem>>, vector<1x16xi32>,
    %add3A_666 = arith.constant 189280 : i32
    %add3A_667 = vector.broadcast %add3A_666 : i32 to vector<16xi32>
    %add3A_668 = arith.addi %get3A_20, %add3A_667 : vector<16xi32>
    %swap3A_669 = arith.constant 8 : i32
    %swap3A_670 = arith.index_cast %swap3A_669 : i32 to index
    %swap3A_671 = arith.constant 96 : index
    %swap3A_672 = tpu.vector_load %arg6[%swap3A_670, %swap3A_671] {strides = array<i32>} : memref<11x128xi32, #tpu.memory_space<vmem>>, vector<1x16xi32>,
    %swap3A_673 = vector.shape_cast %swap3A_672 : vector<1x16xi32> to vector<16xi32>
    %swap3A_674 = vector.shape_cast %add3A_668 : vector<16xi32> to vector<1x16xi32>
    tpu.vector_store %arg6[%swap3A_670, %swap3A_671], %swap3A_674 {strides = array<i32>} : memref<11x128xi32, #tpu.memory_space<vmem>>, vector<1x16xi32>,
    %add3A_675 = arith.constant 191984 : i32
    %add3A_676 = vector.broadcast %add3A_675 : i32 to vector<16xi32>
    %add3A_677 = arith.addi %get3A_20, %add3A_676 : vector<16xi32>
    %swap3A_678 = arith.constant 8 : i32
    %swap3A_679 = arith.index_cast %swap3A_678 : i32 to index
    %swap3A_680 = arith.constant 112 : index
    %swap3A_681 = tpu.vector_load %arg6[%swap3A_679, %swap3A_680] {strides = array<i32>} : memref<11x128xi32, #tpu.memory_space<vmem>>, vector<1x16xi32>,
    %swap3A_682 = vector.shape_cast %swap3A_681 : vector<1x16xi32> to vector<16xi32>
    %swap3A_683 = vector.shape_cast %add3A_677 : vector<16xi32> to vector<1x16xi32>
    tpu.vector_store %arg6[%swap3A_679, %swap3A_680], %swap3A_683 {strides = array<i32>} : memref<11x128xi32, #tpu.memory_space<vmem>>, vector<1x16xi32>,
    %add3A_684 = arith.constant 194688 : i32
    %add3A_685 = vector.broadcast %add3A_684 : i32 to vector<16xi32>
    %add3A_686 = arith.addi %get3A_20, %add3A_685 : vector<16xi32>
    %swap3A_687 = arith.constant 9 : i32
    %swap3A_688 = arith.index_cast %swap3A_687 : i32 to index
    %swap3A_689 = arith.constant 0 : index
    %swap3A_690 = tpu.vector_load %arg6[%swap3A_688, %swap3A_689] {strides = array<i32>} : memref<11x128xi32, #tpu.memory_space<vmem>>, vector<1x16xi32>,
    %swap3A_691 = vector.shape_cast %swap3A_690 : vector<1x16xi32> to vector<16xi32>
    %swap3A_692 = vector.shape_cast %add3A_686 : vector<16xi32> to vector<1x16xi32>
    tpu.vector_store %arg6[%swap3A_688, %swap3A_689], %swap3A_692 {strides = array<i32>} : memref<11x128xi32, #tpu.memory_space<vmem>>, vector<1x16xi32>,
    %add3A_693 = arith.constant 197392 : i32
    %add3A_694 = vector.broadcast %add3A_693 : i32 to vector<16xi32>
    %add3A_695 = arith.addi %get3A_20, %add3A_694 : vector<16xi32>
    %swap3A_696 = arith.constant 9 : i32
    %swap3A_697 = arith.index_cast %swap3A_696 : i32 to index
    %swap3A_698 = arith.constant 16 : index
    %swap3A_699 = tpu.vector_load %arg6[%swap3A_697, %swap3A_698] {strides = array<i32>} : memref<11x128xi32, #tpu.memory_space<vmem>>, vector<1x16xi32>,
    %swap3A_700 = vector.shape_cast %swap3A_699 : vector<1x16xi32> to vector<16xi32>
    %swap3A_701 = vector.shape_cast %add3A_695 : vector<16xi32> to vector<1x16xi32>
    tpu.vector_store %arg6[%swap3A_697, %swap3A_698], %swap3A_701 {strides = array<i32>} : memref<11x128xi32, #tpu.memory_space<vmem>>, vector<1x16xi32>,
    %add3A_702 = arith.constant 200096 : i32
    %add3A_703 = vector.broadcast %add3A_702 : i32 to vector<16xi32>
    %add3A_704 = arith.addi %get3A_20, %add3A_703 : vector<16xi32>
    %swap3A_705 = arith.constant 9 : i32
    %swap3A_706 = arith.index_cast %swap3A_705 : i32 to index
    %swap3A_707 = arith.constant 32 : index
    %swap3A_708 = tpu.vector_load %arg6[%swap3A_706, %swap3A_707] {strides = array<i32>} : memref<11x128xi32, #tpu.memory_space<vmem>>, vector<1x16xi32>,
    %swap3A_709 = vector.shape_cast %swap3A_708 : vector<1x16xi32> to vector<16xi32>
    %swap3A_710 = vector.shape_cast %add3A_704 : vector<16xi32> to vector<1x16xi32>
    tpu.vector_store %arg6[%swap3A_706, %swap3A_707], %swap3A_710 {strides = array<i32>} : memref<11x128xi32, #tpu.memory_space<vmem>>, vector<1x16xi32>,
    %add3A_711 = arith.constant 202800 : i32
    %add3A_712 = vector.broadcast %add3A_711 : i32 to vector<16xi32>
    %add3A_713 = arith.addi %get3A_20, %add3A_712 : vector<16xi32>
    %swap3A_714 = arith.constant 9 : i32
    %swap3A_715 = arith.index_cast %swap3A_714 : i32 to index
    %swap3A_716 = arith.constant 48 : index
    %swap3A_717 = tpu.vector_load %arg6[%swap3A_715, %swap3A_716] {strides = array<i32>} : memref<11x128xi32, #tpu.memory_space<vmem>>, vector<1x16xi32>,
    %swap3A_718 = vector.shape_cast %swap3A_717 : vector<1x16xi32> to vector<16xi32>
    %swap3A_719 = vector.shape_cast %add3A_713 : vector<16xi32> to vector<1x16xi32>
    tpu.vector_store %arg6[%swap3A_715, %swap3A_716], %swap3A_719 {strides = array<i32>} : memref<11x128xi32, #tpu.memory_space<vmem>>, vector<1x16xi32>,
    %add3A_720 = arith.constant 205504 : i32
    %add3A_721 = vector.broadcast %add3A_720 : i32 to vector<16xi32>
    %add3A_722 = arith.addi %get3A_20, %add3A_721 : vector<16xi32>
    %swap3A_723 = arith.constant 9 : i32
    %swap3A_724 = arith.index_cast %swap3A_723 : i32 to index
    %swap3A_725 = arith.constant 64 : index
    %swap3A_726 = tpu.vector_load %arg6[%swap3A_724, %swap3A_725] {strides = array<i32>} : memref<11x128xi32, #tpu.memory_space<vmem>>, vector<1x16xi32>,
    %swap3A_727 = vector.shape_cast %swap3A_726 : vector<1x16xi32> to vector<16xi32>
    %swap3A_728 = vector.shape_cast %add3A_722 : vector<16xi32> to vector<1x16xi32>
    tpu.vector_store %arg6[%swap3A_724, %swap3A_725], %swap3A_728 {strides = array<i32>} : memref<11x128xi32, #tpu.memory_space<vmem>>, vector<1x16xi32>,
    %add3A_729 = arith.constant 208208 : i32
    %add3A_730 = vector.broadcast %add3A_729 : i32 to vector<16xi32>
    %add3A_731 = arith.addi %get3A_20, %add3A_730 : vector<16xi32>
    %swap3A_732 = arith.constant 9 : i32
    %swap3A_733 = arith.index_cast %swap3A_732 : i32 to index
    %swap3A_734 = arith.constant 80 : index
    %swap3A_735 = tpu.vector_load %arg6[%swap3A_733, %swap3A_734] {strides = array<i32>} : memref<11x128xi32, #tpu.memory_space<vmem>>, vector<1x16xi32>,
    %swap3A_736 = vector.shape_cast %swap3A_735 : vector<1x16xi32> to vector<16xi32>
    %swap3A_737 = vector.shape_cast %add3A_731 : vector<16xi32> to vector<1x16xi32>
    tpu.vector_store %arg6[%swap3A_733, %swap3A_734], %swap3A_737 {strides = array<i32>} : memref<11x128xi32, #tpu.memory_space<vmem>>, vector<1x16xi32>,
    %add3A_738 = arith.constant 210912 : i32
    %add3A_739 = vector.broadcast %add3A_738 : i32 to vector<16xi32>
    %add3A_740 = arith.addi %get3A_20, %add3A_739 : vector<16xi32>
    %swap3A_741 = arith.constant 9 : i32
    %swap3A_742 = arith.index_cast %swap3A_741 : i32 to index
    %swap3A_743 = arith.constant 96 : index
    %swap3A_744 = tpu.vector_load %arg6[%swap3A_742, %swap3A_743] {strides = array<i32>} : memref<11x128xi32, #tpu.memory_space<vmem>>, vector<1x16xi32>,
    %swap3A_745 = vector.shape_cast %swap3A_744 : vector<1x16xi32> to vector<16xi32>
    %swap3A_746 = vector.shape_cast %add3A_740 : vector<16xi32> to vector<1x16xi32>
    tpu.vector_store %arg6[%swap3A_742, %swap3A_743], %swap3A_746 {strides = array<i32>} : memref<11x128xi32, #tpu.memory_space<vmem>>, vector<1x16xi32>,
    %add3A_747 = arith.constant 213616 : i32
    %add3A_748 = vector.broadcast %add3A_747 : i32 to vector<16xi32>
    %add3A_749 = arith.addi %get3A_20, %add3A_748 : vector<16xi32>
    %swap3A_750 = arith.constant 9 : i32
    %swap3A_751 = arith.index_cast %swap3A_750 : i32 to index
    %swap3A_752 = arith.constant 112 : index
    %swap3A_753 = tpu.vector_load %arg6[%swap3A_751, %swap3A_752] {strides = array<i32>} : memref<11x128xi32, #tpu.memory_space<vmem>>, vector<1x16xi32>,
    %swap3A_754 = vector.shape_cast %swap3A_753 : vector<1x16xi32> to vector<16xi32>
    %swap3A_755 = vector.shape_cast %add3A_749 : vector<16xi32> to vector<1x16xi32>
    tpu.vector_store %arg6[%swap3A_751, %swap3A_752], %swap3A_755 {strides = array<i32>} : memref<11x128xi32, #tpu.memory_space<vmem>>, vector<1x16xi32>,
    %add3A_756 = arith.constant 216320 : i32
    %add3A_757 = vector.broadcast %add3A_756 : i32 to vector<16xi32>
    %add3A_758 = arith.addi %get3A_20, %add3A_757 : vector<16xi32>
    %swap3A_759 = arith.constant 10 : i32
    %swap3A_760 = arith.index_cast %swap3A_759 : i32 to index
    %swap3A_761 = arith.constant 0 : index
    %swap3A_762 = tpu.vector_load %arg6[%swap3A_760, %swap3A_761] {strides = array<i32>} : memref<11x128xi32, #tpu.memory_space<vmem>>, vector<1x16xi32>,
    %swap3A_763 = vector.shape_cast %swap3A_762 : vector<1x16xi32> to vector<16xi32>
    %swap3A_764 = vector.shape_cast %add3A_758 : vector<16xi32> to vector<1x16xi32>
    tpu.vector_store %arg6[%swap3A_760, %swap3A_761], %swap3A_764 {strides = array<i32>} : memref<11x128xi32, #tpu.memory_space<vmem>>, vector<1x16xi32>,
    %add3A_765 = arith.constant 219024 : i32
    %add3A_766 = vector.broadcast %add3A_765 : i32 to vector<16xi32>
    %add3A_767 = arith.addi %get3A_20, %add3A_766 : vector<16xi32>
    %swap3A_768 = arith.constant 10 : i32
    %swap3A_769 = arith.index_cast %swap3A_768 : i32 to index
    %swap3A_770 = arith.constant 16 : index
    %swap3A_771 = tpu.vector_load %arg6[%swap3A_769, %swap3A_770] {strides = array<i32>} : memref<11x128xi32, #tpu.memory_space<vmem>>, vector<1x16xi32>,
    %swap3A_772 = vector.shape_cast %swap3A_771 : vector<1x16xi32> to vector<16xi32>
    %swap3A_773 = vector.shape_cast %add3A_767 : vector<16xi32> to vector<1x16xi32>
    tpu.vector_store %arg6[%swap3A_769, %swap3A_770], %swap3A_773 {strides = array<i32>} : memref<11x128xi32, #tpu.memory_space<vmem>>, vector<1x16xi32>,
    %add3A_774 = arith.constant 221728 : i32
    %add3A_775 = vector.broadcast %add3A_774 : i32 to vector<16xi32>
    %add3A_776 = arith.addi %get3A_20, %add3A_775 : vector<16xi32>
    %swap3A_777 = arith.constant 10 : i32
    %swap3A_778 = arith.index_cast %swap3A_777 : i32 to index
    %swap3A_779 = arith.constant 32 : index
    %swap3A_780 = tpu.vector_load %arg6[%swap3A_778, %swap3A_779] {strides = array<i32>} : memref<11x128xi32, #tpu.memory_space<vmem>>, vector<1x16xi32>,
    %swap3A_781 = vector.shape_cast %swap3A_780 : vector<1x16xi32> to vector<16xi32>
    %swap3A_782 = vector.shape_cast %add3A_776 : vector<16xi32> to vector<1x16xi32>
    tpu.vector_store %arg6[%swap3A_778, %swap3A_779], %swap3A_782 {strides = array<i32>} : memref<11x128xi32, #tpu.memory_space<vmem>>, vector<1x16xi32>,
    %add3A_783 = arith.constant 224432 : i32
    %add3A_784 = vector.broadcast %add3A_783 : i32 to vector<16xi32>
    %add3A_785 = arith.addi %get3A_20, %add3A_784 : vector<16xi32>
    %swap3A_786 = arith.constant 10 : i32
    %swap3A_787 = arith.index_cast %swap3A_786 : i32 to index
    %swap3A_788 = arith.constant 48 : index
    %swap3A_789 = tpu.vector_load %arg6[%swap3A_787, %swap3A_788] {strides = array<i32>} : memref<11x128xi32, #tpu.memory_space<vmem>>, vector<1x16xi32>,
    %swap3A_790 = vector.shape_cast %swap3A_789 : vector<1x16xi32> to vector<16xi32>
    %swap3A_791 = vector.shape_cast %add3A_785 : vector<16xi32> to vector<1x16xi32>
    tpu.vector_store %arg6[%swap3A_787, %swap3A_788], %swap3A_791 {strides = array<i32>} : memref<11x128xi32, #tpu.memory_space<vmem>>, vector<1x16xi32>,
    %add3A_792 = arith.constant 227136 : i32
    %add3A_793 = vector.broadcast %add3A_792 : i32 to vector<16xi32>
    %add3A_794 = arith.addi %get3A_20, %add3A_793 : vector<16xi32>
    %swap3A_795 = arith.constant 10 : i32
    %swap3A_796 = arith.index_cast %swap3A_795 : i32 to index
    %swap3A_797 = arith.constant 64 : index
    %swap3A_798 = tpu.vector_load %arg6[%swap3A_796, %swap3A_797] {strides = array<i32>} : memref<11x128xi32, #tpu.memory_space<vmem>>, vector<1x16xi32>,
    %swap3A_799 = vector.shape_cast %swap3A_798 : vector<1x16xi32> to vector<16xi32>
    %swap3A_800 = vector.shape_cast %add3A_794 : vector<16xi32> to vector<1x16xi32>
    tpu.vector_store %arg6[%swap3A_796, %swap3A_797], %swap3A_800 {strides = array<i32>} : memref<11x128xi32, #tpu.memory_space<vmem>>, vector<1x16xi32>,
    %add3A_801 = arith.constant 227136 : i32
    %add3A_802 = vector.broadcast %add3A_801 : i32 to vector<16xi32>
    %add3A_803 = arith.addi %get3A_20, %add3A_802 : vector<16xi32>
    %swap3A_804 = arith.constant 10 : i32
    %swap3A_805 = arith.index_cast %swap3A_804 : i32 to index
    %swap3A_806 = arith.constant 80 : index
    %swap3A_807 = tpu.vector_load %arg6[%swap3A_805, %swap3A_806] {strides = array<i32>} : memref<11x128xi32, #tpu.memory_space<vmem>>, vector<1x16xi32>,
    %swap3A_808 = vector.shape_cast %swap3A_807 : vector<1x16xi32> to vector<16xi32>
    %swap3A_809 = vector.shape_cast %add3A_803 : vector<16xi32> to vector<1x16xi32>
    tpu.vector_store %arg6[%swap3A_805, %swap3A_806], %swap3A_809 {strides = array<i32>} : memref<11x128xi32, #tpu.memory_space<vmem>>, vector<1x16xi32>,
    %add3A_810 = arith.constant 227136 : i32
    %add3A_811 = vector.broadcast %add3A_810 : i32 to vector<16xi32>
    %add3A_812 = arith.addi %get3A_20, %add3A_811 : vector<16xi32>
    %swap3A_813 = arith.constant 10 : i32
    %swap3A_814 = arith.index_cast %swap3A_813 : i32 to index
    %swap3A_815 = arith.constant 96 : index
    %swap3A_816 = tpu.vector_load %arg6[%swap3A_814, %swap3A_815] {strides = array<i32>} : memref<11x128xi32, #tpu.memory_space<vmem>>, vector<1x16xi32>,
    %swap3A_817 = vector.shape_cast %swap3A_816 : vector<1x16xi32> to vector<16xi32>
    %swap3A_818 = vector.shape_cast %add3A_812 : vector<16xi32> to vector<1x16xi32>
    tpu.vector_store %arg6[%swap3A_814, %swap3A_815], %swap3A_818 {strides = array<i32>} : memref<11x128xi32, #tpu.memory_space<vmem>>, vector<1x16xi32>,
    %add3A_819 = arith.constant 227136 : i32
    %add3A_820 = vector.broadcast %add3A_819 : i32 to vector<16xi32>
    %add3A_821 = arith.addi %get3A_20, %add3A_820 : vector<16xi32>
    %swap3A_822 = arith.constant 10 : i32
    %swap3A_823 = arith.index_cast %swap3A_822 : i32 to index
    %swap3A_824 = arith.constant 112 : index
    %swap3A_825 = tpu.vector_load %arg6[%swap3A_823, %swap3A_824] {strides = array<i32>} : memref<11x128xi32, #tpu.memory_space<vmem>>, vector<1x16xi32>,
    %swap3A_826 = vector.shape_cast %swap3A_825 : vector<1x16xi32> to vector<16xi32>
    %swap3A_827 = vector.shape_cast %add3A_821 : vector<16xi32> to vector<1x16xi32>
    tpu.vector_store %arg6[%swap3A_823, %swap3A_824], %swap3A_827 {strides = array<i32>} : memref<11x128xi32, #tpu.memory_space<vmem>>, vector<1x16xi32>,
    %dma_start3A = arith.constant 0 : i32
    %dma_start3A_828 = arith.constant 0 : i32
    %dma_start3A_829 = arith.constant 0 : i32
    %dma_start3A_830 = tpu.memref_slice %arg7[%dma_start3A_828, %dma_start3A_829] : memref<11x128xf32, #tpu.memory_space<vmem>> -> memref<1x128xf32, #tpu.memory_space<vmem>>
    %dma_start3A_831 = tpu.memref_squeeze %dma_start3A_830 : memref<1x128xf32, #tpu.memory_space<vmem>> -> memref<128xf32, #tpu.memory_space<vmem>>
    %dma_start3A_832 = arith.constant 0 : i32
    %dma_start3A_833 = tpu.memref_slice %arg6[%dma_start3A, %dma_start3A_832] : memref<11x128xi32, #tpu.memory_space<vmem>> -> memref<1x128xi32, #tpu.memory_space<vmem>>
    %dma_start3A_834 = tpu.memref_squeeze %dma_start3A_833 : memref<1x128xi32, #tpu.memory_space<vmem>> -> memref<128xi32, #tpu.memory_space<vmem>>
    %dma_start3A_835 = arith.constant 0 : i32
    %dma_start3A_836 = tpu.memref_slice %arg2[%dma_start3A_835] : memref<44129280xf32, #tpu.memory_space<hbm>> -> memref<44129280xf32, #tpu.memory_space<hbm>>
    tpu.enqueue_indirect_dma source(%dma_start3A_836 : memref<44129280xf32, #tpu.memory_space<hbm>>) target(%dma_start3A_831 : memref<128xf32, #tpu.memory_space<vmem>>) offsets(%dma_start3A_834 : memref<128xi32, #tpu.memory_space<vmem>>) semaphore(%arg11 : memref<!tpu.dma_semaphore, #tpu.memory_space<semaphore_mem>>)
    %dma_start3A_837 = arith.constant 1 : i32
    %dma_start3A_838 = arith.constant 1 : i32
    %dma_start3A_839 = arith.constant 0 : i32
    %dma_start3A_840 = tpu.memref_slice %arg7[%dma_start3A_838, %dma_start3A_839] : memref<11x128xf32, #tpu.memory_space<vmem>> -> memref<1x128xf32, #tpu.memory_space<vmem>>
    %dma_start3A_841 = tpu.memref_squeeze %dma_start3A_840 : memref<1x128xf32, #tpu.memory_space<vmem>> -> memref<128xf32, #tpu.memory_space<vmem>>
    %dma_start3A_842 = arith.constant 0 : i32
    %dma_start3A_843 = tpu.memref_slice %arg6[%dma_start3A_837, %dma_start3A_842] : memref<11x128xi32, #tpu.memory_space<vmem>> -> memref<1x128xi32, #tpu.memory_space<vmem>>
    %dma_start3A_844 = tpu.memref_squeeze %dma_start3A_843 : memref<1x128xi32, #tpu.memory_space<vmem>> -> memref<128xi32, #tpu.memory_space<vmem>>
    %dma_start3A_845 = arith.constant 0 : i32
    %dma_start3A_846 = tpu.memref_slice %arg2[%dma_start3A_845] : memref<44129280xf32, #tpu.memory_space<hbm>> -> memref<44129280xf32, #tpu.memory_space<hbm>>
    tpu.enqueue_indirect_dma source(%dma_start3A_846 : memref<44129280xf32, #tpu.memory_space<hbm>>) target(%dma_start3A_841 : memref<128xf32, #tpu.memory_space<vmem>>) offsets(%dma_start3A_844 : memref<128xi32, #tpu.memory_space<vmem>>) semaphore(%arg11 : memref<!tpu.dma_semaphore, #tpu.memory_space<semaphore_mem>>)
    %dma_start3A_847 = arith.constant 2 : i32
    %dma_start3A_848 = arith.constant 2 : i32
    %dma_start3A_849 = arith.constant 0 : i32
    %dma_start3A_850 = tpu.memref_slice %arg7[%dma_start3A_848, %dma_start3A_849] : memref<11x128xf32, #tpu.memory_space<vmem>> -> memref<1x128xf32, #tpu.memory_space<vmem>>
    %dma_start3A_851 = tpu.memref_squeeze %dma_start3A_850 : memref<1x128xf32, #tpu.memory_space<vmem>> -> memref<128xf32, #tpu.memory_space<vmem>>
    %dma_start3A_852 = arith.constant 0 : i32
    %dma_start3A_853 = tpu.memref_slice %arg6[%dma_start3A_847, %dma_start3A_852] : memref<11x128xi32, #tpu.memory_space<vmem>> -> memref<1x128xi32, #tpu.memory_space<vmem>>
    %dma_start3A_854 = tpu.memref_squeeze %dma_start3A_853 : memref<1x128xi32, #tpu.memory_space<vmem>> -> memref<128xi32, #tpu.memory_space<vmem>>
    %dma_start3A_855 = arith.constant 0 : i32
    %dma_start3A_856 = tpu.memref_slice %arg2[%dma_start3A_855] : memref<44129280xf32, #tpu.memory_space<hbm>> -> memref<44129280xf32, #tpu.memory_space<hbm>>
    tpu.enqueue_indirect_dma source(%dma_start3A_856 : memref<44129280xf32, #tpu.memory_space<hbm>>) target(%dma_start3A_851 : memref<128xf32, #tpu.memory_space<vmem>>) offsets(%dma_start3A_854 : memref<128xi32, #tpu.memory_space<vmem>>) semaphore(%arg11 : memref<!tpu.dma_semaphore, #tpu.memory_space<semaphore_mem>>)
    %dma_start3A_857 = arith.constant 3 : i32
    %dma_start3A_858 = arith.constant 3 : i32
    %dma_start3A_859 = arith.constant 0 : i32
    %dma_start3A_860 = tpu.memref_slice %arg7[%dma_start3A_858, %dma_start3A_859] : memref<11x128xf32, #tpu.memory_space<vmem>> -> memref<1x128xf32, #tpu.memory_space<vmem>>
    %dma_start3A_861 = tpu.memref_squeeze %dma_start3A_860 : memref<1x128xf32, #tpu.memory_space<vmem>> -> memref<128xf32, #tpu.memory_space<vmem>>
    %dma_start3A_862 = arith.constant 0 : i32
    %dma_start3A_863 = tpu.memref_slice %arg6[%dma_start3A_857, %dma_start3A_862] : memref<11x128xi32, #tpu.memory_space<vmem>> -> memref<1x128xi32, #tpu.memory_space<vmem>>
    %dma_start3A_864 = tpu.memref_squeeze %dma_start3A_863 : memref<1x128xi32, #tpu.memory_space<vmem>> -> memref<128xi32, #tpu.memory_space<vmem>>
    %dma_start3A_865 = arith.constant 0 : i32
    %dma_start3A_866 = tpu.memref_slice %arg2[%dma_start3A_865] : memref<44129280xf32, #tpu.memory_space<hbm>> -> memref<44129280xf32, #tpu.memory_space<hbm>>
    tpu.enqueue_indirect_dma source(%dma_start3A_866 : memref<44129280xf32, #tpu.memory_space<hbm>>) target(%dma_start3A_861 : memref<128xf32, #tpu.memory_space<vmem>>) offsets(%dma_start3A_864 : memref<128xi32, #tpu.memory_space<vmem>>) semaphore(%arg11 : memref<!tpu.dma_semaphore, #tpu.memory_space<semaphore_mem>>)
    %dma_start3A_867 = arith.constant 4 : i32
    %dma_start3A_868 = arith.constant 4 : i32
    %dma_start3A_869 = arith.constant 0 : i32
    %dma_start3A_870 = tpu.memref_slice %arg7[%dma_start3A_868, %dma_start3A_869] : memref<11x128xf32, #tpu.memory_space<vmem>> -> memref<1x128xf32, #tpu.memory_space<vmem>>
    %dma_start3A_871 = tpu.memref_squeeze %dma_start3A_870 : memref<1x128xf32, #tpu.memory_space<vmem>> -> memref<128xf32, #tpu.memory_space<vmem>>
    %dma_start3A_872 = arith.constant 0 : i32
    %dma_start3A_873 = tpu.memref_slice %arg6[%dma_start3A_867, %dma_start3A_872] : memref<11x128xi32, #tpu.memory_space<vmem>> -> memref<1x128xi32, #tpu.memory_space<vmem>>
    %dma_start3A_874 = tpu.memref_squeeze %dma_start3A_873 : memref<1x128xi32, #tpu.memory_space<vmem>> -> memref<128xi32, #tpu.memory_space<vmem>>
    %dma_start3A_875 = arith.constant 0 : i32
    %dma_start3A_876 = tpu.memref_slice %arg2[%dma_start3A_875] : memref<44129280xf32, #tpu.memory_space<hbm>> -> memref<44129280xf32, #tpu.memory_space<hbm>>
    tpu.enqueue_indirect_dma source(%dma_start3A_876 : memref<44129280xf32, #tpu.memory_space<hbm>>) target(%dma_start3A_871 : memref<128xf32, #tpu.memory_space<vmem>>) offsets(%dma_start3A_874 : memref<128xi32, #tpu.memory_space<vmem>>) semaphore(%arg11 : memref<!tpu.dma_semaphore, #tpu.memory_space<semaphore_mem>>)
    %dma_start3A_877 = arith.constant 5 : i32
    %dma_start3A_878 = arith.constant 5 : i32
    %dma_start3A_879 = arith.constant 0 : i32
    %dma_start3A_880 = tpu.memref_slice %arg7[%dma_start3A_878, %dma_start3A_879] : memref<11x128xf32, #tpu.memory_space<vmem>> -> memref<1x128xf32, #tpu.memory_space<vmem>>
    %dma_start3A_881 = tpu.memref_squeeze %dma_start3A_880 : memref<1x128xf32, #tpu.memory_space<vmem>> -> memref<128xf32, #tpu.memory_space<vmem>>
    %dma_start3A_882 = arith.constant 0 : i32
    %dma_start3A_883 = tpu.memref_slice %arg6[%dma_start3A_877, %dma_start3A_882] : memref<11x128xi32, #tpu.memory_space<vmem>> -> memref<1x128xi32, #tpu.memory_space<vmem>>
    %dma_start3A_884 = tpu.memref_squeeze %dma_start3A_883 : memref<1x128xi32, #tpu.memory_space<vmem>> -> memref<128xi32, #tpu.memory_space<vmem>>
    %dma_start3A_885 = arith.constant 0 : i32
    %dma_start3A_886 = tpu.memref_slice %arg2[%dma_start3A_885] : memref<44129280xf32, #tpu.memory_space<hbm>> -> memref<44129280xf32, #tpu.memory_space<hbm>>
    tpu.enqueue_indirect_dma source(%dma_start3A_886 : memref<44129280xf32, #tpu.memory_space<hbm>>) target(%dma_start3A_881 : memref<128xf32, #tpu.memory_space<vmem>>) offsets(%dma_start3A_884 : memref<128xi32, #tpu.memory_space<vmem>>) semaphore(%arg11 : memref<!tpu.dma_semaphore, #tpu.memory_space<semaphore_mem>>)
    %dma_start3A_887 = arith.constant 6 : i32
    %dma_start3A_888 = arith.constant 6 : i32
    %dma_start3A_889 = arith.constant 0 : i32
    %dma_start3A_890 = tpu.memref_slice %arg7[%dma_start3A_888, %dma_start3A_889] : memref<11x128xf32, #tpu.memory_space<vmem>> -> memref<1x128xf32, #tpu.memory_space<vmem>>
    %dma_start3A_891 = tpu.memref_squeeze %dma_start3A_890 : memref<1x128xf32, #tpu.memory_space<vmem>> -> memref<128xf32, #tpu.memory_space<vmem>>
    %dma_start3A_892 = arith.constant 0 : i32
    %dma_start3A_893 = tpu.memref_slice %arg6[%dma_start3A_887, %dma_start3A_892] : memref<11x128xi32, #tpu.memory_space<vmem>> -> memref<1x128xi32, #tpu.memory_space<vmem>>
    %dma_start3A_894 = tpu.memref_squeeze %dma_start3A_893 : memref<1x128xi32, #tpu.memory_space<vmem>> -> memref<128xi32, #tpu.memory_space<vmem>>
    %dma_start3A_895 = arith.constant 0 : i32
    %dma_start3A_896 = tpu.memref_slice %arg2[%dma_start3A_895] : memref<44129280xf32, #tpu.memory_space<hbm>> -> memref<44129280xf32, #tpu.memory_space<hbm>>
    tpu.enqueue_indirect_dma source(%dma_start3A_896 : memref<44129280xf32, #tpu.memory_space<hbm>>) target(%dma_start3A_891 : memref<128xf32, #tpu.memory_space<vmem>>) offsets(%dma_start3A_894 : memref<128xi32, #tpu.memory_space<vmem>>) semaphore(%arg11 : memref<!tpu.dma_semaphore, #tpu.memory_space<semaphore_mem>>)
    %dma_start3A_897 = arith.constant 7 : i32
    %dma_start3A_898 = arith.constant 7 : i32
    %dma_start3A_899 = arith.constant 0 : i32
    %dma_start3A_900 = tpu.memref_slice %arg7[%dma_start3A_898, %dma_start3A_899] : memref<11x128xf32, #tpu.memory_space<vmem>> -> memref<1x128xf32, #tpu.memory_space<vmem>>
    %dma_start3A_901 = tpu.memref_squeeze %dma_start3A_900 : memref<1x128xf32, #tpu.memory_space<vmem>> -> memref<128xf32, #tpu.memory_space<vmem>>
    %dma_start3A_902 = arith.constant 0 : i32
    %dma_start3A_903 = tpu.memref_slice %arg6[%dma_start3A_897, %dma_start3A_902] : memref<11x128xi32, #tpu.memory_space<vmem>> -> memref<1x128xi32, #tpu.memory_space<vmem>>
    %dma_start3A_904 = tpu.memref_squeeze %dma_start3A_903 : memref<1x128xi32, #tpu.memory_space<vmem>> -> memref<128xi32, #tpu.memory_space<vmem>>
    %dma_start3A_905 = arith.constant 0 : i32
    %dma_start3A_906 = tpu.memref_slice %arg2[%dma_start3A_905] : memref<44129280xf32, #tpu.memory_space<hbm>> -> memref<44129280xf32, #tpu.memory_space<hbm>>
    tpu.enqueue_indirect_dma source(%dma_start3A_906 : memref<44129280xf32, #tpu.memory_space<hbm>>) target(%dma_start3A_901 : memref<128xf32, #tpu.memory_space<vmem>>) offsets(%dma_start3A_904 : memref<128xi32, #tpu.memory_space<vmem>>) semaphore(%arg11 : memref<!tpu.dma_semaphore, #tpu.memory_space<semaphore_mem>>)
    %dma_start3A_907 = arith.constant 8 : i32
    %dma_start3A_908 = arith.constant 8 : i32
    %dma_start3A_909 = arith.constant 0 : i32
    %dma_start3A_910 = tpu.memref_slice %arg7[%dma_start3A_908, %dma_start3A_909] : memref<11x128xf32, #tpu.memory_space<vmem>> -> memref<1x128xf32, #tpu.memory_space<vmem>>
    %dma_start3A_911 = tpu.memref_squeeze %dma_start3A_910 : memref<1x128xf32, #tpu.memory_space<vmem>> -> memref<128xf32, #tpu.memory_space<vmem>>
    %dma_start3A_912 = arith.constant 0 : i32
    %dma_start3A_913 = tpu.memref_slice %arg6[%dma_start3A_907, %dma_start3A_912] : memref<11x128xi32, #tpu.memory_space<vmem>> -> memref<1x128xi32, #tpu.memory_space<vmem>>
    %dma_start3A_914 = tpu.memref_squeeze %dma_start3A_913 : memref<1x128xi32, #tpu.memory_space<vmem>> -> memref<128xi32, #tpu.memory_space<vmem>>
    %dma_start3A_915 = arith.constant 0 : i32
    %dma_start3A_916 = tpu.memref_slice %arg2[%dma_start3A_915] : memref<44129280xf32, #tpu.memory_space<hbm>> -> memref<44129280xf32, #tpu.memory_space<hbm>>
    tpu.enqueue_indirect_dma source(%dma_start3A_916 : memref<44129280xf32, #tpu.memory_space<hbm>>) target(%dma_start3A_911 : memref<128xf32, #tpu.memory_space<vmem>>) offsets(%dma_start3A_914 : memref<128xi32, #tpu.memory_space<vmem>>) semaphore(%arg11 : memref<!tpu.dma_semaphore, #tpu.memory_space<semaphore_mem>>)
    %dma_start3A_917 = arith.constant 9 : i32
    %dma_start3A_918 = arith.constant 9 : i32
    %dma_start3A_919 = arith.constant 0 : i32
    %dma_start3A_920 = tpu.memref_slice %arg7[%dma_start3A_918, %dma_start3A_919] : memref<11x128xf32, #tpu.memory_space<vmem>> -> memref<1x128xf32, #tpu.memory_space<vmem>>
    %dma_start3A_921 = tpu.memref_squeeze %dma_start3A_920 : memref<1x128xf32, #tpu.memory_space<vmem>> -> memref<128xf32, #tpu.memory_space<vmem>>
    %dma_start3A_922 = arith.constant 0 : i32
    %dma_start3A_923 = tpu.memref_slice %arg6[%dma_start3A_917, %dma_start3A_922] : memref<11x128xi32, #tpu.memory_space<vmem>> -> memref<1x128xi32, #tpu.memory_space<vmem>>
    %dma_start3A_924 = tpu.memref_squeeze %dma_start3A_923 : memref<1x128xi32, #tpu.memory_space<vmem>> -> memref<128xi32, #tpu.memory_space<vmem>>
    %dma_start3A_925 = arith.constant 0 : i32
    %dma_start3A_926 = tpu.memref_slice %arg2[%dma_start3A_925] : memref<44129280xf32, #tpu.memory_space<hbm>> -> memref<44129280xf32, #tpu.memory_space<hbm>>
    tpu.enqueue_indirect_dma source(%dma_start3A_926 : memref<44129280xf32, #tpu.memory_space<hbm>>) target(%dma_start3A_921 : memref<128xf32, #tpu.memory_space<vmem>>) offsets(%dma_start3A_924 : memref<128xi32, #tpu.memory_space<vmem>>) semaphore(%arg11 : memref<!tpu.dma_semaphore, #tpu.memory_space<semaphore_mem>>)
    %dma_start3A_927 = arith.constant 10 : i32
    %dma_start3A_928 = arith.constant 10 : i32
    %dma_start3A_929 = arith.constant 0 : i32
    %dma_start3A_930 = tpu.memref_slice %arg7[%dma_start3A_928, %dma_start3A_929] : memref<11x128xf32, #tpu.memory_space<vmem>> -> memref<1x128xf32, #tpu.memory_space<vmem>>
    %dma_start3A_931 = tpu.memref_squeeze %dma_start3A_930 : memref<1x128xf32, #tpu.memory_space<vmem>> -> memref<128xf32, #tpu.memory_space<vmem>>
    %dma_start3A_932 = arith.constant 0 : i32
    %dma_start3A_933 = tpu.memref_slice %arg6[%dma_start3A_927, %dma_start3A_932] : memref<11x128xi32, #tpu.memory_space<vmem>> -> memref<1x128xi32, #tpu.memory_space<vmem>>
    %dma_start3A_934 = tpu.memref_squeeze %dma_start3A_933 : memref<1x128xi32, #tpu.memory_space<vmem>> -> memref<128xi32, #tpu.memory_space<vmem>>
    %dma_start3A_935 = arith.constant 0 : i32
    %dma_start3A_936 = tpu.memref_slice %arg2[%dma_start3A_935] : memref<44129280xf32, #tpu.memory_space<hbm>> -> memref<44129280xf32, #tpu.memory_space<hbm>>
    tpu.enqueue_indirect_dma source(%dma_start3A_936 : memref<44129280xf32, #tpu.memory_space<hbm>>) target(%dma_start3A_931 : memref<128xf32, #tpu.memory_space<vmem>>) offsets(%dma_start3A_934 : memref<128xi32, #tpu.memory_space<vmem>>) semaphore(%arg11 : memref<!tpu.dma_semaphore, #tpu.memory_space<semaphore_mem>>)
    %dma_wait3A = arith.constant 0 : i32
    %dma_wait3A_937 = arith.constant 0 : i32
    %dma_wait3A_938 = arith.constant 0 : i32
    %dma_wait3A_939 = tpu.memref_slice %arg7[%dma_wait3A_937, %dma_wait3A_938] : memref<11x128xf32, #tpu.memory_space<vmem>> -> memref<1x128xf32, #tpu.memory_space<vmem>>
    %dma_wait3A_940 = tpu.memref_squeeze %dma_wait3A_939 : memref<1x128xf32, #tpu.memory_space<vmem>> -> memref<128xf32, #tpu.memory_space<vmem>>
    %dma_wait3A_941 = arith.constant 0 : i32
    %dma_wait3A_942 = tpu.memref_slice %arg6[%dma_wait3A, %dma_wait3A_941] : memref<11x128xi32, #tpu.memory_space<vmem>> -> memref<1x128xi32, #tpu.memory_space<vmem>>
    %dma_wait3A_943 = tpu.memref_squeeze %dma_wait3A_942 : memref<1x128xi32, #tpu.memory_space<vmem>> -> memref<128xi32, #tpu.memory_space<vmem>>
    %dma_wait3A_944 = arith.constant 0 : i32
    %dma_wait3A_945 = tpu.memref_slice %arg2[%dma_wait3A_944] : memref<44129280xf32, #tpu.memory_space<hbm>> -> memref<44129280xf32, #tpu.memory_space<hbm>>
    tpu.wait_indirect_dma semaphore(%arg11 : memref<!tpu.dma_semaphore, #tpu.memory_space<semaphore_mem>>) src(%dma_wait3A_945 : memref<44129280xf32, #tpu.memory_space<hbm>>) dst(%dma_wait3A_940 : memref<128xf32, #tpu.memory_space<vmem>>)
    %dma_wait3A_946 = arith.constant 1 : i32
    %dma_wait3A_947 = arith.constant 1 : i32
    %dma_wait3A_948 = arith.constant 0 : i32
    %dma_wait3A_949 = tpu.memref_slice %arg7[%dma_wait3A_947, %dma_wait3A_948] : memref<11x128xf32, #tpu.memory_space<vmem>> -> memref<1x128xf32, #tpu.memory_space<vmem>>
    %dma_wait3A_950 = tpu.memref_squeeze %dma_wait3A_949 : memref<1x128xf32, #tpu.memory_space<vmem>> -> memref<128xf32, #tpu.memory_space<vmem>>
    %dma_wait3A_951 = arith.constant 0 : i32
    %dma_wait3A_952 = tpu.memref_slice %arg6[%dma_wait3A_946, %dma_wait3A_951] : memref<11x128xi32, #tpu.memory_space<vmem>> -> memref<1x128xi32, #tpu.memory_space<vmem>>
    %dma_wait3A_953 = tpu.memref_squeeze %dma_wait3A_952 : memref<1x128xi32, #tpu.memory_space<vmem>> -> memref<128xi32, #tpu.memory_space<vmem>>
    %dma_wait3A_954 = arith.constant 0 : i32
    %dma_wait3A_955 = tpu.memref_slice %arg2[%dma_wait3A_954] : memref<44129280xf32, #tpu.memory_space<hbm>> -> memref<44129280xf32, #tpu.memory_space<hbm>>
    tpu.wait_indirect_dma semaphore(%arg11 : memref<!tpu.dma_semaphore, #tpu.memory_space<semaphore_mem>>) src(%dma_wait3A_955 : memref<44129280xf32, #tpu.memory_space<hbm>>) dst(%dma_wait3A_950 : memref<128xf32, #tpu.memory_space<vmem>>)
    %dma_wait3A_956 = arith.constant 2 : i32
    %dma_wait3A_957 = arith.constant 2 : i32
    %dma_wait3A_958 = arith.constant 0 : i32
    %dma_wait3A_959 = tpu.memref_slice %arg7[%dma_wait3A_957, %dma_wait3A_958] : memref<11x128xf32, #tpu.memory_space<vmem>> -> memref<1x128xf32, #tpu.memory_space<vmem>>
    %dma_wait3A_960 = tpu.memref_squeeze %dma_wait3A_959 : memref<1x128xf32, #tpu.memory_space<vmem>> -> memref<128xf32, #tpu.memory_space<vmem>>
    %dma_wait3A_961 = arith.constant 0 : i32
    %dma_wait3A_962 = tpu.memref_slice %arg6[%dma_wait3A_956, %dma_wait3A_961] : memref<11x128xi32, #tpu.memory_space<vmem>> -> memref<1x128xi32, #tpu.memory_space<vmem>>
    %dma_wait3A_963 = tpu.memref_squeeze %dma_wait3A_962 : memref<1x128xi32, #tpu.memory_space<vmem>> -> memref<128xi32, #tpu.memory_space<vmem>>
    %dma_wait3A_964 = arith.constant 0 : i32
    %dma_wait3A_965 = tpu.memref_slice %arg2[%dma_wait3A_964] : memref<44129280xf32, #tpu.memory_space<hbm>> -> memref<44129280xf32, #tpu.memory_space<hbm>>
    tpu.wait_indirect_dma semaphore(%arg11 : memref<!tpu.dma_semaphore, #tpu.memory_space<semaphore_mem>>) src(%dma_wait3A_965 : memref<44129280xf32, #tpu.memory_space<hbm>>) dst(%dma_wait3A_960 : memref<128xf32, #tpu.memory_space<vmem>>)
    %dma_wait3A_966 = arith.constant 3 : i32
    %dma_wait3A_967 = arith.constant 3 : i32
    %dma_wait3A_968 = arith.constant 0 : i32
    %dma_wait3A_969 = tpu.memref_slice %arg7[%dma_wait3A_967, %dma_wait3A_968] : memref<11x128xf32, #tpu.memory_space<vmem>> -> memref<1x128xf32, #tpu.memory_space<vmem>>
    %dma_wait3A_970 = tpu.memref_squeeze %dma_wait3A_969 : memref<1x128xf32, #tpu.memory_space<vmem>> -> memref<128xf32, #tpu.memory_space<vmem>>
    %dma_wait3A_971 = arith.constant 0 : i32
    %dma_wait3A_972 = tpu.memref_slice %arg6[%dma_wait3A_966, %dma_wait3A_971] : memref<11x128xi32, #tpu.memory_space<vmem>> -> memref<1x128xi32, #tpu.memory_space<vmem>>
    %dma_wait3A_973 = tpu.memref_squeeze %dma_wait3A_972 : memref<1x128xi32, #tpu.memory_space<vmem>> -> memref<128xi32, #tpu.memory_space<vmem>>
    %dma_wait3A_974 = arith.constant 0 : i32
    %dma_wait3A_975 = tpu.memref_slice %arg2[%dma_wait3A_974] : memref<44129280xf32, #tpu.memory_space<hbm>> -> memref<44129280xf32, #tpu.memory_space<hbm>>
    tpu.wait_indirect_dma semaphore(%arg11 : memref<!tpu.dma_semaphore, #tpu.memory_space<semaphore_mem>>) src(%dma_wait3A_975 : memref<44129280xf32, #tpu.memory_space<hbm>>) dst(%dma_wait3A_970 : memref<128xf32, #tpu.memory_space<vmem>>)
    %dma_wait3A_976 = arith.constant 4 : i32
    %dma_wait3A_977 = arith.constant 4 : i32
    %dma_wait3A_978 = arith.constant 0 : i32
    %dma_wait3A_979 = tpu.memref_slice %arg7[%dma_wait3A_977, %dma_wait3A_978] : memref<11x128xf32, #tpu.memory_space<vmem>> -> memref<1x128xf32, #tpu.memory_space<vmem>>
    %dma_wait3A_980 = tpu.memref_squeeze %dma_wait3A_979 : memref<1x128xf32, #tpu.memory_space<vmem>> -> memref<128xf32, #tpu.memory_space<vmem>>
    %dma_wait3A_981 = arith.constant 0 : i32
    %dma_wait3A_982 = tpu.memref_slice %arg6[%dma_wait3A_976, %dma_wait3A_981] : memref<11x128xi32, #tpu.memory_space<vmem>> -> memref<1x128xi32, #tpu.memory_space<vmem>>
    %dma_wait3A_983 = tpu.memref_squeeze %dma_wait3A_982 : memref<1x128xi32, #tpu.memory_space<vmem>> -> memref<128xi32, #tpu.memory_space<vmem>>
    %dma_wait3A_984 = arith.constant 0 : i32
    %dma_wait3A_985 = tpu.memref_slice %arg2[%dma_wait3A_984] : memref<44129280xf32, #tpu.memory_space<hbm>> -> memref<44129280xf32, #tpu.memory_space<hbm>>
    tpu.wait_indirect_dma semaphore(%arg11 : memref<!tpu.dma_semaphore, #tpu.memory_space<semaphore_mem>>) src(%dma_wait3A_985 : memref<44129280xf32, #tpu.memory_space<hbm>>) dst(%dma_wait3A_980 : memref<128xf32, #tpu.memory_space<vmem>>)
    %dma_wait3A_986 = arith.constant 5 : i32
    %dma_wait3A_987 = arith.constant 5 : i32
    %dma_wait3A_988 = arith.constant 0 : i32
    %dma_wait3A_989 = tpu.memref_slice %arg7[%dma_wait3A_987, %dma_wait3A_988] : memref<11x128xf32, #tpu.memory_space<vmem>> -> memref<1x128xf32, #tpu.memory_space<vmem>>
    %dma_wait3A_990 = tpu.memref_squeeze %dma_wait3A_989 : memref<1x128xf32, #tpu.memory_space<vmem>> -> memref<128xf32, #tpu.memory_space<vmem>>
    %dma_wait3A_991 = arith.constant 0 : i32
    %dma_wait3A_992 = tpu.memref_slice %arg6[%dma_wait3A_986, %dma_wait3A_991] : memref<11x128xi32, #tpu.memory_space<vmem>> -> memref<1x128xi32, #tpu.memory_space<vmem>>
    %dma_wait3A_993 = tpu.memref_squeeze %dma_wait3A_992 : memref<1x128xi32, #tpu.memory_space<vmem>> -> memref<128xi32, #tpu.memory_space<vmem>>
    %dma_wait3A_994 = arith.constant 0 : i32
    %dma_wait3A_995 = tpu.memref_slice %arg2[%dma_wait3A_994] : memref<44129280xf32, #tpu.memory_space<hbm>> -> memref<44129280xf32, #tpu.memory_space<hbm>>
    tpu.wait_indirect_dma semaphore(%arg11 : memref<!tpu.dma_semaphore, #tpu.memory_space<semaphore_mem>>) src(%dma_wait3A_995 : memref<44129280xf32, #tpu.memory_space<hbm>>) dst(%dma_wait3A_990 : memref<128xf32, #tpu.memory_space<vmem>>)
    %dma_wait3A_996 = arith.constant 6 : i32
    %dma_wait3A_997 = arith.constant 6 : i32
    %dma_wait3A_998 = arith.constant 0 : i32
    %dma_wait3A_999 = tpu.memref_slice %arg7[%dma_wait3A_997, %dma_wait3A_998] : memref<11x128xf32, #tpu.memory_space<vmem>> -> memref<1x128xf32, #tpu.memory_space<vmem>>
    %dma_wait3A_1000 = tpu.memref_squeeze %dma_wait3A_999 : memref<1x128xf32, #tpu.memory_space<vmem>> -> memref<128xf32, #tpu.memory_space<vmem>>
    %dma_wait3A_1001 = arith.constant 0 : i32
    %dma_wait3A_1002 = tpu.memref_slice %arg6[%dma_wait3A_996, %dma_wait3A_1001] : memref<11x128xi32, #tpu.memory_space<vmem>> -> memref<1x128xi32, #tpu.memory_space<vmem>>
    %dma_wait3A_1003 = tpu.memref_squeeze %dma_wait3A_1002 : memref<1x128xi32, #tpu.memory_space<vmem>> -> memref<128xi32, #tpu.memory_space<vmem>>
    %dma_wait3A_1004 = arith.constant 0 : i32
    %dma_wait3A_1005 = tpu.memref_slice %arg2[%dma_wait3A_1004] : memref<44129280xf32, #tpu.memory_space<hbm>> -> memref<44129280xf32, #tpu.memory_space<hbm>>
    tpu.wait_indirect_dma semaphore(%arg11 : memref<!tpu.dma_semaphore, #tpu.memory_space<semaphore_mem>>) src(%dma_wait3A_1005 : memref<44129280xf32, #tpu.memory_space<hbm>>) dst(%dma_wait3A_1000 : memref<128xf32, #tpu.memory_space<vmem>>)
    %dma_wait3A_1006 = arith.constant 7 : i32
    %dma_wait3A_1007 = arith.constant 7 : i32
    %dma_wait3A_1008 = arith.constant 0 : i32
    %dma_wait3A_1009 = tpu.memref_slice %arg7[%dma_wait3A_1007, %dma_wait3A_1008] : memref<11x128xf32, #tpu.memory_space<vmem>> -> memref<1x128xf32, #tpu.memory_space<vmem>>
    %dma_wait3A_1010 = tpu.memref_squeeze %dma_wait3A_1009 : memref<1x128xf32, #tpu.memory_space<vmem>> -> memref<128xf32, #tpu.memory_space<vmem>>
    %dma_wait3A_1011 = arith.constant 0 : i32
    %dma_wait3A_1012 = tpu.memref_slice %arg6[%dma_wait3A_1006, %dma_wait3A_1011] : memref<11x128xi32, #tpu.memory_space<vmem>> -> memref<1x128xi32, #tpu.memory_space<vmem>>
    %dma_wait3A_1013 = tpu.memref_squeeze %dma_wait3A_1012 : memref<1x128xi32, #tpu.memory_space<vmem>> -> memref<128xi32, #tpu.memory_space<vmem>>
    %dma_wait3A_1014 = arith.constant 0 : i32
    %dma_wait3A_1015 = tpu.memref_slice %arg2[%dma_wait3A_1014] : memref<44129280xf32, #tpu.memory_space<hbm>> -> memref<44129280xf32, #tpu.memory_space<hbm>>
    tpu.wait_indirect_dma semaphore(%arg11 : memref<!tpu.dma_semaphore, #tpu.memory_space<semaphore_mem>>) src(%dma_wait3A_1015 : memref<44129280xf32, #tpu.memory_space<hbm>>) dst(%dma_wait3A_1010 : memref<128xf32, #tpu.memory_space<vmem>>)
    %dma_wait3A_1016 = arith.constant 8 : i32
    %dma_wait3A_1017 = arith.constant 8 : i32
    %dma_wait3A_1018 = arith.constant 0 : i32
    %dma_wait3A_1019 = tpu.memref_slice %arg7[%dma_wait3A_1017, %dma_wait3A_1018] : memref<11x128xf32, #tpu.memory_space<vmem>> -> memref<1x128xf32, #tpu.memory_space<vmem>>
    %dma_wait3A_1020 = tpu.memref_squeeze %dma_wait3A_1019 : memref<1x128xf32, #tpu.memory_space<vmem>> -> memref<128xf32, #tpu.memory_space<vmem>>
    %dma_wait3A_1021 = arith.constant 0 : i32
    %dma_wait3A_1022 = tpu.memref_slice %arg6[%dma_wait3A_1016, %dma_wait3A_1021] : memref<11x128xi32, #tpu.memory_space<vmem>> -> memref<1x128xi32, #tpu.memory_space<vmem>>
    %dma_wait3A_1023 = tpu.memref_squeeze %dma_wait3A_1022 : memref<1x128xi32, #tpu.memory_space<vmem>> -> memref<128xi32, #tpu.memory_space<vmem>>
    %dma_wait3A_1024 = arith.constant 0 : i32
    %dma_wait3A_1025 = tpu.memref_slice %arg2[%dma_wait3A_1024] : memref<44129280xf32, #tpu.memory_space<hbm>> -> memref<44129280xf32, #tpu.memory_space<hbm>>
    tpu.wait_indirect_dma semaphore(%arg11 : memref<!tpu.dma_semaphore, #tpu.memory_space<semaphore_mem>>) src(%dma_wait3A_1025 : memref<44129280xf32, #tpu.memory_space<hbm>>) dst(%dma_wait3A_1020 : memref<128xf32, #tpu.memory_space<vmem>>)
    %dma_wait3A_1026 = arith.constant 9 : i32
    %dma_wait3A_1027 = arith.constant 9 : i32
    %dma_wait3A_1028 = arith.constant 0 : i32
    %dma_wait3A_1029 = tpu.memref_slice %arg7[%dma_wait3A_1027, %dma_wait3A_1028] : memref<11x128xf32, #tpu.memory_space<vmem>> -> memref<1x128xf32, #tpu.memory_space<vmem>>
    %dma_wait3A_1030 = tpu.memref_squeeze %dma_wait3A_1029 : memref<1x128xf32, #tpu.memory_space<vmem>> -> memref<128xf32, #tpu.memory_space<vmem>>
    %dma_wait3A_1031 = arith.constant 0 : i32
    %dma_wait3A_1032 = tpu.memref_slice %arg6[%dma_wait3A_1026, %dma_wait3A_1031] : memref<11x128xi32, #tpu.memory_space<vmem>> -> memref<1x128xi32, #tpu.memory_space<vmem>>
    %dma_wait3A_1033 = tpu.memref_squeeze %dma_wait3A_1032 : memref<1x128xi32, #tpu.memory_space<vmem>> -> memref<128xi32, #tpu.memory_space<vmem>>
    %dma_wait3A_1034 = arith.constant 0 : i32
    %dma_wait3A_1035 = tpu.memref_slice %arg2[%dma_wait3A_1034] : memref<44129280xf32, #tpu.memory_space<hbm>> -> memref<44129280xf32, #tpu.memory_space<hbm>>
    tpu.wait_indirect_dma semaphore(%arg11 : memref<!tpu.dma_semaphore, #tpu.memory_space<semaphore_mem>>) src(%dma_wait3A_1035 : memref<44129280xf32, #tpu.memory_space<hbm>>) dst(%dma_wait3A_1030 : memref<128xf32, #tpu.memory_space<vmem>>)
    %dma_wait3A_1036 = arith.constant 10 : i32
    %dma_wait3A_1037 = arith.constant 10 : i32
    %dma_wait3A_1038 = arith.constant 0 : i32
    %dma_wait3A_1039 = tpu.memref_slice %arg7[%dma_wait3A_1037, %dma_wait3A_1038] : memref<11x128xf32, #tpu.memory_space<vmem>> -> memref<1x128xf32, #tpu.memory_space<vmem>>
    %dma_wait3A_1040 = tpu.memref_squeeze %dma_wait3A_1039 : memref<1x128xf32, #tpu.memory_space<vmem>> -> memref<128xf32, #tpu.memory_space<vmem>>
    %dma_wait3A_1041 = arith.constant 0 : i32
    %dma_wait3A_1042 = tpu.memref_slice %arg6[%dma_wait3A_1036, %dma_wait3A_1041] : memref<11x128xi32, #tpu.memory_space<vmem>> -> memref<1x128xi32, #tpu.memory_space<vmem>>
    %dma_wait3A_1043 = tpu.memref_squeeze %dma_wait3A_1042 : memref<1x128xi32, #tpu.memory_space<vmem>> -> memref<128xi32, #tpu.memory_space<vmem>>
    %dma_wait3A_1044 = arith.constant 0 : i32
    %dma_wait3A_1045 = tpu.memref_slice %arg2[%dma_wait3A_1044] : memref<44129280xf32, #tpu.memory_space<hbm>> -> memref<44129280xf32, #tpu.memory_space<hbm>>
    tpu.wait_indirect_dma semaphore(%arg11 : memref<!tpu.dma_semaphore, #tpu.memory_space<semaphore_mem>>) src(%dma_wait3A_1045 : memref<44129280xf32, #tpu.memory_space<hbm>>) dst(%dma_wait3A_1040 : memref<128xf32, #tpu.memory_space<vmem>>)
    %get3A_1046 = arith.constant 0 : index
    %get3A_1047 = tpu.vector_load %arg9[%get3A_1046] {strides = array<i32>} : memref<64xf32, #tpu.memory_space<vmem>>, vector<16xf32>,
    %get3A_1048 = vector.shape_cast %get3A_1047 : vector<16xf32> to vector<16xf32>
    %get3A_1049 = arith.constant 16 : index
    %get3A_1050 = tpu.vector_load %arg9[%get3A_1049] {strides = array<i32>} : memref<64xf32, #tpu.memory_space<vmem>>, vector<16xf32>,
    %get3A_1051 = vector.shape_cast %get3A_1050 : vector<16xf32> to vector<16xf32>
    %get3A_1052 = arith.constant 32 : index
    %get3A_1053 = tpu.vector_load %arg9[%get3A_1052] {strides = array<i32>} : memref<64xf32, #tpu.memory_space<vmem>>, vector<16xf32>,
    %get3A_1054 = vector.shape_cast %get3A_1053 : vector<16xf32> to vector<16xf32>
    %get3A_1055 = arith.constant 48 : index
    %get3A_1056 = tpu.vector_load %arg9[%get3A_1055] {strides = array<i32>} : memref<64xf32, #tpu.memory_space<vmem>>, vector<16xf32>,
    %get3A_1057 = vector.shape_cast %get3A_1056 : vector<16xf32> to vector<16xf32>
    %get3A_1058 = arith.constant 0 : i32
    %get3A_1059 = arith.index_cast %get3A_1058 : i32 to index
    %get3A_1060 = arith.constant 0 : index
    %get3A_1061 = tpu.vector_load %arg7[%get3A_1059, %get3A_1060] {strides = array<i32>} : memref<11x128xf32, #tpu.memory_space<vmem>>, vector<1x16xf32>,
    %get3A_1062 = vector.shape_cast %get3A_1061 : vector<1x16xf32> to vector<16xf32>
    %neg3A = arith.constant 0.000000e+00 : f32
    %neg3A_1063 = vector.broadcast %neg3A : f32 to vector<16xf32>
    %neg3A_1064 = arith.subf %neg3A_1063, %get3A_1062 : vector<16xf32>
    %exp3A = math.exp %neg3A_1064 : vector<16xf32>
    %add3A_1065 = arith.constant 1.000000e+00 : f32
    %add3A_1066 = vector.broadcast %add3A_1065 : f32 to vector<16xf32>
    %add3A_1067 = arith.addf %add3A_1066, %exp3A : vector<16xf32>
    %div3A = arith.constant 1.000000e+00 : f32
    %div3A_1068 = vector.broadcast %div3A : f32 to vector<16xf32>
    %div3A_1069 = arith.divf %div3A_1068, %add3A_1067 : vector<16xf32>
    %get3A_1070 = arith.constant 0 : i32
    %get3A_1071 = arith.index_cast %get3A_1070 : i32 to index
    %get3A_1072 = arith.constant 16 : index
    %get3A_1073 = tpu.vector_load %arg7[%get3A_1071, %get3A_1072] {strides = array<i32>} : memref<11x128xf32, #tpu.memory_space<vmem>>, vector<1x16xf32>,
    %get3A_1074 = vector.shape_cast %get3A_1073 : vector<1x16xf32> to vector<16xf32>
    %neg3A_1075 = arith.constant 0.000000e+00 : f32
    %neg3A_1076 = vector.broadcast %neg3A_1075 : f32 to vector<16xf32>
    %neg3A_1077 = arith.subf %neg3A_1076, %get3A_1074 : vector<16xf32>
    %exp3A_1078 = math.exp %neg3A_1077 : vector<16xf32>
    %add3A_1079 = arith.constant 1.000000e+00 : f32
    %add3A_1080 = vector.broadcast %add3A_1079 : f32 to vector<16xf32>
    %add3A_1081 = arith.addf %add3A_1080, %exp3A_1078 : vector<16xf32>
    %div3A_1082 = arith.constant 1.000000e+00 : f32
    %div3A_1083 = vector.broadcast %div3A_1082 : f32 to vector<16xf32>
    %div3A_1084 = arith.divf %div3A_1083, %add3A_1081 : vector<16xf32>
    %get3A_1085 = arith.constant 0 : i32
    %get3A_1086 = arith.index_cast %get3A_1085 : i32 to index
    %get3A_1087 = arith.constant 32 : index
    %get3A_1088 = tpu.vector_load %arg7[%get3A_1086, %get3A_1087] {strides = array<i32>} : memref<11x128xf32, #tpu.memory_space<vmem>>, vector<1x16xf32>,
    %get3A_1089 = vector.shape_cast %get3A_1088 : vector<1x16xf32> to vector<16xf32>
    %get3A_1090 = arith.constant 0 : i32
    %get3A_1091 = arith.index_cast %get3A_1090 : i32 to index
    %get3A_1092 = arith.constant 48 : index
    %get3A_1093 = tpu.vector_load %arg7[%get3A_1091, %get3A_1092] {strides = array<i32>} : memref<11x128xf32, #tpu.memory_space<vmem>>, vector<1x16xf32>,
    %get3A_1094 = vector.shape_cast %get3A_1093 : vector<1x16xf32> to vector<16xf32>
    %get3A_1095 = arith.constant 0 : i32
    %get3A_1096 = arith.index_cast %get3A_1095 : i32 to index
    %get3A_1097 = arith.constant 64 : index
    %get3A_1098 = tpu.vector_load %arg7[%get3A_1096, %get3A_1097] {strides = array<i32>} : memref<11x128xf32, #tpu.memory_space<vmem>>, vector<1x16xf32>,
    %get3A_1099 = vector.shape_cast %get3A_1098 : vector<1x16xf32> to vector<16xf32>
    %neg3A_1100 = arith.constant 0.000000e+00 : f32
    %neg3A_1101 = vector.broadcast %neg3A_1100 : f32 to vector<16xf32>
    %neg3A_1102 = arith.subf %neg3A_1101, %get3A_1099 : vector<16xf32>
    %exp3A_1103 = math.exp %neg3A_1102 : vector<16xf32>
    %add3A_1104 = arith.constant 1.000000e+00 : f32
    %add3A_1105 = vector.broadcast %add3A_1104 : f32 to vector<16xf32>
    %add3A_1106 = arith.addf %add3A_1105, %exp3A_1103 : vector<16xf32>
    %div3A_1107 = arith.constant 1.000000e+00 : f32
    %div3A_1108 = vector.broadcast %div3A_1107 : f32 to vector<16xf32>
    %div3A_1109 = arith.divf %div3A_1108, %add3A_1106 : vector<16xf32>
    %sub3A = arith.subf %div3A_1069, %get3A_1048 : vector<16xf32>
    %mul3A_1110 = arith.mulf %select_n3A, %sub3A : vector<16xf32>
    %sub3A_1111 = arith.subf %div3A_1069, %get3A_1048 : vector<16xf32>
    %mul3A_1112 = arith.mulf %mul3A_1110, %sub3A_1111 : vector<16xf32>
    %swap3A_1113 = arith.constant 0 : index
    %swap3A_1114 = tpu.vector_load %arg10[%swap3A_1113] {strides = array<i32>} : memref<96xf32, #tpu.memory_space<vmem>>, vector<16xf32>,
    %swap3A_1115 = vector.shape_cast %swap3A_1114 : vector<16xf32> to vector<16xf32>
    %swap3A_1116 = vector.shape_cast %mul3A_1112 : vector<16xf32> to vector<16xf32>
    tpu.vector_store %arg10[%swap3A_1113], %swap3A_1116 {strides = array<i32>} : memref<96xf32, #tpu.memory_space<vmem>>, vector<16xf32>,
    %sub3A_1117 = arith.subf %div3A_1084, %get3A_1051 : vector<16xf32>
    %mul3A_1118 = arith.mulf %select_n3A, %sub3A_1117 : vector<16xf32>
    %sub3A_1119 = arith.subf %div3A_1084, %get3A_1051 : vector<16xf32>
    %mul3A_1120 = arith.mulf %mul3A_1118, %sub3A_1119 : vector<16xf32>
    %swap3A_1121 = arith.constant 16 : index
    %swap3A_1122 = tpu.vector_load %arg10[%swap3A_1121] {strides = array<i32>} : memref<96xf32, #tpu.memory_space<vmem>>, vector<16xf32>,
    %swap3A_1123 = vector.shape_cast %swap3A_1122 : vector<16xf32> to vector<16xf32>
    %swap3A_1124 = vector.shape_cast %mul3A_1120 : vector<16xf32> to vector<16xf32>
    tpu.vector_store %arg10[%swap3A_1121], %swap3A_1124 {strides = array<i32>} : memref<96xf32, #tpu.memory_space<vmem>>, vector<16xf32>,
    %sub3A_1125 = arith.subf %get3A_1089, %get3A_1054 : vector<16xf32>
    %mul3A_1126 = arith.mulf %select_n3A, %sub3A_1125 : vector<16xf32>
    %sub3A_1127 = arith.subf %get3A_1089, %get3A_1054 : vector<16xf32>
    %mul3A_1128 = arith.mulf %mul3A_1126, %sub3A_1127 : vector<16xf32>
    %swap3A_1129 = arith.constant 32 : index
    %swap3A_1130 = tpu.vector_load %arg10[%swap3A_1129] {strides = array<i32>} : memref<96xf32, #tpu.memory_space<vmem>>, vector<16xf32>,
    %swap3A_1131 = vector.shape_cast %swap3A_1130 : vector<16xf32> to vector<16xf32>
    %swap3A_1132 = vector.shape_cast %mul3A_1128 : vector<16xf32> to vector<16xf32>
    tpu.vector_store %arg10[%swap3A_1129], %swap3A_1132 {strides = array<i32>} : memref<96xf32, #tpu.memory_space<vmem>>, vector<16xf32>,
    %sub3A_1133 = arith.subf %get3A_1094, %get3A_1057 : vector<16xf32>
    %mul3A_1134 = arith.mulf %select_n3A, %sub3A_1133 : vector<16xf32>
    %sub3A_1135 = arith.subf %get3A_1094, %get3A_1057 : vector<16xf32>
    %mul3A_1136 = arith.mulf %mul3A_1134, %sub3A_1135 : vector<16xf32>
    %swap3A_1137 = arith.constant 48 : index
    %swap3A_1138 = tpu.vector_load %arg10[%swap3A_1137] {strides = array<i32>} : memref<96xf32, #tpu.memory_space<vmem>>, vector<16xf32>,
    %swap3A_1139 = vector.shape_cast %swap3A_1138 : vector<16xf32> to vector<16xf32>
    %swap3A_1140 = vector.shape_cast %mul3A_1136 : vector<16xf32> to vector<16xf32>
    tpu.vector_store %arg10[%swap3A_1137], %swap3A_1140 {strides = array<i32>} : memref<96xf32, #tpu.memory_space<vmem>>, vector<16xf32>,
    %sub3A_1141 = arith.constant 1.000000e+00 : f32
    %sub3A_1142 = vector.broadcast %sub3A_1141 : f32 to vector<16xf32>
    %sub3A_1143 = arith.subf %div3A_1109, %sub3A_1142 : vector<16xf32>
    %sub3A_1144 = arith.constant 1.000000e+00 : f32
    %sub3A_1145 = vector.broadcast %sub3A_1144 : f32 to vector<16xf32>
    %sub3A_1146 = arith.subf %div3A_1109, %sub3A_1145 : vector<16xf32>
    %mul3A_1147 = arith.mulf %sub3A_1143, %sub3A_1146 : vector<16xf32>
    %mul3A_1148 = arith.constant 5.000000e-01 : f32
    %mul3A_1149 = vector.broadcast %mul3A_1148 : f32 to vector<16xf32>
    %mul3A_1150 = arith.mulf %mul3A_1149, %div3A_1109 : vector<16xf32>
    %mul3A_1151 = arith.mulf %mul3A_1150, %div3A_1109 : vector<16xf32>
    %sub3A_1152 = arith.subf %mul3A_1147, %mul3A_1151 : vector<16xf32>
    %mul3A_1153 = arith.mulf %select_n3A, %sub3A_1152 : vector<16xf32>
    %swap3A_1154 = arith.constant 64 : index
    %swap3A_1155 = tpu.vector_load %arg10[%swap3A_1154] {strides = array<i32>} : memref<96xf32, #tpu.memory_space<vmem>>, vector<16xf32>,
    %swap3A_1156 = vector.shape_cast %swap3A_1155 : vector<16xf32> to vector<16xf32>
    %swap3A_1157 = vector.shape_cast %mul3A_1153 : vector<16xf32> to vector<16xf32>
    tpu.vector_store %arg10[%swap3A_1154], %swap3A_1157 {strides = array<i32>} : memref<96xf32, #tpu.memory_space<vmem>>, vector<16xf32>,
    %broadcast_in_dim3A_1158 = arith.constant 0.000000e+00 : f32
    %broadcast_in_dim3A_1159 = vector.broadcast %broadcast_in_dim3A_1158 : f32 to vector<16xf32>
    %get3A_1160 = arith.constant 0 : i32
    %get3A_1161 = arith.index_cast %get3A_1160 : i32 to index
    %get3A_1162 = arith.constant 80 : index
    %get3A_1163 = tpu.vector_load %arg7[%get3A_1161, %get3A_1162] {strides = array<i32>} : memref<11x128xf32, #tpu.memory_space<vmem>>, vector<1x16xf32>,
    %get3A_1164 = vector.shape_cast %get3A_1163 : vector<1x16xf32> to vector<16xf32>
    %neg3A_1165 = arith.constant 0.000000e+00 : f32
    %neg3A_1166 = vector.broadcast %neg3A_1165 : f32 to vector<16xf32>
    %neg3A_1167 = arith.subf %neg3A_1166, %get3A_1164 : vector<16xf32>
    %exp3A_1168 = math.exp %neg3A_1167 : vector<16xf32>
    %add3A_1169 = arith.constant 1.000000e+00 : f32
    %add3A_1170 = vector.broadcast %add3A_1169 : f32 to vector<16xf32>
    %add3A_1171 = arith.addf %add3A_1170, %exp3A_1168 : vector<16xf32>
    %div3A_1172 = arith.constant 1.000000e+00 : f32
    %div3A_1173 = vector.broadcast %div3A_1172 : f32 to vector<16xf32>
    %div3A_1174 = arith.divf %div3A_1173, %add3A_1171 : vector<16xf32>
    %mul3A_1175 = arith.mulf %select_n3A, %div3A_1174 : vector<16xf32>
    %mul3A_1176 = arith.mulf %mul3A_1175, %div3A_1174 : vector<16xf32>
    %add3A_1177 = arith.addf %broadcast_in_dim3A_1159, %mul3A_1176 : vector<16xf32>
    %eq3A = arith.constant 0 : i32
    %eq3A_1178 = vector.broadcast %eq3A : i32 to vector<16xi32>
    %eq3A_1179 = arith.cmpi eq, %get3A_23, %eq3A_1178 : vector<16xi32>
    %and3A = arith.andi %gt3A_34, %eq3A_1179 : vector<16xi1>
    %mul3A_1180 = arith.constant 2.000000e+00 : f32
    %mul3A_1181 = vector.broadcast %mul3A_1180 : f32 to vector<16xf32>
    %mul3A_1182 = arith.mulf %mul3A_1181, %div3A_1174 : vector<16xf32>
    %sub3A_1183 = arith.constant 1.000000e+00 : f32
    %sub3A_1184 = vector.broadcast %sub3A_1183 : f32 to vector<16xf32>
    %sub3A_1185 = arith.subf %sub3A_1184, %mul3A_1182 : vector<16xf32>
    %select_n3A_1186 = arith.select %and3A, %sub3A_1185, %broadcast_in_dim3A_1159 : vector<16xi1>, vector<16xf32>
    %add3A_1187 = arith.addf %add3A_1177, %select_n3A_1186 : vector<16xf32>
    %get3A_1188 = arith.constant 0 : i32
    %get3A_1189 = arith.index_cast %get3A_1188 : i32 to index
    %get3A_1190 = arith.constant 96 : index
    %get3A_1191 = tpu.vector_load %arg7[%get3A_1189, %get3A_1190] {strides = array<i32>} : memref<11x128xf32, #tpu.memory_space<vmem>>, vector<1x16xf32>,
    %get3A_1192 = vector.shape_cast %get3A_1191 : vector<1x16xf32> to vector<16xf32>
    %neg3A_1193 = arith.constant 0.000000e+00 : f32
    %neg3A_1194 = vector.broadcast %neg3A_1193 : f32 to vector<16xf32>
    %neg3A_1195 = arith.subf %neg3A_1194, %get3A_1192 : vector<16xf32>
    %exp3A_1196 = math.exp %neg3A_1195 : vector<16xf32>
    %add3A_1197 = arith.constant 1.000000e+00 : f32
    %add3A_1198 = vector.broadcast %add3A_1197 : f32 to vector<16xf32>
    %add3A_1199 = arith.addf %add3A_1198, %exp3A_1196 : vector<16xf32>
    %div3A_1200 = arith.constant 1.000000e+00 : f32
    %div3A_1201 = vector.broadcast %div3A_1200 : f32 to vector<16xf32>
    %div3A_1202 = arith.divf %div3A_1201, %add3A_1199 : vector<16xf32>
    %mul3A_1203 = arith.mulf %select_n3A, %div3A_1202 : vector<16xf32>
    %mul3A_1204 = arith.mulf %mul3A_1203, %div3A_1202 : vector<16xf32>
    %add3A_1205 = arith.addf %add3A_1187, %mul3A_1204 : vector<16xf32>
    %eq3A_1206 = arith.constant 1 : i32
    %eq3A_1207 = vector.broadcast %eq3A_1206 : i32 to vector<16xi32>
    %eq3A_1208 = arith.cmpi eq, %get3A_23, %eq3A_1207 : vector<16xi32>
    %and3A_1209 = arith.andi %gt3A_34, %eq3A_1208 : vector<16xi1>
    %mul3A_1210 = arith.constant 2.000000e+00 : f32
    %mul3A_1211 = vector.broadcast %mul3A_1210 : f32 to vector<16xf32>
    %mul3A_1212 = arith.mulf %mul3A_1211, %div3A_1202 : vector<16xf32>
    %sub3A_1213 = arith.constant 1.000000e+00 : f32
    %sub3A_1214 = vector.broadcast %sub3A_1213 : f32 to vector<16xf32>
    %sub3A_1215 = arith.subf %sub3A_1214, %mul3A_1212 : vector<16xf32>
    %select_n3A_1216 = arith.select %and3A_1209, %sub3A_1215, %broadcast_in_dim3A_1159 : vector<16xi1>, vector<16xf32>
    %add3A_1217 = arith.addf %add3A_1205, %select_n3A_1216 : vector<16xf32>
    %get3A_1218 = arith.constant 0 : i32
    %get3A_1219 = arith.index_cast %get3A_1218 : i32 to index
    %get3A_1220 = arith.constant 112 : index
    %get3A_1221 = tpu.vector_load %arg7[%get3A_1219, %get3A_1220] {strides = array<i32>} : memref<11x128xf32, #tpu.memory_space<vmem>>, vector<1x16xf32>,
    %get3A_1222 = vector.shape_cast %get3A_1221 : vector<1x16xf32> to vector<16xf32>
    %neg3A_1223 = arith.constant 0.000000e+00 : f32
    %neg3A_1224 = vector.broadcast %neg3A_1223 : f32 to vector<16xf32>
    %neg3A_1225 = arith.subf %neg3A_1224, %get3A_1222 : vector<16xf32>
    %exp3A_1226 = math.exp %neg3A_1225 : vector<16xf32>
    %add3A_1227 = arith.constant 1.000000e+00 : f32
    %add3A_1228 = vector.broadcast %add3A_1227 : f32 to vector<16xf32>
    %add3A_1229 = arith.addf %add3A_1228, %exp3A_1226 : vector<16xf32>
    %div3A_1230 = arith.constant 1.000000e+00 : f32
    %div3A_1231 = vector.broadcast %div3A_1230 : f32 to vector<16xf32>
    %div3A_1232 = arith.divf %div3A_1231, %add3A_1229 : vector<16xf32>
    %mul3A_1233 = arith.mulf %select_n3A, %div3A_1232 : vector<16xf32>
    %mul3A_1234 = arith.mulf %mul3A_1233, %div3A_1232 : vector<16xf32>
    %add3A_1235 = arith.addf %add3A_1217, %mul3A_1234 : vector<16xf32>
    %eq3A_1236 = arith.constant 2 : i32
    %eq3A_1237 = vector.broadcast %eq3A_1236 : i32 to vector<16xi32>
    %eq3A_1238 = arith.cmpi eq, %get3A_23, %eq3A_1237 : vector<16xi32>
    %and3A_1239 = arith.andi %gt3A_34, %eq3A_1238 : vector<16xi1>
    %mul3A_1240 = arith.constant 2.000000e+00 : f32
    %mul3A_1241 = vector.broadcast %mul3A_1240 : f32 to vector<16xf32>
    %mul3A_1242 = arith.mulf %mul3A_1241, %div3A_1232 : vector<16xf32>
    %sub3A_1243 = arith.constant 1.000000e+00 : f32
    %sub3A_1244 = vector.broadcast %sub3A_1243 : f32 to vector<16xf32>
    %sub3A_1245 = arith.subf %sub3A_1244, %mul3A_1242 : vector<16xf32>
    %select_n3A_1246 = arith.select %and3A_1239, %sub3A_1245, %broadcast_in_dim3A_1159 : vector<16xi1>, vector<16xf32>
    %add3A_1247 = arith.addf %add3A_1235, %select_n3A_1246 : vector<16xf32>
    %get3A_1248 = arith.constant 1 : i32
    %get3A_1249 = arith.index_cast %get3A_1248 : i32 to index
    %get3A_1250 = arith.constant 0 : index
    %get3A_1251 = tpu.vector_load %arg7[%get3A_1249, %get3A_1250] {strides = array<i32>} : memref<11x128xf32, #tpu.memory_space<vmem>>, vector<1x16xf32>,
    %get3A_1252 = vector.shape_cast %get3A_1251 : vector<1x16xf32> to vector<16xf32>
    %neg3A_1253 = arith.constant 0.000000e+00 : f32
    %neg3A_1254 = vector.broadcast %neg3A_1253 : f32 to vector<16xf32>
    %neg3A_1255 = arith.subf %neg3A_1254, %get3A_1252 : vector<16xf32>
    %exp3A_1256 = math.exp %neg3A_1255 : vector<16xf32>
    %add3A_1257 = arith.constant 1.000000e+00 : f32
    %add3A_1258 = vector.broadcast %add3A_1257 : f32 to vector<16xf32>
    %add3A_1259 = arith.addf %add3A_1258, %exp3A_1256 : vector<16xf32>
    %div3A_1260 = arith.constant 1.000000e+00 : f32
    %div3A_1261 = vector.broadcast %div3A_1260 : f32 to vector<16xf32>
    %div3A_1262 = arith.divf %div3A_1261, %add3A_1259 : vector<16xf32>
    %mul3A_1263 = arith.mulf %select_n3A, %div3A_1262 : vector<16xf32>
    %mul3A_1264 = arith.mulf %mul3A_1263, %div3A_1262 : vector<16xf32>
    %add3A_1265 = arith.addf %add3A_1247, %mul3A_1264 : vector<16xf32>
    %eq3A_1266 = arith.constant 3 : i32
    %eq3A_1267 = vector.broadcast %eq3A_1266 : i32 to vector<16xi32>
    %eq3A_1268 = arith.cmpi eq, %get3A_23, %eq3A_1267 : vector<16xi32>
    %and3A_1269 = arith.andi %gt3A_34, %eq3A_1268 : vector<16xi1>
    %mul3A_1270 = arith.constant 2.000000e+00 : f32
    %mul3A_1271 = vector.broadcast %mul3A_1270 : f32 to vector<16xf32>
    %mul3A_1272 = arith.mulf %mul3A_1271, %div3A_1262 : vector<16xf32>
    %sub3A_1273 = arith.constant 1.000000e+00 : f32
    %sub3A_1274 = vector.broadcast %sub3A_1273 : f32 to vector<16xf32>
    %sub3A_1275 = arith.subf %sub3A_1274, %mul3A_1272 : vector<16xf32>
    %select_n3A_1276 = arith.select %and3A_1269, %sub3A_1275, %broadcast_in_dim3A_1159 : vector<16xi1>, vector<16xf32>
    %add3A_1277 = arith.addf %add3A_1265, %select_n3A_1276 : vector<16xf32>
    %get3A_1278 = arith.constant 1 : i32
    %get3A_1279 = arith.index_cast %get3A_1278 : i32 to index
    %get3A_1280 = arith.constant 16 : index
    %get3A_1281 = tpu.vector_load %arg7[%get3A_1279, %get3A_1280] {strides = array<i32>} : memref<11x128xf32, #tpu.memory_space<vmem>>, vector<1x16xf32>,
    %get3A_1282 = vector.shape_cast %get3A_1281 : vector<1x16xf32> to vector<16xf32>
    %neg3A_1283 = arith.constant 0.000000e+00 : f32
    %neg3A_1284 = vector.broadcast %neg3A_1283 : f32 to vector<16xf32>
    %neg3A_1285 = arith.subf %neg3A_1284, %get3A_1282 : vector<16xf32>
    %exp3A_1286 = math.exp %neg3A_1285 : vector<16xf32>
    %add3A_1287 = arith.constant 1.000000e+00 : f32
    %add3A_1288 = vector.broadcast %add3A_1287 : f32 to vector<16xf32>
    %add3A_1289 = arith.addf %add3A_1288, %exp3A_1286 : vector<16xf32>
    %div3A_1290 = arith.constant 1.000000e+00 : f32
    %div3A_1291 = vector.broadcast %div3A_1290 : f32 to vector<16xf32>
    %div3A_1292 = arith.divf %div3A_1291, %add3A_1289 : vector<16xf32>
    %mul3A_1293 = arith.mulf %select_n3A, %div3A_1292 : vector<16xf32>
    %mul3A_1294 = arith.mulf %mul3A_1293, %div3A_1292 : vector<16xf32>
    %add3A_1295 = arith.addf %add3A_1277, %mul3A_1294 : vector<16xf32>
    %eq3A_1296 = arith.constant 4 : i32
    %eq3A_1297 = vector.broadcast %eq3A_1296 : i32 to vector<16xi32>
    %eq3A_1298 = arith.cmpi eq, %get3A_23, %eq3A_1297 : vector<16xi32>
    %and3A_1299 = arith.andi %gt3A_34, %eq3A_1298 : vector<16xi1>
    %mul3A_1300 = arith.constant 2.000000e+00 : f32
    %mul3A_1301 = vector.broadcast %mul3A_1300 : f32 to vector<16xf32>
    %mul3A_1302 = arith.mulf %mul3A_1301, %div3A_1292 : vector<16xf32>
    %sub3A_1303 = arith.constant 1.000000e+00 : f32
    %sub3A_1304 = vector.broadcast %sub3A_1303 : f32 to vector<16xf32>
    %sub3A_1305 = arith.subf %sub3A_1304, %mul3A_1302 : vector<16xf32>
    %select_n3A_1306 = arith.select %and3A_1299, %sub3A_1305, %broadcast_in_dim3A_1159 : vector<16xi1>, vector<16xf32>
    %add3A_1307 = arith.addf %add3A_1295, %select_n3A_1306 : vector<16xf32>
    %get3A_1308 = arith.constant 1 : i32
    %get3A_1309 = arith.index_cast %get3A_1308 : i32 to index
    %get3A_1310 = arith.constant 32 : index
    %get3A_1311 = tpu.vector_load %arg7[%get3A_1309, %get3A_1310] {strides = array<i32>} : memref<11x128xf32, #tpu.memory_space<vmem>>, vector<1x16xf32>,
    %get3A_1312 = vector.shape_cast %get3A_1311 : vector<1x16xf32> to vector<16xf32>
    %neg3A_1313 = arith.constant 0.000000e+00 : f32
    %neg3A_1314 = vector.broadcast %neg3A_1313 : f32 to vector<16xf32>
    %neg3A_1315 = arith.subf %neg3A_1314, %get3A_1312 : vector<16xf32>
    %exp3A_1316 = math.exp %neg3A_1315 : vector<16xf32>
    %add3A_1317 = arith.constant 1.000000e+00 : f32
    %add3A_1318 = vector.broadcast %add3A_1317 : f32 to vector<16xf32>
    %add3A_1319 = arith.addf %add3A_1318, %exp3A_1316 : vector<16xf32>
    %div3A_1320 = arith.constant 1.000000e+00 : f32
    %div3A_1321 = vector.broadcast %div3A_1320 : f32 to vector<16xf32>
    %div3A_1322 = arith.divf %div3A_1321, %add3A_1319 : vector<16xf32>
    %mul3A_1323 = arith.mulf %select_n3A, %div3A_1322 : vector<16xf32>
    %mul3A_1324 = arith.mulf %mul3A_1323, %div3A_1322 : vector<16xf32>
    %add3A_1325 = arith.addf %add3A_1307, %mul3A_1324 : vector<16xf32>
    %eq3A_1326 = arith.constant 5 : i32
    %eq3A_1327 = vector.broadcast %eq3A_1326 : i32 to vector<16xi32>
    %eq3A_1328 = arith.cmpi eq, %get3A_23, %eq3A_1327 : vector<16xi32>
    %and3A_1329 = arith.andi %gt3A_34, %eq3A_1328 : vector<16xi1>
    %mul3A_1330 = arith.constant 2.000000e+00 : f32
    %mul3A_1331 = vector.broadcast %mul3A_1330 : f32 to vector<16xf32>
    %mul3A_1332 = arith.mulf %mul3A_1331, %div3A_1322 : vector<16xf32>
    %sub3A_1333 = arith.constant 1.000000e+00 : f32
    %sub3A_1334 = vector.broadcast %sub3A_1333 : f32 to vector<16xf32>
    %sub3A_1335 = arith.subf %sub3A_1334, %mul3A_1332 : vector<16xf32>
    %select_n3A_1336 = arith.select %and3A_1329, %sub3A_1335, %broadcast_in_dim3A_1159 : vector<16xi1>, vector<16xf32>
    %add3A_1337 = arith.addf %add3A_1325, %select_n3A_1336 : vector<16xf32>
    %get3A_1338 = arith.constant 1 : i32
    %get3A_1339 = arith.index_cast %get3A_1338 : i32 to index
    %get3A_1340 = arith.constant 48 : index
    %get3A_1341 = tpu.vector_load %arg7[%get3A_1339, %get3A_1340] {strides = array<i32>} : memref<11x128xf32, #tpu.memory_space<vmem>>, vector<1x16xf32>,
    %get3A_1342 = vector.shape_cast %get3A_1341 : vector<1x16xf32> to vector<16xf32>
    %neg3A_1343 = arith.constant 0.000000e+00 : f32
    %neg3A_1344 = vector.broadcast %neg3A_1343 : f32 to vector<16xf32>
    %neg3A_1345 = arith.subf %neg3A_1344, %get3A_1342 : vector<16xf32>
    %exp3A_1346 = math.exp %neg3A_1345 : vector<16xf32>
    %add3A_1347 = arith.constant 1.000000e+00 : f32
    %add3A_1348 = vector.broadcast %add3A_1347 : f32 to vector<16xf32>
    %add3A_1349 = arith.addf %add3A_1348, %exp3A_1346 : vector<16xf32>
    %div3A_1350 = arith.constant 1.000000e+00 : f32
    %div3A_1351 = vector.broadcast %div3A_1350 : f32 to vector<16xf32>
    %div3A_1352 = arith.divf %div3A_1351, %add3A_1349 : vector<16xf32>
    %mul3A_1353 = arith.mulf %select_n3A, %div3A_1352 : vector<16xf32>
    %mul3A_1354 = arith.mulf %mul3A_1353, %div3A_1352 : vector<16xf32>
    %add3A_1355 = arith.addf %add3A_1337, %mul3A_1354 : vector<16xf32>
    %eq3A_1356 = arith.constant 6 : i32
    %eq3A_1357 = vector.broadcast %eq3A_1356 : i32 to vector<16xi32>
    %eq3A_1358 = arith.cmpi eq, %get3A_23, %eq3A_1357 : vector<16xi32>
    %and3A_1359 = arith.andi %gt3A_34, %eq3A_1358 : vector<16xi1>
    %mul3A_1360 = arith.constant 2.000000e+00 : f32
    %mul3A_1361 = vector.broadcast %mul3A_1360 : f32 to vector<16xf32>
    %mul3A_1362 = arith.mulf %mul3A_1361, %div3A_1352 : vector<16xf32>
    %sub3A_1363 = arith.constant 1.000000e+00 : f32
    %sub3A_1364 = vector.broadcast %sub3A_1363 : f32 to vector<16xf32>
    %sub3A_1365 = arith.subf %sub3A_1364, %mul3A_1362 : vector<16xf32>
    %select_n3A_1366 = arith.select %and3A_1359, %sub3A_1365, %broadcast_in_dim3A_1159 : vector<16xi1>, vector<16xf32>
    %add3A_1367 = arith.addf %add3A_1355, %select_n3A_1366 : vector<16xf32>
    %get3A_1368 = arith.constant 1 : i32
    %get3A_1369 = arith.index_cast %get3A_1368 : i32 to index
    %get3A_1370 = arith.constant 64 : index
    %get3A_1371 = tpu.vector_load %arg7[%get3A_1369, %get3A_1370] {strides = array<i32>} : memref<11x128xf32, #tpu.memory_space<vmem>>, vector<1x16xf32>,
    %get3A_1372 = vector.shape_cast %get3A_1371 : vector<1x16xf32> to vector<16xf32>
    %neg3A_1373 = arith.constant 0.000000e+00 : f32
    %neg3A_1374 = vector.broadcast %neg3A_1373 : f32 to vector<16xf32>
    %neg3A_1375 = arith.subf %neg3A_1374, %get3A_1372 : vector<16xf32>
    %exp3A_1376 = math.exp %neg3A_1375 : vector<16xf32>
    %add3A_1377 = arith.constant 1.000000e+00 : f32
    %add3A_1378 = vector.broadcast %add3A_1377 : f32 to vector<16xf32>
    %add3A_1379 = arith.addf %add3A_1378, %exp3A_1376 : vector<16xf32>
    %div3A_1380 = arith.constant 1.000000e+00 : f32
    %div3A_1381 = vector.broadcast %div3A_1380 : f32 to vector<16xf32>
    %div3A_1382 = arith.divf %div3A_1381, %add3A_1379 : vector<16xf32>
    %mul3A_1383 = arith.mulf %select_n3A, %div3A_1382 : vector<16xf32>
    %mul3A_1384 = arith.mulf %mul3A_1383, %div3A_1382 : vector<16xf32>
    %add3A_1385 = arith.addf %add3A_1367, %mul3A_1384 : vector<16xf32>
    %eq3A_1386 = arith.constant 7 : i32
    %eq3A_1387 = vector.broadcast %eq3A_1386 : i32 to vector<16xi32>
    %eq3A_1388 = arith.cmpi eq, %get3A_23, %eq3A_1387 : vector<16xi32>
    %and3A_1389 = arith.andi %gt3A_34, %eq3A_1388 : vector<16xi1>
    %mul3A_1390 = arith.constant 2.000000e+00 : f32
    %mul3A_1391 = vector.broadcast %mul3A_1390 : f32 to vector<16xf32>
    %mul3A_1392 = arith.mulf %mul3A_1391, %div3A_1382 : vector<16xf32>
    %sub3A_1393 = arith.constant 1.000000e+00 : f32
    %sub3A_1394 = vector.broadcast %sub3A_1393 : f32 to vector<16xf32>
    %sub3A_1395 = arith.subf %sub3A_1394, %mul3A_1392 : vector<16xf32>
    %select_n3A_1396 = arith.select %and3A_1389, %sub3A_1395, %broadcast_in_dim3A_1159 : vector<16xi1>, vector<16xf32>
    %add3A_1397 = arith.addf %add3A_1385, %select_n3A_1396 : vector<16xf32>
    %get3A_1398 = arith.constant 1 : i32
    %get3A_1399 = arith.index_cast %get3A_1398 : i32 to index
    %get3A_1400 = arith.constant 80 : index
    %get3A_1401 = tpu.vector_load %arg7[%get3A_1399, %get3A_1400] {strides = array<i32>} : memref<11x128xf32, #tpu.memory_space<vmem>>, vector<1x16xf32>,
    %get3A_1402 = vector.shape_cast %get3A_1401 : vector<1x16xf32> to vector<16xf32>
    %neg3A_1403 = arith.constant 0.000000e+00 : f32
    %neg3A_1404 = vector.broadcast %neg3A_1403 : f32 to vector<16xf32>
    %neg3A_1405 = arith.subf %neg3A_1404, %get3A_1402 : vector<16xf32>
    %exp3A_1406 = math.exp %neg3A_1405 : vector<16xf32>
    %add3A_1407 = arith.constant 1.000000e+00 : f32
    %add3A_1408 = vector.broadcast %add3A_1407 : f32 to vector<16xf32>
    %add3A_1409 = arith.addf %add3A_1408, %exp3A_1406 : vector<16xf32>
    %div3A_1410 = arith.constant 1.000000e+00 : f32
    %div3A_1411 = vector.broadcast %div3A_1410 : f32 to vector<16xf32>
    %div3A_1412 = arith.divf %div3A_1411, %add3A_1409 : vector<16xf32>
    %mul3A_1413 = arith.mulf %select_n3A, %div3A_1412 : vector<16xf32>
    %mul3A_1414 = arith.mulf %mul3A_1413, %div3A_1412 : vector<16xf32>
    %add3A_1415 = arith.addf %add3A_1397, %mul3A_1414 : vector<16xf32>
    %eq3A_1416 = arith.constant 8 : i32
    %eq3A_1417 = vector.broadcast %eq3A_1416 : i32 to vector<16xi32>
    %eq3A_1418 = arith.cmpi eq, %get3A_23, %eq3A_1417 : vector<16xi32>
    %and3A_1419 = arith.andi %gt3A_34, %eq3A_1418 : vector<16xi1>
    %mul3A_1420 = arith.constant 2.000000e+00 : f32
    %mul3A_1421 = vector.broadcast %mul3A_1420 : f32 to vector<16xf32>
    %mul3A_1422 = arith.mulf %mul3A_1421, %div3A_1412 : vector<16xf32>
    %sub3A_1423 = arith.constant 1.000000e+00 : f32
    %sub3A_1424 = vector.broadcast %sub3A_1423 : f32 to vector<16xf32>
    %sub3A_1425 = arith.subf %sub3A_1424, %mul3A_1422 : vector<16xf32>
    %select_n3A_1426 = arith.select %and3A_1419, %sub3A_1425, %broadcast_in_dim3A_1159 : vector<16xi1>, vector<16xf32>
    %add3A_1427 = arith.addf %add3A_1415, %select_n3A_1426 : vector<16xf32>
    %get3A_1428 = arith.constant 1 : i32
    %get3A_1429 = arith.index_cast %get3A_1428 : i32 to index
    %get3A_1430 = arith.constant 96 : index
    %get3A_1431 = tpu.vector_load %arg7[%get3A_1429, %get3A_1430] {strides = array<i32>} : memref<11x128xf32, #tpu.memory_space<vmem>>, vector<1x16xf32>,
    %get3A_1432 = vector.shape_cast %get3A_1431 : vector<1x16xf32> to vector<16xf32>
    %neg3A_1433 = arith.constant 0.000000e+00 : f32
    %neg3A_1434 = vector.broadcast %neg3A_1433 : f32 to vector<16xf32>
    %neg3A_1435 = arith.subf %neg3A_1434, %get3A_1432 : vector<16xf32>
    %exp3A_1436 = math.exp %neg3A_1435 : vector<16xf32>
    %add3A_1437 = arith.constant 1.000000e+00 : f32
    %add3A_1438 = vector.broadcast %add3A_1437 : f32 to vector<16xf32>
    %add3A_1439 = arith.addf %add3A_1438, %exp3A_1436 : vector<16xf32>
    %div3A_1440 = arith.constant 1.000000e+00 : f32
    %div3A_1441 = vector.broadcast %div3A_1440 : f32 to vector<16xf32>
    %div3A_1442 = arith.divf %div3A_1441, %add3A_1439 : vector<16xf32>
    %mul3A_1443 = arith.mulf %select_n3A, %div3A_1442 : vector<16xf32>
    %mul3A_1444 = arith.mulf %mul3A_1443, %div3A_1442 : vector<16xf32>
    %add3A_1445 = arith.addf %add3A_1427, %mul3A_1444 : vector<16xf32>
    %eq3A_1446 = arith.constant 9 : i32
    %eq3A_1447 = vector.broadcast %eq3A_1446 : i32 to vector<16xi32>
    %eq3A_1448 = arith.cmpi eq, %get3A_23, %eq3A_1447 : vector<16xi32>
    %and3A_1449 = arith.andi %gt3A_34, %eq3A_1448 : vector<16xi1>
    %mul3A_1450 = arith.constant 2.000000e+00 : f32
    %mul3A_1451 = vector.broadcast %mul3A_1450 : f32 to vector<16xf32>
    %mul3A_1452 = arith.mulf %mul3A_1451, %div3A_1442 : vector<16xf32>
    %sub3A_1453 = arith.constant 1.000000e+00 : f32
    %sub3A_1454 = vector.broadcast %sub3A_1453 : f32 to vector<16xf32>
    %sub3A_1455 = arith.subf %sub3A_1454, %mul3A_1452 : vector<16xf32>
    %select_n3A_1456 = arith.select %and3A_1449, %sub3A_1455, %broadcast_in_dim3A_1159 : vector<16xi1>, vector<16xf32>
    %add3A_1457 = arith.addf %add3A_1445, %select_n3A_1456 : vector<16xf32>
    %get3A_1458 = arith.constant 1 : i32
    %get3A_1459 = arith.index_cast %get3A_1458 : i32 to index
    %get3A_1460 = arith.constant 112 : index
    %get3A_1461 = tpu.vector_load %arg7[%get3A_1459, %get3A_1460] {strides = array<i32>} : memref<11x128xf32, #tpu.memory_space<vmem>>, vector<1x16xf32>,
    %get3A_1462 = vector.shape_cast %get3A_1461 : vector<1x16xf32> to vector<16xf32>
    %neg3A_1463 = arith.constant 0.000000e+00 : f32
    %neg3A_1464 = vector.broadcast %neg3A_1463 : f32 to vector<16xf32>
    %neg3A_1465 = arith.subf %neg3A_1464, %get3A_1462 : vector<16xf32>
    %exp3A_1466 = math.exp %neg3A_1465 : vector<16xf32>
    %add3A_1467 = arith.constant 1.000000e+00 : f32
    %add3A_1468 = vector.broadcast %add3A_1467 : f32 to vector<16xf32>
    %add3A_1469 = arith.addf %add3A_1468, %exp3A_1466 : vector<16xf32>
    %div3A_1470 = arith.constant 1.000000e+00 : f32
    %div3A_1471 = vector.broadcast %div3A_1470 : f32 to vector<16xf32>
    %div3A_1472 = arith.divf %div3A_1471, %add3A_1469 : vector<16xf32>
    %mul3A_1473 = arith.mulf %select_n3A, %div3A_1472 : vector<16xf32>
    %mul3A_1474 = arith.mulf %mul3A_1473, %div3A_1472 : vector<16xf32>
    %add3A_1475 = arith.addf %add3A_1457, %mul3A_1474 : vector<16xf32>
    %eq3A_1476 = arith.constant 10 : i32
    %eq3A_1477 = vector.broadcast %eq3A_1476 : i32 to vector<16xi32>
    %eq3A_1478 = arith.cmpi eq, %get3A_23, %eq3A_1477 : vector<16xi32>
    %and3A_1479 = arith.andi %gt3A_34, %eq3A_1478 : vector<16xi1>
    %mul3A_1480 = arith.constant 2.000000e+00 : f32
    %mul3A_1481 = vector.broadcast %mul3A_1480 : f32 to vector<16xf32>
    %mul3A_1482 = arith.mulf %mul3A_1481, %div3A_1472 : vector<16xf32>
    %sub3A_1483 = arith.constant 1.000000e+00 : f32
    %sub3A_1484 = vector.broadcast %sub3A_1483 : f32 to vector<16xf32>
    %sub3A_1485 = arith.subf %sub3A_1484, %mul3A_1482 : vector<16xf32>
    %select_n3A_1486 = arith.select %and3A_1479, %sub3A_1485, %broadcast_in_dim3A_1159 : vector<16xi1>, vector<16xf32>
    %add3A_1487 = arith.addf %add3A_1475, %select_n3A_1486 : vector<16xf32>
    %get3A_1488 = arith.constant 2 : i32
    %get3A_1489 = arith.index_cast %get3A_1488 : i32 to index
    %get3A_1490 = arith.constant 0 : index
    %get3A_1491 = tpu.vector_load %arg7[%get3A_1489, %get3A_1490] {strides = array<i32>} : memref<11x128xf32, #tpu.memory_space<vmem>>, vector<1x16xf32>,
    %get3A_1492 = vector.shape_cast %get3A_1491 : vector<1x16xf32> to vector<16xf32>
    %neg3A_1493 = arith.constant 0.000000e+00 : f32
    %neg3A_1494 = vector.broadcast %neg3A_1493 : f32 to vector<16xf32>
    %neg3A_1495 = arith.subf %neg3A_1494, %get3A_1492 : vector<16xf32>
    %exp3A_1496 = math.exp %neg3A_1495 : vector<16xf32>
    %add3A_1497 = arith.constant 1.000000e+00 : f32
    %add3A_1498 = vector.broadcast %add3A_1497 : f32 to vector<16xf32>
    %add3A_1499 = arith.addf %add3A_1498, %exp3A_1496 : vector<16xf32>
    %div3A_1500 = arith.constant 1.000000e+00 : f32
    %div3A_1501 = vector.broadcast %div3A_1500 : f32 to vector<16xf32>
    %div3A_1502 = arith.divf %div3A_1501, %add3A_1499 : vector<16xf32>
    %mul3A_1503 = arith.mulf %select_n3A, %div3A_1502 : vector<16xf32>
    %mul3A_1504 = arith.mulf %mul3A_1503, %div3A_1502 : vector<16xf32>
    %add3A_1505 = arith.addf %add3A_1487, %mul3A_1504 : vector<16xf32>
    %eq3A_1506 = arith.constant 11 : i32
    %eq3A_1507 = vector.broadcast %eq3A_1506 : i32 to vector<16xi32>
    %eq3A_1508 = arith.cmpi eq, %get3A_23, %eq3A_1507 : vector<16xi32>
    %and3A_1509 = arith.andi %gt3A_34, %eq3A_1508 : vector<16xi1>
    %mul3A_1510 = arith.constant 2.000000e+00 : f32
    %mul3A_1511 = vector.broadcast %mul3A_1510 : f32 to vector<16xf32>
    %mul3A_1512 = arith.mulf %mul3A_1511, %div3A_1502 : vector<16xf32>
    %sub3A_1513 = arith.constant 1.000000e+00 : f32
    %sub3A_1514 = vector.broadcast %sub3A_1513 : f32 to vector<16xf32>
    %sub3A_1515 = arith.subf %sub3A_1514, %mul3A_1512 : vector<16xf32>
    %select_n3A_1516 = arith.select %and3A_1509, %sub3A_1515, %broadcast_in_dim3A_1159 : vector<16xi1>, vector<16xf32>
    %add3A_1517 = arith.addf %add3A_1505, %select_n3A_1516 : vector<16xf32>
    %get3A_1518 = arith.constant 2 : i32
    %get3A_1519 = arith.index_cast %get3A_1518 : i32 to index
    %get3A_1520 = arith.constant 16 : index
    %get3A_1521 = tpu.vector_load %arg7[%get3A_1519, %get3A_1520] {strides = array<i32>} : memref<11x128xf32, #tpu.memory_space<vmem>>, vector<1x16xf32>,
    %get3A_1522 = vector.shape_cast %get3A_1521 : vector<1x16xf32> to vector<16xf32>
    %neg3A_1523 = arith.constant 0.000000e+00 : f32
    %neg3A_1524 = vector.broadcast %neg3A_1523 : f32 to vector<16xf32>
    %neg3A_1525 = arith.subf %neg3A_1524, %get3A_1522 : vector<16xf32>
    %exp3A_1526 = math.exp %neg3A_1525 : vector<16xf32>
    %add3A_1527 = arith.constant 1.000000e+00 : f32
    %add3A_1528 = vector.broadcast %add3A_1527 : f32 to vector<16xf32>
    %add3A_1529 = arith.addf %add3A_1528, %exp3A_1526 : vector<16xf32>
    %div3A_1530 = arith.constant 1.000000e+00 : f32
    %div3A_1531 = vector.broadcast %div3A_1530 : f32 to vector<16xf32>
    %div3A_1532 = arith.divf %div3A_1531, %add3A_1529 : vector<16xf32>
    %mul3A_1533 = arith.mulf %select_n3A, %div3A_1532 : vector<16xf32>
    %mul3A_1534 = arith.mulf %mul3A_1533, %div3A_1532 : vector<16xf32>
    %add3A_1535 = arith.addf %add3A_1517, %mul3A_1534 : vector<16xf32>
    %eq3A_1536 = arith.constant 12 : i32
    %eq3A_1537 = vector.broadcast %eq3A_1536 : i32 to vector<16xi32>
    %eq3A_1538 = arith.cmpi eq, %get3A_23, %eq3A_1537 : vector<16xi32>
    %and3A_1539 = arith.andi %gt3A_34, %eq3A_1538 : vector<16xi1>
    %mul3A_1540 = arith.constant 2.000000e+00 : f32
    %mul3A_1541 = vector.broadcast %mul3A_1540 : f32 to vector<16xf32>
    %mul3A_1542 = arith.mulf %mul3A_1541, %div3A_1532 : vector<16xf32>
    %sub3A_1543 = arith.constant 1.000000e+00 : f32
    %sub3A_1544 = vector.broadcast %sub3A_1543 : f32 to vector<16xf32>
    %sub3A_1545 = arith.subf %sub3A_1544, %mul3A_1542 : vector<16xf32>
    %select_n3A_1546 = arith.select %and3A_1539, %sub3A_1545, %broadcast_in_dim3A_1159 : vector<16xi1>, vector<16xf32>
    %add3A_1547 = arith.addf %add3A_1535, %select_n3A_1546 : vector<16xf32>
    %get3A_1548 = arith.constant 2 : i32
    %get3A_1549 = arith.index_cast %get3A_1548 : i32 to index
    %get3A_1550 = arith.constant 32 : index
    %get3A_1551 = tpu.vector_load %arg7[%get3A_1549, %get3A_1550] {strides = array<i32>} : memref<11x128xf32, #tpu.memory_space<vmem>>, vector<1x16xf32>,
    %get3A_1552 = vector.shape_cast %get3A_1551 : vector<1x16xf32> to vector<16xf32>
    %neg3A_1553 = arith.constant 0.000000e+00 : f32
    %neg3A_1554 = vector.broadcast %neg3A_1553 : f32 to vector<16xf32>
    %neg3A_1555 = arith.subf %neg3A_1554, %get3A_1552 : vector<16xf32>
    %exp3A_1556 = math.exp %neg3A_1555 : vector<16xf32>
    %add3A_1557 = arith.constant 1.000000e+00 : f32
    %add3A_1558 = vector.broadcast %add3A_1557 : f32 to vector<16xf32>
    %add3A_1559 = arith.addf %add3A_1558, %exp3A_1556 : vector<16xf32>
    %div3A_1560 = arith.constant 1.000000e+00 : f32
    %div3A_1561 = vector.broadcast %div3A_1560 : f32 to vector<16xf32>
    %div3A_1562 = arith.divf %div3A_1561, %add3A_1559 : vector<16xf32>
    %mul3A_1563 = arith.mulf %select_n3A, %div3A_1562 : vector<16xf32>
    %mul3A_1564 = arith.mulf %mul3A_1563, %div3A_1562 : vector<16xf32>
    %add3A_1565 = arith.addf %add3A_1547, %mul3A_1564 : vector<16xf32>
    %eq3A_1566 = arith.constant 13 : i32
    %eq3A_1567 = vector.broadcast %eq3A_1566 : i32 to vector<16xi32>
    %eq3A_1568 = arith.cmpi eq, %get3A_23, %eq3A_1567 : vector<16xi32>
    %and3A_1569 = arith.andi %gt3A_34, %eq3A_1568 : vector<16xi1>
    %mul3A_1570 = arith.constant 2.000000e+00 : f32
    %mul3A_1571 = vector.broadcast %mul3A_1570 : f32 to vector<16xf32>
    %mul3A_1572 = arith.mulf %mul3A_1571, %div3A_1562 : vector<16xf32>
    %sub3A_1573 = arith.constant 1.000000e+00 : f32
    %sub3A_1574 = vector.broadcast %sub3A_1573 : f32 to vector<16xf32>
    %sub3A_1575 = arith.subf %sub3A_1574, %mul3A_1572 : vector<16xf32>
    %select_n3A_1576 = arith.select %and3A_1569, %sub3A_1575, %broadcast_in_dim3A_1159 : vector<16xi1>, vector<16xf32>
    %add3A_1577 = arith.addf %add3A_1565, %select_n3A_1576 : vector<16xf32>
    %get3A_1578 = arith.constant 2 : i32
    %get3A_1579 = arith.index_cast %get3A_1578 : i32 to index
    %get3A_1580 = arith.constant 48 : index
    %get3A_1581 = tpu.vector_load %arg7[%get3A_1579, %get3A_1580] {strides = array<i32>} : memref<11x128xf32, #tpu.memory_space<vmem>>, vector<1x16xf32>,
    %get3A_1582 = vector.shape_cast %get3A_1581 : vector<1x16xf32> to vector<16xf32>
    %neg3A_1583 = arith.constant 0.000000e+00 : f32
    %neg3A_1584 = vector.broadcast %neg3A_1583 : f32 to vector<16xf32>
    %neg3A_1585 = arith.subf %neg3A_1584, %get3A_1582 : vector<16xf32>
    %exp3A_1586 = math.exp %neg3A_1585 : vector<16xf32>
    %add3A_1587 = arith.constant 1.000000e+00 : f32
    %add3A_1588 = vector.broadcast %add3A_1587 : f32 to vector<16xf32>
    %add3A_1589 = arith.addf %add3A_1588, %exp3A_1586 : vector<16xf32>
    %div3A_1590 = arith.constant 1.000000e+00 : f32
    %div3A_1591 = vector.broadcast %div3A_1590 : f32 to vector<16xf32>
    %div3A_1592 = arith.divf %div3A_1591, %add3A_1589 : vector<16xf32>
    %mul3A_1593 = arith.mulf %select_n3A, %div3A_1592 : vector<16xf32>
    %mul3A_1594 = arith.mulf %mul3A_1593, %div3A_1592 : vector<16xf32>
    %add3A_1595 = arith.addf %add3A_1577, %mul3A_1594 : vector<16xf32>
    %eq3A_1596 = arith.constant 14 : i32
    %eq3A_1597 = vector.broadcast %eq3A_1596 : i32 to vector<16xi32>
    %eq3A_1598 = arith.cmpi eq, %get3A_23, %eq3A_1597 : vector<16xi32>
    %and3A_1599 = arith.andi %gt3A_34, %eq3A_1598 : vector<16xi1>
    %mul3A_1600 = arith.constant 2.000000e+00 : f32
    %mul3A_1601 = vector.broadcast %mul3A_1600 : f32 to vector<16xf32>
    %mul3A_1602 = arith.mulf %mul3A_1601, %div3A_1592 : vector<16xf32>
    %sub3A_1603 = arith.constant 1.000000e+00 : f32
    %sub3A_1604 = vector.broadcast %sub3A_1603 : f32 to vector<16xf32>
    %sub3A_1605 = arith.subf %sub3A_1604, %mul3A_1602 : vector<16xf32>
    %select_n3A_1606 = arith.select %and3A_1599, %sub3A_1605, %broadcast_in_dim3A_1159 : vector<16xi1>, vector<16xf32>
    %add3A_1607 = arith.addf %add3A_1595, %select_n3A_1606 : vector<16xf32>
    %get3A_1608 = arith.constant 2 : i32
    %get3A_1609 = arith.index_cast %get3A_1608 : i32 to index
    %get3A_1610 = arith.constant 64 : index
    %get3A_1611 = tpu.vector_load %arg7[%get3A_1609, %get3A_1610] {strides = array<i32>} : memref<11x128xf32, #tpu.memory_space<vmem>>, vector<1x16xf32>,
    %get3A_1612 = vector.shape_cast %get3A_1611 : vector<1x16xf32> to vector<16xf32>
    %neg3A_1613 = arith.constant 0.000000e+00 : f32
    %neg3A_1614 = vector.broadcast %neg3A_1613 : f32 to vector<16xf32>
    %neg3A_1615 = arith.subf %neg3A_1614, %get3A_1612 : vector<16xf32>
    %exp3A_1616 = math.exp %neg3A_1615 : vector<16xf32>
    %add3A_1617 = arith.constant 1.000000e+00 : f32
    %add3A_1618 = vector.broadcast %add3A_1617 : f32 to vector<16xf32>
    %add3A_1619 = arith.addf %add3A_1618, %exp3A_1616 : vector<16xf32>
    %div3A_1620 = arith.constant 1.000000e+00 : f32
    %div3A_1621 = vector.broadcast %div3A_1620 : f32 to vector<16xf32>
    %div3A_1622 = arith.divf %div3A_1621, %add3A_1619 : vector<16xf32>
    %mul3A_1623 = arith.mulf %select_n3A, %div3A_1622 : vector<16xf32>
    %mul3A_1624 = arith.mulf %mul3A_1623, %div3A_1622 : vector<16xf32>
    %add3A_1625 = arith.addf %add3A_1607, %mul3A_1624 : vector<16xf32>
    %eq3A_1626 = arith.constant 15 : i32
    %eq3A_1627 = vector.broadcast %eq3A_1626 : i32 to vector<16xi32>
    %eq3A_1628 = arith.cmpi eq, %get3A_23, %eq3A_1627 : vector<16xi32>
    %and3A_1629 = arith.andi %gt3A_34, %eq3A_1628 : vector<16xi1>
    %mul3A_1630 = arith.constant 2.000000e+00 : f32
    %mul3A_1631 = vector.broadcast %mul3A_1630 : f32 to vector<16xf32>
    %mul3A_1632 = arith.mulf %mul3A_1631, %div3A_1622 : vector<16xf32>
    %sub3A_1633 = arith.constant 1.000000e+00 : f32
    %sub3A_1634 = vector.broadcast %sub3A_1633 : f32 to vector<16xf32>
    %sub3A_1635 = arith.subf %sub3A_1634, %mul3A_1632 : vector<16xf32>
    %select_n3A_1636 = arith.select %and3A_1629, %sub3A_1635, %broadcast_in_dim3A_1159 : vector<16xi1>, vector<16xf32>
    %add3A_1637 = arith.addf %add3A_1625, %select_n3A_1636 : vector<16xf32>
    %get3A_1638 = arith.constant 2 : i32
    %get3A_1639 = arith.index_cast %get3A_1638 : i32 to index
    %get3A_1640 = arith.constant 80 : index
    %get3A_1641 = tpu.vector_load %arg7[%get3A_1639, %get3A_1640] {strides = array<i32>} : memref<11x128xf32, #tpu.memory_space<vmem>>, vector<1x16xf32>,
    %get3A_1642 = vector.shape_cast %get3A_1641 : vector<1x16xf32> to vector<16xf32>
    %neg3A_1643 = arith.constant 0.000000e+00 : f32
    %neg3A_1644 = vector.broadcast %neg3A_1643 : f32 to vector<16xf32>
    %neg3A_1645 = arith.subf %neg3A_1644, %get3A_1642 : vector<16xf32>
    %exp3A_1646 = math.exp %neg3A_1645 : vector<16xf32>
    %add3A_1647 = arith.constant 1.000000e+00 : f32
    %add3A_1648 = vector.broadcast %add3A_1647 : f32 to vector<16xf32>
    %add3A_1649 = arith.addf %add3A_1648, %exp3A_1646 : vector<16xf32>
    %div3A_1650 = arith.constant 1.000000e+00 : f32
    %div3A_1651 = vector.broadcast %div3A_1650 : f32 to vector<16xf32>
    %div3A_1652 = arith.divf %div3A_1651, %add3A_1649 : vector<16xf32>
    %mul3A_1653 = arith.mulf %select_n3A, %div3A_1652 : vector<16xf32>
    %mul3A_1654 = arith.mulf %mul3A_1653, %div3A_1652 : vector<16xf32>
    %add3A_1655 = arith.addf %add3A_1637, %mul3A_1654 : vector<16xf32>
    %eq3A_1656 = arith.constant 16 : i32
    %eq3A_1657 = vector.broadcast %eq3A_1656 : i32 to vector<16xi32>
    %eq3A_1658 = arith.cmpi eq, %get3A_23, %eq3A_1657 : vector<16xi32>
    %and3A_1659 = arith.andi %gt3A_34, %eq3A_1658 : vector<16xi1>
    %mul3A_1660 = arith.constant 2.000000e+00 : f32
    %mul3A_1661 = vector.broadcast %mul3A_1660 : f32 to vector<16xf32>
    %mul3A_1662 = arith.mulf %mul3A_1661, %div3A_1652 : vector<16xf32>
    %sub3A_1663 = arith.constant 1.000000e+00 : f32
    %sub3A_1664 = vector.broadcast %sub3A_1663 : f32 to vector<16xf32>
    %sub3A_1665 = arith.subf %sub3A_1664, %mul3A_1662 : vector<16xf32>
    %select_n3A_1666 = arith.select %and3A_1659, %sub3A_1665, %broadcast_in_dim3A_1159 : vector<16xi1>, vector<16xf32>
    %add3A_1667 = arith.addf %add3A_1655, %select_n3A_1666 : vector<16xf32>
    %get3A_1668 = arith.constant 2 : i32
    %get3A_1669 = arith.index_cast %get3A_1668 : i32 to index
    %get3A_1670 = arith.constant 96 : index
    %get3A_1671 = tpu.vector_load %arg7[%get3A_1669, %get3A_1670] {strides = array<i32>} : memref<11x128xf32, #tpu.memory_space<vmem>>, vector<1x16xf32>,
    %get3A_1672 = vector.shape_cast %get3A_1671 : vector<1x16xf32> to vector<16xf32>
    %neg3A_1673 = arith.constant 0.000000e+00 : f32
    %neg3A_1674 = vector.broadcast %neg3A_1673 : f32 to vector<16xf32>
    %neg3A_1675 = arith.subf %neg3A_1674, %get3A_1672 : vector<16xf32>
    %exp3A_1676 = math.exp %neg3A_1675 : vector<16xf32>
    %add3A_1677 = arith.constant 1.000000e+00 : f32
    %add3A_1678 = vector.broadcast %add3A_1677 : f32 to vector<16xf32>
    %add3A_1679 = arith.addf %add3A_1678, %exp3A_1676 : vector<16xf32>
    %div3A_1680 = arith.constant 1.000000e+00 : f32
    %div3A_1681 = vector.broadcast %div3A_1680 : f32 to vector<16xf32>
    %div3A_1682 = arith.divf %div3A_1681, %add3A_1679 : vector<16xf32>
    %mul3A_1683 = arith.mulf %select_n3A, %div3A_1682 : vector<16xf32>
    %mul3A_1684 = arith.mulf %mul3A_1683, %div3A_1682 : vector<16xf32>
    %add3A_1685 = arith.addf %add3A_1667, %mul3A_1684 : vector<16xf32>
    %eq3A_1686 = arith.constant 17 : i32
    %eq3A_1687 = vector.broadcast %eq3A_1686 : i32 to vector<16xi32>
    %eq3A_1688 = arith.cmpi eq, %get3A_23, %eq3A_1687 : vector<16xi32>
    %and3A_1689 = arith.andi %gt3A_34, %eq3A_1688 : vector<16xi1>
    %mul3A_1690 = arith.constant 2.000000e+00 : f32
    %mul3A_1691 = vector.broadcast %mul3A_1690 : f32 to vector<16xf32>
    %mul3A_1692 = arith.mulf %mul3A_1691, %div3A_1682 : vector<16xf32>
    %sub3A_1693 = arith.constant 1.000000e+00 : f32
    %sub3A_1694 = vector.broadcast %sub3A_1693 : f32 to vector<16xf32>
    %sub3A_1695 = arith.subf %sub3A_1694, %mul3A_1692 : vector<16xf32>
    %select_n3A_1696 = arith.select %and3A_1689, %sub3A_1695, %broadcast_in_dim3A_1159 : vector<16xi1>, vector<16xf32>
    %add3A_1697 = arith.addf %add3A_1685, %select_n3A_1696 : vector<16xf32>
    %get3A_1698 = arith.constant 2 : i32
    %get3A_1699 = arith.index_cast %get3A_1698 : i32 to index
    %get3A_1700 = arith.constant 112 : index
    %get3A_1701 = tpu.vector_load %arg7[%get3A_1699, %get3A_1700] {strides = array<i32>} : memref<11x128xf32, #tpu.memory_space<vmem>>, vector<1x16xf32>,
    %get3A_1702 = vector.shape_cast %get3A_1701 : vector<1x16xf32> to vector<16xf32>
    %neg3A_1703 = arith.constant 0.000000e+00 : f32
    %neg3A_1704 = vector.broadcast %neg3A_1703 : f32 to vector<16xf32>
    %neg3A_1705 = arith.subf %neg3A_1704, %get3A_1702 : vector<16xf32>
    %exp3A_1706 = math.exp %neg3A_1705 : vector<16xf32>
    %add3A_1707 = arith.constant 1.000000e+00 : f32
    %add3A_1708 = vector.broadcast %add3A_1707 : f32 to vector<16xf32>
    %add3A_1709 = arith.addf %add3A_1708, %exp3A_1706 : vector<16xf32>
    %div3A_1710 = arith.constant 1.000000e+00 : f32
    %div3A_1711 = vector.broadcast %div3A_1710 : f32 to vector<16xf32>
    %div3A_1712 = arith.divf %div3A_1711, %add3A_1709 : vector<16xf32>
    %mul3A_1713 = arith.mulf %select_n3A, %div3A_1712 : vector<16xf32>
    %mul3A_1714 = arith.mulf %mul3A_1713, %div3A_1712 : vector<16xf32>
    %add3A_1715 = arith.addf %add3A_1697, %mul3A_1714 : vector<16xf32>
    %eq3A_1716 = arith.constant 18 : i32
    %eq3A_1717 = vector.broadcast %eq3A_1716 : i32 to vector<16xi32>
    %eq3A_1718 = arith.cmpi eq, %get3A_23, %eq3A_1717 : vector<16xi32>
    %and3A_1719 = arith.andi %gt3A_34, %eq3A_1718 : vector<16xi1>
    %mul3A_1720 = arith.constant 2.000000e+00 : f32
    %mul3A_1721 = vector.broadcast %mul3A_1720 : f32 to vector<16xf32>
    %mul3A_1722 = arith.mulf %mul3A_1721, %div3A_1712 : vector<16xf32>
    %sub3A_1723 = arith.constant 1.000000e+00 : f32
    %sub3A_1724 = vector.broadcast %sub3A_1723 : f32 to vector<16xf32>
    %sub3A_1725 = arith.subf %sub3A_1724, %mul3A_1722 : vector<16xf32>
    %select_n3A_1726 = arith.select %and3A_1719, %sub3A_1725, %broadcast_in_dim3A_1159 : vector<16xi1>, vector<16xf32>
    %add3A_1727 = arith.addf %add3A_1715, %select_n3A_1726 : vector<16xf32>
    %get3A_1728 = arith.constant 3 : i32
    %get3A_1729 = arith.index_cast %get3A_1728 : i32 to index
    %get3A_1730 = arith.constant 0 : index
    %get3A_1731 = tpu.vector_load %arg7[%get3A_1729, %get3A_1730] {strides = array<i32>} : memref<11x128xf32, #tpu.memory_space<vmem>>, vector<1x16xf32>,
    %get3A_1732 = vector.shape_cast %get3A_1731 : vector<1x16xf32> to vector<16xf32>
    %neg3A_1733 = arith.constant 0.000000e+00 : f32
    %neg3A_1734 = vector.broadcast %neg3A_1733 : f32 to vector<16xf32>
    %neg3A_1735 = arith.subf %neg3A_1734, %get3A_1732 : vector<16xf32>
    %exp3A_1736 = math.exp %neg3A_1735 : vector<16xf32>
    %add3A_1737 = arith.constant 1.000000e+00 : f32
    %add3A_1738 = vector.broadcast %add3A_1737 : f32 to vector<16xf32>
    %add3A_1739 = arith.addf %add3A_1738, %exp3A_1736 : vector<16xf32>
    %div3A_1740 = arith.constant 1.000000e+00 : f32
    %div3A_1741 = vector.broadcast %div3A_1740 : f32 to vector<16xf32>
    %div3A_1742 = arith.divf %div3A_1741, %add3A_1739 : vector<16xf32>
    %mul3A_1743 = arith.mulf %select_n3A, %div3A_1742 : vector<16xf32>
    %mul3A_1744 = arith.mulf %mul3A_1743, %div3A_1742 : vector<16xf32>
    %add3A_1745 = arith.addf %add3A_1727, %mul3A_1744 : vector<16xf32>
    %eq3A_1746 = arith.constant 19 : i32
    %eq3A_1747 = vector.broadcast %eq3A_1746 : i32 to vector<16xi32>
    %eq3A_1748 = arith.cmpi eq, %get3A_23, %eq3A_1747 : vector<16xi32>
    %and3A_1749 = arith.andi %gt3A_34, %eq3A_1748 : vector<16xi1>
    %mul3A_1750 = arith.constant 2.000000e+00 : f32
    %mul3A_1751 = vector.broadcast %mul3A_1750 : f32 to vector<16xf32>
    %mul3A_1752 = arith.mulf %mul3A_1751, %div3A_1742 : vector<16xf32>
    %sub3A_1753 = arith.constant 1.000000e+00 : f32
    %sub3A_1754 = vector.broadcast %sub3A_1753 : f32 to vector<16xf32>
    %sub3A_1755 = arith.subf %sub3A_1754, %mul3A_1752 : vector<16xf32>
    %select_n3A_1756 = arith.select %and3A_1749, %sub3A_1755, %broadcast_in_dim3A_1159 : vector<16xi1>, vector<16xf32>
    %add3A_1757 = arith.addf %add3A_1745, %select_n3A_1756 : vector<16xf32>
    %get3A_1758 = arith.constant 3 : i32
    %get3A_1759 = arith.index_cast %get3A_1758 : i32 to index
    %get3A_1760 = arith.constant 16 : index
    %get3A_1761 = tpu.vector_load %arg7[%get3A_1759, %get3A_1760] {strides = array<i32>} : memref<11x128xf32, #tpu.memory_space<vmem>>, vector<1x16xf32>,
    %get3A_1762 = vector.shape_cast %get3A_1761 : vector<1x16xf32> to vector<16xf32>
    %neg3A_1763 = arith.constant 0.000000e+00 : f32
    %neg3A_1764 = vector.broadcast %neg3A_1763 : f32 to vector<16xf32>
    %neg3A_1765 = arith.subf %neg3A_1764, %get3A_1762 : vector<16xf32>
    %exp3A_1766 = math.exp %neg3A_1765 : vector<16xf32>
    %add3A_1767 = arith.constant 1.000000e+00 : f32
    %add3A_1768 = vector.broadcast %add3A_1767 : f32 to vector<16xf32>
    %add3A_1769 = arith.addf %add3A_1768, %exp3A_1766 : vector<16xf32>
    %div3A_1770 = arith.constant 1.000000e+00 : f32
    %div3A_1771 = vector.broadcast %div3A_1770 : f32 to vector<16xf32>
    %div3A_1772 = arith.divf %div3A_1771, %add3A_1769 : vector<16xf32>
    %mul3A_1773 = arith.mulf %select_n3A, %div3A_1772 : vector<16xf32>
    %mul3A_1774 = arith.mulf %mul3A_1773, %div3A_1772 : vector<16xf32>
    %add3A_1775 = arith.addf %add3A_1757, %mul3A_1774 : vector<16xf32>
    %eq3A_1776 = arith.constant 20 : i32
    %eq3A_1777 = vector.broadcast %eq3A_1776 : i32 to vector<16xi32>
    %eq3A_1778 = arith.cmpi eq, %get3A_23, %eq3A_1777 : vector<16xi32>
    %and3A_1779 = arith.andi %gt3A_34, %eq3A_1778 : vector<16xi1>
    %mul3A_1780 = arith.constant 2.000000e+00 : f32
    %mul3A_1781 = vector.broadcast %mul3A_1780 : f32 to vector<16xf32>
    %mul3A_1782 = arith.mulf %mul3A_1781, %div3A_1772 : vector<16xf32>
    %sub3A_1783 = arith.constant 1.000000e+00 : f32
    %sub3A_1784 = vector.broadcast %sub3A_1783 : f32 to vector<16xf32>
    %sub3A_1785 = arith.subf %sub3A_1784, %mul3A_1782 : vector<16xf32>
    %select_n3A_1786 = arith.select %and3A_1779, %sub3A_1785, %broadcast_in_dim3A_1159 : vector<16xi1>, vector<16xf32>
    %add3A_1787 = arith.addf %add3A_1775, %select_n3A_1786 : vector<16xf32>
    %get3A_1788 = arith.constant 3 : i32
    %get3A_1789 = arith.index_cast %get3A_1788 : i32 to index
    %get3A_1790 = arith.constant 32 : index
    %get3A_1791 = tpu.vector_load %arg7[%get3A_1789, %get3A_1790] {strides = array<i32>} : memref<11x128xf32, #tpu.memory_space<vmem>>, vector<1x16xf32>,
    %get3A_1792 = vector.shape_cast %get3A_1791 : vector<1x16xf32> to vector<16xf32>
    %neg3A_1793 = arith.constant 0.000000e+00 : f32
    %neg3A_1794 = vector.broadcast %neg3A_1793 : f32 to vector<16xf32>
    %neg3A_1795 = arith.subf %neg3A_1794, %get3A_1792 : vector<16xf32>
    %exp3A_1796 = math.exp %neg3A_1795 : vector<16xf32>
    %add3A_1797 = arith.constant 1.000000e+00 : f32
    %add3A_1798 = vector.broadcast %add3A_1797 : f32 to vector<16xf32>
    %add3A_1799 = arith.addf %add3A_1798, %exp3A_1796 : vector<16xf32>
    %div3A_1800 = arith.constant 1.000000e+00 : f32
    %div3A_1801 = vector.broadcast %div3A_1800 : f32 to vector<16xf32>
    %div3A_1802 = arith.divf %div3A_1801, %add3A_1799 : vector<16xf32>
    %mul3A_1803 = arith.mulf %select_n3A, %div3A_1802 : vector<16xf32>
    %mul3A_1804 = arith.mulf %mul3A_1803, %div3A_1802 : vector<16xf32>
    %add3A_1805 = arith.addf %add3A_1787, %mul3A_1804 : vector<16xf32>
    %eq3A_1806 = arith.constant 21 : i32
    %eq3A_1807 = vector.broadcast %eq3A_1806 : i32 to vector<16xi32>
    %eq3A_1808 = arith.cmpi eq, %get3A_23, %eq3A_1807 : vector<16xi32>
    %and3A_1809 = arith.andi %gt3A_34, %eq3A_1808 : vector<16xi1>
    %mul3A_1810 = arith.constant 2.000000e+00 : f32
    %mul3A_1811 = vector.broadcast %mul3A_1810 : f32 to vector<16xf32>
    %mul3A_1812 = arith.mulf %mul3A_1811, %div3A_1802 : vector<16xf32>
    %sub3A_1813 = arith.constant 1.000000e+00 : f32
    %sub3A_1814 = vector.broadcast %sub3A_1813 : f32 to vector<16xf32>
    %sub3A_1815 = arith.subf %sub3A_1814, %mul3A_1812 : vector<16xf32>
    %select_n3A_1816 = arith.select %and3A_1809, %sub3A_1815, %broadcast_in_dim3A_1159 : vector<16xi1>, vector<16xf32>
    %add3A_1817 = arith.addf %add3A_1805, %select_n3A_1816 : vector<16xf32>
    %get3A_1818 = arith.constant 3 : i32
    %get3A_1819 = arith.index_cast %get3A_1818 : i32 to index
    %get3A_1820 = arith.constant 48 : index
    %get3A_1821 = tpu.vector_load %arg7[%get3A_1819, %get3A_1820] {strides = array<i32>} : memref<11x128xf32, #tpu.memory_space<vmem>>, vector<1x16xf32>,
    %get3A_1822 = vector.shape_cast %get3A_1821 : vector<1x16xf32> to vector<16xf32>
    %neg3A_1823 = arith.constant 0.000000e+00 : f32
    %neg3A_1824 = vector.broadcast %neg3A_1823 : f32 to vector<16xf32>
    %neg3A_1825 = arith.subf %neg3A_1824, %get3A_1822 : vector<16xf32>
    %exp3A_1826 = math.exp %neg3A_1825 : vector<16xf32>
    %add3A_1827 = arith.constant 1.000000e+00 : f32
    %add3A_1828 = vector.broadcast %add3A_1827 : f32 to vector<16xf32>
    %add3A_1829 = arith.addf %add3A_1828, %exp3A_1826 : vector<16xf32>
    %div3A_1830 = arith.constant 1.000000e+00 : f32
    %div3A_1831 = vector.broadcast %div3A_1830 : f32 to vector<16xf32>
    %div3A_1832 = arith.divf %div3A_1831, %add3A_1829 : vector<16xf32>
    %mul3A_1833 = arith.mulf %select_n3A, %div3A_1832 : vector<16xf32>
    %mul3A_1834 = arith.mulf %mul3A_1833, %div3A_1832 : vector<16xf32>
    %add3A_1835 = arith.addf %add3A_1817, %mul3A_1834 : vector<16xf32>
    %eq3A_1836 = arith.constant 22 : i32
    %eq3A_1837 = vector.broadcast %eq3A_1836 : i32 to vector<16xi32>
    %eq3A_1838 = arith.cmpi eq, %get3A_23, %eq3A_1837 : vector<16xi32>
    %and3A_1839 = arith.andi %gt3A_34, %eq3A_1838 : vector<16xi1>
    %mul3A_1840 = arith.constant 2.000000e+00 : f32
    %mul3A_1841 = vector.broadcast %mul3A_1840 : f32 to vector<16xf32>
    %mul3A_1842 = arith.mulf %mul3A_1841, %div3A_1832 : vector<16xf32>
    %sub3A_1843 = arith.constant 1.000000e+00 : f32
    %sub3A_1844 = vector.broadcast %sub3A_1843 : f32 to vector<16xf32>
    %sub3A_1845 = arith.subf %sub3A_1844, %mul3A_1842 : vector<16xf32>
    %select_n3A_1846 = arith.select %and3A_1839, %sub3A_1845, %broadcast_in_dim3A_1159 : vector<16xi1>, vector<16xf32>
    %add3A_1847 = arith.addf %add3A_1835, %select_n3A_1846 : vector<16xf32>
    %get3A_1848 = arith.constant 3 : i32
    %get3A_1849 = arith.index_cast %get3A_1848 : i32 to index
    %get3A_1850 = arith.constant 64 : index
    %get3A_1851 = tpu.vector_load %arg7[%get3A_1849, %get3A_1850] {strides = array<i32>} : memref<11x128xf32, #tpu.memory_space<vmem>>, vector<1x16xf32>,
    %get3A_1852 = vector.shape_cast %get3A_1851 : vector<1x16xf32> to vector<16xf32>
    %neg3A_1853 = arith.constant 0.000000e+00 : f32
    %neg3A_1854 = vector.broadcast %neg3A_1853 : f32 to vector<16xf32>
    %neg3A_1855 = arith.subf %neg3A_1854, %get3A_1852 : vector<16xf32>
    %exp3A_1856 = math.exp %neg3A_1855 : vector<16xf32>
    %add3A_1857 = arith.constant 1.000000e+00 : f32
    %add3A_1858 = vector.broadcast %add3A_1857 : f32 to vector<16xf32>
    %add3A_1859 = arith.addf %add3A_1858, %exp3A_1856 : vector<16xf32>
    %div3A_1860 = arith.constant 1.000000e+00 : f32
    %div3A_1861 = vector.broadcast %div3A_1860 : f32 to vector<16xf32>
    %div3A_1862 = arith.divf %div3A_1861, %add3A_1859 : vector<16xf32>
    %mul3A_1863 = arith.mulf %select_n3A, %div3A_1862 : vector<16xf32>
    %mul3A_1864 = arith.mulf %mul3A_1863, %div3A_1862 : vector<16xf32>
    %add3A_1865 = arith.addf %add3A_1847, %mul3A_1864 : vector<16xf32>
    %eq3A_1866 = arith.constant 23 : i32
    %eq3A_1867 = vector.broadcast %eq3A_1866 : i32 to vector<16xi32>
    %eq3A_1868 = arith.cmpi eq, %get3A_23, %eq3A_1867 : vector<16xi32>
    %and3A_1869 = arith.andi %gt3A_34, %eq3A_1868 : vector<16xi1>
    %mul3A_1870 = arith.constant 2.000000e+00 : f32
    %mul3A_1871 = vector.broadcast %mul3A_1870 : f32 to vector<16xf32>
    %mul3A_1872 = arith.mulf %mul3A_1871, %div3A_1862 : vector<16xf32>
    %sub3A_1873 = arith.constant 1.000000e+00 : f32
    %sub3A_1874 = vector.broadcast %sub3A_1873 : f32 to vector<16xf32>
    %sub3A_1875 = arith.subf %sub3A_1874, %mul3A_1872 : vector<16xf32>
    %select_n3A_1876 = arith.select %and3A_1869, %sub3A_1875, %broadcast_in_dim3A_1159 : vector<16xi1>, vector<16xf32>
    %add3A_1877 = arith.addf %add3A_1865, %select_n3A_1876 : vector<16xf32>
    %get3A_1878 = arith.constant 3 : i32
    %get3A_1879 = arith.index_cast %get3A_1878 : i32 to index
    %get3A_1880 = arith.constant 80 : index
    %get3A_1881 = tpu.vector_load %arg7[%get3A_1879, %get3A_1880] {strides = array<i32>} : memref<11x128xf32, #tpu.memory_space<vmem>>, vector<1x16xf32>,
    %get3A_1882 = vector.shape_cast %get3A_1881 : vector<1x16xf32> to vector<16xf32>
    %neg3A_1883 = arith.constant 0.000000e+00 : f32
    %neg3A_1884 = vector.broadcast %neg3A_1883 : f32 to vector<16xf32>
    %neg3A_1885 = arith.subf %neg3A_1884, %get3A_1882 : vector<16xf32>
    %exp3A_1886 = math.exp %neg3A_1885 : vector<16xf32>
    %add3A_1887 = arith.constant 1.000000e+00 : f32
    %add3A_1888 = vector.broadcast %add3A_1887 : f32 to vector<16xf32>
    %add3A_1889 = arith.addf %add3A_1888, %exp3A_1886 : vector<16xf32>
    %div3A_1890 = arith.constant 1.000000e+00 : f32
    %div3A_1891 = vector.broadcast %div3A_1890 : f32 to vector<16xf32>
    %div3A_1892 = arith.divf %div3A_1891, %add3A_1889 : vector<16xf32>
    %mul3A_1893 = arith.mulf %select_n3A, %div3A_1892 : vector<16xf32>
    %mul3A_1894 = arith.mulf %mul3A_1893, %div3A_1892 : vector<16xf32>
    %add3A_1895 = arith.addf %add3A_1877, %mul3A_1894 : vector<16xf32>
    %eq3A_1896 = arith.constant 24 : i32
    %eq3A_1897 = vector.broadcast %eq3A_1896 : i32 to vector<16xi32>
    %eq3A_1898 = arith.cmpi eq, %get3A_23, %eq3A_1897 : vector<16xi32>
    %and3A_1899 = arith.andi %gt3A_34, %eq3A_1898 : vector<16xi1>
    %mul3A_1900 = arith.constant 2.000000e+00 : f32
    %mul3A_1901 = vector.broadcast %mul3A_1900 : f32 to vector<16xf32>
    %mul3A_1902 = arith.mulf %mul3A_1901, %div3A_1892 : vector<16xf32>
    %sub3A_1903 = arith.constant 1.000000e+00 : f32
    %sub3A_1904 = vector.broadcast %sub3A_1903 : f32 to vector<16xf32>
    %sub3A_1905 = arith.subf %sub3A_1904, %mul3A_1902 : vector<16xf32>
    %select_n3A_1906 = arith.select %and3A_1899, %sub3A_1905, %broadcast_in_dim3A_1159 : vector<16xi1>, vector<16xf32>
    %add3A_1907 = arith.addf %add3A_1895, %select_n3A_1906 : vector<16xf32>
    %get3A_1908 = arith.constant 3 : i32
    %get3A_1909 = arith.index_cast %get3A_1908 : i32 to index
    %get3A_1910 = arith.constant 96 : index
    %get3A_1911 = tpu.vector_load %arg7[%get3A_1909, %get3A_1910] {strides = array<i32>} : memref<11x128xf32, #tpu.memory_space<vmem>>, vector<1x16xf32>,
    %get3A_1912 = vector.shape_cast %get3A_1911 : vector<1x16xf32> to vector<16xf32>
    %neg3A_1913 = arith.constant 0.000000e+00 : f32
    %neg3A_1914 = vector.broadcast %neg3A_1913 : f32 to vector<16xf32>
    %neg3A_1915 = arith.subf %neg3A_1914, %get3A_1912 : vector<16xf32>
    %exp3A_1916 = math.exp %neg3A_1915 : vector<16xf32>
    %add3A_1917 = arith.constant 1.000000e+00 : f32
    %add3A_1918 = vector.broadcast %add3A_1917 : f32 to vector<16xf32>
    %add3A_1919 = arith.addf %add3A_1918, %exp3A_1916 : vector<16xf32>
    %div3A_1920 = arith.constant 1.000000e+00 : f32
    %div3A_1921 = vector.broadcast %div3A_1920 : f32 to vector<16xf32>
    %div3A_1922 = arith.divf %div3A_1921, %add3A_1919 : vector<16xf32>
    %mul3A_1923 = arith.mulf %select_n3A, %div3A_1922 : vector<16xf32>
    %mul3A_1924 = arith.mulf %mul3A_1923, %div3A_1922 : vector<16xf32>
    %add3A_1925 = arith.addf %add3A_1907, %mul3A_1924 : vector<16xf32>
    %eq3A_1926 = arith.constant 25 : i32
    %eq3A_1927 = vector.broadcast %eq3A_1926 : i32 to vector<16xi32>
    %eq3A_1928 = arith.cmpi eq, %get3A_23, %eq3A_1927 : vector<16xi32>
    %and3A_1929 = arith.andi %gt3A_34, %eq3A_1928 : vector<16xi1>
    %mul3A_1930 = arith.constant 2.000000e+00 : f32
    %mul3A_1931 = vector.broadcast %mul3A_1930 : f32 to vector<16xf32>
    %mul3A_1932 = arith.mulf %mul3A_1931, %div3A_1922 : vector<16xf32>
    %sub3A_1933 = arith.constant 1.000000e+00 : f32
    %sub3A_1934 = vector.broadcast %sub3A_1933 : f32 to vector<16xf32>
    %sub3A_1935 = arith.subf %sub3A_1934, %mul3A_1932 : vector<16xf32>
    %select_n3A_1936 = arith.select %and3A_1929, %sub3A_1935, %broadcast_in_dim3A_1159 : vector<16xi1>, vector<16xf32>
    %add3A_1937 = arith.addf %add3A_1925, %select_n3A_1936 : vector<16xf32>
    %get3A_1938 = arith.constant 3 : i32
    %get3A_1939 = arith.index_cast %get3A_1938 : i32 to index
    %get3A_1940 = arith.constant 112 : index
    %get3A_1941 = tpu.vector_load %arg7[%get3A_1939, %get3A_1940] {strides = array<i32>} : memref<11x128xf32, #tpu.memory_space<vmem>>, vector<1x16xf32>,
    %get3A_1942 = vector.shape_cast %get3A_1941 : vector<1x16xf32> to vector<16xf32>
    %neg3A_1943 = arith.constant 0.000000e+00 : f32
    %neg3A_1944 = vector.broadcast %neg3A_1943 : f32 to vector<16xf32>
    %neg3A_1945 = arith.subf %neg3A_1944, %get3A_1942 : vector<16xf32>
    %exp3A_1946 = math.exp %neg3A_1945 : vector<16xf32>
    %add3A_1947 = arith.constant 1.000000e+00 : f32
    %add3A_1948 = vector.broadcast %add3A_1947 : f32 to vector<16xf32>
    %add3A_1949 = arith.addf %add3A_1948, %exp3A_1946 : vector<16xf32>
    %div3A_1950 = arith.constant 1.000000e+00 : f32
    %div3A_1951 = vector.broadcast %div3A_1950 : f32 to vector<16xf32>
    %div3A_1952 = arith.divf %div3A_1951, %add3A_1949 : vector<16xf32>
    %mul3A_1953 = arith.mulf %select_n3A, %div3A_1952 : vector<16xf32>
    %mul3A_1954 = arith.mulf %mul3A_1953, %div3A_1952 : vector<16xf32>
    %add3A_1955 = arith.addf %add3A_1937, %mul3A_1954 : vector<16xf32>
    %eq3A_1956 = arith.constant 26 : i32
    %eq3A_1957 = vector.broadcast %eq3A_1956 : i32 to vector<16xi32>
    %eq3A_1958 = arith.cmpi eq, %get3A_23, %eq3A_1957 : vector<16xi32>
    %and3A_1959 = arith.andi %gt3A_34, %eq3A_1958 : vector<16xi1>
    %mul3A_1960 = arith.constant 2.000000e+00 : f32
    %mul3A_1961 = vector.broadcast %mul3A_1960 : f32 to vector<16xf32>
    %mul3A_1962 = arith.mulf %mul3A_1961, %div3A_1952 : vector<16xf32>
    %sub3A_1963 = arith.constant 1.000000e+00 : f32
    %sub3A_1964 = vector.broadcast %sub3A_1963 : f32 to vector<16xf32>
    %sub3A_1965 = arith.subf %sub3A_1964, %mul3A_1962 : vector<16xf32>
    %select_n3A_1966 = arith.select %and3A_1959, %sub3A_1965, %broadcast_in_dim3A_1159 : vector<16xi1>, vector<16xf32>
    %add3A_1967 = arith.addf %add3A_1955, %select_n3A_1966 : vector<16xf32>
    %get3A_1968 = arith.constant 4 : i32
    %get3A_1969 = arith.index_cast %get3A_1968 : i32 to index
    %get3A_1970 = arith.constant 0 : index
    %get3A_1971 = tpu.vector_load %arg7[%get3A_1969, %get3A_1970] {strides = array<i32>} : memref<11x128xf32, #tpu.memory_space<vmem>>, vector<1x16xf32>,
    %get3A_1972 = vector.shape_cast %get3A_1971 : vector<1x16xf32> to vector<16xf32>
    %neg3A_1973 = arith.constant 0.000000e+00 : f32
    %neg3A_1974 = vector.broadcast %neg3A_1973 : f32 to vector<16xf32>
    %neg3A_1975 = arith.subf %neg3A_1974, %get3A_1972 : vector<16xf32>
    %exp3A_1976 = math.exp %neg3A_1975 : vector<16xf32>
    %add3A_1977 = arith.constant 1.000000e+00 : f32
    %add3A_1978 = vector.broadcast %add3A_1977 : f32 to vector<16xf32>
    %add3A_1979 = arith.addf %add3A_1978, %exp3A_1976 : vector<16xf32>
    %div3A_1980 = arith.constant 1.000000e+00 : f32
    %div3A_1981 = vector.broadcast %div3A_1980 : f32 to vector<16xf32>
    %div3A_1982 = arith.divf %div3A_1981, %add3A_1979 : vector<16xf32>
    %mul3A_1983 = arith.mulf %select_n3A, %div3A_1982 : vector<16xf32>
    %mul3A_1984 = arith.mulf %mul3A_1983, %div3A_1982 : vector<16xf32>
    %add3A_1985 = arith.addf %add3A_1967, %mul3A_1984 : vector<16xf32>
    %eq3A_1986 = arith.constant 27 : i32
    %eq3A_1987 = vector.broadcast %eq3A_1986 : i32 to vector<16xi32>
    %eq3A_1988 = arith.cmpi eq, %get3A_23, %eq3A_1987 : vector<16xi32>
    %and3A_1989 = arith.andi %gt3A_34, %eq3A_1988 : vector<16xi1>
    %mul3A_1990 = arith.constant 2.000000e+00 : f32
    %mul3A_1991 = vector.broadcast %mul3A_1990 : f32 to vector<16xf32>
    %mul3A_1992 = arith.mulf %mul3A_1991, %div3A_1982 : vector<16xf32>
    %sub3A_1993 = arith.constant 1.000000e+00 : f32
    %sub3A_1994 = vector.broadcast %sub3A_1993 : f32 to vector<16xf32>
    %sub3A_1995 = arith.subf %sub3A_1994, %mul3A_1992 : vector<16xf32>
    %select_n3A_1996 = arith.select %and3A_1989, %sub3A_1995, %broadcast_in_dim3A_1159 : vector<16xi1>, vector<16xf32>
    %add3A_1997 = arith.addf %add3A_1985, %select_n3A_1996 : vector<16xf32>
    %get3A_1998 = arith.constant 4 : i32
    %get3A_1999 = arith.index_cast %get3A_1998 : i32 to index
    %get3A_2000 = arith.constant 16 : index
    %get3A_2001 = tpu.vector_load %arg7[%get3A_1999, %get3A_2000] {strides = array<i32>} : memref<11x128xf32, #tpu.memory_space<vmem>>, vector<1x16xf32>,
    %get3A_2002 = vector.shape_cast %get3A_2001 : vector<1x16xf32> to vector<16xf32>
    %neg3A_2003 = arith.constant 0.000000e+00 : f32
    %neg3A_2004 = vector.broadcast %neg3A_2003 : f32 to vector<16xf32>
    %neg3A_2005 = arith.subf %neg3A_2004, %get3A_2002 : vector<16xf32>
    %exp3A_2006 = math.exp %neg3A_2005 : vector<16xf32>
    %add3A_2007 = arith.constant 1.000000e+00 : f32
    %add3A_2008 = vector.broadcast %add3A_2007 : f32 to vector<16xf32>
    %add3A_2009 = arith.addf %add3A_2008, %exp3A_2006 : vector<16xf32>
    %div3A_2010 = arith.constant 1.000000e+00 : f32
    %div3A_2011 = vector.broadcast %div3A_2010 : f32 to vector<16xf32>
    %div3A_2012 = arith.divf %div3A_2011, %add3A_2009 : vector<16xf32>
    %mul3A_2013 = arith.mulf %select_n3A, %div3A_2012 : vector<16xf32>
    %mul3A_2014 = arith.mulf %mul3A_2013, %div3A_2012 : vector<16xf32>
    %add3A_2015 = arith.addf %add3A_1997, %mul3A_2014 : vector<16xf32>
    %eq3A_2016 = arith.constant 28 : i32
    %eq3A_2017 = vector.broadcast %eq3A_2016 : i32 to vector<16xi32>
    %eq3A_2018 = arith.cmpi eq, %get3A_23, %eq3A_2017 : vector<16xi32>
    %and3A_2019 = arith.andi %gt3A_34, %eq3A_2018 : vector<16xi1>
    %mul3A_2020 = arith.constant 2.000000e+00 : f32
    %mul3A_2021 = vector.broadcast %mul3A_2020 : f32 to vector<16xf32>
    %mul3A_2022 = arith.mulf %mul3A_2021, %div3A_2012 : vector<16xf32>
    %sub3A_2023 = arith.constant 1.000000e+00 : f32
    %sub3A_2024 = vector.broadcast %sub3A_2023 : f32 to vector<16xf32>
    %sub3A_2025 = arith.subf %sub3A_2024, %mul3A_2022 : vector<16xf32>
    %select_n3A_2026 = arith.select %and3A_2019, %sub3A_2025, %broadcast_in_dim3A_1159 : vector<16xi1>, vector<16xf32>
    %add3A_2027 = arith.addf %add3A_2015, %select_n3A_2026 : vector<16xf32>
    %get3A_2028 = arith.constant 4 : i32
    %get3A_2029 = arith.index_cast %get3A_2028 : i32 to index
    %get3A_2030 = arith.constant 32 : index
    %get3A_2031 = tpu.vector_load %arg7[%get3A_2029, %get3A_2030] {strides = array<i32>} : memref<11x128xf32, #tpu.memory_space<vmem>>, vector<1x16xf32>,
    %get3A_2032 = vector.shape_cast %get3A_2031 : vector<1x16xf32> to vector<16xf32>
    %neg3A_2033 = arith.constant 0.000000e+00 : f32
    %neg3A_2034 = vector.broadcast %neg3A_2033 : f32 to vector<16xf32>
    %neg3A_2035 = arith.subf %neg3A_2034, %get3A_2032 : vector<16xf32>
    %exp3A_2036 = math.exp %neg3A_2035 : vector<16xf32>
    %add3A_2037 = arith.constant 1.000000e+00 : f32
    %add3A_2038 = vector.broadcast %add3A_2037 : f32 to vector<16xf32>
    %add3A_2039 = arith.addf %add3A_2038, %exp3A_2036 : vector<16xf32>
    %div3A_2040 = arith.constant 1.000000e+00 : f32
    %div3A_2041 = vector.broadcast %div3A_2040 : f32 to vector<16xf32>
    %div3A_2042 = arith.divf %div3A_2041, %add3A_2039 : vector<16xf32>
    %mul3A_2043 = arith.mulf %select_n3A, %div3A_2042 : vector<16xf32>
    %mul3A_2044 = arith.mulf %mul3A_2043, %div3A_2042 : vector<16xf32>
    %add3A_2045 = arith.addf %add3A_2027, %mul3A_2044 : vector<16xf32>
    %eq3A_2046 = arith.constant 29 : i32
    %eq3A_2047 = vector.broadcast %eq3A_2046 : i32 to vector<16xi32>
    %eq3A_2048 = arith.cmpi eq, %get3A_23, %eq3A_2047 : vector<16xi32>
    %and3A_2049 = arith.andi %gt3A_34, %eq3A_2048 : vector<16xi1>
    %mul3A_2050 = arith.constant 2.000000e+00 : f32
    %mul3A_2051 = vector.broadcast %mul3A_2050 : f32 to vector<16xf32>
    %mul3A_2052 = arith.mulf %mul3A_2051, %div3A_2042 : vector<16xf32>
    %sub3A_2053 = arith.constant 1.000000e+00 : f32
    %sub3A_2054 = vector.broadcast %sub3A_2053 : f32 to vector<16xf32>
    %sub3A_2055 = arith.subf %sub3A_2054, %mul3A_2052 : vector<16xf32>
    %select_n3A_2056 = arith.select %and3A_2049, %sub3A_2055, %broadcast_in_dim3A_1159 : vector<16xi1>, vector<16xf32>
    %add3A_2057 = arith.addf %add3A_2045, %select_n3A_2056 : vector<16xf32>
    %get3A_2058 = arith.constant 4 : i32
    %get3A_2059 = arith.index_cast %get3A_2058 : i32 to index
    %get3A_2060 = arith.constant 48 : index
    %get3A_2061 = tpu.vector_load %arg7[%get3A_2059, %get3A_2060] {strides = array<i32>} : memref<11x128xf32, #tpu.memory_space<vmem>>, vector<1x16xf32>,
    %get3A_2062 = vector.shape_cast %get3A_2061 : vector<1x16xf32> to vector<16xf32>
    %neg3A_2063 = arith.constant 0.000000e+00 : f32
    %neg3A_2064 = vector.broadcast %neg3A_2063 : f32 to vector<16xf32>
    %neg3A_2065 = arith.subf %neg3A_2064, %get3A_2062 : vector<16xf32>
    %exp3A_2066 = math.exp %neg3A_2065 : vector<16xf32>
    %add3A_2067 = arith.constant 1.000000e+00 : f32
    %add3A_2068 = vector.broadcast %add3A_2067 : f32 to vector<16xf32>
    %add3A_2069 = arith.addf %add3A_2068, %exp3A_2066 : vector<16xf32>
    %div3A_2070 = arith.constant 1.000000e+00 : f32
    %div3A_2071 = vector.broadcast %div3A_2070 : f32 to vector<16xf32>
    %div3A_2072 = arith.divf %div3A_2071, %add3A_2069 : vector<16xf32>
    %mul3A_2073 = arith.mulf %select_n3A, %div3A_2072 : vector<16xf32>
    %mul3A_2074 = arith.mulf %mul3A_2073, %div3A_2072 : vector<16xf32>
    %add3A_2075 = arith.addf %add3A_2057, %mul3A_2074 : vector<16xf32>
    %eq3A_2076 = arith.constant 30 : i32
    %eq3A_2077 = vector.broadcast %eq3A_2076 : i32 to vector<16xi32>
    %eq3A_2078 = arith.cmpi eq, %get3A_23, %eq3A_2077 : vector<16xi32>
    %and3A_2079 = arith.andi %gt3A_34, %eq3A_2078 : vector<16xi1>
    %mul3A_2080 = arith.constant 2.000000e+00 : f32
    %mul3A_2081 = vector.broadcast %mul3A_2080 : f32 to vector<16xf32>
    %mul3A_2082 = arith.mulf %mul3A_2081, %div3A_2072 : vector<16xf32>
    %sub3A_2083 = arith.constant 1.000000e+00 : f32
    %sub3A_2084 = vector.broadcast %sub3A_2083 : f32 to vector<16xf32>
    %sub3A_2085 = arith.subf %sub3A_2084, %mul3A_2082 : vector<16xf32>
    %select_n3A_2086 = arith.select %and3A_2079, %sub3A_2085, %broadcast_in_dim3A_1159 : vector<16xi1>, vector<16xf32>
    %add3A_2087 = arith.addf %add3A_2075, %select_n3A_2086 : vector<16xf32>
    %get3A_2088 = arith.constant 4 : i32
    %get3A_2089 = arith.index_cast %get3A_2088 : i32 to index
    %get3A_2090 = arith.constant 64 : index
    %get3A_2091 = tpu.vector_load %arg7[%get3A_2089, %get3A_2090] {strides = array<i32>} : memref<11x128xf32, #tpu.memory_space<vmem>>, vector<1x16xf32>,
    %get3A_2092 = vector.shape_cast %get3A_2091 : vector<1x16xf32> to vector<16xf32>
    %neg3A_2093 = arith.constant 0.000000e+00 : f32
    %neg3A_2094 = vector.broadcast %neg3A_2093 : f32 to vector<16xf32>
    %neg3A_2095 = arith.subf %neg3A_2094, %get3A_2092 : vector<16xf32>
    %exp3A_2096 = math.exp %neg3A_2095 : vector<16xf32>
    %add3A_2097 = arith.constant 1.000000e+00 : f32
    %add3A_2098 = vector.broadcast %add3A_2097 : f32 to vector<16xf32>
    %add3A_2099 = arith.addf %add3A_2098, %exp3A_2096 : vector<16xf32>
    %div3A_2100 = arith.constant 1.000000e+00 : f32
    %div3A_2101 = vector.broadcast %div3A_2100 : f32 to vector<16xf32>
    %div3A_2102 = arith.divf %div3A_2101, %add3A_2099 : vector<16xf32>
    %mul3A_2103 = arith.mulf %select_n3A, %div3A_2102 : vector<16xf32>
    %mul3A_2104 = arith.mulf %mul3A_2103, %div3A_2102 : vector<16xf32>
    %add3A_2105 = arith.addf %add3A_2087, %mul3A_2104 : vector<16xf32>
    %eq3A_2106 = arith.constant 31 : i32
    %eq3A_2107 = vector.broadcast %eq3A_2106 : i32 to vector<16xi32>
    %eq3A_2108 = arith.cmpi eq, %get3A_23, %eq3A_2107 : vector<16xi32>
    %and3A_2109 = arith.andi %gt3A_34, %eq3A_2108 : vector<16xi1>
    %mul3A_2110 = arith.constant 2.000000e+00 : f32
    %mul3A_2111 = vector.broadcast %mul3A_2110 : f32 to vector<16xf32>
    %mul3A_2112 = arith.mulf %mul3A_2111, %div3A_2102 : vector<16xf32>
    %sub3A_2113 = arith.constant 1.000000e+00 : f32
    %sub3A_2114 = vector.broadcast %sub3A_2113 : f32 to vector<16xf32>
    %sub3A_2115 = arith.subf %sub3A_2114, %mul3A_2112 : vector<16xf32>
    %select_n3A_2116 = arith.select %and3A_2109, %sub3A_2115, %broadcast_in_dim3A_1159 : vector<16xi1>, vector<16xf32>
    %add3A_2117 = arith.addf %add3A_2105, %select_n3A_2116 : vector<16xf32>
    %get3A_2118 = arith.constant 4 : i32
    %get3A_2119 = arith.index_cast %get3A_2118 : i32 to index
    %get3A_2120 = arith.constant 80 : index
    %get3A_2121 = tpu.vector_load %arg7[%get3A_2119, %get3A_2120] {strides = array<i32>} : memref<11x128xf32, #tpu.memory_space<vmem>>, vector<1x16xf32>,
    %get3A_2122 = vector.shape_cast %get3A_2121 : vector<1x16xf32> to vector<16xf32>
    %neg3A_2123 = arith.constant 0.000000e+00 : f32
    %neg3A_2124 = vector.broadcast %neg3A_2123 : f32 to vector<16xf32>
    %neg3A_2125 = arith.subf %neg3A_2124, %get3A_2122 : vector<16xf32>
    %exp3A_2126 = math.exp %neg3A_2125 : vector<16xf32>
    %add3A_2127 = arith.constant 1.000000e+00 : f32
    %add3A_2128 = vector.broadcast %add3A_2127 : f32 to vector<16xf32>
    %add3A_2129 = arith.addf %add3A_2128, %exp3A_2126 : vector<16xf32>
    %div3A_2130 = arith.constant 1.000000e+00 : f32
    %div3A_2131 = vector.broadcast %div3A_2130 : f32 to vector<16xf32>
    %div3A_2132 = arith.divf %div3A_2131, %add3A_2129 : vector<16xf32>
    %mul3A_2133 = arith.mulf %select_n3A, %div3A_2132 : vector<16xf32>
    %mul3A_2134 = arith.mulf %mul3A_2133, %div3A_2132 : vector<16xf32>
    %add3A_2135 = arith.addf %add3A_2117, %mul3A_2134 : vector<16xf32>
    %eq3A_2136 = arith.constant 32 : i32
    %eq3A_2137 = vector.broadcast %eq3A_2136 : i32 to vector<16xi32>
    %eq3A_2138 = arith.cmpi eq, %get3A_23, %eq3A_2137 : vector<16xi32>
    %and3A_2139 = arith.andi %gt3A_34, %eq3A_2138 : vector<16xi1>
    %mul3A_2140 = arith.constant 2.000000e+00 : f32
    %mul3A_2141 = vector.broadcast %mul3A_2140 : f32 to vector<16xf32>
    %mul3A_2142 = arith.mulf %mul3A_2141, %div3A_2132 : vector<16xf32>
    %sub3A_2143 = arith.constant 1.000000e+00 : f32
    %sub3A_2144 = vector.broadcast %sub3A_2143 : f32 to vector<16xf32>
    %sub3A_2145 = arith.subf %sub3A_2144, %mul3A_2142 : vector<16xf32>
    %select_n3A_2146 = arith.select %and3A_2139, %sub3A_2145, %broadcast_in_dim3A_1159 : vector<16xi1>, vector<16xf32>
    %add3A_2147 = arith.addf %add3A_2135, %select_n3A_2146 : vector<16xf32>
    %get3A_2148 = arith.constant 4 : i32
    %get3A_2149 = arith.index_cast %get3A_2148 : i32 to index
    %get3A_2150 = arith.constant 96 : index
    %get3A_2151 = tpu.vector_load %arg7[%get3A_2149, %get3A_2150] {strides = array<i32>} : memref<11x128xf32, #tpu.memory_space<vmem>>, vector<1x16xf32>,
    %get3A_2152 = vector.shape_cast %get3A_2151 : vector<1x16xf32> to vector<16xf32>
    %neg3A_2153 = arith.constant 0.000000e+00 : f32
    %neg3A_2154 = vector.broadcast %neg3A_2153 : f32 to vector<16xf32>
    %neg3A_2155 = arith.subf %neg3A_2154, %get3A_2152 : vector<16xf32>
    %exp3A_2156 = math.exp %neg3A_2155 : vector<16xf32>
    %add3A_2157 = arith.constant 1.000000e+00 : f32
    %add3A_2158 = vector.broadcast %add3A_2157 : f32 to vector<16xf32>
    %add3A_2159 = arith.addf %add3A_2158, %exp3A_2156 : vector<16xf32>
    %div3A_2160 = arith.constant 1.000000e+00 : f32
    %div3A_2161 = vector.broadcast %div3A_2160 : f32 to vector<16xf32>
    %div3A_2162 = arith.divf %div3A_2161, %add3A_2159 : vector<16xf32>
    %mul3A_2163 = arith.mulf %select_n3A, %div3A_2162 : vector<16xf32>
    %mul3A_2164 = arith.mulf %mul3A_2163, %div3A_2162 : vector<16xf32>
    %add3A_2165 = arith.addf %add3A_2147, %mul3A_2164 : vector<16xf32>
    %eq3A_2166 = arith.constant 33 : i32
    %eq3A_2167 = vector.broadcast %eq3A_2166 : i32 to vector<16xi32>
    %eq3A_2168 = arith.cmpi eq, %get3A_23, %eq3A_2167 : vector<16xi32>
    %and3A_2169 = arith.andi %gt3A_34, %eq3A_2168 : vector<16xi1>
    %mul3A_2170 = arith.constant 2.000000e+00 : f32
    %mul3A_2171 = vector.broadcast %mul3A_2170 : f32 to vector<16xf32>
    %mul3A_2172 = arith.mulf %mul3A_2171, %div3A_2162 : vector<16xf32>
    %sub3A_2173 = arith.constant 1.000000e+00 : f32
    %sub3A_2174 = vector.broadcast %sub3A_2173 : f32 to vector<16xf32>
    %sub3A_2175 = arith.subf %sub3A_2174, %mul3A_2172 : vector<16xf32>
    %select_n3A_2176 = arith.select %and3A_2169, %sub3A_2175, %broadcast_in_dim3A_1159 : vector<16xi1>, vector<16xf32>
    %add3A_2177 = arith.addf %add3A_2165, %select_n3A_2176 : vector<16xf32>
    %get3A_2178 = arith.constant 4 : i32
    %get3A_2179 = arith.index_cast %get3A_2178 : i32 to index
    %get3A_2180 = arith.constant 112 : index
    %get3A_2181 = tpu.vector_load %arg7[%get3A_2179, %get3A_2180] {strides = array<i32>} : memref<11x128xf32, #tpu.memory_space<vmem>>, vector<1x16xf32>,
    %get3A_2182 = vector.shape_cast %get3A_2181 : vector<1x16xf32> to vector<16xf32>
    %neg3A_2183 = arith.constant 0.000000e+00 : f32
    %neg3A_2184 = vector.broadcast %neg3A_2183 : f32 to vector<16xf32>
    %neg3A_2185 = arith.subf %neg3A_2184, %get3A_2182 : vector<16xf32>
    %exp3A_2186 = math.exp %neg3A_2185 : vector<16xf32>
    %add3A_2187 = arith.constant 1.000000e+00 : f32
    %add3A_2188 = vector.broadcast %add3A_2187 : f32 to vector<16xf32>
    %add3A_2189 = arith.addf %add3A_2188, %exp3A_2186 : vector<16xf32>
    %div3A_2190 = arith.constant 1.000000e+00 : f32
    %div3A_2191 = vector.broadcast %div3A_2190 : f32 to vector<16xf32>
    %div3A_2192 = arith.divf %div3A_2191, %add3A_2189 : vector<16xf32>
    %mul3A_2193 = arith.mulf %select_n3A, %div3A_2192 : vector<16xf32>
    %mul3A_2194 = arith.mulf %mul3A_2193, %div3A_2192 : vector<16xf32>
    %add3A_2195 = arith.addf %add3A_2177, %mul3A_2194 : vector<16xf32>
    %eq3A_2196 = arith.constant 34 : i32
    %eq3A_2197 = vector.broadcast %eq3A_2196 : i32 to vector<16xi32>
    %eq3A_2198 = arith.cmpi eq, %get3A_23, %eq3A_2197 : vector<16xi32>
    %and3A_2199 = arith.andi %gt3A_34, %eq3A_2198 : vector<16xi1>
    %mul3A_2200 = arith.constant 2.000000e+00 : f32
    %mul3A_2201 = vector.broadcast %mul3A_2200 : f32 to vector<16xf32>
    %mul3A_2202 = arith.mulf %mul3A_2201, %div3A_2192 : vector<16xf32>
    %sub3A_2203 = arith.constant 1.000000e+00 : f32
    %sub3A_2204 = vector.broadcast %sub3A_2203 : f32 to vector<16xf32>
    %sub3A_2205 = arith.subf %sub3A_2204, %mul3A_2202 : vector<16xf32>
    %select_n3A_2206 = arith.select %and3A_2199, %sub3A_2205, %broadcast_in_dim3A_1159 : vector<16xi1>, vector<16xf32>
    %add3A_2207 = arith.addf %add3A_2195, %select_n3A_2206 : vector<16xf32>
    %get3A_2208 = arith.constant 5 : i32
    %get3A_2209 = arith.index_cast %get3A_2208 : i32 to index
    %get3A_2210 = arith.constant 0 : index
    %get3A_2211 = tpu.vector_load %arg7[%get3A_2209, %get3A_2210] {strides = array<i32>} : memref<11x128xf32, #tpu.memory_space<vmem>>, vector<1x16xf32>,
    %get3A_2212 = vector.shape_cast %get3A_2211 : vector<1x16xf32> to vector<16xf32>
    %neg3A_2213 = arith.constant 0.000000e+00 : f32
    %neg3A_2214 = vector.broadcast %neg3A_2213 : f32 to vector<16xf32>
    %neg3A_2215 = arith.subf %neg3A_2214, %get3A_2212 : vector<16xf32>
    %exp3A_2216 = math.exp %neg3A_2215 : vector<16xf32>
    %add3A_2217 = arith.constant 1.000000e+00 : f32
    %add3A_2218 = vector.broadcast %add3A_2217 : f32 to vector<16xf32>
    %add3A_2219 = arith.addf %add3A_2218, %exp3A_2216 : vector<16xf32>
    %div3A_2220 = arith.constant 1.000000e+00 : f32
    %div3A_2221 = vector.broadcast %div3A_2220 : f32 to vector<16xf32>
    %div3A_2222 = arith.divf %div3A_2221, %add3A_2219 : vector<16xf32>
    %mul3A_2223 = arith.mulf %select_n3A, %div3A_2222 : vector<16xf32>
    %mul3A_2224 = arith.mulf %mul3A_2223, %div3A_2222 : vector<16xf32>
    %add3A_2225 = arith.addf %add3A_2207, %mul3A_2224 : vector<16xf32>
    %eq3A_2226 = arith.constant 35 : i32
    %eq3A_2227 = vector.broadcast %eq3A_2226 : i32 to vector<16xi32>
    %eq3A_2228 = arith.cmpi eq, %get3A_23, %eq3A_2227 : vector<16xi32>
    %and3A_2229 = arith.andi %gt3A_34, %eq3A_2228 : vector<16xi1>
    %mul3A_2230 = arith.constant 2.000000e+00 : f32
    %mul3A_2231 = vector.broadcast %mul3A_2230 : f32 to vector<16xf32>
    %mul3A_2232 = arith.mulf %mul3A_2231, %div3A_2222 : vector<16xf32>
    %sub3A_2233 = arith.constant 1.000000e+00 : f32
    %sub3A_2234 = vector.broadcast %sub3A_2233 : f32 to vector<16xf32>
    %sub3A_2235 = arith.subf %sub3A_2234, %mul3A_2232 : vector<16xf32>
    %select_n3A_2236 = arith.select %and3A_2229, %sub3A_2235, %broadcast_in_dim3A_1159 : vector<16xi1>, vector<16xf32>
    %add3A_2237 = arith.addf %add3A_2225, %select_n3A_2236 : vector<16xf32>
    %get3A_2238 = arith.constant 5 : i32
    %get3A_2239 = arith.index_cast %get3A_2238 : i32 to index
    %get3A_2240 = arith.constant 16 : index
    %get3A_2241 = tpu.vector_load %arg7[%get3A_2239, %get3A_2240] {strides = array<i32>} : memref<11x128xf32, #tpu.memory_space<vmem>>, vector<1x16xf32>,
    %get3A_2242 = vector.shape_cast %get3A_2241 : vector<1x16xf32> to vector<16xf32>
    %neg3A_2243 = arith.constant 0.000000e+00 : f32
    %neg3A_2244 = vector.broadcast %neg3A_2243 : f32 to vector<16xf32>
    %neg3A_2245 = arith.subf %neg3A_2244, %get3A_2242 : vector<16xf32>
    %exp3A_2246 = math.exp %neg3A_2245 : vector<16xf32>
    %add3A_2247 = arith.constant 1.000000e+00 : f32
    %add3A_2248 = vector.broadcast %add3A_2247 : f32 to vector<16xf32>
    %add3A_2249 = arith.addf %add3A_2248, %exp3A_2246 : vector<16xf32>
    %div3A_2250 = arith.constant 1.000000e+00 : f32
    %div3A_2251 = vector.broadcast %div3A_2250 : f32 to vector<16xf32>
    %div3A_2252 = arith.divf %div3A_2251, %add3A_2249 : vector<16xf32>
    %mul3A_2253 = arith.mulf %select_n3A, %div3A_2252 : vector<16xf32>
    %mul3A_2254 = arith.mulf %mul3A_2253, %div3A_2252 : vector<16xf32>
    %add3A_2255 = arith.addf %add3A_2237, %mul3A_2254 : vector<16xf32>
    %eq3A_2256 = arith.constant 36 : i32
    %eq3A_2257 = vector.broadcast %eq3A_2256 : i32 to vector<16xi32>
    %eq3A_2258 = arith.cmpi eq, %get3A_23, %eq3A_2257 : vector<16xi32>
    %and3A_2259 = arith.andi %gt3A_34, %eq3A_2258 : vector<16xi1>
    %mul3A_2260 = arith.constant 2.000000e+00 : f32
    %mul3A_2261 = vector.broadcast %mul3A_2260 : f32 to vector<16xf32>
    %mul3A_2262 = arith.mulf %mul3A_2261, %div3A_2252 : vector<16xf32>
    %sub3A_2263 = arith.constant 1.000000e+00 : f32
    %sub3A_2264 = vector.broadcast %sub3A_2263 : f32 to vector<16xf32>
    %sub3A_2265 = arith.subf %sub3A_2264, %mul3A_2262 : vector<16xf32>
    %select_n3A_2266 = arith.select %and3A_2259, %sub3A_2265, %broadcast_in_dim3A_1159 : vector<16xi1>, vector<16xf32>
    %add3A_2267 = arith.addf %add3A_2255, %select_n3A_2266 : vector<16xf32>
    %get3A_2268 = arith.constant 5 : i32
    %get3A_2269 = arith.index_cast %get3A_2268 : i32 to index
    %get3A_2270 = arith.constant 32 : index
    %get3A_2271 = tpu.vector_load %arg7[%get3A_2269, %get3A_2270] {strides = array<i32>} : memref<11x128xf32, #tpu.memory_space<vmem>>, vector<1x16xf32>,
    %get3A_2272 = vector.shape_cast %get3A_2271 : vector<1x16xf32> to vector<16xf32>
    %neg3A_2273 = arith.constant 0.000000e+00 : f32
    %neg3A_2274 = vector.broadcast %neg3A_2273 : f32 to vector<16xf32>
    %neg3A_2275 = arith.subf %neg3A_2274, %get3A_2272 : vector<16xf32>
    %exp3A_2276 = math.exp %neg3A_2275 : vector<16xf32>
    %add3A_2277 = arith.constant 1.000000e+00 : f32
    %add3A_2278 = vector.broadcast %add3A_2277 : f32 to vector<16xf32>
    %add3A_2279 = arith.addf %add3A_2278, %exp3A_2276 : vector<16xf32>
    %div3A_2280 = arith.constant 1.000000e+00 : f32
    %div3A_2281 = vector.broadcast %div3A_2280 : f32 to vector<16xf32>
    %div3A_2282 = arith.divf %div3A_2281, %add3A_2279 : vector<16xf32>
    %mul3A_2283 = arith.mulf %select_n3A, %div3A_2282 : vector<16xf32>
    %mul3A_2284 = arith.mulf %mul3A_2283, %div3A_2282 : vector<16xf32>
    %add3A_2285 = arith.addf %add3A_2267, %mul3A_2284 : vector<16xf32>
    %eq3A_2286 = arith.constant 37 : i32
    %eq3A_2287 = vector.broadcast %eq3A_2286 : i32 to vector<16xi32>
    %eq3A_2288 = arith.cmpi eq, %get3A_23, %eq3A_2287 : vector<16xi32>
    %and3A_2289 = arith.andi %gt3A_34, %eq3A_2288 : vector<16xi1>
    %mul3A_2290 = arith.constant 2.000000e+00 : f32
    %mul3A_2291 = vector.broadcast %mul3A_2290 : f32 to vector<16xf32>
    %mul3A_2292 = arith.mulf %mul3A_2291, %div3A_2282 : vector<16xf32>
    %sub3A_2293 = arith.constant 1.000000e+00 : f32
    %sub3A_2294 = vector.broadcast %sub3A_2293 : f32 to vector<16xf32>
    %sub3A_2295 = arith.subf %sub3A_2294, %mul3A_2292 : vector<16xf32>
    %select_n3A_2296 = arith.select %and3A_2289, %sub3A_2295, %broadcast_in_dim3A_1159 : vector<16xi1>, vector<16xf32>
    %add3A_2297 = arith.addf %add3A_2285, %select_n3A_2296 : vector<16xf32>
    %get3A_2298 = arith.constant 5 : i32
    %get3A_2299 = arith.index_cast %get3A_2298 : i32 to index
    %get3A_2300 = arith.constant 48 : index
    %get3A_2301 = tpu.vector_load %arg7[%get3A_2299, %get3A_2300] {strides = array<i32>} : memref<11x128xf32, #tpu.memory_space<vmem>>, vector<1x16xf32>,
    %get3A_2302 = vector.shape_cast %get3A_2301 : vector<1x16xf32> to vector<16xf32>
    %neg3A_2303 = arith.constant 0.000000e+00 : f32
    %neg3A_2304 = vector.broadcast %neg3A_2303 : f32 to vector<16xf32>
    %neg3A_2305 = arith.subf %neg3A_2304, %get3A_2302 : vector<16xf32>
    %exp3A_2306 = math.exp %neg3A_2305 : vector<16xf32>
    %add3A_2307 = arith.constant 1.000000e+00 : f32
    %add3A_2308 = vector.broadcast %add3A_2307 : f32 to vector<16xf32>
    %add3A_2309 = arith.addf %add3A_2308, %exp3A_2306 : vector<16xf32>
    %div3A_2310 = arith.constant 1.000000e+00 : f32
    %div3A_2311 = vector.broadcast %div3A_2310 : f32 to vector<16xf32>
    %div3A_2312 = arith.divf %div3A_2311, %add3A_2309 : vector<16xf32>
    %mul3A_2313 = arith.mulf %select_n3A, %div3A_2312 : vector<16xf32>
    %mul3A_2314 = arith.mulf %mul3A_2313, %div3A_2312 : vector<16xf32>
    %add3A_2315 = arith.addf %add3A_2297, %mul3A_2314 : vector<16xf32>
    %eq3A_2316 = arith.constant 38 : i32
    %eq3A_2317 = vector.broadcast %eq3A_2316 : i32 to vector<16xi32>
    %eq3A_2318 = arith.cmpi eq, %get3A_23, %eq3A_2317 : vector<16xi32>
    %and3A_2319 = arith.andi %gt3A_34, %eq3A_2318 : vector<16xi1>
    %mul3A_2320 = arith.constant 2.000000e+00 : f32
    %mul3A_2321 = vector.broadcast %mul3A_2320 : f32 to vector<16xf32>
    %mul3A_2322 = arith.mulf %mul3A_2321, %div3A_2312 : vector<16xf32>
    %sub3A_2323 = arith.constant 1.000000e+00 : f32
    %sub3A_2324 = vector.broadcast %sub3A_2323 : f32 to vector<16xf32>
    %sub3A_2325 = arith.subf %sub3A_2324, %mul3A_2322 : vector<16xf32>
    %select_n3A_2326 = arith.select %and3A_2319, %sub3A_2325, %broadcast_in_dim3A_1159 : vector<16xi1>, vector<16xf32>
    %add3A_2327 = arith.addf %add3A_2315, %select_n3A_2326 : vector<16xf32>
    %get3A_2328 = arith.constant 5 : i32
    %get3A_2329 = arith.index_cast %get3A_2328 : i32 to index
    %get3A_2330 = arith.constant 64 : index
    %get3A_2331 = tpu.vector_load %arg7[%get3A_2329, %get3A_2330] {strides = array<i32>} : memref<11x128xf32, #tpu.memory_space<vmem>>, vector<1x16xf32>,
    %get3A_2332 = vector.shape_cast %get3A_2331 : vector<1x16xf32> to vector<16xf32>
    %neg3A_2333 = arith.constant 0.000000e+00 : f32
    %neg3A_2334 = vector.broadcast %neg3A_2333 : f32 to vector<16xf32>
    %neg3A_2335 = arith.subf %neg3A_2334, %get3A_2332 : vector<16xf32>
    %exp3A_2336 = math.exp %neg3A_2335 : vector<16xf32>
    %add3A_2337 = arith.constant 1.000000e+00 : f32
    %add3A_2338 = vector.broadcast %add3A_2337 : f32 to vector<16xf32>
    %add3A_2339 = arith.addf %add3A_2338, %exp3A_2336 : vector<16xf32>
    %div3A_2340 = arith.constant 1.000000e+00 : f32
    %div3A_2341 = vector.broadcast %div3A_2340 : f32 to vector<16xf32>
    %div3A_2342 = arith.divf %div3A_2341, %add3A_2339 : vector<16xf32>
    %mul3A_2343 = arith.mulf %select_n3A, %div3A_2342 : vector<16xf32>
    %mul3A_2344 = arith.mulf %mul3A_2343, %div3A_2342 : vector<16xf32>
    %add3A_2345 = arith.addf %add3A_2327, %mul3A_2344 : vector<16xf32>
    %eq3A_2346 = arith.constant 39 : i32
    %eq3A_2347 = vector.broadcast %eq3A_2346 : i32 to vector<16xi32>
    %eq3A_2348 = arith.cmpi eq, %get3A_23, %eq3A_2347 : vector<16xi32>
    %and3A_2349 = arith.andi %gt3A_34, %eq3A_2348 : vector<16xi1>
    %mul3A_2350 = arith.constant 2.000000e+00 : f32
    %mul3A_2351 = vector.broadcast %mul3A_2350 : f32 to vector<16xf32>
    %mul3A_2352 = arith.mulf %mul3A_2351, %div3A_2342 : vector<16xf32>
    %sub3A_2353 = arith.constant 1.000000e+00 : f32
    %sub3A_2354 = vector.broadcast %sub3A_2353 : f32 to vector<16xf32>
    %sub3A_2355 = arith.subf %sub3A_2354, %mul3A_2352 : vector<16xf32>
    %select_n3A_2356 = arith.select %and3A_2349, %sub3A_2355, %broadcast_in_dim3A_1159 : vector<16xi1>, vector<16xf32>
    %add3A_2357 = arith.addf %add3A_2345, %select_n3A_2356 : vector<16xf32>
    %get3A_2358 = arith.constant 5 : i32
    %get3A_2359 = arith.index_cast %get3A_2358 : i32 to index
    %get3A_2360 = arith.constant 80 : index
    %get3A_2361 = tpu.vector_load %arg7[%get3A_2359, %get3A_2360] {strides = array<i32>} : memref<11x128xf32, #tpu.memory_space<vmem>>, vector<1x16xf32>,
    %get3A_2362 = vector.shape_cast %get3A_2361 : vector<1x16xf32> to vector<16xf32>
    %neg3A_2363 = arith.constant 0.000000e+00 : f32
    %neg3A_2364 = vector.broadcast %neg3A_2363 : f32 to vector<16xf32>
    %neg3A_2365 = arith.subf %neg3A_2364, %get3A_2362 : vector<16xf32>
    %exp3A_2366 = math.exp %neg3A_2365 : vector<16xf32>
    %add3A_2367 = arith.constant 1.000000e+00 : f32
    %add3A_2368 = vector.broadcast %add3A_2367 : f32 to vector<16xf32>
    %add3A_2369 = arith.addf %add3A_2368, %exp3A_2366 : vector<16xf32>
    %div3A_2370 = arith.constant 1.000000e+00 : f32
    %div3A_2371 = vector.broadcast %div3A_2370 : f32 to vector<16xf32>
    %div3A_2372 = arith.divf %div3A_2371, %add3A_2369 : vector<16xf32>
    %mul3A_2373 = arith.mulf %select_n3A, %div3A_2372 : vector<16xf32>
    %mul3A_2374 = arith.mulf %mul3A_2373, %div3A_2372 : vector<16xf32>
    %add3A_2375 = arith.addf %add3A_2357, %mul3A_2374 : vector<16xf32>
    %eq3A_2376 = arith.constant 40 : i32
    %eq3A_2377 = vector.broadcast %eq3A_2376 : i32 to vector<16xi32>
    %eq3A_2378 = arith.cmpi eq, %get3A_23, %eq3A_2377 : vector<16xi32>
    %and3A_2379 = arith.andi %gt3A_34, %eq3A_2378 : vector<16xi1>
    %mul3A_2380 = arith.constant 2.000000e+00 : f32
    %mul3A_2381 = vector.broadcast %mul3A_2380 : f32 to vector<16xf32>
    %mul3A_2382 = arith.mulf %mul3A_2381, %div3A_2372 : vector<16xf32>
    %sub3A_2383 = arith.constant 1.000000e+00 : f32
    %sub3A_2384 = vector.broadcast %sub3A_2383 : f32 to vector<16xf32>
    %sub3A_2385 = arith.subf %sub3A_2384, %mul3A_2382 : vector<16xf32>
    %select_n3A_2386 = arith.select %and3A_2379, %sub3A_2385, %broadcast_in_dim3A_1159 : vector<16xi1>, vector<16xf32>
    %add3A_2387 = arith.addf %add3A_2375, %select_n3A_2386 : vector<16xf32>
    %get3A_2388 = arith.constant 5 : i32
    %get3A_2389 = arith.index_cast %get3A_2388 : i32 to index
    %get3A_2390 = arith.constant 96 : index
    %get3A_2391 = tpu.vector_load %arg7[%get3A_2389, %get3A_2390] {strides = array<i32>} : memref<11x128xf32, #tpu.memory_space<vmem>>, vector<1x16xf32>,
    %get3A_2392 = vector.shape_cast %get3A_2391 : vector<1x16xf32> to vector<16xf32>
    %neg3A_2393 = arith.constant 0.000000e+00 : f32
    %neg3A_2394 = vector.broadcast %neg3A_2393 : f32 to vector<16xf32>
    %neg3A_2395 = arith.subf %neg3A_2394, %get3A_2392 : vector<16xf32>
    %exp3A_2396 = math.exp %neg3A_2395 : vector<16xf32>
    %add3A_2397 = arith.constant 1.000000e+00 : f32
    %add3A_2398 = vector.broadcast %add3A_2397 : f32 to vector<16xf32>
    %add3A_2399 = arith.addf %add3A_2398, %exp3A_2396 : vector<16xf32>
    %div3A_2400 = arith.constant 1.000000e+00 : f32
    %div3A_2401 = vector.broadcast %div3A_2400 : f32 to vector<16xf32>
    %div3A_2402 = arith.divf %div3A_2401, %add3A_2399 : vector<16xf32>
    %mul3A_2403 = arith.mulf %select_n3A, %div3A_2402 : vector<16xf32>
    %mul3A_2404 = arith.mulf %mul3A_2403, %div3A_2402 : vector<16xf32>
    %add3A_2405 = arith.addf %add3A_2387, %mul3A_2404 : vector<16xf32>
    %eq3A_2406 = arith.constant 41 : i32
    %eq3A_2407 = vector.broadcast %eq3A_2406 : i32 to vector<16xi32>
    %eq3A_2408 = arith.cmpi eq, %get3A_23, %eq3A_2407 : vector<16xi32>
    %and3A_2409 = arith.andi %gt3A_34, %eq3A_2408 : vector<16xi1>
    %mul3A_2410 = arith.constant 2.000000e+00 : f32
    %mul3A_2411 = vector.broadcast %mul3A_2410 : f32 to vector<16xf32>
    %mul3A_2412 = arith.mulf %mul3A_2411, %div3A_2402 : vector<16xf32>
    %sub3A_2413 = arith.constant 1.000000e+00 : f32
    %sub3A_2414 = vector.broadcast %sub3A_2413 : f32 to vector<16xf32>
    %sub3A_2415 = arith.subf %sub3A_2414, %mul3A_2412 : vector<16xf32>
    %select_n3A_2416 = arith.select %and3A_2409, %sub3A_2415, %broadcast_in_dim3A_1159 : vector<16xi1>, vector<16xf32>
    %add3A_2417 = arith.addf %add3A_2405, %select_n3A_2416 : vector<16xf32>
    %get3A_2418 = arith.constant 5 : i32
    %get3A_2419 = arith.index_cast %get3A_2418 : i32 to index
    %get3A_2420 = arith.constant 112 : index
    %get3A_2421 = tpu.vector_load %arg7[%get3A_2419, %get3A_2420] {strides = array<i32>} : memref<11x128xf32, #tpu.memory_space<vmem>>, vector<1x16xf32>,
    %get3A_2422 = vector.shape_cast %get3A_2421 : vector<1x16xf32> to vector<16xf32>
    %neg3A_2423 = arith.constant 0.000000e+00 : f32
    %neg3A_2424 = vector.broadcast %neg3A_2423 : f32 to vector<16xf32>
    %neg3A_2425 = arith.subf %neg3A_2424, %get3A_2422 : vector<16xf32>
    %exp3A_2426 = math.exp %neg3A_2425 : vector<16xf32>
    %add3A_2427 = arith.constant 1.000000e+00 : f32
    %add3A_2428 = vector.broadcast %add3A_2427 : f32 to vector<16xf32>
    %add3A_2429 = arith.addf %add3A_2428, %exp3A_2426 : vector<16xf32>
    %div3A_2430 = arith.constant 1.000000e+00 : f32
    %div3A_2431 = vector.broadcast %div3A_2430 : f32 to vector<16xf32>
    %div3A_2432 = arith.divf %div3A_2431, %add3A_2429 : vector<16xf32>
    %mul3A_2433 = arith.mulf %select_n3A, %div3A_2432 : vector<16xf32>
    %mul3A_2434 = arith.mulf %mul3A_2433, %div3A_2432 : vector<16xf32>
    %add3A_2435 = arith.addf %add3A_2417, %mul3A_2434 : vector<16xf32>
    %eq3A_2436 = arith.constant 42 : i32
    %eq3A_2437 = vector.broadcast %eq3A_2436 : i32 to vector<16xi32>
    %eq3A_2438 = arith.cmpi eq, %get3A_23, %eq3A_2437 : vector<16xi32>
    %and3A_2439 = arith.andi %gt3A_34, %eq3A_2438 : vector<16xi1>
    %mul3A_2440 = arith.constant 2.000000e+00 : f32
    %mul3A_2441 = vector.broadcast %mul3A_2440 : f32 to vector<16xf32>
    %mul3A_2442 = arith.mulf %mul3A_2441, %div3A_2432 : vector<16xf32>
    %sub3A_2443 = arith.constant 1.000000e+00 : f32
    %sub3A_2444 = vector.broadcast %sub3A_2443 : f32 to vector<16xf32>
    %sub3A_2445 = arith.subf %sub3A_2444, %mul3A_2442 : vector<16xf32>
    %select_n3A_2446 = arith.select %and3A_2439, %sub3A_2445, %broadcast_in_dim3A_1159 : vector<16xi1>, vector<16xf32>
    %add3A_2447 = arith.addf %add3A_2435, %select_n3A_2446 : vector<16xf32>
    %get3A_2448 = arith.constant 6 : i32
    %get3A_2449 = arith.index_cast %get3A_2448 : i32 to index
    %get3A_2450 = arith.constant 0 : index
    %get3A_2451 = tpu.vector_load %arg7[%get3A_2449, %get3A_2450] {strides = array<i32>} : memref<11x128xf32, #tpu.memory_space<vmem>>, vector<1x16xf32>,
    %get3A_2452 = vector.shape_cast %get3A_2451 : vector<1x16xf32> to vector<16xf32>
    %neg3A_2453 = arith.constant 0.000000e+00 : f32
    %neg3A_2454 = vector.broadcast %neg3A_2453 : f32 to vector<16xf32>
    %neg3A_2455 = arith.subf %neg3A_2454, %get3A_2452 : vector<16xf32>
    %exp3A_2456 = math.exp %neg3A_2455 : vector<16xf32>
    %add3A_2457 = arith.constant 1.000000e+00 : f32
    %add3A_2458 = vector.broadcast %add3A_2457 : f32 to vector<16xf32>
    %add3A_2459 = arith.addf %add3A_2458, %exp3A_2456 : vector<16xf32>
    %div3A_2460 = arith.constant 1.000000e+00 : f32
    %div3A_2461 = vector.broadcast %div3A_2460 : f32 to vector<16xf32>
    %div3A_2462 = arith.divf %div3A_2461, %add3A_2459 : vector<16xf32>
    %mul3A_2463 = arith.mulf %select_n3A, %div3A_2462 : vector<16xf32>
    %mul3A_2464 = arith.mulf %mul3A_2463, %div3A_2462 : vector<16xf32>
    %add3A_2465 = arith.addf %add3A_2447, %mul3A_2464 : vector<16xf32>
    %eq3A_2466 = arith.constant 43 : i32
    %eq3A_2467 = vector.broadcast %eq3A_2466 : i32 to vector<16xi32>
    %eq3A_2468 = arith.cmpi eq, %get3A_23, %eq3A_2467 : vector<16xi32>
    %and3A_2469 = arith.andi %gt3A_34, %eq3A_2468 : vector<16xi1>
    %mul3A_2470 = arith.constant 2.000000e+00 : f32
    %mul3A_2471 = vector.broadcast %mul3A_2470 : f32 to vector<16xf32>
    %mul3A_2472 = arith.mulf %mul3A_2471, %div3A_2462 : vector<16xf32>
    %sub3A_2473 = arith.constant 1.000000e+00 : f32
    %sub3A_2474 = vector.broadcast %sub3A_2473 : f32 to vector<16xf32>
    %sub3A_2475 = arith.subf %sub3A_2474, %mul3A_2472 : vector<16xf32>
    %select_n3A_2476 = arith.select %and3A_2469, %sub3A_2475, %broadcast_in_dim3A_1159 : vector<16xi1>, vector<16xf32>
    %add3A_2477 = arith.addf %add3A_2465, %select_n3A_2476 : vector<16xf32>
    %get3A_2478 = arith.constant 6 : i32
    %get3A_2479 = arith.index_cast %get3A_2478 : i32 to index
    %get3A_2480 = arith.constant 16 : index
    %get3A_2481 = tpu.vector_load %arg7[%get3A_2479, %get3A_2480] {strides = array<i32>} : memref<11x128xf32, #tpu.memory_space<vmem>>, vector<1x16xf32>,
    %get3A_2482 = vector.shape_cast %get3A_2481 : vector<1x16xf32> to vector<16xf32>
    %neg3A_2483 = arith.constant 0.000000e+00 : f32
    %neg3A_2484 = vector.broadcast %neg3A_2483 : f32 to vector<16xf32>
    %neg3A_2485 = arith.subf %neg3A_2484, %get3A_2482 : vector<16xf32>
    %exp3A_2486 = math.exp %neg3A_2485 : vector<16xf32>
    %add3A_2487 = arith.constant 1.000000e+00 : f32
    %add3A_2488 = vector.broadcast %add3A_2487 : f32 to vector<16xf32>
    %add3A_2489 = arith.addf %add3A_2488, %exp3A_2486 : vector<16xf32>
    %div3A_2490 = arith.constant 1.000000e+00 : f32
    %div3A_2491 = vector.broadcast %div3A_2490 : f32 to vector<16xf32>
    %div3A_2492 = arith.divf %div3A_2491, %add3A_2489 : vector<16xf32>
    %mul3A_2493 = arith.mulf %select_n3A, %div3A_2492 : vector<16xf32>
    %mul3A_2494 = arith.mulf %mul3A_2493, %div3A_2492 : vector<16xf32>
    %add3A_2495 = arith.addf %add3A_2477, %mul3A_2494 : vector<16xf32>
    %eq3A_2496 = arith.constant 44 : i32
    %eq3A_2497 = vector.broadcast %eq3A_2496 : i32 to vector<16xi32>
    %eq3A_2498 = arith.cmpi eq, %get3A_23, %eq3A_2497 : vector<16xi32>
    %and3A_2499 = arith.andi %gt3A_34, %eq3A_2498 : vector<16xi1>
    %mul3A_2500 = arith.constant 2.000000e+00 : f32
    %mul3A_2501 = vector.broadcast %mul3A_2500 : f32 to vector<16xf32>
    %mul3A_2502 = arith.mulf %mul3A_2501, %div3A_2492 : vector<16xf32>
    %sub3A_2503 = arith.constant 1.000000e+00 : f32
    %sub3A_2504 = vector.broadcast %sub3A_2503 : f32 to vector<16xf32>
    %sub3A_2505 = arith.subf %sub3A_2504, %mul3A_2502 : vector<16xf32>
    %select_n3A_2506 = arith.select %and3A_2499, %sub3A_2505, %broadcast_in_dim3A_1159 : vector<16xi1>, vector<16xf32>
    %add3A_2507 = arith.addf %add3A_2495, %select_n3A_2506 : vector<16xf32>
    %get3A_2508 = arith.constant 6 : i32
    %get3A_2509 = arith.index_cast %get3A_2508 : i32 to index
    %get3A_2510 = arith.constant 32 : index
    %get3A_2511 = tpu.vector_load %arg7[%get3A_2509, %get3A_2510] {strides = array<i32>} : memref<11x128xf32, #tpu.memory_space<vmem>>, vector<1x16xf32>,
    %get3A_2512 = vector.shape_cast %get3A_2511 : vector<1x16xf32> to vector<16xf32>
    %neg3A_2513 = arith.constant 0.000000e+00 : f32
    %neg3A_2514 = vector.broadcast %neg3A_2513 : f32 to vector<16xf32>
    %neg3A_2515 = arith.subf %neg3A_2514, %get3A_2512 : vector<16xf32>
    %exp3A_2516 = math.exp %neg3A_2515 : vector<16xf32>
    %add3A_2517 = arith.constant 1.000000e+00 : f32
    %add3A_2518 = vector.broadcast %add3A_2517 : f32 to vector<16xf32>
    %add3A_2519 = arith.addf %add3A_2518, %exp3A_2516 : vector<16xf32>
    %div3A_2520 = arith.constant 1.000000e+00 : f32
    %div3A_2521 = vector.broadcast %div3A_2520 : f32 to vector<16xf32>
    %div3A_2522 = arith.divf %div3A_2521, %add3A_2519 : vector<16xf32>
    %mul3A_2523 = arith.mulf %select_n3A, %div3A_2522 : vector<16xf32>
    %mul3A_2524 = arith.mulf %mul3A_2523, %div3A_2522 : vector<16xf32>
    %add3A_2525 = arith.addf %add3A_2507, %mul3A_2524 : vector<16xf32>
    %eq3A_2526 = arith.constant 45 : i32
    %eq3A_2527 = vector.broadcast %eq3A_2526 : i32 to vector<16xi32>
    %eq3A_2528 = arith.cmpi eq, %get3A_23, %eq3A_2527 : vector<16xi32>
    %and3A_2529 = arith.andi %gt3A_34, %eq3A_2528 : vector<16xi1>
    %mul3A_2530 = arith.constant 2.000000e+00 : f32
    %mul3A_2531 = vector.broadcast %mul3A_2530 : f32 to vector<16xf32>
    %mul3A_2532 = arith.mulf %mul3A_2531, %div3A_2522 : vector<16xf32>
    %sub3A_2533 = arith.constant 1.000000e+00 : f32
    %sub3A_2534 = vector.broadcast %sub3A_2533 : f32 to vector<16xf32>
    %sub3A_2535 = arith.subf %sub3A_2534, %mul3A_2532 : vector<16xf32>
    %select_n3A_2536 = arith.select %and3A_2529, %sub3A_2535, %broadcast_in_dim3A_1159 : vector<16xi1>, vector<16xf32>
    %add3A_2537 = arith.addf %add3A_2525, %select_n3A_2536 : vector<16xf32>
    %get3A_2538 = arith.constant 6 : i32
    %get3A_2539 = arith.index_cast %get3A_2538 : i32 to index
    %get3A_2540 = arith.constant 48 : index
    %get3A_2541 = tpu.vector_load %arg7[%get3A_2539, %get3A_2540] {strides = array<i32>} : memref<11x128xf32, #tpu.memory_space<vmem>>, vector<1x16xf32>,
    %get3A_2542 = vector.shape_cast %get3A_2541 : vector<1x16xf32> to vector<16xf32>
    %neg3A_2543 = arith.constant 0.000000e+00 : f32
    %neg3A_2544 = vector.broadcast %neg3A_2543 : f32 to vector<16xf32>
    %neg3A_2545 = arith.subf %neg3A_2544, %get3A_2542 : vector<16xf32>
    %exp3A_2546 = math.exp %neg3A_2545 : vector<16xf32>
    %add3A_2547 = arith.constant 1.000000e+00 : f32
    %add3A_2548 = vector.broadcast %add3A_2547 : f32 to vector<16xf32>
    %add3A_2549 = arith.addf %add3A_2548, %exp3A_2546 : vector<16xf32>
    %div3A_2550 = arith.constant 1.000000e+00 : f32
    %div3A_2551 = vector.broadcast %div3A_2550 : f32 to vector<16xf32>
    %div3A_2552 = arith.divf %div3A_2551, %add3A_2549 : vector<16xf32>
    %mul3A_2553 = arith.mulf %select_n3A, %div3A_2552 : vector<16xf32>
    %mul3A_2554 = arith.mulf %mul3A_2553, %div3A_2552 : vector<16xf32>
    %add3A_2555 = arith.addf %add3A_2537, %mul3A_2554 : vector<16xf32>
    %eq3A_2556 = arith.constant 46 : i32
    %eq3A_2557 = vector.broadcast %eq3A_2556 : i32 to vector<16xi32>
    %eq3A_2558 = arith.cmpi eq, %get3A_23, %eq3A_2557 : vector<16xi32>
    %and3A_2559 = arith.andi %gt3A_34, %eq3A_2558 : vector<16xi1>
    %mul3A_2560 = arith.constant 2.000000e+00 : f32
    %mul3A_2561 = vector.broadcast %mul3A_2560 : f32 to vector<16xf32>
    %mul3A_2562 = arith.mulf %mul3A_2561, %div3A_2552 : vector<16xf32>
    %sub3A_2563 = arith.constant 1.000000e+00 : f32
    %sub3A_2564 = vector.broadcast %sub3A_2563 : f32 to vector<16xf32>
    %sub3A_2565 = arith.subf %sub3A_2564, %mul3A_2562 : vector<16xf32>
    %select_n3A_2566 = arith.select %and3A_2559, %sub3A_2565, %broadcast_in_dim3A_1159 : vector<16xi1>, vector<16xf32>
    %add3A_2567 = arith.addf %add3A_2555, %select_n3A_2566 : vector<16xf32>
    %get3A_2568 = arith.constant 6 : i32
    %get3A_2569 = arith.index_cast %get3A_2568 : i32 to index
    %get3A_2570 = arith.constant 64 : index
    %get3A_2571 = tpu.vector_load %arg7[%get3A_2569, %get3A_2570] {strides = array<i32>} : memref<11x128xf32, #tpu.memory_space<vmem>>, vector<1x16xf32>,
    %get3A_2572 = vector.shape_cast %get3A_2571 : vector<1x16xf32> to vector<16xf32>
    %neg3A_2573 = arith.constant 0.000000e+00 : f32
    %neg3A_2574 = vector.broadcast %neg3A_2573 : f32 to vector<16xf32>
    %neg3A_2575 = arith.subf %neg3A_2574, %get3A_2572 : vector<16xf32>
    %exp3A_2576 = math.exp %neg3A_2575 : vector<16xf32>
    %add3A_2577 = arith.constant 1.000000e+00 : f32
    %add3A_2578 = vector.broadcast %add3A_2577 : f32 to vector<16xf32>
    %add3A_2579 = arith.addf %add3A_2578, %exp3A_2576 : vector<16xf32>
    %div3A_2580 = arith.constant 1.000000e+00 : f32
    %div3A_2581 = vector.broadcast %div3A_2580 : f32 to vector<16xf32>
    %div3A_2582 = arith.divf %div3A_2581, %add3A_2579 : vector<16xf32>
    %mul3A_2583 = arith.mulf %select_n3A, %div3A_2582 : vector<16xf32>
    %mul3A_2584 = arith.mulf %mul3A_2583, %div3A_2582 : vector<16xf32>
    %add3A_2585 = arith.addf %add3A_2567, %mul3A_2584 : vector<16xf32>
    %eq3A_2586 = arith.constant 47 : i32
    %eq3A_2587 = vector.broadcast %eq3A_2586 : i32 to vector<16xi32>
    %eq3A_2588 = arith.cmpi eq, %get3A_23, %eq3A_2587 : vector<16xi32>
    %and3A_2589 = arith.andi %gt3A_34, %eq3A_2588 : vector<16xi1>
    %mul3A_2590 = arith.constant 2.000000e+00 : f32
    %mul3A_2591 = vector.broadcast %mul3A_2590 : f32 to vector<16xf32>
    %mul3A_2592 = arith.mulf %mul3A_2591, %div3A_2582 : vector<16xf32>
    %sub3A_2593 = arith.constant 1.000000e+00 : f32
    %sub3A_2594 = vector.broadcast %sub3A_2593 : f32 to vector<16xf32>
    %sub3A_2595 = arith.subf %sub3A_2594, %mul3A_2592 : vector<16xf32>
    %select_n3A_2596 = arith.select %and3A_2589, %sub3A_2595, %broadcast_in_dim3A_1159 : vector<16xi1>, vector<16xf32>
    %add3A_2597 = arith.addf %add3A_2585, %select_n3A_2596 : vector<16xf32>
    %get3A_2598 = arith.constant 6 : i32
    %get3A_2599 = arith.index_cast %get3A_2598 : i32 to index
    %get3A_2600 = arith.constant 80 : index
    %get3A_2601 = tpu.vector_load %arg7[%get3A_2599, %get3A_2600] {strides = array<i32>} : memref<11x128xf32, #tpu.memory_space<vmem>>, vector<1x16xf32>,
    %get3A_2602 = vector.shape_cast %get3A_2601 : vector<1x16xf32> to vector<16xf32>
    %neg3A_2603 = arith.constant 0.000000e+00 : f32
    %neg3A_2604 = vector.broadcast %neg3A_2603 : f32 to vector<16xf32>
    %neg3A_2605 = arith.subf %neg3A_2604, %get3A_2602 : vector<16xf32>
    %exp3A_2606 = math.exp %neg3A_2605 : vector<16xf32>
    %add3A_2607 = arith.constant 1.000000e+00 : f32
    %add3A_2608 = vector.broadcast %add3A_2607 : f32 to vector<16xf32>
    %add3A_2609 = arith.addf %add3A_2608, %exp3A_2606 : vector<16xf32>
    %div3A_2610 = arith.constant 1.000000e+00 : f32
    %div3A_2611 = vector.broadcast %div3A_2610 : f32 to vector<16xf32>
    %div3A_2612 = arith.divf %div3A_2611, %add3A_2609 : vector<16xf32>
    %mul3A_2613 = arith.mulf %select_n3A, %div3A_2612 : vector<16xf32>
    %mul3A_2614 = arith.mulf %mul3A_2613, %div3A_2612 : vector<16xf32>
    %add3A_2615 = arith.addf %add3A_2597, %mul3A_2614 : vector<16xf32>
    %eq3A_2616 = arith.constant 48 : i32
    %eq3A_2617 = vector.broadcast %eq3A_2616 : i32 to vector<16xi32>
    %eq3A_2618 = arith.cmpi eq, %get3A_23, %eq3A_2617 : vector<16xi32>
    %and3A_2619 = arith.andi %gt3A_34, %eq3A_2618 : vector<16xi1>
    %mul3A_2620 = arith.constant 2.000000e+00 : f32
    %mul3A_2621 = vector.broadcast %mul3A_2620 : f32 to vector<16xf32>
    %mul3A_2622 = arith.mulf %mul3A_2621, %div3A_2612 : vector<16xf32>
    %sub3A_2623 = arith.constant 1.000000e+00 : f32
    %sub3A_2624 = vector.broadcast %sub3A_2623 : f32 to vector<16xf32>
    %sub3A_2625 = arith.subf %sub3A_2624, %mul3A_2622 : vector<16xf32>
    %select_n3A_2626 = arith.select %and3A_2619, %sub3A_2625, %broadcast_in_dim3A_1159 : vector<16xi1>, vector<16xf32>
    %add3A_2627 = arith.addf %add3A_2615, %select_n3A_2626 : vector<16xf32>
    %get3A_2628 = arith.constant 6 : i32
    %get3A_2629 = arith.index_cast %get3A_2628 : i32 to index
    %get3A_2630 = arith.constant 96 : index
    %get3A_2631 = tpu.vector_load %arg7[%get3A_2629, %get3A_2630] {strides = array<i32>} : memref<11x128xf32, #tpu.memory_space<vmem>>, vector<1x16xf32>,
    %get3A_2632 = vector.shape_cast %get3A_2631 : vector<1x16xf32> to vector<16xf32>
    %neg3A_2633 = arith.constant 0.000000e+00 : f32
    %neg3A_2634 = vector.broadcast %neg3A_2633 : f32 to vector<16xf32>
    %neg3A_2635 = arith.subf %neg3A_2634, %get3A_2632 : vector<16xf32>
    %exp3A_2636 = math.exp %neg3A_2635 : vector<16xf32>
    %add3A_2637 = arith.constant 1.000000e+00 : f32
    %add3A_2638 = vector.broadcast %add3A_2637 : f32 to vector<16xf32>
    %add3A_2639 = arith.addf %add3A_2638, %exp3A_2636 : vector<16xf32>
    %div3A_2640 = arith.constant 1.000000e+00 : f32
    %div3A_2641 = vector.broadcast %div3A_2640 : f32 to vector<16xf32>
    %div3A_2642 = arith.divf %div3A_2641, %add3A_2639 : vector<16xf32>
    %mul3A_2643 = arith.mulf %select_n3A, %div3A_2642 : vector<16xf32>
    %mul3A_2644 = arith.mulf %mul3A_2643, %div3A_2642 : vector<16xf32>
    %add3A_2645 = arith.addf %add3A_2627, %mul3A_2644 : vector<16xf32>
    %eq3A_2646 = arith.constant 49 : i32
    %eq3A_2647 = vector.broadcast %eq3A_2646 : i32 to vector<16xi32>
    %eq3A_2648 = arith.cmpi eq, %get3A_23, %eq3A_2647 : vector<16xi32>
    %and3A_2649 = arith.andi %gt3A_34, %eq3A_2648 : vector<16xi1>
    %mul3A_2650 = arith.constant 2.000000e+00 : f32
    %mul3A_2651 = vector.broadcast %mul3A_2650 : f32 to vector<16xf32>
    %mul3A_2652 = arith.mulf %mul3A_2651, %div3A_2642 : vector<16xf32>
    %sub3A_2653 = arith.constant 1.000000e+00 : f32
    %sub3A_2654 = vector.broadcast %sub3A_2653 : f32 to vector<16xf32>
    %sub3A_2655 = arith.subf %sub3A_2654, %mul3A_2652 : vector<16xf32>
    %select_n3A_2656 = arith.select %and3A_2649, %sub3A_2655, %broadcast_in_dim3A_1159 : vector<16xi1>, vector<16xf32>
    %add3A_2657 = arith.addf %add3A_2645, %select_n3A_2656 : vector<16xf32>
    %get3A_2658 = arith.constant 6 : i32
    %get3A_2659 = arith.index_cast %get3A_2658 : i32 to index
    %get3A_2660 = arith.constant 112 : index
    %get3A_2661 = tpu.vector_load %arg7[%get3A_2659, %get3A_2660] {strides = array<i32>} : memref<11x128xf32, #tpu.memory_space<vmem>>, vector<1x16xf32>,
    %get3A_2662 = vector.shape_cast %get3A_2661 : vector<1x16xf32> to vector<16xf32>
    %neg3A_2663 = arith.constant 0.000000e+00 : f32
    %neg3A_2664 = vector.broadcast %neg3A_2663 : f32 to vector<16xf32>
    %neg3A_2665 = arith.subf %neg3A_2664, %get3A_2662 : vector<16xf32>
    %exp3A_2666 = math.exp %neg3A_2665 : vector<16xf32>
    %add3A_2667 = arith.constant 1.000000e+00 : f32
    %add3A_2668 = vector.broadcast %add3A_2667 : f32 to vector<16xf32>
    %add3A_2669 = arith.addf %add3A_2668, %exp3A_2666 : vector<16xf32>
    %div3A_2670 = arith.constant 1.000000e+00 : f32
    %div3A_2671 = vector.broadcast %div3A_2670 : f32 to vector<16xf32>
    %div3A_2672 = arith.divf %div3A_2671, %add3A_2669 : vector<16xf32>
    %mul3A_2673 = arith.mulf %select_n3A, %div3A_2672 : vector<16xf32>
    %mul3A_2674 = arith.mulf %mul3A_2673, %div3A_2672 : vector<16xf32>
    %add3A_2675 = arith.addf %add3A_2657, %mul3A_2674 : vector<16xf32>
    %eq3A_2676 = arith.constant 50 : i32
    %eq3A_2677 = vector.broadcast %eq3A_2676 : i32 to vector<16xi32>
    %eq3A_2678 = arith.cmpi eq, %get3A_23, %eq3A_2677 : vector<16xi32>
    %and3A_2679 = arith.andi %gt3A_34, %eq3A_2678 : vector<16xi1>
    %mul3A_2680 = arith.constant 2.000000e+00 : f32
    %mul3A_2681 = vector.broadcast %mul3A_2680 : f32 to vector<16xf32>
    %mul3A_2682 = arith.mulf %mul3A_2681, %div3A_2672 : vector<16xf32>
    %sub3A_2683 = arith.constant 1.000000e+00 : f32
    %sub3A_2684 = vector.broadcast %sub3A_2683 : f32 to vector<16xf32>
    %sub3A_2685 = arith.subf %sub3A_2684, %mul3A_2682 : vector<16xf32>
    %select_n3A_2686 = arith.select %and3A_2679, %sub3A_2685, %broadcast_in_dim3A_1159 : vector<16xi1>, vector<16xf32>
    %add3A_2687 = arith.addf %add3A_2675, %select_n3A_2686 : vector<16xf32>
    %get3A_2688 = arith.constant 7 : i32
    %get3A_2689 = arith.index_cast %get3A_2688 : i32 to index
    %get3A_2690 = arith.constant 0 : index
    %get3A_2691 = tpu.vector_load %arg7[%get3A_2689, %get3A_2690] {strides = array<i32>} : memref<11x128xf32, #tpu.memory_space<vmem>>, vector<1x16xf32>,
    %get3A_2692 = vector.shape_cast %get3A_2691 : vector<1x16xf32> to vector<16xf32>
    %neg3A_2693 = arith.constant 0.000000e+00 : f32
    %neg3A_2694 = vector.broadcast %neg3A_2693 : f32 to vector<16xf32>
    %neg3A_2695 = arith.subf %neg3A_2694, %get3A_2692 : vector<16xf32>
    %exp3A_2696 = math.exp %neg3A_2695 : vector<16xf32>
    %add3A_2697 = arith.constant 1.000000e+00 : f32
    %add3A_2698 = vector.broadcast %add3A_2697 : f32 to vector<16xf32>
    %add3A_2699 = arith.addf %add3A_2698, %exp3A_2696 : vector<16xf32>
    %div3A_2700 = arith.constant 1.000000e+00 : f32
    %div3A_2701 = vector.broadcast %div3A_2700 : f32 to vector<16xf32>
    %div3A_2702 = arith.divf %div3A_2701, %add3A_2699 : vector<16xf32>
    %mul3A_2703 = arith.mulf %select_n3A, %div3A_2702 : vector<16xf32>
    %mul3A_2704 = arith.mulf %mul3A_2703, %div3A_2702 : vector<16xf32>
    %add3A_2705 = arith.addf %add3A_2687, %mul3A_2704 : vector<16xf32>
    %eq3A_2706 = arith.constant 51 : i32
    %eq3A_2707 = vector.broadcast %eq3A_2706 : i32 to vector<16xi32>
    %eq3A_2708 = arith.cmpi eq, %get3A_23, %eq3A_2707 : vector<16xi32>
    %and3A_2709 = arith.andi %gt3A_34, %eq3A_2708 : vector<16xi1>
    %mul3A_2710 = arith.constant 2.000000e+00 : f32
    %mul3A_2711 = vector.broadcast %mul3A_2710 : f32 to vector<16xf32>
    %mul3A_2712 = arith.mulf %mul3A_2711, %div3A_2702 : vector<16xf32>
    %sub3A_2713 = arith.constant 1.000000e+00 : f32
    %sub3A_2714 = vector.broadcast %sub3A_2713 : f32 to vector<16xf32>
    %sub3A_2715 = arith.subf %sub3A_2714, %mul3A_2712 : vector<16xf32>
    %select_n3A_2716 = arith.select %and3A_2709, %sub3A_2715, %broadcast_in_dim3A_1159 : vector<16xi1>, vector<16xf32>
    %add3A_2717 = arith.addf %add3A_2705, %select_n3A_2716 : vector<16xf32>
    %get3A_2718 = arith.constant 7 : i32
    %get3A_2719 = arith.index_cast %get3A_2718 : i32 to index
    %get3A_2720 = arith.constant 16 : index
    %get3A_2721 = tpu.vector_load %arg7[%get3A_2719, %get3A_2720] {strides = array<i32>} : memref<11x128xf32, #tpu.memory_space<vmem>>, vector<1x16xf32>,
    %get3A_2722 = vector.shape_cast %get3A_2721 : vector<1x16xf32> to vector<16xf32>
    %neg3A_2723 = arith.constant 0.000000e+00 : f32
    %neg3A_2724 = vector.broadcast %neg3A_2723 : f32 to vector<16xf32>
    %neg3A_2725 = arith.subf %neg3A_2724, %get3A_2722 : vector<16xf32>
    %exp3A_2726 = math.exp %neg3A_2725 : vector<16xf32>
    %add3A_2727 = arith.constant 1.000000e+00 : f32
    %add3A_2728 = vector.broadcast %add3A_2727 : f32 to vector<16xf32>
    %add3A_2729 = arith.addf %add3A_2728, %exp3A_2726 : vector<16xf32>
    %div3A_2730 = arith.constant 1.000000e+00 : f32
    %div3A_2731 = vector.broadcast %div3A_2730 : f32 to vector<16xf32>
    %div3A_2732 = arith.divf %div3A_2731, %add3A_2729 : vector<16xf32>
    %mul3A_2733 = arith.mulf %select_n3A, %div3A_2732 : vector<16xf32>
    %mul3A_2734 = arith.mulf %mul3A_2733, %div3A_2732 : vector<16xf32>
    %add3A_2735 = arith.addf %add3A_2717, %mul3A_2734 : vector<16xf32>
    %eq3A_2736 = arith.constant 52 : i32
    %eq3A_2737 = vector.broadcast %eq3A_2736 : i32 to vector<16xi32>
    %eq3A_2738 = arith.cmpi eq, %get3A_23, %eq3A_2737 : vector<16xi32>
    %and3A_2739 = arith.andi %gt3A_34, %eq3A_2738 : vector<16xi1>
    %mul3A_2740 = arith.constant 2.000000e+00 : f32
    %mul3A_2741 = vector.broadcast %mul3A_2740 : f32 to vector<16xf32>
    %mul3A_2742 = arith.mulf %mul3A_2741, %div3A_2732 : vector<16xf32>
    %sub3A_2743 = arith.constant 1.000000e+00 : f32
    %sub3A_2744 = vector.broadcast %sub3A_2743 : f32 to vector<16xf32>
    %sub3A_2745 = arith.subf %sub3A_2744, %mul3A_2742 : vector<16xf32>
    %select_n3A_2746 = arith.select %and3A_2739, %sub3A_2745, %broadcast_in_dim3A_1159 : vector<16xi1>, vector<16xf32>
    %add3A_2747 = arith.addf %add3A_2735, %select_n3A_2746 : vector<16xf32>
    %get3A_2748 = arith.constant 7 : i32
    %get3A_2749 = arith.index_cast %get3A_2748 : i32 to index
    %get3A_2750 = arith.constant 32 : index
    %get3A_2751 = tpu.vector_load %arg7[%get3A_2749, %get3A_2750] {strides = array<i32>} : memref<11x128xf32, #tpu.memory_space<vmem>>, vector<1x16xf32>,
    %get3A_2752 = vector.shape_cast %get3A_2751 : vector<1x16xf32> to vector<16xf32>
    %neg3A_2753 = arith.constant 0.000000e+00 : f32
    %neg3A_2754 = vector.broadcast %neg3A_2753 : f32 to vector<16xf32>
    %neg3A_2755 = arith.subf %neg3A_2754, %get3A_2752 : vector<16xf32>
    %exp3A_2756 = math.exp %neg3A_2755 : vector<16xf32>
    %add3A_2757 = arith.constant 1.000000e+00 : f32
    %add3A_2758 = vector.broadcast %add3A_2757 : f32 to vector<16xf32>
    %add3A_2759 = arith.addf %add3A_2758, %exp3A_2756 : vector<16xf32>
    %div3A_2760 = arith.constant 1.000000e+00 : f32
    %div3A_2761 = vector.broadcast %div3A_2760 : f32 to vector<16xf32>
    %div3A_2762 = arith.divf %div3A_2761, %add3A_2759 : vector<16xf32>
    %mul3A_2763 = arith.mulf %select_n3A, %div3A_2762 : vector<16xf32>
    %mul3A_2764 = arith.mulf %mul3A_2763, %div3A_2762 : vector<16xf32>
    %add3A_2765 = arith.addf %add3A_2747, %mul3A_2764 : vector<16xf32>
    %eq3A_2766 = arith.constant 53 : i32
    %eq3A_2767 = vector.broadcast %eq3A_2766 : i32 to vector<16xi32>
    %eq3A_2768 = arith.cmpi eq, %get3A_23, %eq3A_2767 : vector<16xi32>
    %and3A_2769 = arith.andi %gt3A_34, %eq3A_2768 : vector<16xi1>
    %mul3A_2770 = arith.constant 2.000000e+00 : f32
    %mul3A_2771 = vector.broadcast %mul3A_2770 : f32 to vector<16xf32>
    %mul3A_2772 = arith.mulf %mul3A_2771, %div3A_2762 : vector<16xf32>
    %sub3A_2773 = arith.constant 1.000000e+00 : f32
    %sub3A_2774 = vector.broadcast %sub3A_2773 : f32 to vector<16xf32>
    %sub3A_2775 = arith.subf %sub3A_2774, %mul3A_2772 : vector<16xf32>
    %select_n3A_2776 = arith.select %and3A_2769, %sub3A_2775, %broadcast_in_dim3A_1159 : vector<16xi1>, vector<16xf32>
    %add3A_2777 = arith.addf %add3A_2765, %select_n3A_2776 : vector<16xf32>
    %get3A_2778 = arith.constant 7 : i32
    %get3A_2779 = arith.index_cast %get3A_2778 : i32 to index
    %get3A_2780 = arith.constant 48 : index
    %get3A_2781 = tpu.vector_load %arg7[%get3A_2779, %get3A_2780] {strides = array<i32>} : memref<11x128xf32, #tpu.memory_space<vmem>>, vector<1x16xf32>,
    %get3A_2782 = vector.shape_cast %get3A_2781 : vector<1x16xf32> to vector<16xf32>
    %neg3A_2783 = arith.constant 0.000000e+00 : f32
    %neg3A_2784 = vector.broadcast %neg3A_2783 : f32 to vector<16xf32>
    %neg3A_2785 = arith.subf %neg3A_2784, %get3A_2782 : vector<16xf32>
    %exp3A_2786 = math.exp %neg3A_2785 : vector<16xf32>
    %add3A_2787 = arith.constant 1.000000e+00 : f32
    %add3A_2788 = vector.broadcast %add3A_2787 : f32 to vector<16xf32>
    %add3A_2789 = arith.addf %add3A_2788, %exp3A_2786 : vector<16xf32>
    %div3A_2790 = arith.constant 1.000000e+00 : f32
    %div3A_2791 = vector.broadcast %div3A_2790 : f32 to vector<16xf32>
    %div3A_2792 = arith.divf %div3A_2791, %add3A_2789 : vector<16xf32>
    %mul3A_2793 = arith.mulf %select_n3A, %div3A_2792 : vector<16xf32>
    %mul3A_2794 = arith.mulf %mul3A_2793, %div3A_2792 : vector<16xf32>
    %add3A_2795 = arith.addf %add3A_2777, %mul3A_2794 : vector<16xf32>
    %eq3A_2796 = arith.constant 54 : i32
    %eq3A_2797 = vector.broadcast %eq3A_2796 : i32 to vector<16xi32>
    %eq3A_2798 = arith.cmpi eq, %get3A_23, %eq3A_2797 : vector<16xi32>
    %and3A_2799 = arith.andi %gt3A_34, %eq3A_2798 : vector<16xi1>
    %mul3A_2800 = arith.constant 2.000000e+00 : f32
    %mul3A_2801 = vector.broadcast %mul3A_2800 : f32 to vector<16xf32>
    %mul3A_2802 = arith.mulf %mul3A_2801, %div3A_2792 : vector<16xf32>
    %sub3A_2803 = arith.constant 1.000000e+00 : f32
    %sub3A_2804 = vector.broadcast %sub3A_2803 : f32 to vector<16xf32>
    %sub3A_2805 = arith.subf %sub3A_2804, %mul3A_2802 : vector<16xf32>
    %select_n3A_2806 = arith.select %and3A_2799, %sub3A_2805, %broadcast_in_dim3A_1159 : vector<16xi1>, vector<16xf32>
    %add3A_2807 = arith.addf %add3A_2795, %select_n3A_2806 : vector<16xf32>
    %get3A_2808 = arith.constant 7 : i32
    %get3A_2809 = arith.index_cast %get3A_2808 : i32 to index
    %get3A_2810 = arith.constant 64 : index
    %get3A_2811 = tpu.vector_load %arg7[%get3A_2809, %get3A_2810] {strides = array<i32>} : memref<11x128xf32, #tpu.memory_space<vmem>>, vector<1x16xf32>,
    %get3A_2812 = vector.shape_cast %get3A_2811 : vector<1x16xf32> to vector<16xf32>
    %neg3A_2813 = arith.constant 0.000000e+00 : f32
    %neg3A_2814 = vector.broadcast %neg3A_2813 : f32 to vector<16xf32>
    %neg3A_2815 = arith.subf %neg3A_2814, %get3A_2812 : vector<16xf32>
    %exp3A_2816 = math.exp %neg3A_2815 : vector<16xf32>
    %add3A_2817 = arith.constant 1.000000e+00 : f32
    %add3A_2818 = vector.broadcast %add3A_2817 : f32 to vector<16xf32>
    %add3A_2819 = arith.addf %add3A_2818, %exp3A_2816 : vector<16xf32>
    %div3A_2820 = arith.constant 1.000000e+00 : f32
    %div3A_2821 = vector.broadcast %div3A_2820 : f32 to vector<16xf32>
    %div3A_2822 = arith.divf %div3A_2821, %add3A_2819 : vector<16xf32>
    %mul3A_2823 = arith.mulf %select_n3A, %div3A_2822 : vector<16xf32>
    %mul3A_2824 = arith.mulf %mul3A_2823, %div3A_2822 : vector<16xf32>
    %add3A_2825 = arith.addf %add3A_2807, %mul3A_2824 : vector<16xf32>
    %eq3A_2826 = arith.constant 55 : i32
    %eq3A_2827 = vector.broadcast %eq3A_2826 : i32 to vector<16xi32>
    %eq3A_2828 = arith.cmpi eq, %get3A_23, %eq3A_2827 : vector<16xi32>
    %and3A_2829 = arith.andi %gt3A_34, %eq3A_2828 : vector<16xi1>
    %mul3A_2830 = arith.constant 2.000000e+00 : f32
    %mul3A_2831 = vector.broadcast %mul3A_2830 : f32 to vector<16xf32>
    %mul3A_2832 = arith.mulf %mul3A_2831, %div3A_2822 : vector<16xf32>
    %sub3A_2833 = arith.constant 1.000000e+00 : f32
    %sub3A_2834 = vector.broadcast %sub3A_2833 : f32 to vector<16xf32>
    %sub3A_2835 = arith.subf %sub3A_2834, %mul3A_2832 : vector<16xf32>
    %select_n3A_2836 = arith.select %and3A_2829, %sub3A_2835, %broadcast_in_dim3A_1159 : vector<16xi1>, vector<16xf32>
    %add3A_2837 = arith.addf %add3A_2825, %select_n3A_2836 : vector<16xf32>
    %get3A_2838 = arith.constant 7 : i32
    %get3A_2839 = arith.index_cast %get3A_2838 : i32 to index
    %get3A_2840 = arith.constant 80 : index
    %get3A_2841 = tpu.vector_load %arg7[%get3A_2839, %get3A_2840] {strides = array<i32>} : memref<11x128xf32, #tpu.memory_space<vmem>>, vector<1x16xf32>,
    %get3A_2842 = vector.shape_cast %get3A_2841 : vector<1x16xf32> to vector<16xf32>
    %neg3A_2843 = arith.constant 0.000000e+00 : f32
    %neg3A_2844 = vector.broadcast %neg3A_2843 : f32 to vector<16xf32>
    %neg3A_2845 = arith.subf %neg3A_2844, %get3A_2842 : vector<16xf32>
    %exp3A_2846 = math.exp %neg3A_2845 : vector<16xf32>
    %add3A_2847 = arith.constant 1.000000e+00 : f32
    %add3A_2848 = vector.broadcast %add3A_2847 : f32 to vector<16xf32>
    %add3A_2849 = arith.addf %add3A_2848, %exp3A_2846 : vector<16xf32>
    %div3A_2850 = arith.constant 1.000000e+00 : f32
    %div3A_2851 = vector.broadcast %div3A_2850 : f32 to vector<16xf32>
    %div3A_2852 = arith.divf %div3A_2851, %add3A_2849 : vector<16xf32>
    %mul3A_2853 = arith.mulf %select_n3A, %div3A_2852 : vector<16xf32>
    %mul3A_2854 = arith.mulf %mul3A_2853, %div3A_2852 : vector<16xf32>
    %add3A_2855 = arith.addf %add3A_2837, %mul3A_2854 : vector<16xf32>
    %eq3A_2856 = arith.constant 56 : i32
    %eq3A_2857 = vector.broadcast %eq3A_2856 : i32 to vector<16xi32>
    %eq3A_2858 = arith.cmpi eq, %get3A_23, %eq3A_2857 : vector<16xi32>
    %and3A_2859 = arith.andi %gt3A_34, %eq3A_2858 : vector<16xi1>
    %mul3A_2860 = arith.constant 2.000000e+00 : f32
    %mul3A_2861 = vector.broadcast %mul3A_2860 : f32 to vector<16xf32>
    %mul3A_2862 = arith.mulf %mul3A_2861, %div3A_2852 : vector<16xf32>
    %sub3A_2863 = arith.constant 1.000000e+00 : f32
    %sub3A_2864 = vector.broadcast %sub3A_2863 : f32 to vector<16xf32>
    %sub3A_2865 = arith.subf %sub3A_2864, %mul3A_2862 : vector<16xf32>
    %select_n3A_2866 = arith.select %and3A_2859, %sub3A_2865, %broadcast_in_dim3A_1159 : vector<16xi1>, vector<16xf32>
    %add3A_2867 = arith.addf %add3A_2855, %select_n3A_2866 : vector<16xf32>
    %get3A_2868 = arith.constant 7 : i32
    %get3A_2869 = arith.index_cast %get3A_2868 : i32 to index
    %get3A_2870 = arith.constant 96 : index
    %get3A_2871 = tpu.vector_load %arg7[%get3A_2869, %get3A_2870] {strides = array<i32>} : memref<11x128xf32, #tpu.memory_space<vmem>>, vector<1x16xf32>,
    %get3A_2872 = vector.shape_cast %get3A_2871 : vector<1x16xf32> to vector<16xf32>
    %neg3A_2873 = arith.constant 0.000000e+00 : f32
    %neg3A_2874 = vector.broadcast %neg3A_2873 : f32 to vector<16xf32>
    %neg3A_2875 = arith.subf %neg3A_2874, %get3A_2872 : vector<16xf32>
    %exp3A_2876 = math.exp %neg3A_2875 : vector<16xf32>
    %add3A_2877 = arith.constant 1.000000e+00 : f32
    %add3A_2878 = vector.broadcast %add3A_2877 : f32 to vector<16xf32>
    %add3A_2879 = arith.addf %add3A_2878, %exp3A_2876 : vector<16xf32>
    %div3A_2880 = arith.constant 1.000000e+00 : f32
    %div3A_2881 = vector.broadcast %div3A_2880 : f32 to vector<16xf32>
    %div3A_2882 = arith.divf %div3A_2881, %add3A_2879 : vector<16xf32>
    %mul3A_2883 = arith.mulf %select_n3A, %div3A_2882 : vector<16xf32>
    %mul3A_2884 = arith.mulf %mul3A_2883, %div3A_2882 : vector<16xf32>
    %add3A_2885 = arith.addf %add3A_2867, %mul3A_2884 : vector<16xf32>
    %eq3A_2886 = arith.constant 57 : i32
    %eq3A_2887 = vector.broadcast %eq3A_2886 : i32 to vector<16xi32>
    %eq3A_2888 = arith.cmpi eq, %get3A_23, %eq3A_2887 : vector<16xi32>
    %and3A_2889 = arith.andi %gt3A_34, %eq3A_2888 : vector<16xi1>
    %mul3A_2890 = arith.constant 2.000000e+00 : f32
    %mul3A_2891 = vector.broadcast %mul3A_2890 : f32 to vector<16xf32>
    %mul3A_2892 = arith.mulf %mul3A_2891, %div3A_2882 : vector<16xf32>
    %sub3A_2893 = arith.constant 1.000000e+00 : f32
    %sub3A_2894 = vector.broadcast %sub3A_2893 : f32 to vector<16xf32>
    %sub3A_2895 = arith.subf %sub3A_2894, %mul3A_2892 : vector<16xf32>
    %select_n3A_2896 = arith.select %and3A_2889, %sub3A_2895, %broadcast_in_dim3A_1159 : vector<16xi1>, vector<16xf32>
    %add3A_2897 = arith.addf %add3A_2885, %select_n3A_2896 : vector<16xf32>
    %get3A_2898 = arith.constant 7 : i32
    %get3A_2899 = arith.index_cast %get3A_2898 : i32 to index
    %get3A_2900 = arith.constant 112 : index
    %get3A_2901 = tpu.vector_load %arg7[%get3A_2899, %get3A_2900] {strides = array<i32>} : memref<11x128xf32, #tpu.memory_space<vmem>>, vector<1x16xf32>,
    %get3A_2902 = vector.shape_cast %get3A_2901 : vector<1x16xf32> to vector<16xf32>
    %neg3A_2903 = arith.constant 0.000000e+00 : f32
    %neg3A_2904 = vector.broadcast %neg3A_2903 : f32 to vector<16xf32>
    %neg3A_2905 = arith.subf %neg3A_2904, %get3A_2902 : vector<16xf32>
    %exp3A_2906 = math.exp %neg3A_2905 : vector<16xf32>
    %add3A_2907 = arith.constant 1.000000e+00 : f32
    %add3A_2908 = vector.broadcast %add3A_2907 : f32 to vector<16xf32>
    %add3A_2909 = arith.addf %add3A_2908, %exp3A_2906 : vector<16xf32>
    %div3A_2910 = arith.constant 1.000000e+00 : f32
    %div3A_2911 = vector.broadcast %div3A_2910 : f32 to vector<16xf32>
    %div3A_2912 = arith.divf %div3A_2911, %add3A_2909 : vector<16xf32>
    %mul3A_2913 = arith.mulf %select_n3A, %div3A_2912 : vector<16xf32>
    %mul3A_2914 = arith.mulf %mul3A_2913, %div3A_2912 : vector<16xf32>
    %add3A_2915 = arith.addf %add3A_2897, %mul3A_2914 : vector<16xf32>
    %eq3A_2916 = arith.constant 58 : i32
    %eq3A_2917 = vector.broadcast %eq3A_2916 : i32 to vector<16xi32>
    %eq3A_2918 = arith.cmpi eq, %get3A_23, %eq3A_2917 : vector<16xi32>
    %and3A_2919 = arith.andi %gt3A_34, %eq3A_2918 : vector<16xi1>
    %mul3A_2920 = arith.constant 2.000000e+00 : f32
    %mul3A_2921 = vector.broadcast %mul3A_2920 : f32 to vector<16xf32>
    %mul3A_2922 = arith.mulf %mul3A_2921, %div3A_2912 : vector<16xf32>
    %sub3A_2923 = arith.constant 1.000000e+00 : f32
    %sub3A_2924 = vector.broadcast %sub3A_2923 : f32 to vector<16xf32>
    %sub3A_2925 = arith.subf %sub3A_2924, %mul3A_2922 : vector<16xf32>
    %select_n3A_2926 = arith.select %and3A_2919, %sub3A_2925, %broadcast_in_dim3A_1159 : vector<16xi1>, vector<16xf32>
    %add3A_2927 = arith.addf %add3A_2915, %select_n3A_2926 : vector<16xf32>
    %get3A_2928 = arith.constant 8 : i32
    %get3A_2929 = arith.index_cast %get3A_2928 : i32 to index
    %get3A_2930 = arith.constant 0 : index
    %get3A_2931 = tpu.vector_load %arg7[%get3A_2929, %get3A_2930] {strides = array<i32>} : memref<11x128xf32, #tpu.memory_space<vmem>>, vector<1x16xf32>,
    %get3A_2932 = vector.shape_cast %get3A_2931 : vector<1x16xf32> to vector<16xf32>
    %neg3A_2933 = arith.constant 0.000000e+00 : f32
    %neg3A_2934 = vector.broadcast %neg3A_2933 : f32 to vector<16xf32>
    %neg3A_2935 = arith.subf %neg3A_2934, %get3A_2932 : vector<16xf32>
    %exp3A_2936 = math.exp %neg3A_2935 : vector<16xf32>
    %add3A_2937 = arith.constant 1.000000e+00 : f32
    %add3A_2938 = vector.broadcast %add3A_2937 : f32 to vector<16xf32>
    %add3A_2939 = arith.addf %add3A_2938, %exp3A_2936 : vector<16xf32>
    %div3A_2940 = arith.constant 1.000000e+00 : f32
    %div3A_2941 = vector.broadcast %div3A_2940 : f32 to vector<16xf32>
    %div3A_2942 = arith.divf %div3A_2941, %add3A_2939 : vector<16xf32>
    %mul3A_2943 = arith.mulf %select_n3A, %div3A_2942 : vector<16xf32>
    %mul3A_2944 = arith.mulf %mul3A_2943, %div3A_2942 : vector<16xf32>
    %add3A_2945 = arith.addf %add3A_2927, %mul3A_2944 : vector<16xf32>
    %eq3A_2946 = arith.constant 59 : i32
    %eq3A_2947 = vector.broadcast %eq3A_2946 : i32 to vector<16xi32>
    %eq3A_2948 = arith.cmpi eq, %get3A_23, %eq3A_2947 : vector<16xi32>
    %and3A_2949 = arith.andi %gt3A_34, %eq3A_2948 : vector<16xi1>
    %mul3A_2950 = arith.constant 2.000000e+00 : f32
    %mul3A_2951 = vector.broadcast %mul3A_2950 : f32 to vector<16xf32>
    %mul3A_2952 = arith.mulf %mul3A_2951, %div3A_2942 : vector<16xf32>
    %sub3A_2953 = arith.constant 1.000000e+00 : f32
    %sub3A_2954 = vector.broadcast %sub3A_2953 : f32 to vector<16xf32>
    %sub3A_2955 = arith.subf %sub3A_2954, %mul3A_2952 : vector<16xf32>
    %select_n3A_2956 = arith.select %and3A_2949, %sub3A_2955, %broadcast_in_dim3A_1159 : vector<16xi1>, vector<16xf32>
    %add3A_2957 = arith.addf %add3A_2945, %select_n3A_2956 : vector<16xf32>
    %get3A_2958 = arith.constant 8 : i32
    %get3A_2959 = arith.index_cast %get3A_2958 : i32 to index
    %get3A_2960 = arith.constant 16 : index
    %get3A_2961 = tpu.vector_load %arg7[%get3A_2959, %get3A_2960] {strides = array<i32>} : memref<11x128xf32, #tpu.memory_space<vmem>>, vector<1x16xf32>,
    %get3A_2962 = vector.shape_cast %get3A_2961 : vector<1x16xf32> to vector<16xf32>
    %neg3A_2963 = arith.constant 0.000000e+00 : f32
    %neg3A_2964 = vector.broadcast %neg3A_2963 : f32 to vector<16xf32>
    %neg3A_2965 = arith.subf %neg3A_2964, %get3A_2962 : vector<16xf32>
    %exp3A_2966 = math.exp %neg3A_2965 : vector<16xf32>
    %add3A_2967 = arith.constant 1.000000e+00 : f32
    %add3A_2968 = vector.broadcast %add3A_2967 : f32 to vector<16xf32>
    %add3A_2969 = arith.addf %add3A_2968, %exp3A_2966 : vector<16xf32>
    %div3A_2970 = arith.constant 1.000000e+00 : f32
    %div3A_2971 = vector.broadcast %div3A_2970 : f32 to vector<16xf32>
    %div3A_2972 = arith.divf %div3A_2971, %add3A_2969 : vector<16xf32>
    %mul3A_2973 = arith.mulf %select_n3A, %div3A_2972 : vector<16xf32>
    %mul3A_2974 = arith.mulf %mul3A_2973, %div3A_2972 : vector<16xf32>
    %add3A_2975 = arith.addf %add3A_2957, %mul3A_2974 : vector<16xf32>
    %eq3A_2976 = arith.constant 60 : i32
    %eq3A_2977 = vector.broadcast %eq3A_2976 : i32 to vector<16xi32>
    %eq3A_2978 = arith.cmpi eq, %get3A_23, %eq3A_2977 : vector<16xi32>
    %and3A_2979 = arith.andi %gt3A_34, %eq3A_2978 : vector<16xi1>
    %mul3A_2980 = arith.constant 2.000000e+00 : f32
    %mul3A_2981 = vector.broadcast %mul3A_2980 : f32 to vector<16xf32>
    %mul3A_2982 = arith.mulf %mul3A_2981, %div3A_2972 : vector<16xf32>
    %sub3A_2983 = arith.constant 1.000000e+00 : f32
    %sub3A_2984 = vector.broadcast %sub3A_2983 : f32 to vector<16xf32>
    %sub3A_2985 = arith.subf %sub3A_2984, %mul3A_2982 : vector<16xf32>
    %select_n3A_2986 = arith.select %and3A_2979, %sub3A_2985, %broadcast_in_dim3A_1159 : vector<16xi1>, vector<16xf32>
    %add3A_2987 = arith.addf %add3A_2975, %select_n3A_2986 : vector<16xf32>
    %get3A_2988 = arith.constant 8 : i32
    %get3A_2989 = arith.index_cast %get3A_2988 : i32 to index
    %get3A_2990 = arith.constant 32 : index
    %get3A_2991 = tpu.vector_load %arg7[%get3A_2989, %get3A_2990] {strides = array<i32>} : memref<11x128xf32, #tpu.memory_space<vmem>>, vector<1x16xf32>,
    %get3A_2992 = vector.shape_cast %get3A_2991 : vector<1x16xf32> to vector<16xf32>
    %neg3A_2993 = arith.constant 0.000000e+00 : f32
    %neg3A_2994 = vector.broadcast %neg3A_2993 : f32 to vector<16xf32>
    %neg3A_2995 = arith.subf %neg3A_2994, %get3A_2992 : vector<16xf32>
    %exp3A_2996 = math.exp %neg3A_2995 : vector<16xf32>
    %add3A_2997 = arith.constant 1.000000e+00 : f32
    %add3A_2998 = vector.broadcast %add3A_2997 : f32 to vector<16xf32>
    %add3A_2999 = arith.addf %add3A_2998, %exp3A_2996 : vector<16xf32>
    %div3A_3000 = arith.constant 1.000000e+00 : f32
    %div3A_3001 = vector.broadcast %div3A_3000 : f32 to vector<16xf32>
    %div3A_3002 = arith.divf %div3A_3001, %add3A_2999 : vector<16xf32>
    %mul3A_3003 = arith.mulf %select_n3A, %div3A_3002 : vector<16xf32>
    %mul3A_3004 = arith.mulf %mul3A_3003, %div3A_3002 : vector<16xf32>
    %add3A_3005 = arith.addf %add3A_2987, %mul3A_3004 : vector<16xf32>
    %eq3A_3006 = arith.constant 61 : i32
    %eq3A_3007 = vector.broadcast %eq3A_3006 : i32 to vector<16xi32>
    %eq3A_3008 = arith.cmpi eq, %get3A_23, %eq3A_3007 : vector<16xi32>
    %and3A_3009 = arith.andi %gt3A_34, %eq3A_3008 : vector<16xi1>
    %mul3A_3010 = arith.constant 2.000000e+00 : f32
    %mul3A_3011 = vector.broadcast %mul3A_3010 : f32 to vector<16xf32>
    %mul3A_3012 = arith.mulf %mul3A_3011, %div3A_3002 : vector<16xf32>
    %sub3A_3013 = arith.constant 1.000000e+00 : f32
    %sub3A_3014 = vector.broadcast %sub3A_3013 : f32 to vector<16xf32>
    %sub3A_3015 = arith.subf %sub3A_3014, %mul3A_3012 : vector<16xf32>
    %select_n3A_3016 = arith.select %and3A_3009, %sub3A_3015, %broadcast_in_dim3A_1159 : vector<16xi1>, vector<16xf32>
    %add3A_3017 = arith.addf %add3A_3005, %select_n3A_3016 : vector<16xf32>
    %get3A_3018 = arith.constant 8 : i32
    %get3A_3019 = arith.index_cast %get3A_3018 : i32 to index
    %get3A_3020 = arith.constant 48 : index
    %get3A_3021 = tpu.vector_load %arg7[%get3A_3019, %get3A_3020] {strides = array<i32>} : memref<11x128xf32, #tpu.memory_space<vmem>>, vector<1x16xf32>,
    %get3A_3022 = vector.shape_cast %get3A_3021 : vector<1x16xf32> to vector<16xf32>
    %neg3A_3023 = arith.constant 0.000000e+00 : f32
    %neg3A_3024 = vector.broadcast %neg3A_3023 : f32 to vector<16xf32>
    %neg3A_3025 = arith.subf %neg3A_3024, %get3A_3022 : vector<16xf32>
    %exp3A_3026 = math.exp %neg3A_3025 : vector<16xf32>
    %add3A_3027 = arith.constant 1.000000e+00 : f32
    %add3A_3028 = vector.broadcast %add3A_3027 : f32 to vector<16xf32>
    %add3A_3029 = arith.addf %add3A_3028, %exp3A_3026 : vector<16xf32>
    %div3A_3030 = arith.constant 1.000000e+00 : f32
    %div3A_3031 = vector.broadcast %div3A_3030 : f32 to vector<16xf32>
    %div3A_3032 = arith.divf %div3A_3031, %add3A_3029 : vector<16xf32>
    %mul3A_3033 = arith.mulf %select_n3A, %div3A_3032 : vector<16xf32>
    %mul3A_3034 = arith.mulf %mul3A_3033, %div3A_3032 : vector<16xf32>
    %add3A_3035 = arith.addf %add3A_3017, %mul3A_3034 : vector<16xf32>
    %eq3A_3036 = arith.constant 62 : i32
    %eq3A_3037 = vector.broadcast %eq3A_3036 : i32 to vector<16xi32>
    %eq3A_3038 = arith.cmpi eq, %get3A_23, %eq3A_3037 : vector<16xi32>
    %and3A_3039 = arith.andi %gt3A_34, %eq3A_3038 : vector<16xi1>
    %mul3A_3040 = arith.constant 2.000000e+00 : f32
    %mul3A_3041 = vector.broadcast %mul3A_3040 : f32 to vector<16xf32>
    %mul3A_3042 = arith.mulf %mul3A_3041, %div3A_3032 : vector<16xf32>
    %sub3A_3043 = arith.constant 1.000000e+00 : f32
    %sub3A_3044 = vector.broadcast %sub3A_3043 : f32 to vector<16xf32>
    %sub3A_3045 = arith.subf %sub3A_3044, %mul3A_3042 : vector<16xf32>
    %select_n3A_3046 = arith.select %and3A_3039, %sub3A_3045, %broadcast_in_dim3A_1159 : vector<16xi1>, vector<16xf32>
    %add3A_3047 = arith.addf %add3A_3035, %select_n3A_3046 : vector<16xf32>
    %get3A_3048 = arith.constant 8 : i32
    %get3A_3049 = arith.index_cast %get3A_3048 : i32 to index
    %get3A_3050 = arith.constant 64 : index
    %get3A_3051 = tpu.vector_load %arg7[%get3A_3049, %get3A_3050] {strides = array<i32>} : memref<11x128xf32, #tpu.memory_space<vmem>>, vector<1x16xf32>,
    %get3A_3052 = vector.shape_cast %get3A_3051 : vector<1x16xf32> to vector<16xf32>
    %neg3A_3053 = arith.constant 0.000000e+00 : f32
    %neg3A_3054 = vector.broadcast %neg3A_3053 : f32 to vector<16xf32>
    %neg3A_3055 = arith.subf %neg3A_3054, %get3A_3052 : vector<16xf32>
    %exp3A_3056 = math.exp %neg3A_3055 : vector<16xf32>
    %add3A_3057 = arith.constant 1.000000e+00 : f32
    %add3A_3058 = vector.broadcast %add3A_3057 : f32 to vector<16xf32>
    %add3A_3059 = arith.addf %add3A_3058, %exp3A_3056 : vector<16xf32>
    %div3A_3060 = arith.constant 1.000000e+00 : f32
    %div3A_3061 = vector.broadcast %div3A_3060 : f32 to vector<16xf32>
    %div3A_3062 = arith.divf %div3A_3061, %add3A_3059 : vector<16xf32>
    %mul3A_3063 = arith.mulf %select_n3A, %div3A_3062 : vector<16xf32>
    %mul3A_3064 = arith.mulf %mul3A_3063, %div3A_3062 : vector<16xf32>
    %add3A_3065 = arith.addf %add3A_3047, %mul3A_3064 : vector<16xf32>
    %eq3A_3066 = arith.constant 63 : i32
    %eq3A_3067 = vector.broadcast %eq3A_3066 : i32 to vector<16xi32>
    %eq3A_3068 = arith.cmpi eq, %get3A_23, %eq3A_3067 : vector<16xi32>
    %and3A_3069 = arith.andi %gt3A_34, %eq3A_3068 : vector<16xi1>
    %mul3A_3070 = arith.constant 2.000000e+00 : f32
    %mul3A_3071 = vector.broadcast %mul3A_3070 : f32 to vector<16xf32>
    %mul3A_3072 = arith.mulf %mul3A_3071, %div3A_3062 : vector<16xf32>
    %sub3A_3073 = arith.constant 1.000000e+00 : f32
    %sub3A_3074 = vector.broadcast %sub3A_3073 : f32 to vector<16xf32>
    %sub3A_3075 = arith.subf %sub3A_3074, %mul3A_3072 : vector<16xf32>
    %select_n3A_3076 = arith.select %and3A_3069, %sub3A_3075, %broadcast_in_dim3A_1159 : vector<16xi1>, vector<16xf32>
    %add3A_3077 = arith.addf %add3A_3065, %select_n3A_3076 : vector<16xf32>
    %get3A_3078 = arith.constant 8 : i32
    %get3A_3079 = arith.index_cast %get3A_3078 : i32 to index
    %get3A_3080 = arith.constant 80 : index
    %get3A_3081 = tpu.vector_load %arg7[%get3A_3079, %get3A_3080] {strides = array<i32>} : memref<11x128xf32, #tpu.memory_space<vmem>>, vector<1x16xf32>,
    %get3A_3082 = vector.shape_cast %get3A_3081 : vector<1x16xf32> to vector<16xf32>
    %neg3A_3083 = arith.constant 0.000000e+00 : f32
    %neg3A_3084 = vector.broadcast %neg3A_3083 : f32 to vector<16xf32>
    %neg3A_3085 = arith.subf %neg3A_3084, %get3A_3082 : vector<16xf32>
    %exp3A_3086 = math.exp %neg3A_3085 : vector<16xf32>
    %add3A_3087 = arith.constant 1.000000e+00 : f32
    %add3A_3088 = vector.broadcast %add3A_3087 : f32 to vector<16xf32>
    %add3A_3089 = arith.addf %add3A_3088, %exp3A_3086 : vector<16xf32>
    %div3A_3090 = arith.constant 1.000000e+00 : f32
    %div3A_3091 = vector.broadcast %div3A_3090 : f32 to vector<16xf32>
    %div3A_3092 = arith.divf %div3A_3091, %add3A_3089 : vector<16xf32>
    %mul3A_3093 = arith.mulf %select_n3A, %div3A_3092 : vector<16xf32>
    %mul3A_3094 = arith.mulf %mul3A_3093, %div3A_3092 : vector<16xf32>
    %add3A_3095 = arith.addf %add3A_3077, %mul3A_3094 : vector<16xf32>
    %eq3A_3096 = arith.constant 64 : i32
    %eq3A_3097 = vector.broadcast %eq3A_3096 : i32 to vector<16xi32>
    %eq3A_3098 = arith.cmpi eq, %get3A_23, %eq3A_3097 : vector<16xi32>
    %and3A_3099 = arith.andi %gt3A_34, %eq3A_3098 : vector<16xi1>
    %mul3A_3100 = arith.constant 2.000000e+00 : f32
    %mul3A_3101 = vector.broadcast %mul3A_3100 : f32 to vector<16xf32>
    %mul3A_3102 = arith.mulf %mul3A_3101, %div3A_3092 : vector<16xf32>
    %sub3A_3103 = arith.constant 1.000000e+00 : f32
    %sub3A_3104 = vector.broadcast %sub3A_3103 : f32 to vector<16xf32>
    %sub3A_3105 = arith.subf %sub3A_3104, %mul3A_3102 : vector<16xf32>
    %select_n3A_3106 = arith.select %and3A_3099, %sub3A_3105, %broadcast_in_dim3A_1159 : vector<16xi1>, vector<16xf32>
    %add3A_3107 = arith.addf %add3A_3095, %select_n3A_3106 : vector<16xf32>
    %get3A_3108 = arith.constant 8 : i32
    %get3A_3109 = arith.index_cast %get3A_3108 : i32 to index
    %get3A_3110 = arith.constant 96 : index
    %get3A_3111 = tpu.vector_load %arg7[%get3A_3109, %get3A_3110] {strides = array<i32>} : memref<11x128xf32, #tpu.memory_space<vmem>>, vector<1x16xf32>,
    %get3A_3112 = vector.shape_cast %get3A_3111 : vector<1x16xf32> to vector<16xf32>
    %neg3A_3113 = arith.constant 0.000000e+00 : f32
    %neg3A_3114 = vector.broadcast %neg3A_3113 : f32 to vector<16xf32>
    %neg3A_3115 = arith.subf %neg3A_3114, %get3A_3112 : vector<16xf32>
    %exp3A_3116 = math.exp %neg3A_3115 : vector<16xf32>
    %add3A_3117 = arith.constant 1.000000e+00 : f32
    %add3A_3118 = vector.broadcast %add3A_3117 : f32 to vector<16xf32>
    %add3A_3119 = arith.addf %add3A_3118, %exp3A_3116 : vector<16xf32>
    %div3A_3120 = arith.constant 1.000000e+00 : f32
    %div3A_3121 = vector.broadcast %div3A_3120 : f32 to vector<16xf32>
    %div3A_3122 = arith.divf %div3A_3121, %add3A_3119 : vector<16xf32>
    %mul3A_3123 = arith.mulf %select_n3A, %div3A_3122 : vector<16xf32>
    %mul3A_3124 = arith.mulf %mul3A_3123, %div3A_3122 : vector<16xf32>
    %add3A_3125 = arith.addf %add3A_3107, %mul3A_3124 : vector<16xf32>
    %eq3A_3126 = arith.constant 65 : i32
    %eq3A_3127 = vector.broadcast %eq3A_3126 : i32 to vector<16xi32>
    %eq3A_3128 = arith.cmpi eq, %get3A_23, %eq3A_3127 : vector<16xi32>
    %and3A_3129 = arith.andi %gt3A_34, %eq3A_3128 : vector<16xi1>
    %mul3A_3130 = arith.constant 2.000000e+00 : f32
    %mul3A_3131 = vector.broadcast %mul3A_3130 : f32 to vector<16xf32>
    %mul3A_3132 = arith.mulf %mul3A_3131, %div3A_3122 : vector<16xf32>
    %sub3A_3133 = arith.constant 1.000000e+00 : f32
    %sub3A_3134 = vector.broadcast %sub3A_3133 : f32 to vector<16xf32>
    %sub3A_3135 = arith.subf %sub3A_3134, %mul3A_3132 : vector<16xf32>
    %select_n3A_3136 = arith.select %and3A_3129, %sub3A_3135, %broadcast_in_dim3A_1159 : vector<16xi1>, vector<16xf32>
    %add3A_3137 = arith.addf %add3A_3125, %select_n3A_3136 : vector<16xf32>
    %get3A_3138 = arith.constant 8 : i32
    %get3A_3139 = arith.index_cast %get3A_3138 : i32 to index
    %get3A_3140 = arith.constant 112 : index
    %get3A_3141 = tpu.vector_load %arg7[%get3A_3139, %get3A_3140] {strides = array<i32>} : memref<11x128xf32, #tpu.memory_space<vmem>>, vector<1x16xf32>,
    %get3A_3142 = vector.shape_cast %get3A_3141 : vector<1x16xf32> to vector<16xf32>
    %neg3A_3143 = arith.constant 0.000000e+00 : f32
    %neg3A_3144 = vector.broadcast %neg3A_3143 : f32 to vector<16xf32>
    %neg3A_3145 = arith.subf %neg3A_3144, %get3A_3142 : vector<16xf32>
    %exp3A_3146 = math.exp %neg3A_3145 : vector<16xf32>
    %add3A_3147 = arith.constant 1.000000e+00 : f32
    %add3A_3148 = vector.broadcast %add3A_3147 : f32 to vector<16xf32>
    %add3A_3149 = arith.addf %add3A_3148, %exp3A_3146 : vector<16xf32>
    %div3A_3150 = arith.constant 1.000000e+00 : f32
    %div3A_3151 = vector.broadcast %div3A_3150 : f32 to vector<16xf32>
    %div3A_3152 = arith.divf %div3A_3151, %add3A_3149 : vector<16xf32>
    %mul3A_3153 = arith.mulf %select_n3A, %div3A_3152 : vector<16xf32>
    %mul3A_3154 = arith.mulf %mul3A_3153, %div3A_3152 : vector<16xf32>
    %add3A_3155 = arith.addf %add3A_3137, %mul3A_3154 : vector<16xf32>
    %eq3A_3156 = arith.constant 66 : i32
    %eq3A_3157 = vector.broadcast %eq3A_3156 : i32 to vector<16xi32>
    %eq3A_3158 = arith.cmpi eq, %get3A_23, %eq3A_3157 : vector<16xi32>
    %and3A_3159 = arith.andi %gt3A_34, %eq3A_3158 : vector<16xi1>
    %mul3A_3160 = arith.constant 2.000000e+00 : f32
    %mul3A_3161 = vector.broadcast %mul3A_3160 : f32 to vector<16xf32>
    %mul3A_3162 = arith.mulf %mul3A_3161, %div3A_3152 : vector<16xf32>
    %sub3A_3163 = arith.constant 1.000000e+00 : f32
    %sub3A_3164 = vector.broadcast %sub3A_3163 : f32 to vector<16xf32>
    %sub3A_3165 = arith.subf %sub3A_3164, %mul3A_3162 : vector<16xf32>
    %select_n3A_3166 = arith.select %and3A_3159, %sub3A_3165, %broadcast_in_dim3A_1159 : vector<16xi1>, vector<16xf32>
    %add3A_3167 = arith.addf %add3A_3155, %select_n3A_3166 : vector<16xf32>
    %get3A_3168 = arith.constant 9 : i32
    %get3A_3169 = arith.index_cast %get3A_3168 : i32 to index
    %get3A_3170 = arith.constant 0 : index
    %get3A_3171 = tpu.vector_load %arg7[%get3A_3169, %get3A_3170] {strides = array<i32>} : memref<11x128xf32, #tpu.memory_space<vmem>>, vector<1x16xf32>,
    %get3A_3172 = vector.shape_cast %get3A_3171 : vector<1x16xf32> to vector<16xf32>
    %neg3A_3173 = arith.constant 0.000000e+00 : f32
    %neg3A_3174 = vector.broadcast %neg3A_3173 : f32 to vector<16xf32>
    %neg3A_3175 = arith.subf %neg3A_3174, %get3A_3172 : vector<16xf32>
    %exp3A_3176 = math.exp %neg3A_3175 : vector<16xf32>
    %add3A_3177 = arith.constant 1.000000e+00 : f32
    %add3A_3178 = vector.broadcast %add3A_3177 : f32 to vector<16xf32>
    %add3A_3179 = arith.addf %add3A_3178, %exp3A_3176 : vector<16xf32>
    %div3A_3180 = arith.constant 1.000000e+00 : f32
    %div3A_3181 = vector.broadcast %div3A_3180 : f32 to vector<16xf32>
    %div3A_3182 = arith.divf %div3A_3181, %add3A_3179 : vector<16xf32>
    %mul3A_3183 = arith.mulf %select_n3A, %div3A_3182 : vector<16xf32>
    %mul3A_3184 = arith.mulf %mul3A_3183, %div3A_3182 : vector<16xf32>
    %add3A_3185 = arith.addf %add3A_3167, %mul3A_3184 : vector<16xf32>
    %eq3A_3186 = arith.constant 67 : i32
    %eq3A_3187 = vector.broadcast %eq3A_3186 : i32 to vector<16xi32>
    %eq3A_3188 = arith.cmpi eq, %get3A_23, %eq3A_3187 : vector<16xi32>
    %and3A_3189 = arith.andi %gt3A_34, %eq3A_3188 : vector<16xi1>
    %mul3A_3190 = arith.constant 2.000000e+00 : f32
    %mul3A_3191 = vector.broadcast %mul3A_3190 : f32 to vector<16xf32>
    %mul3A_3192 = arith.mulf %mul3A_3191, %div3A_3182 : vector<16xf32>
    %sub3A_3193 = arith.constant 1.000000e+00 : f32
    %sub3A_3194 = vector.broadcast %sub3A_3193 : f32 to vector<16xf32>
    %sub3A_3195 = arith.subf %sub3A_3194, %mul3A_3192 : vector<16xf32>
    %select_n3A_3196 = arith.select %and3A_3189, %sub3A_3195, %broadcast_in_dim3A_1159 : vector<16xi1>, vector<16xf32>
    %add3A_3197 = arith.addf %add3A_3185, %select_n3A_3196 : vector<16xf32>
    %get3A_3198 = arith.constant 9 : i32
    %get3A_3199 = arith.index_cast %get3A_3198 : i32 to index
    %get3A_3200 = arith.constant 16 : index
    %get3A_3201 = tpu.vector_load %arg7[%get3A_3199, %get3A_3200] {strides = array<i32>} : memref<11x128xf32, #tpu.memory_space<vmem>>, vector<1x16xf32>,
    %get3A_3202 = vector.shape_cast %get3A_3201 : vector<1x16xf32> to vector<16xf32>
    %neg3A_3203 = arith.constant 0.000000e+00 : f32
    %neg3A_3204 = vector.broadcast %neg3A_3203 : f32 to vector<16xf32>
    %neg3A_3205 = arith.subf %neg3A_3204, %get3A_3202 : vector<16xf32>
    %exp3A_3206 = math.exp %neg3A_3205 : vector<16xf32>
    %add3A_3207 = arith.constant 1.000000e+00 : f32
    %add3A_3208 = vector.broadcast %add3A_3207 : f32 to vector<16xf32>
    %add3A_3209 = arith.addf %add3A_3208, %exp3A_3206 : vector<16xf32>
    %div3A_3210 = arith.constant 1.000000e+00 : f32
    %div3A_3211 = vector.broadcast %div3A_3210 : f32 to vector<16xf32>
    %div3A_3212 = arith.divf %div3A_3211, %add3A_3209 : vector<16xf32>
    %mul3A_3213 = arith.mulf %select_n3A, %div3A_3212 : vector<16xf32>
    %mul3A_3214 = arith.mulf %mul3A_3213, %div3A_3212 : vector<16xf32>
    %add3A_3215 = arith.addf %add3A_3197, %mul3A_3214 : vector<16xf32>
    %eq3A_3216 = arith.constant 68 : i32
    %eq3A_3217 = vector.broadcast %eq3A_3216 : i32 to vector<16xi32>
    %eq3A_3218 = arith.cmpi eq, %get3A_23, %eq3A_3217 : vector<16xi32>
    %and3A_3219 = arith.andi %gt3A_34, %eq3A_3218 : vector<16xi1>
    %mul3A_3220 = arith.constant 2.000000e+00 : f32
    %mul3A_3221 = vector.broadcast %mul3A_3220 : f32 to vector<16xf32>
    %mul3A_3222 = arith.mulf %mul3A_3221, %div3A_3212 : vector<16xf32>
    %sub3A_3223 = arith.constant 1.000000e+00 : f32
    %sub3A_3224 = vector.broadcast %sub3A_3223 : f32 to vector<16xf32>
    %sub3A_3225 = arith.subf %sub3A_3224, %mul3A_3222 : vector<16xf32>
    %select_n3A_3226 = arith.select %and3A_3219, %sub3A_3225, %broadcast_in_dim3A_1159 : vector<16xi1>, vector<16xf32>
    %add3A_3227 = arith.addf %add3A_3215, %select_n3A_3226 : vector<16xf32>
    %get3A_3228 = arith.constant 9 : i32
    %get3A_3229 = arith.index_cast %get3A_3228 : i32 to index
    %get3A_3230 = arith.constant 32 : index
    %get3A_3231 = tpu.vector_load %arg7[%get3A_3229, %get3A_3230] {strides = array<i32>} : memref<11x128xf32, #tpu.memory_space<vmem>>, vector<1x16xf32>,
    %get3A_3232 = vector.shape_cast %get3A_3231 : vector<1x16xf32> to vector<16xf32>
    %neg3A_3233 = arith.constant 0.000000e+00 : f32
    %neg3A_3234 = vector.broadcast %neg3A_3233 : f32 to vector<16xf32>
    %neg3A_3235 = arith.subf %neg3A_3234, %get3A_3232 : vector<16xf32>
    %exp3A_3236 = math.exp %neg3A_3235 : vector<16xf32>
    %add3A_3237 = arith.constant 1.000000e+00 : f32
    %add3A_3238 = vector.broadcast %add3A_3237 : f32 to vector<16xf32>
    %add3A_3239 = arith.addf %add3A_3238, %exp3A_3236 : vector<16xf32>
    %div3A_3240 = arith.constant 1.000000e+00 : f32
    %div3A_3241 = vector.broadcast %div3A_3240 : f32 to vector<16xf32>
    %div3A_3242 = arith.divf %div3A_3241, %add3A_3239 : vector<16xf32>
    %mul3A_3243 = arith.mulf %select_n3A, %div3A_3242 : vector<16xf32>
    %mul3A_3244 = arith.mulf %mul3A_3243, %div3A_3242 : vector<16xf32>
    %add3A_3245 = arith.addf %add3A_3227, %mul3A_3244 : vector<16xf32>
    %eq3A_3246 = arith.constant 69 : i32
    %eq3A_3247 = vector.broadcast %eq3A_3246 : i32 to vector<16xi32>
    %eq3A_3248 = arith.cmpi eq, %get3A_23, %eq3A_3247 : vector<16xi32>
    %and3A_3249 = arith.andi %gt3A_34, %eq3A_3248 : vector<16xi1>
    %mul3A_3250 = arith.constant 2.000000e+00 : f32
    %mul3A_3251 = vector.broadcast %mul3A_3250 : f32 to vector<16xf32>
    %mul3A_3252 = arith.mulf %mul3A_3251, %div3A_3242 : vector<16xf32>
    %sub3A_3253 = arith.constant 1.000000e+00 : f32
    %sub3A_3254 = vector.broadcast %sub3A_3253 : f32 to vector<16xf32>
    %sub3A_3255 = arith.subf %sub3A_3254, %mul3A_3252 : vector<16xf32>
    %select_n3A_3256 = arith.select %and3A_3249, %sub3A_3255, %broadcast_in_dim3A_1159 : vector<16xi1>, vector<16xf32>
    %add3A_3257 = arith.addf %add3A_3245, %select_n3A_3256 : vector<16xf32>
    %get3A_3258 = arith.constant 9 : i32
    %get3A_3259 = arith.index_cast %get3A_3258 : i32 to index
    %get3A_3260 = arith.constant 48 : index
    %get3A_3261 = tpu.vector_load %arg7[%get3A_3259, %get3A_3260] {strides = array<i32>} : memref<11x128xf32, #tpu.memory_space<vmem>>, vector<1x16xf32>,
    %get3A_3262 = vector.shape_cast %get3A_3261 : vector<1x16xf32> to vector<16xf32>
    %neg3A_3263 = arith.constant 0.000000e+00 : f32
    %neg3A_3264 = vector.broadcast %neg3A_3263 : f32 to vector<16xf32>
    %neg3A_3265 = arith.subf %neg3A_3264, %get3A_3262 : vector<16xf32>
    %exp3A_3266 = math.exp %neg3A_3265 : vector<16xf32>
    %add3A_3267 = arith.constant 1.000000e+00 : f32
    %add3A_3268 = vector.broadcast %add3A_3267 : f32 to vector<16xf32>
    %add3A_3269 = arith.addf %add3A_3268, %exp3A_3266 : vector<16xf32>
    %div3A_3270 = arith.constant 1.000000e+00 : f32
    %div3A_3271 = vector.broadcast %div3A_3270 : f32 to vector<16xf32>
    %div3A_3272 = arith.divf %div3A_3271, %add3A_3269 : vector<16xf32>
    %mul3A_3273 = arith.mulf %select_n3A, %div3A_3272 : vector<16xf32>
    %mul3A_3274 = arith.mulf %mul3A_3273, %div3A_3272 : vector<16xf32>
    %add3A_3275 = arith.addf %add3A_3257, %mul3A_3274 : vector<16xf32>
    %eq3A_3276 = arith.constant 70 : i32
    %eq3A_3277 = vector.broadcast %eq3A_3276 : i32 to vector<16xi32>
    %eq3A_3278 = arith.cmpi eq, %get3A_23, %eq3A_3277 : vector<16xi32>
    %and3A_3279 = arith.andi %gt3A_34, %eq3A_3278 : vector<16xi1>
    %mul3A_3280 = arith.constant 2.000000e+00 : f32
    %mul3A_3281 = vector.broadcast %mul3A_3280 : f32 to vector<16xf32>
    %mul3A_3282 = arith.mulf %mul3A_3281, %div3A_3272 : vector<16xf32>
    %sub3A_3283 = arith.constant 1.000000e+00 : f32
    %sub3A_3284 = vector.broadcast %sub3A_3283 : f32 to vector<16xf32>
    %sub3A_3285 = arith.subf %sub3A_3284, %mul3A_3282 : vector<16xf32>
    %select_n3A_3286 = arith.select %and3A_3279, %sub3A_3285, %broadcast_in_dim3A_1159 : vector<16xi1>, vector<16xf32>
    %add3A_3287 = arith.addf %add3A_3275, %select_n3A_3286 : vector<16xf32>
    %get3A_3288 = arith.constant 9 : i32
    %get3A_3289 = arith.index_cast %get3A_3288 : i32 to index
    %get3A_3290 = arith.constant 64 : index
    %get3A_3291 = tpu.vector_load %arg7[%get3A_3289, %get3A_3290] {strides = array<i32>} : memref<11x128xf32, #tpu.memory_space<vmem>>, vector<1x16xf32>,
    %get3A_3292 = vector.shape_cast %get3A_3291 : vector<1x16xf32> to vector<16xf32>
    %neg3A_3293 = arith.constant 0.000000e+00 : f32
    %neg3A_3294 = vector.broadcast %neg3A_3293 : f32 to vector<16xf32>
    %neg3A_3295 = arith.subf %neg3A_3294, %get3A_3292 : vector<16xf32>
    %exp3A_3296 = math.exp %neg3A_3295 : vector<16xf32>
    %add3A_3297 = arith.constant 1.000000e+00 : f32
    %add3A_3298 = vector.broadcast %add3A_3297 : f32 to vector<16xf32>
    %add3A_3299 = arith.addf %add3A_3298, %exp3A_3296 : vector<16xf32>
    %div3A_3300 = arith.constant 1.000000e+00 : f32
    %div3A_3301 = vector.broadcast %div3A_3300 : f32 to vector<16xf32>
    %div3A_3302 = arith.divf %div3A_3301, %add3A_3299 : vector<16xf32>
    %mul3A_3303 = arith.mulf %select_n3A, %div3A_3302 : vector<16xf32>
    %mul3A_3304 = arith.mulf %mul3A_3303, %div3A_3302 : vector<16xf32>
    %add3A_3305 = arith.addf %add3A_3287, %mul3A_3304 : vector<16xf32>
    %eq3A_3306 = arith.constant 71 : i32
    %eq3A_3307 = vector.broadcast %eq3A_3306 : i32 to vector<16xi32>
    %eq3A_3308 = arith.cmpi eq, %get3A_23, %eq3A_3307 : vector<16xi32>
    %and3A_3309 = arith.andi %gt3A_34, %eq3A_3308 : vector<16xi1>
    %mul3A_3310 = arith.constant 2.000000e+00 : f32
    %mul3A_3311 = vector.broadcast %mul3A_3310 : f32 to vector<16xf32>
    %mul3A_3312 = arith.mulf %mul3A_3311, %div3A_3302 : vector<16xf32>
    %sub3A_3313 = arith.constant 1.000000e+00 : f32
    %sub3A_3314 = vector.broadcast %sub3A_3313 : f32 to vector<16xf32>
    %sub3A_3315 = arith.subf %sub3A_3314, %mul3A_3312 : vector<16xf32>
    %select_n3A_3316 = arith.select %and3A_3309, %sub3A_3315, %broadcast_in_dim3A_1159 : vector<16xi1>, vector<16xf32>
    %add3A_3317 = arith.addf %add3A_3305, %select_n3A_3316 : vector<16xf32>
    %get3A_3318 = arith.constant 9 : i32
    %get3A_3319 = arith.index_cast %get3A_3318 : i32 to index
    %get3A_3320 = arith.constant 80 : index
    %get3A_3321 = tpu.vector_load %arg7[%get3A_3319, %get3A_3320] {strides = array<i32>} : memref<11x128xf32, #tpu.memory_space<vmem>>, vector<1x16xf32>,
    %get3A_3322 = vector.shape_cast %get3A_3321 : vector<1x16xf32> to vector<16xf32>
    %neg3A_3323 = arith.constant 0.000000e+00 : f32
    %neg3A_3324 = vector.broadcast %neg3A_3323 : f32 to vector<16xf32>
    %neg3A_3325 = arith.subf %neg3A_3324, %get3A_3322 : vector<16xf32>
    %exp3A_3326 = math.exp %neg3A_3325 : vector<16xf32>
    %add3A_3327 = arith.constant 1.000000e+00 : f32
    %add3A_3328 = vector.broadcast %add3A_3327 : f32 to vector<16xf32>
    %add3A_3329 = arith.addf %add3A_3328, %exp3A_3326 : vector<16xf32>
    %div3A_3330 = arith.constant 1.000000e+00 : f32
    %div3A_3331 = vector.broadcast %div3A_3330 : f32 to vector<16xf32>
    %div3A_3332 = arith.divf %div3A_3331, %add3A_3329 : vector<16xf32>
    %mul3A_3333 = arith.mulf %select_n3A, %div3A_3332 : vector<16xf32>
    %mul3A_3334 = arith.mulf %mul3A_3333, %div3A_3332 : vector<16xf32>
    %add3A_3335 = arith.addf %add3A_3317, %mul3A_3334 : vector<16xf32>
    %eq3A_3336 = arith.constant 72 : i32
    %eq3A_3337 = vector.broadcast %eq3A_3336 : i32 to vector<16xi32>
    %eq3A_3338 = arith.cmpi eq, %get3A_23, %eq3A_3337 : vector<16xi32>
    %and3A_3339 = arith.andi %gt3A_34, %eq3A_3338 : vector<16xi1>
    %mul3A_3340 = arith.constant 2.000000e+00 : f32
    %mul3A_3341 = vector.broadcast %mul3A_3340 : f32 to vector<16xf32>
    %mul3A_3342 = arith.mulf %mul3A_3341, %div3A_3332 : vector<16xf32>
    %sub3A_3343 = arith.constant 1.000000e+00 : f32
    %sub3A_3344 = vector.broadcast %sub3A_3343 : f32 to vector<16xf32>
    %sub3A_3345 = arith.subf %sub3A_3344, %mul3A_3342 : vector<16xf32>
    %select_n3A_3346 = arith.select %and3A_3339, %sub3A_3345, %broadcast_in_dim3A_1159 : vector<16xi1>, vector<16xf32>
    %add3A_3347 = arith.addf %add3A_3335, %select_n3A_3346 : vector<16xf32>
    %get3A_3348 = arith.constant 9 : i32
    %get3A_3349 = arith.index_cast %get3A_3348 : i32 to index
    %get3A_3350 = arith.constant 96 : index
    %get3A_3351 = tpu.vector_load %arg7[%get3A_3349, %get3A_3350] {strides = array<i32>} : memref<11x128xf32, #tpu.memory_space<vmem>>, vector<1x16xf32>,
    %get3A_3352 = vector.shape_cast %get3A_3351 : vector<1x16xf32> to vector<16xf32>
    %neg3A_3353 = arith.constant 0.000000e+00 : f32
    %neg3A_3354 = vector.broadcast %neg3A_3353 : f32 to vector<16xf32>
    %neg3A_3355 = arith.subf %neg3A_3354, %get3A_3352 : vector<16xf32>
    %exp3A_3356 = math.exp %neg3A_3355 : vector<16xf32>
    %add3A_3357 = arith.constant 1.000000e+00 : f32
    %add3A_3358 = vector.broadcast %add3A_3357 : f32 to vector<16xf32>
    %add3A_3359 = arith.addf %add3A_3358, %exp3A_3356 : vector<16xf32>
    %div3A_3360 = arith.constant 1.000000e+00 : f32
    %div3A_3361 = vector.broadcast %div3A_3360 : f32 to vector<16xf32>
    %div3A_3362 = arith.divf %div3A_3361, %add3A_3359 : vector<16xf32>
    %mul3A_3363 = arith.mulf %select_n3A, %div3A_3362 : vector<16xf32>
    %mul3A_3364 = arith.mulf %mul3A_3363, %div3A_3362 : vector<16xf32>
    %add3A_3365 = arith.addf %add3A_3347, %mul3A_3364 : vector<16xf32>
    %eq3A_3366 = arith.constant 73 : i32
    %eq3A_3367 = vector.broadcast %eq3A_3366 : i32 to vector<16xi32>
    %eq3A_3368 = arith.cmpi eq, %get3A_23, %eq3A_3367 : vector<16xi32>
    %and3A_3369 = arith.andi %gt3A_34, %eq3A_3368 : vector<16xi1>
    %mul3A_3370 = arith.constant 2.000000e+00 : f32
    %mul3A_3371 = vector.broadcast %mul3A_3370 : f32 to vector<16xf32>
    %mul3A_3372 = arith.mulf %mul3A_3371, %div3A_3362 : vector<16xf32>
    %sub3A_3373 = arith.constant 1.000000e+00 : f32
    %sub3A_3374 = vector.broadcast %sub3A_3373 : f32 to vector<16xf32>
    %sub3A_3375 = arith.subf %sub3A_3374, %mul3A_3372 : vector<16xf32>
    %select_n3A_3376 = arith.select %and3A_3369, %sub3A_3375, %broadcast_in_dim3A_1159 : vector<16xi1>, vector<16xf32>
    %add3A_3377 = arith.addf %add3A_3365, %select_n3A_3376 : vector<16xf32>
    %get3A_3378 = arith.constant 9 : i32
    %get3A_3379 = arith.index_cast %get3A_3378 : i32 to index
    %get3A_3380 = arith.constant 112 : index
    %get3A_3381 = tpu.vector_load %arg7[%get3A_3379, %get3A_3380] {strides = array<i32>} : memref<11x128xf32, #tpu.memory_space<vmem>>, vector<1x16xf32>,
    %get3A_3382 = vector.shape_cast %get3A_3381 : vector<1x16xf32> to vector<16xf32>
    %neg3A_3383 = arith.constant 0.000000e+00 : f32
    %neg3A_3384 = vector.broadcast %neg3A_3383 : f32 to vector<16xf32>
    %neg3A_3385 = arith.subf %neg3A_3384, %get3A_3382 : vector<16xf32>
    %exp3A_3386 = math.exp %neg3A_3385 : vector<16xf32>
    %add3A_3387 = arith.constant 1.000000e+00 : f32
    %add3A_3388 = vector.broadcast %add3A_3387 : f32 to vector<16xf32>
    %add3A_3389 = arith.addf %add3A_3388, %exp3A_3386 : vector<16xf32>
    %div3A_3390 = arith.constant 1.000000e+00 : f32
    %div3A_3391 = vector.broadcast %div3A_3390 : f32 to vector<16xf32>
    %div3A_3392 = arith.divf %div3A_3391, %add3A_3389 : vector<16xf32>
    %mul3A_3393 = arith.mulf %select_n3A, %div3A_3392 : vector<16xf32>
    %mul3A_3394 = arith.mulf %mul3A_3393, %div3A_3392 : vector<16xf32>
    %add3A_3395 = arith.addf %add3A_3377, %mul3A_3394 : vector<16xf32>
    %eq3A_3396 = arith.constant 74 : i32
    %eq3A_3397 = vector.broadcast %eq3A_3396 : i32 to vector<16xi32>
    %eq3A_3398 = arith.cmpi eq, %get3A_23, %eq3A_3397 : vector<16xi32>
    %and3A_3399 = arith.andi %gt3A_34, %eq3A_3398 : vector<16xi1>
    %mul3A_3400 = arith.constant 2.000000e+00 : f32
    %mul3A_3401 = vector.broadcast %mul3A_3400 : f32 to vector<16xf32>
    %mul3A_3402 = arith.mulf %mul3A_3401, %div3A_3392 : vector<16xf32>
    %sub3A_3403 = arith.constant 1.000000e+00 : f32
    %sub3A_3404 = vector.broadcast %sub3A_3403 : f32 to vector<16xf32>
    %sub3A_3405 = arith.subf %sub3A_3404, %mul3A_3402 : vector<16xf32>
    %select_n3A_3406 = arith.select %and3A_3399, %sub3A_3405, %broadcast_in_dim3A_1159 : vector<16xi1>, vector<16xf32>
    %add3A_3407 = arith.addf %add3A_3395, %select_n3A_3406 : vector<16xf32>
    %get3A_3408 = arith.constant 10 : i32
    %get3A_3409 = arith.index_cast %get3A_3408 : i32 to index
    %get3A_3410 = arith.constant 0 : index
    %get3A_3411 = tpu.vector_load %arg7[%get3A_3409, %get3A_3410] {strides = array<i32>} : memref<11x128xf32, #tpu.memory_space<vmem>>, vector<1x16xf32>,
    %get3A_3412 = vector.shape_cast %get3A_3411 : vector<1x16xf32> to vector<16xf32>
    %neg3A_3413 = arith.constant 0.000000e+00 : f32
    %neg3A_3414 = vector.broadcast %neg3A_3413 : f32 to vector<16xf32>
    %neg3A_3415 = arith.subf %neg3A_3414, %get3A_3412 : vector<16xf32>
    %exp3A_3416 = math.exp %neg3A_3415 : vector<16xf32>
    %add3A_3417 = arith.constant 1.000000e+00 : f32
    %add3A_3418 = vector.broadcast %add3A_3417 : f32 to vector<16xf32>
    %add3A_3419 = arith.addf %add3A_3418, %exp3A_3416 : vector<16xf32>
    %div3A_3420 = arith.constant 1.000000e+00 : f32
    %div3A_3421 = vector.broadcast %div3A_3420 : f32 to vector<16xf32>
    %div3A_3422 = arith.divf %div3A_3421, %add3A_3419 : vector<16xf32>
    %mul3A_3423 = arith.mulf %select_n3A, %div3A_3422 : vector<16xf32>
    %mul3A_3424 = arith.mulf %mul3A_3423, %div3A_3422 : vector<16xf32>
    %add3A_3425 = arith.addf %add3A_3407, %mul3A_3424 : vector<16xf32>
    %eq3A_3426 = arith.constant 75 : i32
    %eq3A_3427 = vector.broadcast %eq3A_3426 : i32 to vector<16xi32>
    %eq3A_3428 = arith.cmpi eq, %get3A_23, %eq3A_3427 : vector<16xi32>
    %and3A_3429 = arith.andi %gt3A_34, %eq3A_3428 : vector<16xi1>
    %mul3A_3430 = arith.constant 2.000000e+00 : f32
    %mul3A_3431 = vector.broadcast %mul3A_3430 : f32 to vector<16xf32>
    %mul3A_3432 = arith.mulf %mul3A_3431, %div3A_3422 : vector<16xf32>
    %sub3A_3433 = arith.constant 1.000000e+00 : f32
    %sub3A_3434 = vector.broadcast %sub3A_3433 : f32 to vector<16xf32>
    %sub3A_3435 = arith.subf %sub3A_3434, %mul3A_3432 : vector<16xf32>
    %select_n3A_3436 = arith.select %and3A_3429, %sub3A_3435, %broadcast_in_dim3A_1159 : vector<16xi1>, vector<16xf32>
    %add3A_3437 = arith.addf %add3A_3425, %select_n3A_3436 : vector<16xf32>
    %get3A_3438 = arith.constant 10 : i32
    %get3A_3439 = arith.index_cast %get3A_3438 : i32 to index
    %get3A_3440 = arith.constant 16 : index
    %get3A_3441 = tpu.vector_load %arg7[%get3A_3439, %get3A_3440] {strides = array<i32>} : memref<11x128xf32, #tpu.memory_space<vmem>>, vector<1x16xf32>,
    %get3A_3442 = vector.shape_cast %get3A_3441 : vector<1x16xf32> to vector<16xf32>
    %neg3A_3443 = arith.constant 0.000000e+00 : f32
    %neg3A_3444 = vector.broadcast %neg3A_3443 : f32 to vector<16xf32>
    %neg3A_3445 = arith.subf %neg3A_3444, %get3A_3442 : vector<16xf32>
    %exp3A_3446 = math.exp %neg3A_3445 : vector<16xf32>
    %add3A_3447 = arith.constant 1.000000e+00 : f32
    %add3A_3448 = vector.broadcast %add3A_3447 : f32 to vector<16xf32>
    %add3A_3449 = arith.addf %add3A_3448, %exp3A_3446 : vector<16xf32>
    %div3A_3450 = arith.constant 1.000000e+00 : f32
    %div3A_3451 = vector.broadcast %div3A_3450 : f32 to vector<16xf32>
    %div3A_3452 = arith.divf %div3A_3451, %add3A_3449 : vector<16xf32>
    %mul3A_3453 = arith.mulf %select_n3A, %div3A_3452 : vector<16xf32>
    %mul3A_3454 = arith.mulf %mul3A_3453, %div3A_3452 : vector<16xf32>
    %add3A_3455 = arith.addf %add3A_3437, %mul3A_3454 : vector<16xf32>
    %eq3A_3456 = arith.constant 76 : i32
    %eq3A_3457 = vector.broadcast %eq3A_3456 : i32 to vector<16xi32>
    %eq3A_3458 = arith.cmpi eq, %get3A_23, %eq3A_3457 : vector<16xi32>
    %and3A_3459 = arith.andi %gt3A_34, %eq3A_3458 : vector<16xi1>
    %mul3A_3460 = arith.constant 2.000000e+00 : f32
    %mul3A_3461 = vector.broadcast %mul3A_3460 : f32 to vector<16xf32>
    %mul3A_3462 = arith.mulf %mul3A_3461, %div3A_3452 : vector<16xf32>
    %sub3A_3463 = arith.constant 1.000000e+00 : f32
    %sub3A_3464 = vector.broadcast %sub3A_3463 : f32 to vector<16xf32>
    %sub3A_3465 = arith.subf %sub3A_3464, %mul3A_3462 : vector<16xf32>
    %select_n3A_3466 = arith.select %and3A_3459, %sub3A_3465, %broadcast_in_dim3A_1159 : vector<16xi1>, vector<16xf32>
    %add3A_3467 = arith.addf %add3A_3455, %select_n3A_3466 : vector<16xf32>
    %get3A_3468 = arith.constant 10 : i32
    %get3A_3469 = arith.index_cast %get3A_3468 : i32 to index
    %get3A_3470 = arith.constant 32 : index
    %get3A_3471 = tpu.vector_load %arg7[%get3A_3469, %get3A_3470] {strides = array<i32>} : memref<11x128xf32, #tpu.memory_space<vmem>>, vector<1x16xf32>,
    %get3A_3472 = vector.shape_cast %get3A_3471 : vector<1x16xf32> to vector<16xf32>
    %neg3A_3473 = arith.constant 0.000000e+00 : f32
    %neg3A_3474 = vector.broadcast %neg3A_3473 : f32 to vector<16xf32>
    %neg3A_3475 = arith.subf %neg3A_3474, %get3A_3472 : vector<16xf32>
    %exp3A_3476 = math.exp %neg3A_3475 : vector<16xf32>
    %add3A_3477 = arith.constant 1.000000e+00 : f32
    %add3A_3478 = vector.broadcast %add3A_3477 : f32 to vector<16xf32>
    %add3A_3479 = arith.addf %add3A_3478, %exp3A_3476 : vector<16xf32>
    %div3A_3480 = arith.constant 1.000000e+00 : f32
    %div3A_3481 = vector.broadcast %div3A_3480 : f32 to vector<16xf32>
    %div3A_3482 = arith.divf %div3A_3481, %add3A_3479 : vector<16xf32>
    %mul3A_3483 = arith.mulf %select_n3A, %div3A_3482 : vector<16xf32>
    %mul3A_3484 = arith.mulf %mul3A_3483, %div3A_3482 : vector<16xf32>
    %add3A_3485 = arith.addf %add3A_3467, %mul3A_3484 : vector<16xf32>
    %eq3A_3486 = arith.constant 77 : i32
    %eq3A_3487 = vector.broadcast %eq3A_3486 : i32 to vector<16xi32>
    %eq3A_3488 = arith.cmpi eq, %get3A_23, %eq3A_3487 : vector<16xi32>
    %and3A_3489 = arith.andi %gt3A_34, %eq3A_3488 : vector<16xi1>
    %mul3A_3490 = arith.constant 2.000000e+00 : f32
    %mul3A_3491 = vector.broadcast %mul3A_3490 : f32 to vector<16xf32>
    %mul3A_3492 = arith.mulf %mul3A_3491, %div3A_3482 : vector<16xf32>
    %sub3A_3493 = arith.constant 1.000000e+00 : f32
    %sub3A_3494 = vector.broadcast %sub3A_3493 : f32 to vector<16xf32>
    %sub3A_3495 = arith.subf %sub3A_3494, %mul3A_3492 : vector<16xf32>
    %select_n3A_3496 = arith.select %and3A_3489, %sub3A_3495, %broadcast_in_dim3A_1159 : vector<16xi1>, vector<16xf32>
    %add3A_3497 = arith.addf %add3A_3485, %select_n3A_3496 : vector<16xf32>
    %get3A_3498 = arith.constant 10 : i32
    %get3A_3499 = arith.index_cast %get3A_3498 : i32 to index
    %get3A_3500 = arith.constant 48 : index
    %get3A_3501 = tpu.vector_load %arg7[%get3A_3499, %get3A_3500] {strides = array<i32>} : memref<11x128xf32, #tpu.memory_space<vmem>>, vector<1x16xf32>,
    %get3A_3502 = vector.shape_cast %get3A_3501 : vector<1x16xf32> to vector<16xf32>
    %neg3A_3503 = arith.constant 0.000000e+00 : f32
    %neg3A_3504 = vector.broadcast %neg3A_3503 : f32 to vector<16xf32>
    %neg3A_3505 = arith.subf %neg3A_3504, %get3A_3502 : vector<16xf32>
    %exp3A_3506 = math.exp %neg3A_3505 : vector<16xf32>
    %add3A_3507 = arith.constant 1.000000e+00 : f32
    %add3A_3508 = vector.broadcast %add3A_3507 : f32 to vector<16xf32>
    %add3A_3509 = arith.addf %add3A_3508, %exp3A_3506 : vector<16xf32>
    %div3A_3510 = arith.constant 1.000000e+00 : f32
    %div3A_3511 = vector.broadcast %div3A_3510 : f32 to vector<16xf32>
    %div3A_3512 = arith.divf %div3A_3511, %add3A_3509 : vector<16xf32>
    %mul3A_3513 = arith.mulf %select_n3A, %div3A_3512 : vector<16xf32>
    %mul3A_3514 = arith.mulf %mul3A_3513, %div3A_3512 : vector<16xf32>
    %add3A_3515 = arith.addf %add3A_3497, %mul3A_3514 : vector<16xf32>
    %eq3A_3516 = arith.constant 78 : i32
    %eq3A_3517 = vector.broadcast %eq3A_3516 : i32 to vector<16xi32>
    %eq3A_3518 = arith.cmpi eq, %get3A_23, %eq3A_3517 : vector<16xi32>
    %and3A_3519 = arith.andi %gt3A_34, %eq3A_3518 : vector<16xi1>
    %mul3A_3520 = arith.constant 2.000000e+00 : f32
    %mul3A_3521 = vector.broadcast %mul3A_3520 : f32 to vector<16xf32>
    %mul3A_3522 = arith.mulf %mul3A_3521, %div3A_3512 : vector<16xf32>
    %sub3A_3523 = arith.constant 1.000000e+00 : f32
    %sub3A_3524 = vector.broadcast %sub3A_3523 : f32 to vector<16xf32>
    %sub3A_3525 = arith.subf %sub3A_3524, %mul3A_3522 : vector<16xf32>
    %select_n3A_3526 = arith.select %and3A_3519, %sub3A_3525, %broadcast_in_dim3A_1159 : vector<16xi1>, vector<16xf32>
    %add3A_3527 = arith.addf %add3A_3515, %select_n3A_3526 : vector<16xf32>
    %get3A_3528 = arith.constant 10 : i32
    %get3A_3529 = arith.index_cast %get3A_3528 : i32 to index
    %get3A_3530 = arith.constant 64 : index
    %get3A_3531 = tpu.vector_load %arg7[%get3A_3529, %get3A_3530] {strides = array<i32>} : memref<11x128xf32, #tpu.memory_space<vmem>>, vector<1x16xf32>,
    %get3A_3532 = vector.shape_cast %get3A_3531 : vector<1x16xf32> to vector<16xf32>
    %neg3A_3533 = arith.constant 0.000000e+00 : f32
    %neg3A_3534 = vector.broadcast %neg3A_3533 : f32 to vector<16xf32>
    %neg3A_3535 = arith.subf %neg3A_3534, %get3A_3532 : vector<16xf32>
    %exp3A_3536 = math.exp %neg3A_3535 : vector<16xf32>
    %add3A_3537 = arith.constant 1.000000e+00 : f32
    %add3A_3538 = vector.broadcast %add3A_3537 : f32 to vector<16xf32>
    %add3A_3539 = arith.addf %add3A_3538, %exp3A_3536 : vector<16xf32>
    %div3A_3540 = arith.constant 1.000000e+00 : f32
    %div3A_3541 = vector.broadcast %div3A_3540 : f32 to vector<16xf32>
    %div3A_3542 = arith.divf %div3A_3541, %add3A_3539 : vector<16xf32>
    %mul3A_3543 = arith.mulf %select_n3A, %div3A_3542 : vector<16xf32>
    %mul3A_3544 = arith.mulf %mul3A_3543, %div3A_3542 : vector<16xf32>
    %add3A_3545 = arith.addf %add3A_3527, %mul3A_3544 : vector<16xf32>
    %eq3A_3546 = arith.constant 79 : i32
    %eq3A_3547 = vector.broadcast %eq3A_3546 : i32 to vector<16xi32>
    %eq3A_3548 = arith.cmpi eq, %get3A_23, %eq3A_3547 : vector<16xi32>
    %and3A_3549 = arith.andi %gt3A_34, %eq3A_3548 : vector<16xi1>
    %mul3A_3550 = arith.constant 2.000000e+00 : f32
    %mul3A_3551 = vector.broadcast %mul3A_3550 : f32 to vector<16xf32>
    %mul3A_3552 = arith.mulf %mul3A_3551, %div3A_3542 : vector<16xf32>
    %sub3A_3553 = arith.constant 1.000000e+00 : f32
    %sub3A_3554 = vector.broadcast %sub3A_3553 : f32 to vector<16xf32>
    %sub3A_3555 = arith.subf %sub3A_3554, %mul3A_3552 : vector<16xf32>
    %select_n3A_3556 = arith.select %and3A_3549, %sub3A_3555, %broadcast_in_dim3A_1159 : vector<16xi1>, vector<16xf32>
    %add3A_3557 = arith.addf %add3A_3545, %select_n3A_3556 : vector<16xf32>
    %swap3A_3558 = arith.constant 80 : index
    %swap3A_3559 = tpu.vector_load %arg10[%swap3A_3558] {strides = array<i32>} : memref<96xf32, #tpu.memory_space<vmem>>, vector<16xf32>,
    %swap3A_3560 = vector.shape_cast %swap3A_3559 : vector<16xf32> to vector<16xf32>
    %swap3A_3561 = vector.shape_cast %add3A_3557 : vector<16xf32> to vector<16xf32>
    tpu.vector_store %arg10[%swap3A_3558], %swap3A_3561 {strides = array<i32>} : memref<96xf32, #tpu.memory_space<vmem>>, vector<16xf32>,
    %mul3A_3562 = arith.constant 96 : i32
    %mul3A_3563 = arith.muli %add3A, %mul3A_3562 : i32
    "tpu.region"() ({
      %run_scoped3A = tpu.sem_alloc : memref<!tpu.dma_semaphore, #tpu.memory_space<semaphore_mem>>
      %dma_start3A_3564 = tpu.memref_slice %arg5[%mul3A_3563] : memref<3072xf32, #tpu.memory_space<hbm>> -> memref<96xf32, #tpu.memory_space<hbm>>
      %dma_start3A_3565 = tpu.memref_slice %arg5[%mul3A_3563] : memref<3072xf32, #tpu.memory_space<hbm>> -> memref<96xf32, #tpu.memory_space<hbm>>
      tpu.enqueue_dma source(%arg10 : memref<96xf32, #tpu.memory_space<vmem>>) target(%dma_start3A_3565 : memref<96xf32, #tpu.memory_space<hbm>>) target_semaphore(%run_scoped3A : memref<!tpu.dma_semaphore, #tpu.memory_space<semaphore_mem>>)
      %dma_wait3A_3566 = tpu.memref_slice %arg5[%mul3A_3563] : memref<3072xf32, #tpu.memory_space<hbm>> -> memref<96xf32, #tpu.memory_space<hbm>>
      %dma_wait3A_3567 = tpu.memref_slice %arg5[%mul3A_3563] : memref<3072xf32, #tpu.memory_space<hbm>> -> memref<96xf32, #tpu.memory_space<hbm>>
      tpu.wait_dma2 semaphore(%run_scoped3A : memref<!tpu.dma_semaphore, #tpu.memory_space<semaphore_mem>>) src(%arg10 : memref<96xf32, #tpu.memory_space<vmem>>) dst(%dma_wait3A_3567 : memref<96xf32, #tpu.memory_space<hbm>>)
      tpu.yield
    }) : () -> ()
    return
  }
}

module attributes {stable_mosaic.version = 14 : i64} {
  func.func @_tc_body(%arg0: i32, %arg1: memref<5408x255xf32, #tpu.memory_space<vmem>>, %arg2: memref<512x6xf32, #tpu.memory_space<vmem>>, %arg3: memref<6x512xf32, #tpu.memory_space<vmem>>, %arg4: memref<1x1xf32, #tpu.memory_space<smem>>, %arg5: memref<4x512xf32, #tpu.memory_space<vmem>>, %arg6: memref<4x512xi32, #tpu.memory_space<vmem>>, %arg7: memref<1x1xi32, #tpu.memory_space<smem>>) attributes {dimension_semantics = [#tpu.dimension_semantics<arbitrary>], iteration_bounds = array<i64: 32>, scalar_prefetch = 0 : i64, scratch_operands = 0 : i64, tpu.core_type = #tpu.core_type<tc>, window_params = [{transform_indices = @transform_0, window_bounds = array<i64: 5408, 255>}, {pipeline_mode = #tpu.pipeline_mode<synchronous>, transform_indices = @transform_1, window_bounds = array<i64: 512, 6>}, {pipeline_mode = #tpu.pipeline_mode<synchronous>, transform_indices = @transform_2, window_bounds = array<i64: 6, 512>}, {transform_indices = @transform_3, window_bounds = array<i64: 1, 1>}, {pipeline_mode = #tpu.pipeline_mode<synchronous>, transform_indices = @transform_4, window_bounds = array<i64: 4, 512>}, {pipeline_mode = #tpu.pipeline_mode<synchronous>, transform_indices = @transform_5, window_bounds = array<i64: 4, 512>}, {transform_indices = @transform_6, window_bounds = array<i64: 1, 1>}]} {
    %get3A = arith.constant 0 : index
    %get3A_0 = arith.constant 0 : index
    %get3A_1 = vector.load %arg1[%get3A, %get3A_0] : memref<5408x255xf32, #tpu.memory_space<vmem>>, vector<5408x255xf32>
    %iota3A = tpu.iota {dimensions = array<i32: 0>} : vector<255x128xi32>
    %iota3A_2 = tpu.iota {dimensions = array<i32: 1>} : vector<255x128xi32>
    %eq3A = arith.constant 0 : i32
    %eq3A_3 = vector.broadcast %eq3A : i32 to vector<255x128xi32>
    %eq3A_4 = arith.cmpi eq, %iota3A_2, %eq3A_3 : vector<255x128xi32>
    %eq3A_5 = arith.constant 4 : i32
    %eq3A_6 = vector.broadcast %eq3A_5 : i32 to vector<255x128xi32>
    %eq3A_7 = arith.cmpi eq, %iota3A, %eq3A_6 : vector<255x128xi32>
    %and3A = arith.andi %eq3A_4, %eq3A_7 : vector<255x128xi1>
    %eq3A_8 = arith.constant 1 : i32
    %eq3A_9 = vector.broadcast %eq3A_8 : i32 to vector<255x128xi32>
    %eq3A_10 = arith.cmpi eq, %iota3A_2, %eq3A_9 : vector<255x128xi32>
    %eq3A_11 = arith.constant 89 : i32
    %eq3A_12 = vector.broadcast %eq3A_11 : i32 to vector<255x128xi32>
    %eq3A_13 = arith.cmpi eq, %iota3A, %eq3A_12 : vector<255x128xi32>
    %and3A_14 = arith.andi %eq3A_10, %eq3A_13 : vector<255x128xi1>
    %or3A = arith.ori %and3A, %and3A_14 : vector<255x128xi1>
    %eq3A_15 = arith.constant 2 : i32
    %eq3A_16 = vector.broadcast %eq3A_15 : i32 to vector<255x128xi32>
    %eq3A_17 = arith.cmpi eq, %iota3A_2, %eq3A_16 : vector<255x128xi32>
    %eq3A_18 = arith.constant 174 : i32
    %eq3A_19 = vector.broadcast %eq3A_18 : i32 to vector<255x128xi32>
    %eq3A_20 = arith.cmpi eq, %iota3A, %eq3A_19 : vector<255x128xi32>
    %and3A_21 = arith.andi %eq3A_17, %eq3A_20 : vector<255x128xi1>
    %or3A_22 = arith.ori %or3A, %and3A_21 : vector<255x128xi1>
    %jit3A = arith.constant 1.000000e+00 : f32
    %jit3A_23 = arith.constant 0.000000e+00 : f32
    %broadcast_in_dim3A = vector.broadcast %jit3A : f32 to vector<255x128xf32>
    %broadcast_in_dim3A_24 = vector.broadcast %jit3A_23 : f32 to vector<255x128xf32>
    %select_n3A = arith.select %or3A_22, %broadcast_in_dim3A, %broadcast_in_dim3A_24 : vector<255x128xi1>, vector<255x128xf32>
    %dot_general3A = arith.constant dense<0.000000e+00> : vector<5408x128xf32>
    %dot_general3A_25 = tpu.matmul %get3A_1, %select_n3A, %dot_general3A {dimension_numbers = #tpu.dot_dimension_numbers<[1], [0], [0], [1], [0, 0, 1, 1], [], []>, transpose_lhs_hint = false} : vector<5408x255xf32>, vector<255x128xf32>, vector<5408x128xf32> -> vector<5408x128xf32>
    %iota3A_26 = tpu.iota {dimensions = array<i32: 1>} : vector<5408x128xi32>
    %lt3A = arith.constant 3 : i32
    %lt3A_27 = vector.broadcast %lt3A : i32 to vector<5408x128xi32>
    %lt3A_28 = arith.cmpi slt, %iota3A_26, %lt3A_27 : vector<5408x128xi32>
    %jit3A_29 = arith.constant -1.000000e+30 : f32
    %broadcast_in_dim3A_30 = vector.broadcast %jit3A_29 : f32 to vector<5408x128xf32>
    %select_n3A_31 = arith.select %lt3A_28, %dot_general3A_25, %broadcast_in_dim3A_30 : vector<5408x128xi1>, vector<5408x128xf32>
    %logistic3A = arith.negf %select_n3A_31 : vector<5408x128xf32>
    %logistic3A_32 = math.exp %logistic3A : vector<5408x128xf32>
    %logistic3A_33 = arith.constant 1.000000e+00 : f32
    %logistic3A_34 = vector.broadcast %logistic3A_33 : f32 to vector<5408x128xf32>
    %logistic3A_35 = arith.addf %logistic3A_34, %logistic3A_32 : vector<5408x128xf32>
    %logistic3A_36 = arith.divf %logistic3A_34, %logistic3A_35 : vector<5408x128xf32>
    %mul3A = arith.mulf %logistic3A_36, %logistic3A_36 : vector<5408x128xf32>
    %reduce_sum3A = vector.shape_cast %mul3A : vector<5408x128xf32> to vector<1x5408x128xf32>
    %reduce_sum3A_37 = arith.constant dense<0.000000e+00> : vector<1xf32>
    %reduce_sum3A_38 = vector.multi_reduction <add>, %reduce_sum3A, %reduce_sum3A_37 [1, 2] : vector<1x5408x128xf32> to vector<1xf32>
    %reduce_sum3A_39 = vector.shape_cast %reduce_sum3A_38 : vector<1xf32> to vector<1x1x1xf32>
    %reduce_sum3A_40 = vector.extract %reduce_sum3A_39[0, 0, 0] : f32 from vector<1x1x1xf32>
    %eq3A_41 = arith.constant 0 : i32
    %eq3A_42 = arith.cmpi eq, %arg0, %eq3A_41 : i32
    %convert_element_type3A = arith.extui %eq3A_42 : i1 to i32
    %cond3A = arith.constant 0 : i32
    %cond3A_43 = arith.cmpi ne, %convert_element_type3A, %cond3A : i32
    scf.if %cond3A_43 {
      %swap3A = arith.constant 0 : index
      %swap3A_53 = arith.constant 0 : index
      %swap3A_54 = memref.load %arg4[%swap3A, %swap3A_53] : memref<1x1xf32, #tpu.memory_space<smem>>
      memref.store %reduce_sum3A_40, %arg4[%swap3A, %swap3A_53] : memref<1x1xf32, #tpu.memory_space<smem>>
    } else {
    }
    %gt3A = arith.constant 0 : i32
    %gt3A_44 = arith.cmpi sgt, %arg0, %gt3A : i32
    %convert_element_type3A_45 = arith.extui %gt3A_44 : i1 to i32
    %cond3A_46 = arith.constant 0 : i32
    %cond3A_47 = arith.cmpi ne, %convert_element_type3A_45, %cond3A_46 : i32
    scf.if %cond3A_47 {
      %get3A_53 = arith.constant 0 : index
      %get3A_54 = arith.constant 0 : index
      %get3A_55 = memref.load %arg4[%get3A_53, %get3A_54] : memref<1x1xf32, #tpu.memory_space<smem>>
      %add3A = arith.addf %get3A_55, %reduce_sum3A_40 : f32
      %swap3A = arith.constant 0 : index
      %swap3A_56 = arith.constant 0 : index
      %swap3A_57 = memref.load %arg4[%swap3A, %swap3A_56] : memref<1x1xf32, #tpu.memory_space<smem>>
      memref.store %add3A, %arg4[%swap3A, %swap3A_56] : memref<1x1xf32, #tpu.memory_space<smem>>
    } else {
    }
    %eq3A_48 = arith.constant 0 : i32
    %eq3A_49 = arith.cmpi eq, %arg0, %eq3A_48 : i32
    %convert_element_type3A_50 = arith.extui %eq3A_49 : i1 to i32
    %cond3A_51 = arith.constant 0 : i32
    %cond3A_52 = arith.cmpi ne, %convert_element_type3A_50, %cond3A_51 : i32
    scf.if %cond3A_52 {
      %get3A_53 = arith.constant 0 : index
      %get3A_54 = arith.constant 0 : index
      %get3A_55 = vector.load %arg2[%get3A_53, %get3A_54] : memref<512x6xf32, #tpu.memory_space<vmem>>, vector<512x1xf32>
      %get3A_56 = arith.constant 0 : index
      %get3A_57 = arith.constant 1 : index
      %get3A_58 = vector.load %arg2[%get3A_56, %get3A_57] : memref<512x6xf32, #tpu.memory_space<vmem>>, vector<512x1xf32>
      %get3A_59 = arith.constant 0 : index
      %get3A_60 = arith.constant 2 : index
      %get3A_61 = vector.load %arg2[%get3A_59, %get3A_60] : memref<512x6xf32, #tpu.memory_space<vmem>>, vector<512x1xf32>
      %get3A_62 = arith.constant 0 : index
      %get3A_63 = arith.constant 3 : index
      %get3A_64 = vector.load %arg2[%get3A_62, %get3A_63] : memref<512x6xf32, #tpu.memory_space<vmem>>, vector<512x1xf32>
      %get3A_65 = arith.constant 0 : index
      %get3A_66 = arith.constant 4 : index
      %get3A_67 = vector.load %arg2[%get3A_65, %get3A_66] : memref<512x6xf32, #tpu.memory_space<vmem>>, vector<512x1xf32>
      %get3A_68 = arith.constant 0 : index
      %get3A_69 = arith.constant 5 : index
      %get3A_70 = vector.load %arg2[%get3A_68, %get3A_69] : memref<512x6xf32, #tpu.memory_space<vmem>>, vector<512x1xf32>
      %floor3A = math.floor %get3A_55 : vector<512x1xf32>
      %eq3A_71 = arith.cmpf oeq, %get3A_55, %floor3A : vector<512x1xf32>
      %ge3A = arith.constant 0.000000e+00 : f32
      %ge3A_72 = vector.broadcast %ge3A : f32 to vector<512x1xf32>
      %ge3A_73 = arith.cmpf oge, %get3A_55, %ge3A_72 : vector<512x1xf32>
      %and3A_74 = arith.andi %eq3A_71, %ge3A_73 : vector<512x1xi1>
      %lt3A_75 = arith.constant 6.400000e+01 : f32
      %lt3A_76 = vector.broadcast %lt3A_75 : f32 to vector<512x1xf32>
      %lt3A_77 = arith.cmpf olt, %get3A_55, %lt3A_76 : vector<512x1xf32>
      %and3A_78 = arith.andi %and3A_74, %lt3A_77 : vector<512x1xi1>
      %mul3A_79 = arith.constant 5.200000e+01 : f32
      %mul3A_80 = vector.broadcast %mul3A_79 : f32 to vector<512x1xf32>
      %mul3A_81 = arith.mulf %get3A_61, %mul3A_80 : vector<512x1xf32>
      %mul3A_82 = arith.constant 5.200000e+01 : f32
      %mul3A_83 = vector.broadcast %mul3A_82 : f32 to vector<512x1xf32>
      %mul3A_84 = arith.mulf %get3A_64, %mul3A_83 : vector<512x1xf32>
      %mul3A_85 = arith.constant 5.200000e+01 : f32
      %mul3A_86 = vector.broadcast %mul3A_85 : f32 to vector<512x1xf32>
      %mul3A_87 = arith.mulf %get3A_67, %mul3A_86 : vector<512x1xf32>
      %mul3A_88 = arith.constant 5.200000e+01 : f32
      %mul3A_89 = vector.broadcast %mul3A_88 : f32 to vector<512x1xf32>
      %mul3A_90 = arith.mulf %get3A_70, %mul3A_89 : vector<512x1xf32>
      %min3A = arith.constant 1.450000e+01 : f32
      %min3A_91 = vector.broadcast %min3A : f32 to vector<512x1xf32>
      %min3A_92 = arith.minimumf %min3A_91, %mul3A_87 : vector<512x1xf32>
      %min3A_93 = arith.constant 1.125000e+01 : f32
      %min3A_94 = vector.broadcast %min3A_93 : f32 to vector<512x1xf32>
      %min3A_95 = arith.minimumf %min3A_94, %mul3A_90 : vector<512x1xf32>
      %mul3A_96 = arith.mulf %min3A_92, %min3A_95 : vector<512x1xf32>
      %mul3A_97 = arith.mulf %mul3A_87, %mul3A_90 : vector<512x1xf32>
      %add3A = arith.constant 1.631250e+02 : f32
      %add3A_98 = vector.broadcast %add3A : f32 to vector<512x1xf32>
      %add3A_99 = arith.addf %add3A_98, %mul3A_97 : vector<512x1xf32>
      %sub3A = arith.subf %add3A_99, %mul3A_96 : vector<512x1xf32>
      %add3A_100 = arith.constant 1.000000e-16 : f32
      %add3A_101 = vector.broadcast %add3A_100 : f32 to vector<512x1xf32>
      %add3A_102 = arith.addf %sub3A, %add3A_101 : vector<512x1xf32>
      %div3A = arith.divf %mul3A_96, %add3A_102 : vector<512x1xf32>
      %min3A_103 = arith.constant 1.950000e+01 : f32
      %min3A_104 = vector.broadcast %min3A_103 : f32 to vector<512x1xf32>
      %min3A_105 = arith.minimumf %min3A_104, %mul3A_87 : vector<512x1xf32>
      %min3A_106 = arith.constant 2.475000e+01 : f32
      %min3A_107 = vector.broadcast %min3A_106 : f32 to vector<512x1xf32>
      %min3A_108 = arith.minimumf %min3A_107, %mul3A_90 : vector<512x1xf32>
      %mul3A_109 = arith.mulf %min3A_105, %min3A_108 : vector<512x1xf32>
      %mul3A_110 = arith.mulf %mul3A_87, %mul3A_90 : vector<512x1xf32>
      %add3A_111 = arith.constant 4.826250e+02 : f32
      %add3A_112 = vector.broadcast %add3A_111 : f32 to vector<512x1xf32>
      %add3A_113 = arith.addf %add3A_112, %mul3A_110 : vector<512x1xf32>
      %sub3A_114 = arith.subf %add3A_113, %mul3A_109 : vector<512x1xf32>
      %add3A_115 = arith.constant 1.000000e-16 : f32
      %add3A_116 = vector.broadcast %add3A_115 : f32 to vector<512x1xf32>
      %add3A_117 = arith.addf %sub3A_114, %add3A_116 : vector<512x1xf32>
      %div3A_118 = arith.divf %mul3A_109, %add3A_117 : vector<512x1xf32>
      %min3A_119 = arith.constant 4.662500e+01 : f32
      %min3A_120 = vector.broadcast %min3A_119 : f32 to vector<512x1xf32>
      %min3A_121 = arith.minimumf %min3A_120, %mul3A_87 : vector<512x1xf32>
      %min3A_122 = arith.constant 4.075000e+01 : f32
      %min3A_123 = vector.broadcast %min3A_122 : f32 to vector<512x1xf32>
      %min3A_124 = arith.minimumf %min3A_123, %mul3A_90 : vector<512x1xf32>
      %mul3A_125 = arith.mulf %min3A_121, %min3A_124 : vector<512x1xf32>
      %mul3A_126 = arith.mulf %mul3A_87, %mul3A_90 : vector<512x1xf32>
      %add3A_127 = arith.constant 1899.96875 : f32
      %add3A_128 = vector.broadcast %add3A_127 : f32 to vector<512x1xf32>
      %add3A_129 = arith.addf %add3A_128, %mul3A_126 : vector<512x1xf32>
      %sub3A_130 = arith.subf %add3A_129, %mul3A_125 : vector<512x1xf32>
      %add3A_131 = arith.constant 1.000000e-16 : f32
      %add3A_132 = vector.broadcast %add3A_131 : f32 to vector<512x1xf32>
      %add3A_133 = arith.addf %sub3A_130, %add3A_132 : vector<512x1xf32>
      %div3A_134 = arith.divf %mul3A_125, %add3A_133 : vector<512x1xf32>
      %gt3A_135 = arith.cmpf ogt, %div3A_118, %div3A : vector<512x1xf32>
      %jit3A_136 = arith.constant 1 : i32
      %jit3A_137 = arith.constant 0 : i32
      %broadcast_in_dim3A_138 = vector.broadcast %jit3A_136 : i32 to vector<512x1xi32>
      %broadcast_in_dim3A_139 = vector.broadcast %jit3A_137 : i32 to vector<512x1xi32>
      %select_n3A_140 = arith.select %gt3A_135, %broadcast_in_dim3A_138, %broadcast_in_dim3A_139 : vector<512x1xi1>, vector<512x1xi32>
      %max3A = arith.maximumf %div3A, %div3A_118 : vector<512x1xf32>
      %gt3A_141 = arith.cmpf ogt, %div3A_134, %max3A : vector<512x1xf32>
      %jit3A_142 = arith.constant 2 : i32
      %broadcast_in_dim3A_143 = vector.broadcast %jit3A_142 : i32 to vector<512x1xi32>
      %select_n3A_144 = arith.select %gt3A_141, %broadcast_in_dim3A_143, %select_n3A_140 : vector<512x1xi1>, vector<512x1xi32>
      %convert_element_type3A_145 = arith.fptosi %mul3A_81 : vector<512x1xf32> to vector<512x1xi32>
      %jit3A_146 = arith.constant 0 : i32
      %jit3A_147 = arith.constant 51 : i32
      %max3A_148 = vector.broadcast %jit3A_146 : i32 to vector<512x1xi32>
      %max3A_149 = arith.maxsi %max3A_148, %convert_element_type3A_145 : vector<512x1xi32>
      %min3A_150 = vector.broadcast %jit3A_147 : i32 to vector<512x1xi32>
      %min3A_151 = arith.minsi %min3A_150, %max3A_149 : vector<512x1xi32>
      %convert_element_type3A_152 = arith.fptosi %mul3A_84 : vector<512x1xf32> to vector<512x1xi32>
      %jit3A_153 = arith.constant 0 : i32
      %jit3A_154 = arith.constant 51 : i32
      %max3A_155 = vector.broadcast %jit3A_153 : i32 to vector<512x1xi32>
      %max3A_156 = arith.maxsi %max3A_155, %convert_element_type3A_152 : vector<512x1xi32>
      %min3A_157 = vector.broadcast %jit3A_154 : i32 to vector<512x1xi32>
      %min3A_158 = arith.minsi %min3A_157, %max3A_156 : vector<512x1xi32>
      %convert_element_type3A_159 = arith.fptosi %get3A_55 : vector<512x1xf32> to vector<512x1xi32>
      %mul3A_160 = arith.constant 3 : i32
      %mul3A_161 = vector.broadcast %mul3A_160 : i32 to vector<512x1xi32>
      %mul3A_162 = arith.muli %convert_element_type3A_159, %mul3A_161 : vector<512x1xi32>
      %add3A_163 = arith.addi %mul3A_162, %select_n3A_144 : vector<512x1xi32>
      %mul3A_164 = arith.constant 52 : i32
      %mul3A_165 = vector.broadcast %mul3A_164 : i32 to vector<512x1xi32>
      %mul3A_166 = arith.muli %add3A_163, %mul3A_165 : vector<512x1xi32>
      %add3A_167 = arith.addi %mul3A_166, %min3A_158 : vector<512x1xi32>
      %mul3A_168 = arith.constant 52 : i32
      %mul3A_169 = vector.broadcast %mul3A_168 : i32 to vector<512x1xi32>
      %mul3A_170 = arith.muli %add3A_167, %mul3A_169 : vector<512x1xi32>
      %add3A_171 = arith.addi %mul3A_170, %min3A_151 : vector<512x1xi32>
      %convert_element_type3A_172 = arith.fptosi %get3A_58 : vector<512x1xf32> to vector<512x1xi32>
      %lt3A_173 = arith.constant 80 : i32
      %lt3A_174 = vector.broadcast %lt3A_173 : i32 to vector<512x1xi32>
      %lt3A_175 = arith.cmpi slt, %convert_element_type3A_172, %lt3A_174 : vector<512x1xi32>
      %and3A_176 = arith.andi %and3A_78, %lt3A_175 : vector<512x1xi1>
      %jit3A_177 = arith.constant 0 : i32
      %jit3A_178 = arith.constant 79 : i32
      %max3A_179 = vector.broadcast %jit3A_177 : i32 to vector<512x1xi32>
      %max3A_180 = arith.maxsi %max3A_179, %convert_element_type3A_172 : vector<512x1xi32>
      %min3A_181 = vector.broadcast %jit3A_178 : i32 to vector<512x1xi32>
      %min3A_182 = arith.minsi %min3A_181, %max3A_180 : vector<512x1xi32>
      %get3A_183 = arith.constant 0 : index
      %get3A_184 = arith.constant 0 : index
      %get3A_185 = vector.load %arg3[%get3A_183, %get3A_184] : memref<6x512xf32, #tpu.memory_space<vmem>>, vector<1x512xf32>
      %get3A_186 = arith.constant 1 : index
      %get3A_187 = arith.constant 0 : index
      %get3A_188 = vector.load %arg3[%get3A_186, %get3A_187] : memref<6x512xf32, #tpu.memory_space<vmem>>, vector<1x512xf32>
      %get3A_189 = arith.constant 2 : index
      %get3A_190 = arith.constant 0 : index
      %get3A_191 = vector.load %arg3[%get3A_189, %get3A_190] : memref<6x512xf32, #tpu.memory_space<vmem>>, vector<1x512xf32>
      %get3A_192 = arith.constant 3 : index
      %get3A_193 = arith.constant 0 : index
      %get3A_194 = vector.load %arg3[%get3A_192, %get3A_193] : memref<6x512xf32, #tpu.memory_space<vmem>>, vector<1x512xf32>
      %get3A_195 = arith.constant 4 : index
      %get3A_196 = arith.constant 0 : index
      %get3A_197 = vector.load %arg3[%get3A_195, %get3A_196] : memref<6x512xf32, #tpu.memory_space<vmem>>, vector<1x512xf32>
      %get3A_198 = arith.constant 5 : index
      %get3A_199 = arith.constant 0 : index
      %get3A_200 = vector.load %arg3[%get3A_198, %get3A_199] : memref<6x512xf32, #tpu.memory_space<vmem>>, vector<1x512xf32>
      %floor3A_201 = math.floor %get3A_185 : vector<1x512xf32>
      %eq3A_202 = arith.cmpf oeq, %get3A_185, %floor3A_201 : vector<1x512xf32>
      %ge3A_203 = arith.constant 0.000000e+00 : f32
      %ge3A_204 = vector.broadcast %ge3A_203 : f32 to vector<1x512xf32>
      %ge3A_205 = arith.cmpf oge, %get3A_185, %ge3A_204 : vector<1x512xf32>
      %and3A_206 = arith.andi %eq3A_202, %ge3A_205 : vector<1x512xi1>
      %lt3A_207 = arith.constant 6.400000e+01 : f32
      %lt3A_208 = vector.broadcast %lt3A_207 : f32 to vector<1x512xf32>
      %lt3A_209 = arith.cmpf olt, %get3A_185, %lt3A_208 : vector<1x512xf32>
      %and3A_210 = arith.andi %and3A_206, %lt3A_209 : vector<1x512xi1>
      %mul3A_211 = arith.constant 5.200000e+01 : f32
      %mul3A_212 = vector.broadcast %mul3A_211 : f32 to vector<1x512xf32>
      %mul3A_213 = arith.mulf %get3A_191, %mul3A_212 : vector<1x512xf32>
      %mul3A_214 = arith.constant 5.200000e+01 : f32
      %mul3A_215 = vector.broadcast %mul3A_214 : f32 to vector<1x512xf32>
      %mul3A_216 = arith.mulf %get3A_194, %mul3A_215 : vector<1x512xf32>
      %mul3A_217 = arith.constant 5.200000e+01 : f32
      %mul3A_218 = vector.broadcast %mul3A_217 : f32 to vector<1x512xf32>
      %mul3A_219 = arith.mulf %get3A_197, %mul3A_218 : vector<1x512xf32>
      %mul3A_220 = arith.constant 5.200000e+01 : f32
      %mul3A_221 = vector.broadcast %mul3A_220 : f32 to vector<1x512xf32>
      %mul3A_222 = arith.mulf %get3A_200, %mul3A_221 : vector<1x512xf32>
      %min3A_223 = arith.constant 1.450000e+01 : f32
      %min3A_224 = vector.broadcast %min3A_223 : f32 to vector<1x512xf32>
      %min3A_225 = arith.minimumf %min3A_224, %mul3A_219 : vector<1x512xf32>
      %min3A_226 = arith.constant 1.125000e+01 : f32
      %min3A_227 = vector.broadcast %min3A_226 : f32 to vector<1x512xf32>
      %min3A_228 = arith.minimumf %min3A_227, %mul3A_222 : vector<1x512xf32>
      %mul3A_229 = arith.mulf %min3A_225, %min3A_228 : vector<1x512xf32>
      %mul3A_230 = arith.mulf %mul3A_219, %mul3A_222 : vector<1x512xf32>
      %add3A_231 = arith.constant 1.631250e+02 : f32
      %add3A_232 = vector.broadcast %add3A_231 : f32 to vector<1x512xf32>
      %add3A_233 = arith.addf %add3A_232, %mul3A_230 : vector<1x512xf32>
      %sub3A_234 = arith.subf %add3A_233, %mul3A_229 : vector<1x512xf32>
      %add3A_235 = arith.constant 1.000000e-16 : f32
      %add3A_236 = vector.broadcast %add3A_235 : f32 to vector<1x512xf32>
      %add3A_237 = arith.addf %sub3A_234, %add3A_236 : vector<1x512xf32>
      %div3A_238 = arith.divf %mul3A_229, %add3A_237 : vector<1x512xf32>
      %min3A_239 = arith.constant 1.950000e+01 : f32
      %min3A_240 = vector.broadcast %min3A_239 : f32 to vector<1x512xf32>
      %min3A_241 = arith.minimumf %min3A_240, %mul3A_219 : vector<1x512xf32>
      %min3A_242 = arith.constant 2.475000e+01 : f32
      %min3A_243 = vector.broadcast %min3A_242 : f32 to vector<1x512xf32>
      %min3A_244 = arith.minimumf %min3A_243, %mul3A_222 : vector<1x512xf32>
      %mul3A_245 = arith.mulf %min3A_241, %min3A_244 : vector<1x512xf32>
      %mul3A_246 = arith.mulf %mul3A_219, %mul3A_222 : vector<1x512xf32>
      %add3A_247 = arith.constant 4.826250e+02 : f32
      %add3A_248 = vector.broadcast %add3A_247 : f32 to vector<1x512xf32>
      %add3A_249 = arith.addf %add3A_248, %mul3A_246 : vector<1x512xf32>
      %sub3A_250 = arith.subf %add3A_249, %mul3A_245 : vector<1x512xf32>
      %add3A_251 = arith.constant 1.000000e-16 : f32
      %add3A_252 = vector.broadcast %add3A_251 : f32 to vector<1x512xf32>
      %add3A_253 = arith.addf %sub3A_250, %add3A_252 : vector<1x512xf32>
      %div3A_254 = arith.divf %mul3A_245, %add3A_253 : vector<1x512xf32>
      %min3A_255 = arith.constant 4.662500e+01 : f32
      %min3A_256 = vector.broadcast %min3A_255 : f32 to vector<1x512xf32>
      %min3A_257 = arith.minimumf %min3A_256, %mul3A_219 : vector<1x512xf32>
      %min3A_258 = arith.constant 4.075000e+01 : f32
      %min3A_259 = vector.broadcast %min3A_258 : f32 to vector<1x512xf32>
      %min3A_260 = arith.minimumf %min3A_259, %mul3A_222 : vector<1x512xf32>
      %mul3A_261 = arith.mulf %min3A_257, %min3A_260 : vector<1x512xf32>
      %mul3A_262 = arith.mulf %mul3A_219, %mul3A_222 : vector<1x512xf32>
      %add3A_263 = arith.constant 1899.96875 : f32
      %add3A_264 = vector.broadcast %add3A_263 : f32 to vector<1x512xf32>
      %add3A_265 = arith.addf %add3A_264, %mul3A_262 : vector<1x512xf32>
      %sub3A_266 = arith.subf %add3A_265, %mul3A_261 : vector<1x512xf32>
      %add3A_267 = arith.constant 1.000000e-16 : f32
      %add3A_268 = vector.broadcast %add3A_267 : f32 to vector<1x512xf32>
      %add3A_269 = arith.addf %sub3A_266, %add3A_268 : vector<1x512xf32>
      %div3A_270 = arith.divf %mul3A_261, %add3A_269 : vector<1x512xf32>
      %gt3A_271 = arith.cmpf ogt, %div3A_254, %div3A_238 : vector<1x512xf32>
      %jit3A_272 = arith.constant 1 : i32
      %jit3A_273 = arith.constant 0 : i32
      %broadcast_in_dim3A_274 = vector.broadcast %jit3A_272 : i32 to vector<1x512xi32>
      %broadcast_in_dim3A_275 = vector.broadcast %jit3A_273 : i32 to vector<1x512xi32>
      %select_n3A_276 = arith.select %gt3A_271, %broadcast_in_dim3A_274, %broadcast_in_dim3A_275 : vector<1x512xi1>, vector<1x512xi32>
      %max3A_277 = arith.maximumf %div3A_238, %div3A_254 : vector<1x512xf32>
      %gt3A_278 = arith.cmpf ogt, %div3A_270, %max3A_277 : vector<1x512xf32>
      %jit3A_279 = arith.constant 2 : i32
      %broadcast_in_dim3A_280 = vector.broadcast %jit3A_279 : i32 to vector<1x512xi32>
      %select_n3A_281 = arith.select %gt3A_278, %broadcast_in_dim3A_280, %select_n3A_276 : vector<1x512xi1>, vector<1x512xi32>
      %convert_element_type3A_282 = arith.fptosi %mul3A_213 : vector<1x512xf32> to vector<1x512xi32>
      %jit3A_283 = arith.constant 0 : i32
      %jit3A_284 = arith.constant 51 : i32
      %max3A_285 = vector.broadcast %jit3A_283 : i32 to vector<1x512xi32>
      %max3A_286 = arith.maxsi %max3A_285, %convert_element_type3A_282 : vector<1x512xi32>
      %min3A_287 = vector.broadcast %jit3A_284 : i32 to vector<1x512xi32>
      %min3A_288 = arith.minsi %min3A_287, %max3A_286 : vector<1x512xi32>
      %convert_element_type3A_289 = arith.fptosi %mul3A_216 : vector<1x512xf32> to vector<1x512xi32>
      %jit3A_290 = arith.constant 0 : i32
      %jit3A_291 = arith.constant 51 : i32
      %max3A_292 = vector.broadcast %jit3A_290 : i32 to vector<1x512xi32>
      %max3A_293 = arith.maxsi %max3A_292, %convert_element_type3A_289 : vector<1x512xi32>
      %min3A_294 = vector.broadcast %jit3A_291 : i32 to vector<1x512xi32>
      %min3A_295 = arith.minsi %min3A_294, %max3A_293 : vector<1x512xi32>
      %convert_element_type3A_296 = arith.fptosi %get3A_185 : vector<1x512xf32> to vector<1x512xi32>
      %mul3A_297 = arith.constant 3 : i32
      %mul3A_298 = vector.broadcast %mul3A_297 : i32 to vector<1x512xi32>
      %mul3A_299 = arith.muli %convert_element_type3A_296, %mul3A_298 : vector<1x512xi32>
      %add3A_300 = arith.addi %mul3A_299, %select_n3A_281 : vector<1x512xi32>
      %mul3A_301 = arith.constant 52 : i32
      %mul3A_302 = vector.broadcast %mul3A_301 : i32 to vector<1x512xi32>
      %mul3A_303 = arith.muli %add3A_300, %mul3A_302 : vector<1x512xi32>
      %add3A_304 = arith.addi %mul3A_303, %min3A_295 : vector<1x512xi32>
      %mul3A_305 = arith.constant 52 : i32
      %mul3A_306 = vector.broadcast %mul3A_305 : i32 to vector<1x512xi32>
      %mul3A_307 = arith.muli %add3A_304, %mul3A_306 : vector<1x512xi32>
      %add3A_308 = arith.addi %mul3A_307, %min3A_288 : vector<1x512xi32>
      %convert_element_type3A_309 = arith.fptosi %get3A_188 : vector<1x512xf32> to vector<1x512xi32>
      %lt3A_310 = arith.constant 80 : i32
      %lt3A_311 = vector.broadcast %lt3A_310 : i32 to vector<1x512xi32>
      %lt3A_312 = arith.cmpi slt, %convert_element_type3A_309, %lt3A_311 : vector<1x512xi32>
      %and3A_313 = arith.andi %and3A_210, %lt3A_312 : vector<1x512xi1>
      %jit3A_314 = arith.constant 0 : i32
      %jit3A_315 = arith.constant 79 : i32
      %max3A_316 = vector.broadcast %jit3A_314 : i32 to vector<1x512xi32>
      %max3A_317 = arith.maxsi %max3A_316, %convert_element_type3A_309 : vector<1x512xi32>
      %min3A_318 = vector.broadcast %jit3A_315 : i32 to vector<1x512xi32>
      %min3A_319 = arith.minsi %min3A_318, %max3A_317 : vector<1x512xi32>
      %eq3A_320 = vector.broadcast %add3A_171 : vector<512x1xi32> to vector<512x512xi32>
      %eq3A_321 = vector.broadcast %add3A_308 : vector<1x512xi32> to vector<512x512xi32>
      %eq3A_322 = arith.cmpi eq, %eq3A_320, %eq3A_321 : vector<512x512xi32>
      %iota3A_323 = tpu.iota {dimensions = array<i32: 0>} : vector<512x512xi32>
      %iota3A_324 = tpu.iota {dimensions = array<i32: 1>} : vector<512x512xi32>
      %gt3A_325 = arith.cmpi sgt, %iota3A_323, %iota3A_324 : vector<512x512xi32>
      %and3A_326 = arith.andi %eq3A_322, %gt3A_325 : vector<512x512xi1>
      %and3A_327 = vector.broadcast %and3A_78 : vector<512x1xi1> to vector<512x512xi1>
      %and3A_328 = arith.andi %and3A_326, %and3A_327 : vector<512x512xi1>
      %jit3A_329 = arith.constant 1.000000e+00 : f32
      %jit3A_330 = arith.constant 0.000000e+00 : f32
      %broadcast_in_dim3A_331 = vector.broadcast %jit3A_329 : f32 to vector<512x512xf32>
      %broadcast_in_dim3A_332 = vector.broadcast %jit3A_330 : f32 to vector<512x512xf32>
      %select_n3A_333 = arith.select %and3A_328, %broadcast_in_dim3A_331, %broadcast_in_dim3A_332 : vector<512x512xi1>, vector<512x512xf32>
      %reduce_max3A = arith.constant dense<0xFF800000> : vector<512xf32>
      %reduce_max3A_334 = vector.multi_reduction <maximumf>, %select_n3A_333, %reduce_max3A [0] : vector<512x512xf32> to vector<512xf32>
      %broadcast_in_dim3A_335 = vector.shape_cast %reduce_max3A_334 : vector<512xf32> to vector<1x512xf32>
      %lt3A_336 = arith.constant 5.000000e-01 : f32
      %lt3A_337 = vector.broadcast %lt3A_336 : f32 to vector<1x512xf32>
      %lt3A_338 = arith.cmpf olt, %broadcast_in_dim3A_335, %lt3A_337 : vector<1x512xf32>
      %and3A_339 = arith.andi %and3A_210, %lt3A_338 : vector<1x512xi1>
      %eq3A_340 = vector.broadcast %min3A_182 : vector<512x1xi32> to vector<512x512xi32>
      %eq3A_341 = vector.broadcast %min3A_319 : vector<1x512xi32> to vector<512x512xi32>
      %eq3A_342 = arith.cmpi eq, %eq3A_340, %eq3A_341 : vector<512x512xi32>
      %and3A_343 = arith.andi %eq3A_322, %eq3A_342 : vector<512x512xi1>
      %and3A_344 = arith.andi %and3A_343, %gt3A_325 : vector<512x512xi1>
      %and3A_345 = vector.broadcast %and3A_176 : vector<512x1xi1> to vector<512x512xi1>
      %and3A_346 = arith.andi %and3A_344, %and3A_345 : vector<512x512xi1>
      %jit3A_347 = arith.constant 1.000000e+00 : f32
      %jit3A_348 = arith.constant 0.000000e+00 : f32
      %broadcast_in_dim3A_349 = vector.broadcast %jit3A_347 : f32 to vector<512x512xf32>
      %broadcast_in_dim3A_350 = vector.broadcast %jit3A_348 : f32 to vector<512x512xf32>
      %select_n3A_351 = arith.select %and3A_346, %broadcast_in_dim3A_349, %broadcast_in_dim3A_350 : vector<512x512xi1>, vector<512x512xf32>
      %reduce_max3A_352 = arith.constant dense<0xFF800000> : vector<512xf32>
      %reduce_max3A_353 = vector.multi_reduction <maximumf>, %select_n3A_351, %reduce_max3A_352 [0] : vector<512x512xf32> to vector<512xf32>
      %broadcast_in_dim3A_354 = vector.shape_cast %reduce_max3A_353 : vector<512xf32> to vector<1x512xf32>
      %lt3A_355 = arith.constant 5.000000e-01 : f32
      %lt3A_356 = vector.broadcast %lt3A_355 : f32 to vector<1x512xf32>
      %lt3A_357 = arith.cmpf olt, %broadcast_in_dim3A_354, %lt3A_356 : vector<1x512xf32>
      %and3A_358 = arith.andi %and3A_313, %lt3A_357 : vector<1x512xi1>
      %eq3A_359 = arith.constant 0 : i32
      %eq3A_360 = vector.broadcast %eq3A_359 : i32 to vector<1x512xi32>
      %eq3A_361 = arith.cmpi eq, %select_n3A_281, %eq3A_360 : vector<1x512xi32>
      %eq3A_362 = arith.constant 1 : i32
      %eq3A_363 = vector.broadcast %eq3A_362 : i32 to vector<1x512xi32>
      %eq3A_364 = arith.cmpi eq, %select_n3A_281, %eq3A_363 : vector<1x512xi32>
      %jit3A_365 = arith.constant 1.950000e+01 : f32
      %jit3A_366 = arith.constant 4.662500e+01 : f32
      %broadcast_in_dim3A_367 = vector.broadcast %jit3A_365 : f32 to vector<1x512xf32>
      %broadcast_in_dim3A_368 = vector.broadcast %jit3A_366 : f32 to vector<1x512xf32>
      %select_n3A_369 = arith.select %eq3A_364, %broadcast_in_dim3A_367, %broadcast_in_dim3A_368 : vector<1x512xi1>, vector<1x512xf32>
      %jit3A_370 = arith.constant 1.450000e+01 : f32
      %broadcast_in_dim3A_371 = vector.broadcast %jit3A_370 : f32 to vector<1x512xf32>
      %select_n3A_372 = arith.select %eq3A_361, %broadcast_in_dim3A_371, %select_n3A_369 : vector<1x512xi1>, vector<1x512xf32>
      %eq3A_373 = arith.constant 0 : i32
      %eq3A_374 = vector.broadcast %eq3A_373 : i32 to vector<1x512xi32>
      %eq3A_375 = arith.cmpi eq, %select_n3A_281, %eq3A_374 : vector<1x512xi32>
      %eq3A_376 = arith.constant 1 : i32
      %eq3A_377 = vector.broadcast %eq3A_376 : i32 to vector<1x512xi32>
      %eq3A_378 = arith.cmpi eq, %select_n3A_281, %eq3A_377 : vector<1x512xi32>
      %jit3A_379 = arith.constant 2.475000e+01 : f32
      %jit3A_380 = arith.constant 4.075000e+01 : f32
      %broadcast_in_dim3A_381 = vector.broadcast %jit3A_379 : f32 to vector<1x512xf32>
      %broadcast_in_dim3A_382 = vector.broadcast %jit3A_380 : f32 to vector<1x512xf32>
      %select_n3A_383 = arith.select %eq3A_378, %broadcast_in_dim3A_381, %broadcast_in_dim3A_382 : vector<1x512xi1>, vector<1x512xf32>
      %jit3A_384 = arith.constant 1.125000e+01 : f32
      %broadcast_in_dim3A_385 = vector.broadcast %jit3A_384 : f32 to vector<1x512xf32>
      %select_n3A_386 = arith.select %eq3A_375, %broadcast_in_dim3A_385, %select_n3A_383 : vector<1x512xi1>, vector<1x512xf32>
      %floor3A_387 = math.floor %mul3A_213 : vector<1x512xf32>
      %sub3A_388 = arith.subf %mul3A_213, %floor3A_387 : vector<1x512xf32>
      %swap3A = arith.constant 0 : index
      %swap3A_389 = arith.constant 0 : index
      %swap3A_390 = vector.load %arg5[%swap3A, %swap3A_389] : memref<4x512xf32, #tpu.memory_space<vmem>>, vector<1x512xf32>
      tpu.vector_store %arg5[%swap3A, %swap3A_389], %sub3A_388 {strides = array<i32>} : memref<4x512xf32, #tpu.memory_space<vmem>>, vector<1x512xf32>,
      %floor3A_391 = math.floor %mul3A_216 : vector<1x512xf32>
      %sub3A_392 = arith.subf %mul3A_216, %floor3A_391 : vector<1x512xf32>
      %swap3A_393 = arith.constant 1 : index
      %swap3A_394 = arith.constant 0 : index
      %swap3A_395 = vector.load %arg5[%swap3A_393, %swap3A_394] : memref<4x512xf32, #tpu.memory_space<vmem>>, vector<1x512xf32>
      tpu.vector_store %arg5[%swap3A_393, %swap3A_394], %sub3A_392 {strides = array<i32>} : memref<4x512xf32, #tpu.memory_space<vmem>>, vector<1x512xf32>,
      %div3A_396 = arith.divf %mul3A_219, %select_n3A_372 : vector<1x512xf32>
      %add3A_397 = arith.constant 1.000000e-16 : f32
      %add3A_398 = vector.broadcast %add3A_397 : f32 to vector<1x512xf32>
      %add3A_399 = arith.addf %div3A_396, %add3A_398 : vector<1x512xf32>
      %log3A = math.log %add3A_399 : vector<1x512xf32>
      %swap3A_400 = arith.constant 2 : index
      %swap3A_401 = arith.constant 0 : index
      %swap3A_402 = vector.load %arg5[%swap3A_400, %swap3A_401] : memref<4x512xf32, #tpu.memory_space<vmem>>, vector<1x512xf32>
      tpu.vector_store %arg5[%swap3A_400, %swap3A_401], %log3A {strides = array<i32>} : memref<4x512xf32, #tpu.memory_space<vmem>>, vector<1x512xf32>,
      %div3A_403 = arith.divf %mul3A_222, %select_n3A_386 : vector<1x512xf32>
      %add3A_404 = arith.constant 1.000000e-16 : f32
      %add3A_405 = vector.broadcast %add3A_404 : f32 to vector<1x512xf32>
      %add3A_406 = arith.addf %div3A_403, %add3A_405 : vector<1x512xf32>
      %log3A_407 = math.log %add3A_406 : vector<1x512xf32>
      %swap3A_408 = arith.constant 3 : index
      %swap3A_409 = arith.constant 0 : index
      %swap3A_410 = vector.load %arg5[%swap3A_408, %swap3A_409] : memref<4x512xf32, #tpu.memory_space<vmem>>, vector<1x512xf32>
      tpu.vector_store %arg5[%swap3A_408, %swap3A_409], %log3A_407 {strides = array<i32>} : memref<4x512xf32, #tpu.memory_space<vmem>>, vector<1x512xf32>,
      %mul3A_411 = arith.constant 255 : i32
      %mul3A_412 = vector.broadcast %mul3A_411 : i32 to vector<1x512xi32>
      %mul3A_413 = arith.muli %convert_element_type3A_296, %mul3A_412 : vector<1x512xi32>
      %mul3A_414 = arith.constant 85 : i32
      %mul3A_415 = vector.broadcast %mul3A_414 : i32 to vector<1x512xi32>
      %mul3A_416 = arith.muli %select_n3A_281, %mul3A_415 : vector<1x512xi32>
      %add3A_417 = arith.addi %mul3A_413, %mul3A_416 : vector<1x512xi32>
      %mul3A_418 = arith.constant 2704 : i32
      %mul3A_419 = vector.broadcast %mul3A_418 : i32 to vector<1x512xi32>
      %mul3A_420 = arith.muli %add3A_417, %mul3A_419 : vector<1x512xi32>
      %mul3A_421 = arith.constant 52 : i32
      %mul3A_422 = vector.broadcast %mul3A_421 : i32 to vector<1x512xi32>
      %mul3A_423 = arith.muli %min3A_295, %mul3A_422 : vector<1x512xi32>
      %add3A_424 = arith.addi %mul3A_420, %mul3A_423 : vector<1x512xi32>
      %add3A_425 = arith.addi %add3A_424, %min3A_288 : vector<1x512xi32>
      %jit3A_426 = arith.constant 0 : i32
      %broadcast_in_dim3A_427 = vector.broadcast %jit3A_426 : i32 to vector<1x512xi32>
      %select_n3A_428 = arith.select %and3A_210, %add3A_425, %broadcast_in_dim3A_427 : vector<1x512xi1>, vector<1x512xi32>
      %swap3A_429 = arith.constant 0 : index
      %swap3A_430 = arith.constant 0 : index
      %swap3A_431 = vector.load %arg6[%swap3A_429, %swap3A_430] : memref<4x512xi32, #tpu.memory_space<vmem>>, vector<1x512xi32>
      tpu.vector_store %arg6[%swap3A_429, %swap3A_430], %select_n3A_428 {strides = array<i32>} : memref<4x512xi32, #tpu.memory_space<vmem>>, vector<1x512xi32>,
      %swap3A_432 = arith.constant 1 : index
      %swap3A_433 = arith.constant 0 : index
      %swap3A_434 = vector.load %arg6[%swap3A_432, %swap3A_433] : memref<4x512xi32, #tpu.memory_space<vmem>>, vector<1x512xi32>
      tpu.vector_store %arg6[%swap3A_432, %swap3A_433], %min3A_319 {strides = array<i32>} : memref<4x512xi32, #tpu.memory_space<vmem>>, vector<1x512xi32>,
      %convert_element_type3A_435 = arith.extui %and3A_339 : vector<1x512xi1> to vector<1x512xi32>
      %swap3A_436 = arith.constant 2 : index
      %swap3A_437 = arith.constant 0 : index
      %swap3A_438 = vector.load %arg6[%swap3A_436, %swap3A_437] : memref<4x512xi32, #tpu.memory_space<vmem>>, vector<1x512xi32>
      tpu.vector_store %arg6[%swap3A_436, %swap3A_437], %convert_element_type3A_435 {strides = array<i32>} : memref<4x512xi32, #tpu.memory_space<vmem>>, vector<1x512xi32>,
      %convert_element_type3A_439 = arith.extui %and3A_358 : vector<1x512xi1> to vector<1x512xi32>
      %swap3A_440 = arith.constant 3 : index
      %swap3A_441 = arith.constant 0 : index
      %swap3A_442 = vector.load %arg6[%swap3A_440, %swap3A_441] : memref<4x512xi32, #tpu.memory_space<vmem>>, vector<1x512xi32>
      tpu.vector_store %arg6[%swap3A_440, %swap3A_441], %convert_element_type3A_439 {strides = array<i32>} : memref<4x512xi32, #tpu.memory_space<vmem>>, vector<1x512xi32>,
      %convert_element_type3A_443 = arith.extui %and3A_210 : vector<1x512xi1> to vector<1x512xi32>
      %reduce_sum3A_444 = vector.shape_cast %convert_element_type3A_443 : vector<1x512xi32> to vector<1x1x512xi32>
      %reduce_sum3A_445 = arith.constant dense<0> : vector<1xi32>
      %reduce_sum3A_446 = vector.multi_reduction <add>, %reduce_sum3A_444, %reduce_sum3A_445 [1, 2] : vector<1x1x512xi32> to vector<1xi32>
      %reduce_sum3A_447 = vector.shape_cast %reduce_sum3A_446 : vector<1xi32> to vector<1x1x1xi32>
      %reduce_sum3A_448 = vector.extract %reduce_sum3A_447[0, 0, 0] : i32 from vector<1x1x1xi32>
      %swap3A_449 = arith.constant 0 : index
      %swap3A_450 = arith.constant 0 : index
      %swap3A_451 = memref.load %arg7[%swap3A_449, %swap3A_450] : memref<1x1xi32, #tpu.memory_space<smem>>
      memref.store %reduce_sum3A_448, %arg7[%swap3A_449, %swap3A_450] : memref<1x1xi32, #tpu.memory_space<smem>>
    } else {
    }
    return
  }
  func.func @transform_0(%arg0: i32) -> (i32, i32) {
    %c0_i32 = arith.constant 0 : i32
    %c0_i32_0 = arith.constant 0 : i32
    return %arg0, %c0_i32 : i32, i32
  }
  func.func @transform_1(%arg0: i32) -> (i32, i32) {
    %c0_i32 = arith.constant 0 : i32
    %c0_i32_0 = arith.constant 0 : i32
    %c0_i32_1 = arith.constant 0 : i32
    return %c0_i32, %c0_i32_0 : i32, i32
  }
  func.func @transform_2(%arg0: i32) -> (i32, i32) {
    %c0_i32 = arith.constant 0 : i32
    %c0_i32_0 = arith.constant 0 : i32
    %c0_i32_1 = arith.constant 0 : i32
    return %c0_i32, %c0_i32_0 : i32, i32
  }
  func.func @transform_3(%arg0: i32) -> (i32, i32) {
    %c0_i32 = arith.constant 0 : i32
    %c0_i32_0 = arith.constant 0 : i32
    %c0_i32_1 = arith.constant 0 : i32
    return %c0_i32, %c0_i32_0 : i32, i32
  }
  func.func @transform_4(%arg0: i32) -> (i32, i32) {
    %c0_i32 = arith.constant 0 : i32
    %c0_i32_0 = arith.constant 0 : i32
    %c0_i32_1 = arith.constant 0 : i32
    return %c0_i32, %c0_i32_0 : i32, i32
  }
  func.func @transform_5(%arg0: i32) -> (i32, i32) {
    %c0_i32 = arith.constant 0 : i32
    %c0_i32_0 = arith.constant 0 : i32
    %c0_i32_1 = arith.constant 0 : i32
    return %c0_i32, %c0_i32_0 : i32, i32
  }
  func.func @transform_6(%arg0: i32) -> (i32, i32) {
    %c0_i32 = arith.constant 0 : i32
    %c0_i32_0 = arith.constant 0 : i32
    %c0_i32_1 = arith.constant 0 : i32
    return %c0_i32, %c0_i32_0 : i32, i32
  }
}

</mosaic_0001>

<sc_bundles>
// kernel: branch_1_fun.3.cloned.1.call-start
scs
__scs_entry_jumppad:
0x0: {  	(pc) =	sbr.rel $0x88, $3  }
0x1: {  	(tag) =	ssettag $0x0;
	lr =	simm.s32 $0x1  }
0x2: {  	[smem:$0x3F9F] =	sst lr;
	_ =	strace $0xD0000000  }
0x3: {  	_ = 	snop  }
0x4: {  	_ = 	snop  }
0x5: {  	_ = 	snop  }
0x6: {  	_ = 	snop  }
0x7: {  	_ = 	snop  }
__scs_overlays_trampoline_lowered:
0x8: {  	[smem:$0x3FAE] =	sst s0  }
0x9: {  	[smem:$0x3FAF] =	sst s1  }
0xa: {  	[smem:$0x3FB0] =	sst s2  }
0xb: {  	[smem:$0x3FB1] =	sst s3  }
0xc: {  	[smem:$0x3FB2] =	sst s4  }
0xd: {  	[smem:$0x3FB3] =	sst s5  }
0xe: {  	[smem:$0x3FB4] =	sst s6  }
0xf: {  	[smem:$0x3FB5] =	sst s7  }
0x10: {  	[smem:$0x3FB6] =	sst s8  }
0x11: {  	[smem:$0x3FB7] =	sst s9;
	s0 =	simm.s32 @!p0 $0x0  }
0x12: {  	s1 =	sld [smem:$0x3F9D];
	s0 =	simm.s32 @p0 $0x1  }
0x13: {  	[smem:$0x3FB8] =	sst s0;
	s0 =	simm.s32 @!p1 $0x0  }
0x14: {  	s2 =	sld [smem:$0x3F9C];
	s0 =	simm.s32 @p1 $0x1  }
0x15: {  	[smem:$0x3FB9] =	sst s0;
	s0 =	simm.s32 @!p2 $0x0  }
0x16: {  	s3 =	sld [smem:$0x3FDB];
	s0 =	simm.s32 @p2 $0x1  }
0x17: {  	s4 =	simm.s32 $0x1BF5;
	[smem:$0x3FBB] =	sst s0  }
0x18: {  	s0 =	sld [smem:$0x3F9E];
	_ =	swait.ge [sflag:s4], $0x0  }
0x19: {  	s7 =	sld [smem:$0x3F9F]  }
0x1a: {  	s8 =	sadd.s32 $0xFFFFE003, lr  }
0x1b: {  	s9 =	sadd.s32 $0xFFFFFEF7, lr;
	s5 =	simm.s32 $0xFFFFFFFF;
	p2 =	slt.u32 s8, $0xFFFFF086  }
0x1c: {  	p1 =	slt.u32 s9, $0xF7A;
	s5 =	simm.s32 @!p2 $0x0  }
0x1d: {  	s5 =	simm.s32 @p1 $0x1;
	p0 =	seq.s32 s7, s2  }
0x1e: {  	s7 =	smul.u32 @!p0 $0xF7A, s2;
	p2 =	seq.s32 @!p0 s5, $0x0  }
0x1f: {  	s9 =	smul.u32 $0xF7A, s1;
	s8 =	simm.s32 @!p0 $0x1BF5;
	p2 =	por !p2, p0  }
0x20: {  	[sflag:s8] =	ssyncset.s32 @!p0 $0xFFFFF086;
	s6 =	sadd.s32 @!p0 s3, s7;
	s7 =	simm.s32 @!p0 $0x108  }
0x21: {  	s3 =	sadd.s32 s3, s9;
	s6 =	sadd.s32 @!p0 $0x88, s6;
	s7 =	simm.s32 @p2 $0x1082  }
0x22: {  	[simem:s7], [sflag:s8] =	dma.local @!p0 [hbm:s6], $0xF7A  }
0x23: {  	s9 =	sor.u32 $0xD0000000, s2;
	s6 =	simm.s32 $0x108;
	_ =	swait.ge @!p0 [sflag:s8], $0x0  }
0x24: {  	s3 =	sadd.s32 $0x88, s3;
	s6 =	simm.s32 @!p1 $0x1082;
	[sflag:s4] =	ssyncset.s32 $0xFFFFF086  }
0x25: {  	[simem:s6], [sflag:s4] =	dma.local [hbm:s3], $0xF7A  }
0x26: {  	[smem:$0x3F9F] =	sst s1;
	(tag) =	ssettag s2;
	_ =	strace s9  }
0x27: {  	s1 =	sld [smem:$0x3FAF]  }
0x28: {  	s2 =	sld [smem:$0x3FB0]  }
0x29: {  	s4 =	sld [smem:$0x3FB2]  }
0x2a: {  	p0 =	seq.s32 s5, $0x0;
	s5 =	sld [smem:$0x3FB3]  }
0x2b: {  	s6 =	sld [smem:$0x3FB4]  }
0x2c: {  	s7 =	sld [smem:$0x3FB5]  }
0x2d: {  	s3 =	simm.s32 $0x108;
	s8 =	sld [smem:$0x3FB6]  }
0x2e: {  	s3 =	simm.s32 @!p0 $0x1082;
	s9 =	sld [smem:$0x3FB7]  }
0x2f: {  	lr =	sadd.s32 s0, s3;
	s0 =	sld [smem:$0x3FAE]  }
0x30: {  	s3 =	sld [smem:$0x3FB1]  }
0x31: {  	[smem:$0x3FBA] =	sst s10  }
0x32: {  	s10 =	sld [smem:$0x3FB8];
	_ =	sdelay $0x3  }
0x33: {  	p0 =	seq.s32 s10, $0x1;
	s10 =	sld [smem:$0x3FBA];
	_ =	sdelay $0x3  }
0x34: {  	[smem:$0x3FBA] =	sst s10  }
0x35: {  	s10 =	sld [smem:$0x3FB9];
	_ =	sdelay $0x3  }
0x36: {  	p1 =	seq.s32 s10, $0x1;
	s10 =	sld [smem:$0x3FBA];
	_ =	sdelay $0x3  }
0x37: {  	[smem:$0x3FBA] =	sst s10  }
0x38: {  	s10 =	sld [smem:$0x3FBB]  }
0x39: {  	_ = 	snop;
	(pc) =	sbr.ind lr, $3  }
0x3a: {  	_ = 	snop  }
0x3b: {  	_ = 	snop  }
0x3c: {  	p2 =	seq.s32 s10, $0x1;
	s10 =	sld [smem:$0x3FBA]  }
0x3d: {  	_ =	shalt  }
0x3e: {  	_ =	shalt  }
0x3f: {  	_ =	shalt  }
0x40: {  	_ =	shalt  }
0x41: {  	_ =	shalt  }
0x42: {  	_ =	shalt  }
0x43: {  	_ =	shalt  }
0x44: {  	_ =	shalt  }
0x45: {  	_ =	shalt  }
0x46: {  	_ =	shalt  }
0x47: {  	_ =	shalt  }
0x48: {  	_ =	shalt  }
0x49: {  	_ =	shalt  }
0x4a: {  	_ =	shalt  }
0x4b: {  	_ =	shalt  }
0x4c: {  	_ =	shalt  }
0x4d: {  	_ =	shalt  }
0x4e: {  	_ =	shalt  }
0x4f: {  	_ =	shalt  }
0x50: {  	_ =	shalt  }
0x51: {  	_ =	shalt  }
0x52: {  	_ =	shalt  }
0x53: {  	_ =	shalt  }
0x54: {  	_ =	shalt  }
0x55: {  	_ =	shalt  }
0x56: {  	_ =	shalt  }
0x57: {  	_ =	shalt  }
0x58: {  	_ =	shalt  }
0x59: {  	_ =	shalt  }
0x5a: {  	_ =	shalt  }
0x5b: {  	_ =	shalt  }
0x5c: {  	_ =	shalt  }
0x5d: {  	_ =	shalt  }
0x5e: {  	_ =	shalt  }
0x5f: {  	_ =	shalt  }
0x60: {  	_ =	shalt  }
0x61: {  	_ =	shalt  }
0x62: {  	_ =	shalt  }
0x63: {  	_ =	shalt  }
0x64: {  	_ =	shalt  }
0x65: {  	_ =	shalt  }
0x66: {  	_ =	shalt  }
0x67: {  	_ =	shalt  }
0x68: {  	_ =	shalt  }
0x69: {  	_ =	shalt  }
0x6a: {  	_ =	shalt  }
0x6b: {  	_ =	shalt  }
0x6c: {  	_ =	shalt  }
0x6d: {  	_ =	shalt  }
0x6e: {  	_ =	shalt  }
0x6f: {  	_ =	shalt  }
0x70: {  	_ =	shalt  }
0x71: {  	_ =	shalt  }
0x72: {  	_ =	shalt  }
0x73: {  	_ =	shalt  }
0x74: {  	_ =	shalt  }
0x75: {  	_ =	shalt  }
0x76: {  	_ =	shalt  }
0x77: {  	_ =	shalt  }
0x78: {  	_ =	shalt  }
0x79: {  	_ =	shalt  }
0x7a: {  	_ =	shalt  }
0x7b: {  	_ =	shalt  }
0x7c: {  	_ =	shalt  }
0x7d: {  	_ =	shalt  }
0x7e: {  	_ =	shalt  }
0x7f: {  	_ =	shalt  }
0x80: {  	_ =	shalt  }
0x81: {  	_ =	shalt  }
0x82: {  	_ =	shalt  }
0x83: {  	_ =	shalt  }
0x84: {  	_ =	shalt  }
0x85: {  	_ =	shalt  }
0x86: {  	_ =	shalt  }
0x87: {  	_ =	shalt  }
.Lfunc_end0:
.L_simem_size_0:
called_computation_lowered:
.L_overlay_start_0:
0x88: {  	s2 =	sld [smem:$0x3FD9]  }
0x89: {  	s3 =	sld [smem:$0x3FFE];
	_ =	sdelay $0x1  }
0x8a: {  	s1 =	srdreg.scid  }
0x8b: {  	s0 =	sand.u32 $0x1, s1  }
0x8c: {  	s16 =	sshll.u32 s0, $0xA;
	s2 =	sadd.s32 s3, s2  }
0x8d: {  	s2 =	sadd.s32 s2, s16  }
0x8e: {  	[smem:$0x3FC6] =	sst s2  }
0x8f: {  	_ = 	snop  }
0x90: {  	(tm) =	ssettm $0x1  }
0x91: {  	s17 =	sld [smem:$0x3FFB];
	_ =	sdelay $0x3  }
0x92: {  	_ =	strace s17  }
0x93: {  	s2 =	sld [smem:$0x3FFC];
	_ =	sdelay $0x3  }
0x94: {  	_ =	strace s2  }
0x95: {  	s2 =	sld [smem:$0x3FFD];
	_ =	sdelay $0x3  }
0x96: {  	_ =	strace s2  }
0x97: {  	_ =	strace $0x8FFFFFFF  }
0x98: {  	s18 =	sld [smem:$0x3FDB];
	_ =	sdelay $0x1  }
0x99: {  	s19 =	simm.s32 $_scs_section_size  }
0x9a: {  	s4 =	simm.s32 $_size__tile_overlayer_lowered;
	s5 =	simm.s32 $_tile_overlayer_lowered  }
0x9b: {  	s22 =	simm.s32 $0x1BFF;
	s21 =	sshll.u32 s5, $0x1;
	s2 =	sadd.s32 s19, s18  }
0x9c: {  	s6 =	simm.s32 $0x0;
	s20 =	sshll.u32 s4, $0x1;
	s4 =	sadd.s32 s21, s2  }
0x9d: {  	[timem:s6], [sflag:s22] =	dma.local [hbm:s4], s20  }
0x9e: {  	_ =	swait.ge [sflag:s22], s20  }
0x9f: {  	s3 =	ssub.s32 $0x0, s20;
	[sflag:s22] =	ssyncset.done $0x0  }
0xa0: {  	[sflag:s22] =	ssyncadd.s32 s3;
	_ =	sdelay $0x1  }
0xa1: {  	s23 =	simm.s32 $0x1B8B  }
0xa2: {  	_ =	swait.ge [sflag:s23], $0x1  }
0xa3: {  	[sflag:s23] =	ssyncset.done $0x0  }
0xa4: {  	s25 =	simm.s32 $0x1B8E;
	s24 =	sld [smem:$0x3FFE];
	[sflag:s23] =	ssyncadd.s32 $0xFFFFFFFF  }
0xa5: {  	s26 =	simm.s32 $execute0_lowered;
	[smem:$0x3FD2] =	sst s25  }
0xa6: {  	s4 =	sshll.u32 s26, $0x1;
	_ =	strace $0x80000046;
	[dreg:$0x1] =	wrdreg $0xFFFFFFFF  }
0xa7: {  	s28 =	simm.s32 $_size_execute0_lowered;
	s2 =	sadd.s32 s2, s4;
	[dreg:$0x0] =	wrdreg $0x0  }
0xa8: {  	s4 =	sshll.u32 s28, $0x1;
	[dreg:$0x2] =	wrdreg s2  }
0xa9: {  	[dreg:$0x3] =	wrdreg s4  }
0xaa: {  	[dreg:$0x4] =	wrdreg $0xC0  }
0xab: {  	_ =	task [dreg:s6], $0x5FFFF  }
0xac: {  	[dreg:$0x1] =	wrdreg $0xFFFFFFFF  }
0xad: {  	[dreg:$0x0] =	wrdreg $0x60  }
0xae: {  	[dreg:$0x2] =	wrdreg s24  }
0xaf: {  	[dreg:$0x3] =	wrdreg $0x9  }
0xb0: {  	_ =	task.clear_ibuf [dreg:s6], $0x4FFFF;
	_ =	strace $0x90000046  }
0xb1: {  	s29 =	simm.s32 $0x9;
	_ =	strace $0x80000048  }
0xb2: {  	_ =	swait.ge [sflag:s29], $0x1  }
0xb3: {  	[sflag:s29] =	ssyncadd.s32 $0xFFFFFFFF  }
0xb4: {  	_ =	strace $0x90000048  }
0xb5: {  	_ =	sfence  }
0xb6: {  	s30 =	sld [smem:$0x0];
	_ =	sdelay $0x2  }
0xb7: {  	s31 =	sshll.u32 s1, $0xD;
	s1 =	sshrl.u32 s1, $0x2  }
0xb8: {  	s3 =	sand.u32 $0x4000, s31;
	s1 =	sadd.s32 s1, s30  }
0xb9: {  	s0 =	sor.u32 s3, s0;
	s1 =	sshll.u32 s1, $0x11  }
0xba: {  	s0 =	sor.u32 s1, s0  }
0xbb: {  	s0 =	sadd.s32 $0x8F2B, s0  }
0xbc: {  	[sflag:s0] =	ssyncadd.remote.s32 $0x1  }
0xbd: {  	_ =	sfence.sel $0xFFFF  }
0xbe: {  	[dreg:$0x0] =	wrdreg $0xFFFFFFFF;
	(pc) =	sbr.abs _section_cstart, $3  }
0xbf: {  	[dreg:$0x1] =	wrdreg $0xFFFFFFFF  }
0xc0: {  	_ =	task.clear_ibuf [dreg:s6], $0x2FFFF;
	_ =	strace $0x9FFFFFFF  }
0xc1: {  	(tm) =	ssettm $0x7FFFFFFF  }
tec
execute0_lowered:
.L_overlay_start_1:
0x0: {  	(tag) =	ssettag $0x1  }
0x1: {  	s1 =	srdreg.scid  }
0x2: {  	s0 =	stileid.u32;
	s3 =	rddreg [dreg:$0x0];
	s2 =	simm.s32 $0x0  }
0x3: {  	s21 =	simm.s32 $0x1000;
	s23 =	simm.s32 $0x1080;
	s24 =	simm.s32 $0x1010  }
0x4: {  	s25 =	simm.s32 $0x1090;
	s26 =	simm.s32 $0x1020;
	s10 =	simm.s32 $0x800  }
0x5: {  	s11 =	simm.s32 $0x880;
	s12 =	simm.s32 $0x100;
	s13 =	simm.s32 $0x900  }
0x6: {  	s28 =	simm.s32 $0xC80;
	s29 =	simm.s32 $0x500;
	[smem:$0x7FF] =	sst s2  }
0x7: {  	s30 =	simm.s32 $0xD00;
	_ =	strace $0x80000047;
	[dreg:$0xb] =	wrdreg s21  }
0x8: {  	s31 =	simm.s32 $0x1;
	s1 =	sand.u32 $0x1, s1;
	[dreg:$0xc] =	wrdreg s23  }
0x9: {  	s4 =	sshll.u32 s0, $0x1;
	s5 =	sadd.s32 $0x1400, s3;
	[dreg:$0xd] =	wrdreg s24  }
0xa: {  	s7 =	sadd.s32 $0x1600, s3;
	s4 =	sor.u32 s1, s4;
	[dreg:$0xe] =	wrdreg s25  }
0xb: {  	s1 =	ssub.s32 $0x2, s1;
	[dreg:$0xf] =	wrdreg s26;
	s21 =	simm.s32 $0xB00  }
0xc: {  	s23 =	simm.s32 $0xB80;
	s24 =	simm.s32 $0x400;
	s25 =	simm.s32 $0xC00  }
0xd: {  	s26 =	simm.s32 $0x480;
	s6 =	sshll.u32 s4, $0x1;
	s4 =	smul.u32 $0xC, s4  }
0xe: {  	s22 =	sshrl.u32 s1, $0x1;
	s8 =	sadd.s32 s5, s6;
	s14 =	sadd.s32 s7, s6  }
0xf: {  	s9 =	sor.u32 $0x40, s6;
	s17 =	sor.u32 $0x80, s6;
	s6 =	sor.u32 $0xC0, s6  }
0x10: {  	s1 =	ssub.s32 s1, s22;
	s22 =	simm.s32 $0x380;
	[dreg:$0x2] =	wrdreg s8  }
0x11: {  	[dreg:$0x3] =	wrdreg s14;
	s15 =	sadd.s32 s5, s9;
	s16 =	sadd.s32 s7, s9  }
0x12: {  	s18 =	sadd.s32 s5, s17;
	s19 =	sadd.s32 s7, s17;
	[dreg:$0x4] =	wrdreg s15  }
0x13: {  	s5 =	sadd.s32 s5, s6;
	s4 =	sadd.s32 s4, s3;
	[dreg:$0x5] =	wrdreg s16  }
0x14: {  	s20 =	sadd.s32 s7, s6;
	s3 =	sadd.s32 $0xDF3400, s3;
	[dreg:$0x6] =	wrdreg s18  }
0x15: {  	s7 =	simm.s32 $0x1030;
	s8 =	simm.s32 $0x10B0;
	[dreg:$0x7] =	wrdreg s19  }
0x16: {  	s9 =	simm.s32 $0x80;
	s14 =	simm.s32 $0x180;
	[dreg:$0x8] =	wrdreg s5  }
0x17: {  	s17 =	simm.s32 $0xA00;
	[dreg:$0x9] =	wrdreg s20;
	s4 =	sadd.s32 $0x1200, s4  }
0x18: {  	s5 =	simm.s32 $0x2;
	s15 =	simm.s32 $0x980;
	s16 =	simm.s32 $0x200  }
0x19: {  	s18 =	simm.s32 $0x280;
	s19 =	simm.s32 $0xA80;
	s20 =	simm.s32 $0x300  }
0x1a: {  	v0 =	vimm.f32 $0.0e+00;
	[dreg:$0xa] =	wrdreg s4;
	s4 =	smax.u32 s1, $0x1;
	s1 =	simm.s32 $0x1100  }
.LBB2_1:
0x1b: {  	s0 =	rddreg [dreg:$0x2]  }
0x1c: {  	s6 =	rddreg [dreg:$0xb]  }
0x1d: {  	[tilespmem:s6], [sflag:$0x2] =	stream.linear.gather [hbm4b:s0+s2], $0x10, $0x38;
	[tilespmem:$0x1180] =	vst v63  }
0x1e: {  	_ =	swait.ge [sflag:s5], $0x10  }
0x1f: {  	s0 =	rddreg [dreg:$0x3];
	[sflag:s5] =	ssyncset.done $0x0  }
0x20: {  	s6 =	rddreg [dreg:$0xc];
	[sflag:s5] =	ssyncadd.s32 $0xFFFFFFF0  }
0x21: {  	[tilespmem:s6], [sflag:$0x2] =	stream.linear.gather [hbm4b:s0+s2], $0x10, $0x38;
	[tilespmem:$0x1180] =	vst v63  }
0x22: {  	_ =	swait.ge [sflag:s5], $0x10  }
0x23: {  	s0 =	rddreg [dreg:$0x4];
	[sflag:s5] =	ssyncset.done $0x0  }
0x24: {  	s6 =	rddreg [dreg:$0xd];
	[sflag:s5] =	ssyncadd.s32 $0xFFFFFFF0  }
0x25: {  	[tilespmem:s6], [sflag:$0x2] =	stream.linear.gather [hbm4b:s0+s2], $0x10, $0x38;
	[tilespmem:$0x1180] =	vst v63  }
0x26: {  	_ =	swait.ge [sflag:s5], $0x10  }
0x27: {  	s0 =	rddreg [dreg:$0x5];
	[sflag:s5] =	ssyncset.done $0x0  }
0x28: {  	s6 =	rddreg [dreg:$0xe];
	[sflag:s5] =	ssyncadd.s32 $0xFFFFFFF0  }
0x29: {  	[tilespmem:s6], [sflag:$0x2] =	stream.linear.gather [hbm4b:s0+s2], $0x10, $0x38;
	[tilespmem:$0x1180] =	vst v63  }
0x2a: {  	_ =	swait.ge [sflag:s5], $0x10  }
0x2b: {  	s0 =	rddreg [dreg:$0x6];
	[sflag:s5] =	ssyncset.done $0x0  }
0x2c: {  	s6 =	rddreg [dreg:$0xf];
	[sflag:s5] =	ssyncadd.s32 $0xFFFFFFF0  }
0x2d: {  	[tilespmem:s6], [sflag:$0x2] =	stream.linear.gather [hbm4b:s0+s2], $0x10, $0x38;
	[tilespmem:$0x1180] =	vst v63  }
0x2e: {  	_ =	swait.ge [sflag:s5], $0x10  }
0x2f: {  	[sflag:s5] =	ssyncset.done $0x0  }
0x30: {  	s6 =	simm.s32 $0x10A0;
	s0 =	rddreg [dreg:$0x7];
	[sflag:s5] =	ssyncadd.s32 $0xFFFFFFF0  }
0x31: {  	[tilespmem:s6], [sflag:$0x2] =	stream.linear.gather [hbm4b:s0+s2], $0x10, $0x38;
	[tilespmem:$0x1180] =	vst v63  }
0x32: {  	_ =	swait.ge [sflag:s5], $0x10  }
0x33: {  	[sflag:s5] =	ssyncset.done $0x0  }
0x34: {  	s6 =	rddreg [dreg:$0x8];
	[sflag:s5] =	ssyncadd.s32 $0xFFFFFFF0  }
0x35: {  	[tilespmem:s7], [sflag:$0x2] =	stream.linear.gather [hbm4b:s6+s2], $0x10, $0x38;
	[tilespmem:$0x1180] =	vst v63  }
0x36: {  	_ =	swait.ge [sflag:s5], $0x10  }
0x37: {  	[sflag:s5] =	ssyncset.done $0x0  }
0x38: {  	s6 =	rddreg [dreg:$0x9];
	[sflag:s5] =	ssyncadd.s32 $0xFFFFFFF0  }
0x39: {  	[tilespmem:s8], [sflag:$0x2] =	stream.linear.gather [hbm4b:s6+s2], $0x10, $0x38;
	[tilespmem:$0x1180] =	vst v63  }
0x3a: {  	_ =	swait.ge [sflag:s5], $0x10  }
0x3b: {  	[sflag:s5] =	ssyncset.done $0x0  }
0x3c: {  	[sflag:s5] =	ssyncadd.s32 $0xFFFFFFF0  }
0x3d: {  	v2 =	vld [tilespmem:$0x1000];
	_ =	sdelay $0x4  }
0x3e: {  	[tilespmem:$0x0] =	vst v2;
	v1 =	vadd.s32 $0xA90, v2  }
0x3f: {  	v3 =	vadd.s32 $0x20590, v2;
	[tilespmem:$0x10] =	vst v1  }
0x40: {  	v1 =	vadd.s32 $0x1520, v2;
	[tilespmem:$0x310] =	vst v3  }
0x41: {  	v3 =	vadd.s32 $0x21020, v2;
	[tilespmem:$0x20] =	vst v1  }
0x42: {  	v1 =	vadd.s32 $0x1FB0, v2;
	[tilespmem:$0x320] =	vst v3  }
0x43: {  	v3 =	vadd.s32 $0x21AB0, v2;
	[tilespmem:$0x30] =	vst v1  }
0x44: {  	v1 =	vadd.s32 $0x2A40, v2;
	[tilespmem:$0x330] =	vst v3  }
0x45: {  	[tilespmem:$0x40] =	vst v1;
	v1 =	vadd.s32 $0x34D0, v2  }
0x46: {  	[tilespmem:$0x50] =	vst v1;
	v1 =	vadd.s32 $0x3F60, v2  }
0x47: {  	[tilespmem:$0x60] =	vst v1;
	v1 =	vadd.s32 $0x49F0, v2  }
0x48: {  	[tilespmem:$0x70] =	vst v1;
	v1 =	vadd.s32 $0x5480, v2  }
0x49: {  	[tilespmem:$0x80] =	vst v1;
	v1 =	vadd.s32 $0x5F10, v2  }
0x4a: {  	[tilespmem:$0x90] =	vst v1;
	v1 =	vadd.s32 $0x69A0, v2  }
0x4b: {  	[tilespmem:$0xA0] =	vst v1;
	v1 =	vadd.s32 $0x7430, v2  }
0x4c: {  	[tilespmem:$0xB0] =	vst v1;
	v1 =	vadd.s32 $0x7EC0, v2  }
0x4d: {  	[tilespmem:$0xC0] =	vst v1;
	v1 =	vadd.s32 $0x8950, v2  }
0x4e: {  	[tilespmem:$0xD0] =	vst v1;
	v1 =	vadd.s32 $0x93E0, v2  }
0x4f: {  	[tilespmem:$0xE0] =	vst v1;
	v1 =	vadd.s32 $0x9E70, v2  }
0x50: {  	[tilespmem:$0xF0] =	vst v1;
	v1 =	vadd.s32 $0xA900, v2  }
0x51: {  	[tilespmem:$0x100] =	vst v1;
	v1 =	vadd.s32 $0xB390, v2  }
0x52: {  	[tilespmem:$0x110] =	vst v1;
	v1 =	vadd.s32 $0xBE20, v2  }
0x53: {  	[tilespmem:$0x120] =	vst v1;
	v1 =	vadd.s32 $0xC8B0, v2  }
0x54: {  	[tilespmem:$0x130] =	vst v1;
	v1 =	vadd.s32 $0xD340, v2  }
0x55: {  	[tilespmem:$0x140] =	vst v1;
	v1 =	vadd.s32 $0xDDD0, v2  }
0x56: {  	[tilespmem:$0x150] =	vst v1;
	v1 =	vadd.s32 $0xE860, v2  }
0x57: {  	[tilespmem:$0x160] =	vst v1;
	v1 =	vadd.s32 $0xF2F0, v2  }
0x58: {  	[tilespmem:$0x170] =	vst v1;
	v1 =	vadd.s32 $0xFD80, v2  }
0x59: {  	[tilespmem:$0x180] =	vst v1;
	v1 =	vadd.s32 $0x10810, v2  }
0x5a: {  	[tilespmem:$0x190] =	vst v1;
	v1 =	vadd.s32 $0x112A0, v2  }
0x5b: {  	[tilespmem:$0x1A0] =	vst v1;
	v1 =	vadd.s32 $0x11D30, v2  }
0x5c: {  	[tilespmem:$0x1B0] =	vst v1;
	v1 =	vadd.s32 $0x127C0, v2  }
0x5d: {  	[tilespmem:$0x1C0] =	vst v1;
	v1 =	vadd.s32 $0x13250, v2  }
0x5e: {  	[tilespmem:$0x1D0] =	vst v1;
	v1 =	vadd.s32 $0x13CE0, v2  }
0x5f: {  	[tilespmem:$0x1E0] =	vst v1;
	v1 =	vadd.s32 $0x14770, v2  }
0x60: {  	[tilespmem:$0x1F0] =	vst v1;
	v1 =	vadd.s32 $0x15200, v2  }
0x61: {  	[tilespmem:$0x200] =	vst v1;
	v1 =	vadd.s32 $0x15C90, v2  }
0x62: {  	[tilespmem:$0x210] =	vst v1;
	v1 =	vadd.s32 $0x16720, v2  }
0x63: {  	[tilespmem:$0x220] =	vst v1;
	v1 =	vadd.s32 $0x171B0, v2  }
0x64: {  	[tilespmem:$0x230] =	vst v1;
	v1 =	vadd.s32 $0x17C40, v2  }
0x65: {  	[tilespmem:$0x240] =	vst v1;
	v1 =	vadd.s32 $0x186D0, v2  }
0x66: {  	[tilespmem:$0x250] =	vst v1;
	v1 =	vadd.s32 $0x19160, v2  }
0x67: {  	[tilespmem:$0x260] =	vst v1;
	v1 =	vadd.s32 $0x19BF0, v2  }
0x68: {  	[tilespmem:$0x270] =	vst v1;
	v1 =	vadd.s32 $0x1A680, v2  }
0x69: {  	[tilespmem:$0x280] =	vst v1;
	v1 =	vadd.s32 $0x1B110, v2  }
0x6a: {  	[tilespmem:$0x290] =	vst v1;
	v1 =	vadd.s32 $0x1BBA0, v2  }
0x6b: {  	[tilespmem:$0x2A0] =	vst v1;
	v1 =	vadd.s32 $0x1C630, v2  }
0x6c: {  	[tilespmem:$0x2B0] =	vst v1;
	v1 =	vadd.s32 $0x1D0C0, v2  }
0x6d: {  	[tilespmem:$0x2C0] =	vst v1;
	v1 =	vadd.s32 $0x1DB50, v2  }
0x6e: {  	[tilespmem:$0x2D0] =	vst v1;
	v1 =	vadd.s32 $0x1E5E0, v2  }
0x6f: {  	[tilespmem:$0x2E0] =	vst v1;
	v1 =	vadd.s32 $0x1F070, v2  }
0x70: {  	v5 =	vld [tilespmem:$0x1020];
	[tilespmem:$0x2F0] =	vst v1;
	v1 =	vadd.s32 $0x1FB00, v2  }
0x71: {  	v9 =	vld [tilespmem:$0x1030];
	v3 =	vadd.s32 $0x22540, v2;
	[tilespmem:$0x300] =	vst v1  }
0x72: {  	v1 =	vld [tilespmem:$0x1010];
	[tilespmem:$0x340] =	vst v3;
	v3 =	vadd.s32 $0x22FD0, v2  }
0x73: {  	[tilespmem:$0x350] =	vst v3;
	v3 =	vadd.s32 $0x23A60, v2  }
0x74: {  	[tilespmem:$0x360] =	vst v3;
	v3 =	vadd.s32 $0x244F0, v2  }
0x75: {  	[tilespmem:$0x370] =	vst v3;
	v3 =	vadd.s32 $0x24F80, v2  }
0x76: {  	[tilespmem:$0x380] =	vst v3;
	v3 =	vadd.s32 $0x25A10, v2  }
0x77: {  	[tilespmem:$0x390] =	vst v3;
	v3 =	vadd.s32 $0x264A0, v2  }
0x78: {  	[tilespmem:$0x3A0] =	vst v3;
	v3 =	vadd.s32 $0x26F30, v2  }
0x79: {  	[tilespmem:$0x3B0] =	vst v3;
	v3 =	vadd.s32 $0x279C0, v2  }
0x7a: {  	[tilespmem:$0x3C0] =	vst v3;
	v3 =	vadd.s32 $0x28450, v2  }
0x7b: {  	[tilespmem:$0x3D0] =	vst v3;
	v3 =	vadd.s32 $0x28EE0, v2  }
0x7c: {  	[tilespmem:$0x3E0] =	vst v3;
	v3 =	vadd.s32 $0x29970, v2  }
0x7d: {  	[tilespmem:$0x3F0] =	vst v3;
	v3 =	vadd.s32 $0x2A400, v2  }
0x7e: {  	[tilespmem:$0x400] =	vst v3;
	v3 =	vadd.s32 $0x2AE90, v2  }
0x7f: {  	[tilespmem:$0x410] =	vst v3;
	v3 =	vadd.s32 $0x2B920, v2  }
0x80: {  	[tilespmem:$0x420] =	vst v3;
	v3 =	vadd.s32 $0x2C3B0, v2  }
0x81: {  	[tilespmem:$0x430] =	vst v3;
	v3 =	vadd.s32 $0x2CE40, v2  }
0x82: {  	[tilespmem:$0x440] =	vst v3;
	v3 =	vadd.s32 $0x2D8D0, v2  }
0x83: {  	[tilespmem:$0x450] =	vst v3;
	v3 =	vadd.s32 $0x2E360, v2  }
0x84: {  	[tilespmem:$0x460] =	vst v3;
	v3 =	vadd.s32 $0x2EDF0, v2  }
0x85: {  	[tilespmem:$0x470] =	vst v3;
	v3 =	vadd.s32 $0x2F880, v2  }
0x86: {  	[tilespmem:$0x480] =	vst v3;
	v3 =	vadd.s32 $0x30310, v2  }
0x87: {  	[tilespmem:$0x490] =	vst v3;
	v3 =	vadd.s32 $0x30DA0, v2  }
0x88: {  	[tilespmem:$0x4A0] =	vst v3;
	v3 =	vadd.s32 $0x31830, v2  }
0x89: {  	[tilespmem:$0x4B0] =	vst v3;
	v3 =	vadd.s32 $0x322C0, v2  }
0x8a: {  	[tilespmem:$0x4C0] =	vst v3;
	v3 =	vadd.s32 $0x32D50, v2  }
0x8b: {  	[tilespmem:$0x4D0] =	vst v3;
	v3 =	vadd.s32 $0x337E0, v2  }
0x8c: {  	[tilespmem:$0x4E0] =	vst v3;
	v3 =	vadd.s32 $0x34270, v2  }
0x8d: {  	[tilespmem:$0x4F0] =	vst v3;
	v3 =	vadd.s32 $0x34D00, v2  }
0x8e: {  	[tilespmem:$0x500] =	vst v3;
	v3 =	vadd.s32 $0x35790, v2  }
0x8f: {  	[tilespmem:$0x510] =	vst v3;
	v3 =	vadd.s32 $0x36220, v2  }
0x90: {  	[tilespmem:$0x520] =	vst v3;
	v3 =	vadd.s32 $0x36CB0, v2  }
0x91: {  	v2 =	vadd.s32 $0x37740, v2;
	[tilespmem:$0x530] =	vst v3  }
0x92: {  	[tilespmem:$0x540] =	vst v2  }
0x93: {  	[tilespmem:$0x550] =	vst v2  }
0x94: {  	[tilespmem:$0x560] =	vst v2  }
0x95: {  	[tilespmem:$0x570] =	vst v2  }
0x96: {  	[tilespmem:s10], [sflag:$0x1] =	stream.indirect.gather [hbm4b:s3+s9], $0x1, s2, s9, $0xb8;
	[tilespmem:$0x1180] =	vst v63  }
0x97: {  	_ = 	snop  }
0x98: {  	[tilespmem:s11], [sflag:$0x1] =	stream.indirect.gather [hbm4b:s3+s9], $0x1, s9, s9, $0xb8;
	[tilespmem:$0x1180] =	vst v63  }
0x99: {  	_ = 	snop  }
0x9a: {  	[tilespmem:s13], [sflag:$0x1] =	stream.indirect.gather [hbm4b:s3+s9], $0x1, s12, s9, $0xb8;
	[tilespmem:$0x1180] =	vst v63  }
0x9b: {  	_ = 	snop  }
0x9c: {  	[tilespmem:s15], [sflag:$0x1] =	stream.indirect.gather [hbm4b:s3+s9], $0x1, s14, s9, $0xb8;
	[tilespmem:$0x1180] =	vst v63  }
0x9d: {  	_ = 	snop  }
0x9e: {  	[tilespmem:s17], [sflag:$0x1] =	stream.indirect.gather [hbm4b:s3+s9], $0x1, s16, s9, $0xb8;
	[tilespmem:$0x1180] =	vst v63  }
0x9f: {  	_ = 	snop  }
0xa0: {  	[tilespmem:s19], [sflag:$0x1] =	stream.indirect.gather [hbm4b:s3+s9], $0x1, s18, s9, $0xb8;
	[tilespmem:$0x1180] =	vst v63  }
0xa1: {  	_ = 	snop  }
0xa2: {  	[tilespmem:s21], [sflag:$0x1] =	stream.indirect.gather [hbm4b:s3+s9], $0x1, s20, s9, $0xb8;
	[tilespmem:$0x1180] =	vst v63  }
0xa3: {  	_ = 	snop  }
0xa4: {  	[tilespmem:s23], [sflag:$0x1] =	stream.indirect.gather [hbm4b:s3+s9], $0x1, s22, s9, $0xb8;
	[tilespmem:$0x1180] =	vst v63  }
0xa5: {  	_ = 	snop  }
0xa6: {  	[tilespmem:s25], [sflag:$0x1] =	stream.indirect.gather [hbm4b:s3+s9], $0x1, s24, s9, $0xb8;
	[tilespmem:$0x1180] =	vst v63  }
0xa7: {  	_ = 	snop  }
0xa8: {  	[tilespmem:s28], [sflag:$0x1] =	stream.indirect.gather [hbm4b:s3+s9], $0x1, s26, s9, $0xb8;
	[tilespmem:$0x1180] =	vst v63  }
0xa9: {  	_ = 	snop  }
0xaa: {  	[tilespmem:s30], [sflag:$0x1] =	stream.indirect.gather [hbm4b:s3+s9], $0x1, s29, s9, $0xb8;
	[tilespmem:$0x1180] =	vst v63  }
0xab: {  	_ =	swait.ge [sflag:s31], $0x80  }
0xac: {  	[sflag:s31] =	ssyncset.done $0x0  }
0xad: {  	[sflag:s31] =	ssyncadd.s32 $0xFFFFFF80  }
0xae: {  	_ =	swait.ge [sflag:s31], $0x80  }
0xaf: {  	[sflag:s31] =	ssyncset.done $0x0  }
0xb0: {  	[sflag:s31] =	ssyncadd.s32 $0xFFFFFF80  }
0xb1: {  	_ =	swait.ge [sflag:s31], $0x80  }
0xb2: {  	[sflag:s31] =	ssyncset.done $0x0  }
0xb3: {  	[sflag:s31] =	ssyncadd.s32 $0xFFFFFF80  }
0xb4: {  	_ =	swait.ge [sflag:s31], $0x80  }
0xb5: {  	[sflag:s31] =	ssyncset.done $0x0  }
0xb6: {  	[sflag:s31] =	ssyncadd.s32 $0xFFFFFF80  }
0xb7: {  	_ =	swait.ge [sflag:s31], $0x80  }
0xb8: {  	[sflag:s31] =	ssyncset.done $0x0  }
0xb9: {  	[sflag:s31] =	ssyncadd.s32 $0xFFFFFF80  }
0xba: {  	_ =	swait.ge [sflag:s31], $0x80  }
0xbb: {  	[sflag:s31] =	ssyncset.done $0x0  }
0xbc: {  	[sflag:s31] =	ssyncadd.s32 $0xFFFFFF80  }
0xbd: {  	_ =	swait.ge [sflag:s31], $0x80  }
0xbe: {  	[sflag:s31] =	ssyncset.done $0x0  }
0xbf: {  	[sflag:s31] =	ssyncadd.s32 $0xFFFFFF80  }
0xc0: {  	_ =	swait.ge [sflag:s31], $0x80  }
0xc1: {  	[sflag:s31] =	ssyncset.done $0x0  }
0xc2: {  	[sflag:s31] =	ssyncadd.s32 $0xFFFFFF80  }
0xc3: {  	_ =	swait.ge [sflag:s31], $0x80  }
0xc4: {  	[sflag:s31] =	ssyncset.done $0x0  }
0xc5: {  	[sflag:s31] =	ssyncadd.s32 $0xFFFFFF80  }
0xc6: {  	_ =	swait.ge [sflag:s31], $0x80  }
0xc7: {  	[sflag:s31] =	ssyncset.done $0x0  }
0xc8: {  	[sflag:s31] =	ssyncadd.s32 $0xFFFFFF80  }
0xc9: {  	_ =	swait.ge [sflag:s31], $0x80  }
0xca: {  	[sflag:s31] =	ssyncset.done $0x0  }
0xcb: {  	[sflag:s31] =	ssyncadd.s32 $0xFFFFFF80  }
0xcc: {  	v2 =	vld [tilespmem:$0x800];
	_ =	sdelay $0x4  }
0xcd: {  	v2 =	vsub.f32 $0.0e+00, v2;
	_ =	sdelay $0x1  }
0xce: {  	v2 =	vmul.f32 $1.442695020e+00, v2;
	_ =	sdelay $0x1  }
0xcf: {  	(erf) = vpow2.f32 v2;
	_ =	sdelay $0x3  }
0xd0: {  	v2 =	vld [tilespmem:$0x810];
	_ =	sdelay $0x4  }
0xd1: {  	v2 =	vsub.f32 $0.0e+00, v2;
	v3 =	vpop (erf)  }
0xd2: {  	v3 =	vadd.f32 $1.000000000e+00, v3  }
0xd3: {  	v2 =	vmul.f32 $1.442695020e+00, v2  }
0xd4: {  	(erf) = vrcp.f32 v3  }
0xd5: {  	(erf) = vpow2.f32 v2;
	_ =	sdelay $0x3  }
0xd6: {  	v2 =	vld [tilespmem:$0x840];
	_ =	sdelay $0x3  }
0xd7: {  	v4 =	vpop (erf)  }
0xd8: {  	v2 =	vsub.f32 $0.0e+00, v2;
	v3 =	vpop (erf)  }
0xd9: {  	v3 =	vadd.f32 $1.000000000e+00, v3  }
0xda: {  	v2 =	vmul.f32 $1.442695020e+00, v2  }
0xdb: {  	(erf) = vrcp.f32 v3  }
0xdc: {  	(erf) = vpow2.f32 v2;
	_ =	sdelay $0x3  }
0xdd: {  	v2 =	vld [tilespmem:$0x850];
	_ =	sdelay $0x3  }
0xde: {  	v3 =	vpop (erf)  }
0xdf: {  	v2 =	vsub.f32 $0.0e+00, v2;
	v6 =	vpop (erf)  }
0xe0: {  	v6 =	vadd.f32 $1.000000000e+00, v6  }
0xe1: {  	v2 =	vmul.f32 $1.442695020e+00, v2  }
0xe2: {  	(erf) = vrcp.f32 v6  }
0xe3: {  	(erf) = vpow2.f32 v2;
	_ =	sdelay $0x3  }
0xe4: {  	v26 =	vld [tilespmem:$0x860];
	_ =	sdelay $0x3  }
0xe5: {  	v2 =	vpop (erf)  }
0xe6: {  	v6 =	vsub.f32 $0.0e+00, v26;
	v7 =	vpop (erf)  }
0xe7: {  	v7 =	vadd.f32 $1.000000000e+00, v7  }
0xe8: {  	v6 =	vmul.f32 $1.442695020e+00, v6  }
0xe9: {  	(erf) = vrcp.f32 v7  }
0xea: {  	(erf) = vpow2.f32 v6;
	_ =	sdelay $0x3  }
0xeb: {  	v27 =	vld [tilespmem:$0x870];
	_ =	sdelay $0x3  }
0xec: {  	v57 =	vpop (erf)  }
0xed: {  	v6 =	vsub.f32 $0.0e+00, v27;
	v28 =	vpop (erf)  }
0xee: {  	v7 =	vadd.f32 $1.000000000e+00, v28  }
0xef: {  	v6 =	vmul.f32 $1.442695020e+00, v6  }
0xf0: {  	(erf) = vrcp.f32 v7  }
0xf1: {  	(erf) = vpow2.f32 v6;
	_ =	sdelay $0x3  }
0xf2: {  	v29 =	vld [tilespmem:$0x880];
	_ =	sdelay $0x3  }
0xf3: {  	v56 =	vpop (erf)  }
0xf4: {  	v6 =	vsub.f32 $0.0e+00, v29;
	v30 =	vpop (erf)  }
0xf5: {  	v7 =	vadd.f32 $1.000000000e+00, v30  }
0xf6: {  	v6 =	vmul.f32 $1.442695020e+00, v6  }
0xf7: {  	(erf) = vrcp.f32 v7  }
0xf8: {  	(erf) = vpow2.f32 v6;
	_ =	sdelay $0x3  }
0xf9: {  	v31 =	vld [tilespmem:$0x890];
	_ =	sdelay $0x3  }
0xfa: {  	v55 =	vpop (erf)  }
0xfb: {  	v6 =	vsub.f32 $0.0e+00, v31;
	v32 =	vpop (erf)  }
0xfc: {  	v7 =	vadd.f32 $1.000000000e+00, v32  }
0xfd: {  	v6 =	vmul.f32 $1.442695020e+00, v6  }
0xfe: {  	(erf) = vrcp.f32 v7  }
0xff: {  	(erf) = vpow2.f32 v6;
	_ =	sdelay $0x3  }
0x100: {  	v33 =	vld [tilespmem:$0x8A0];
	_ =	sdelay $0x3  }
0x101: {  	v15 =	vpop (erf)  }
0x102: {  	v6 =	vsub.f32 $0.0e+00, v33;
	v34 =	vpop (erf)  }
0x103: {  	v7 =	vadd.f32 $1.000000000e+00, v34  }
0x104: {  	v6 =	vmul.f32 $1.442695020e+00, v6  }
0x105: {  	(erf) = vrcp.f32 v7  }
0x106: {  	(erf) = vpow2.f32 v6;
	_ =	sdelay $0x3  }
0x107: {  	v35 =	vld [tilespmem:$0x8B0];
	_ =	sdelay $0x3  }
0x108: {  	v54 =	vpop (erf)  }
0x109: {  	v6 =	vsub.f32 $0.0e+00, v35;
	v36 =	vpop (erf)  }
0x10a: {  	v7 =	vadd.f32 $1.000000000e+00, v36  }
0x10b: {  	v6 =	vmul.f32 $1.442695020e+00, v6  }
0x10c: {  	(erf) = vrcp.f32 v7  }
0x10d: {  	(erf) = vpow2.f32 v6;
	_ =	sdelay $0x3  }
0x10e: {  	v37 =	vld [tilespmem:$0x8C0];
	_ =	sdelay $0x3  }
0x10f: {  	v53 =	vpop (erf)  }
0x110: {  	v6 =	vsub.f32 $0.0e+00, v37;
	v38 =	vpop (erf)  }
0x111: {  	v7 =	vadd.f32 $1.000000000e+00, v38  }
0x112: {  	v6 =	vmul.f32 $1.442695020e+00, v6  }
0x113: {  	(erf) = vrcp.f32 v7  }
0x114: {  	(erf) = vpow2.f32 v6;
	_ =	sdelay $0x3  }
0x115: {  	v39 =	vld [tilespmem:$0x8D0];
	_ =	sdelay $0x3  }
0x116: {  	v22 =	vpop (erf)  }
0x117: {  	v6 =	vsub.f32 $0.0e+00, v39;
	v40 =	vpop (erf)  }
0x118: {  	v7 =	vadd.f32 $1.000000000e+00, v40  }
0x119: {  	v6 =	vmul.f32 $1.442695020e+00, v6  }
0x11a: {  	(erf) = vrcp.f32 v7  }
0x11b: {  	(erf) = vpow2.f32 v6;
	_ =	sdelay $0x3  }
0x11c: {  	v41 =	vld [tilespmem:$0x8E0];
	_ =	sdelay $0x3  }
0x11d: {  	v52 =	vpop (erf)  }
0x11e: {  	v6 =	vsub.f32 $0.0e+00, v41;
	v42 =	vpop (erf)  }
0x11f: {  	v7 =	vadd.f32 $1.000000000e+00, v42  }
0x120: {  	v6 =	vmul.f32 $1.442695020e+00, v6  }
0x121: {  	(erf) = vrcp.f32 v7  }
0x122: {  	(erf) = vpow2.f32 v6;
	_ =	sdelay $0x3  }
0x123: {  	v43 =	vld [tilespmem:$0x8F0];
	_ =	sdelay $0x3  }
0x124: {  	v28 =	vpop (erf)  }
0x125: {  	v6 =	vsub.f32 $0.0e+00, v43;
	v44 =	vpop (erf)  }
0x126: {  	v7 =	vadd.f32 $1.000000000e+00, v44  }
0x127: {  	v6 =	vmul.f32 $1.442695020e+00, v6  }
0x128: {  	(erf) = vrcp.f32 v7  }
0x129: {  	(erf) = vpow2.f32 v6;
	_ =	sdelay $0x3  }
0x12a: {  	v45 =	vld [tilespmem:$0x900];
	_ =	sdelay $0x3  }
0x12b: {  	v51 =	vpop (erf)  }
0x12c: {  	v6 =	vsub.f32 $0.0e+00, v45;
	v46 =	vpop (erf)  }
0x12d: {  	v7 =	vadd.f32 $1.000000000e+00, v46  }
0x12e: {  	v6 =	vmul.f32 $1.442695020e+00, v6  }
0x12f: {  	(erf) = vrcp.f32 v7  }
0x130: {  	(erf) = vpow2.f32 v6;
	_ =	sdelay $0x3  }
0x131: {  	v47 =	vld [tilespmem:$0x910];
	_ =	sdelay $0x3  }
0x132: {  	v50 =	vpop (erf)  }
0x133: {  	v6 =	vsub.f32 $0.0e+00, v47;
	v48 =	vpop (erf)  }
0x134: {  	v7 =	vadd.f32 $1.000000000e+00, v48  }
0x135: {  	v6 =	vmul.f32 $1.442695020e+00, v6  }
0x136: {  	(erf) = vrcp.f32 v7  }
0x137: {  	(erf) = vpow2.f32 v6;
	_ =	sdelay $0x3  }
0x138: {  	v49 =	vld [tilespmem:$0x920];
	_ =	sdelay $0x3  }
0x139: {  	v34 =	vpop (erf)  }
0x13a: {  	v6 =	vsub.f32 $0.0e+00, v49;
	v58 =	vpop (erf)  }
0x13b: {  	v7 =	vadd.f32 $1.000000000e+00, v58  }
0x13c: {  	v6 =	vmul.f32 $1.442695020e+00, v6  }
0x13d: {  	(erf) = vrcp.f32 v7  }
0x13e: {  	(erf) = vpow2.f32 v6;
	_ =	sdelay $0x3  }
0x13f: {  	v59 =	vld [tilespmem:$0x930];
	_ =	sdelay $0x3  }
0x140: {  	v49 =	vpop (erf)  }
0x141: {  	v6 =	vsub.f32 $0.0e+00, v59;
	v60 =	vpop (erf)  }
0x142: {  	v7 =	vadd.f32 $1.000000000e+00, v60  }
0x143: {  	v6 =	vmul.f32 $1.442695020e+00, v6  }
0x144: {  	(erf) = vrcp.f32 v7  }
0x145: {  	(erf) = vpow2.f32 v6;
	_ =	sdelay $0x3  }
0x146: {  	v61 =	vld [tilespmem:$0x940];
	_ =	sdelay $0x3  }
0x147: {  	v48 =	vpop (erf)  }
0x148: {  	v6 =	vsub.f32 $0.0e+00, v61;
	v62 =	vpop (erf)  }
0x149: {  	v7 =	vadd.f32 $1.000000000e+00, v62  }
0x14a: {  	v6 =	vmul.f32 $1.442695020e+00, v6  }
0x14b: {  	(erf) = vrcp.f32 v7  }
0x14c: {  	(erf) = vpow2.f32 v6;
	_ =	sdelay $0x3  }
0x14d: {  	v63 =	vld [tilespmem:$0x950];
	_ =	sdelay $0x3  }
0x14e: {  	v40 =	vpop (erf)  }
0x14f: {  	v6 =	vsub.f32 $0.0e+00, v63;
	v10 =	vpop (erf)  }
0x150: {  	v7 =	vadd.f32 $1.000000000e+00, v10  }
0x151: {  	v6 =	vmul.f32 $1.442695020e+00, v6  }
0x152: {  	(erf) = vrcp.f32 v7  }
0x153: {  	(erf) = vpow2.f32 v6;
	_ =	sdelay $0x3  }
0x154: {  	v11 =	vld [tilespmem:$0x960];
	_ =	sdelay $0x3  }
0x155: {  	v47 =	vpop (erf)  }
0x156: {  	v6 =	vsub.f32 $0.0e+00, v11;
	v12 =	vpop (erf)  }
0x157: {  	v7 =	vadd.f32 $1.000000000e+00, v12  }
0x158: {  	v6 =	vmul.f32 $1.442695020e+00, v6  }
0x159: {  	(erf) = vrcp.f32 v7  }
0x15a: {  	(erf) = vpow2.f32 v6;
	_ =	sdelay $0x3  }
0x15b: {  	v13 =	vld [tilespmem:$0x970];
	_ =	sdelay $0x3  }
0x15c: {  	v46 =	vpop (erf)  }
0x15d: {  	v6 =	vsub.f32 $0.0e+00, v13;
	v14 =	vpop (erf)  }
0x15e: {  	v7 =	vadd.f32 $1.000000000e+00, v14  }
0x15f: {  	v6 =	vmul.f32 $1.442695020e+00, v6  }
0x160: {  	(erf) = vrcp.f32 v7  }
0x161: {  	(erf) = vpow2.f32 v6;
	_ =	sdelay $0x3  }
0x162: {  	v16 =	vld [tilespmem:$0x980];
	_ =	sdelay $0x3  }
0x163: {  	v45 =	vpop (erf)  }
0x164: {  	v6 =	vsub.f32 $0.0e+00, v16;
	v17 =	vpop (erf)  }
0x165: {  	v7 =	vadd.f32 $1.000000000e+00, v17  }
0x166: {  	v6 =	vmul.f32 $1.442695020e+00, v6  }
0x167: {  	(erf) = vrcp.f32 v7  }
0x168: {  	(erf) = vpow2.f32 v6;
	_ =	sdelay $0x3  }
0x169: {  	v18 =	vld [tilespmem:$0x990];
	_ =	sdelay $0x3  }
0x16a: {  	v44 =	vpop (erf)  }
0x16b: {  	v6 =	vsub.f32 $0.0e+00, v18;
	v19 =	vpop (erf)  }
0x16c: {  	v7 =	vadd.f32 $1.000000000e+00, v19  }
0x16d: {  	v6 =	vmul.f32 $1.442695020e+00, v6  }
0x16e: {  	(erf) = vrcp.f32 v7  }
0x16f: {  	(erf) = vpow2.f32 v6;
	_ =	sdelay $0x3  }
0x170: {  	v20 =	vld [tilespmem:$0x9A0];
	_ =	sdelay $0x3  }
0x171: {  	v43 =	vpop (erf)  }
0x172: {  	v6 =	vsub.f32 $0.0e+00, v20;
	v21 =	vpop (erf)  }
0x173: {  	v7 =	vadd.f32 $1.000000000e+00, v21  }
0x174: {  	v6 =	vmul.f32 $1.442695020e+00, v6  }
0x175: {  	(erf) = vrcp.f32 v7  }
0x176: {  	(erf) = vpow2.f32 v6;
	_ =	sdelay $0x3  }
0x177: {  	v23 =	vld [tilespmem:$0x9B0];
	_ =	sdelay $0x3  }
0x178: {  	v42 =	vpop (erf)  }
0x179: {  	v6 =	vsub.f32 $0.0e+00, v23;
	v24 =	vpop (erf)  }
0x17a: {  	v7 =	vadd.f32 $1.000000000e+00, v24  }
0x17b: {  	v6 =	vmul.f32 $1.442695020e+00, v6  }
0x17c: {  	(erf) = vrcp.f32 v7  }
0x17d: {  	(erf) = vpow2.f32 v6;
	_ =	sdelay $0x3  }
0x17e: {  	v25 =	vld [tilespmem:$0x9C0];
	_ =	sdelay $0x3  }
0x17f: {  	v41 =	vpop (erf)  }
0x180: {  	v6 =	vsub.f32 $0.0e+00, v25;
	v26 =	vpop (erf)  }
0x181: {  	v7 =	vadd.f32 $1.000000000e+00, v26  }
0x182: {  	v6 =	vmul.f32 $1.442695020e+00, v6  }
0x183: {  	(erf) = vrcp.f32 v7  }
0x184: {  	(erf) = vpow2.f32 v6;
	_ =	sdelay $0x3  }
0x185: {  	v27 =	vld [tilespmem:$0x9D0];
	_ =	sdelay $0x3  }
0x186: {  	v39 =	vpop (erf)  }
0x187: {  	v6 =	vsub.f32 $0.0e+00, v27;
	v29 =	vpop (erf)  }
0x188: {  	v7 =	vadd.f32 $1.000000000e+00, v29  }
0x189: {  	v6 =	vmul.f32 $1.442695020e+00, v6  }
0x18a: {  	(erf) = vrcp.f32 v7  }
0x18b: {  	(erf) = vpow2.f32 v6;
	_ =	sdelay $0x3  }
0x18c: {  	v30 =	vld [tilespmem:$0x9E0];
	_ =	sdelay $0x3  }
0x18d: {  	v38 =	vpop (erf)  }
0x18e: {  	v6 =	vsub.f32 $0.0e+00, v30;
	v31 =	vpop (erf)  }
0x18f: {  	v7 =	vadd.f32 $1.000000000e+00, v31  }
0x190: {  	v6 =	vmul.f32 $1.442695020e+00, v6  }
0x191: {  	(erf) = vrcp.f32 v7  }
0x192: {  	(erf) = vpow2.f32 v6;
	_ =	sdelay $0x3  }
0x193: {  	v32 =	vld [tilespmem:$0x9F0];
	_ =	sdelay $0x3  }
0x194: {  	v37 =	vpop (erf)  }
0x195: {  	v6 =	vsub.f32 $0.0e+00, v32;
	v33 =	vpop (erf)  }
0x196: {  	v7 =	vadd.f32 $1.000000000e+00, v33  }
0x197: {  	v6 =	vmul.f32 $1.442695020e+00, v6  }
0x198: {  	(erf) = vrcp.f32 v7  }
0x199: {  	(erf) = vpow2.f32 v6;
	_ =	sdelay $0x3  }
0x19a: {  	v35 =	vld [tilespmem:$0xA00];
	_ =	sdelay $0x3  }
0x19b: {  	v36 =	vpop (erf)  }
0x19c: {  	v6 =	vsub.f32 $0.0e+00, v35;
	v58 =	vpop (erf)  }
0x19d: {  	v7 =	vadd.f32 $1.000000000e+00, v58  }
0x19e: {  	v6 =	vmul.f32 $1.442695020e+00, v6  }
0x19f: {  	(erf) = vrcp.f32 v7  }
0x1a0: {  	(erf) = vpow2.f32 v6;
	_ =	sdelay $0x3  }
0x1a1: {  	v59 =	vld [tilespmem:$0xA10];
	_ =	sdelay $0x3  }
0x1a2: {  	v35 =	vpop (erf)  }
0x1a3: {  	v6 =	vsub.f32 $0.0e+00, v59;
	v60 =	vpop (erf)  }
0x1a4: {  	v7 =	vadd.f32 $1.000000000e+00, v60  }
0x1a5: {  	v6 =	vmul.f32 $1.442695020e+00, v6  }
0x1a6: {  	(erf) = vrcp.f32 v7  }
0x1a7: {  	(erf) = vpow2.f32 v6;
	_ =	sdelay $0x3  }
0x1a8: {  	v61 =	vld [tilespmem:$0xA20];
	_ =	sdelay $0x3  }
0x1a9: {  	v33 =	vpop (erf)  }
0x1aa: {  	v6 =	vsub.f32 $0.0e+00, v61;
	v62 =	vpop (erf)  }
0x1ab: {  	v7 =	vadd.f32 $1.000000000e+00, v62  }
0x1ac: {  	v6 =	vmul.f32 $1.442695020e+00, v6  }
0x1ad: {  	(erf) = vrcp.f32 v7  }
0x1ae: {  	(erf) = vpow2.f32 v6;
	_ =	sdelay $0x3  }
0x1af: {  	v63 =	vld [tilespmem:$0xA30];
	_ =	sdelay $0x3  }
0x1b0: {  	v32 =	vpop (erf)  }
0x1b1: {  	v6 =	vsub.f32 $0.0e+00, v63;
	v10 =	vpop (erf)  }
0x1b2: {  	v7 =	vadd.f32 $1.000000000e+00, v10  }
0x1b3: {  	v6 =	vmul.f32 $1.442695020e+00, v6  }
0x1b4: {  	(erf) = vrcp.f32 v7  }
0x1b5: {  	(erf) = vpow2.f32 v6;
	_ =	sdelay $0x3  }
0x1b6: {  	v11 =	vld [tilespmem:$0xA40];
	_ =	sdelay $0x3  }
0x1b7: {  	v31 =	vpop (erf)  }
0x1b8: {  	v6 =	vsub.f32 $0.0e+00, v11;
	v12 =	vpop (erf)  }
0x1b9: {  	v7 =	vadd.f32 $1.000000000e+00, v12  }
0x1ba: {  	v6 =	vmul.f32 $1.442695020e+00, v6  }
0x1bb: {  	(erf) = vrcp.f32 v7  }
0x1bc: {  	(erf) = vpow2.f32 v6;
	_ =	sdelay $0x3  }
0x1bd: {  	v13 =	vld [tilespmem:$0xA50];
	_ =	sdelay $0x3  }
0x1be: {  	v30 =	vpop (erf)  }
0x1bf: {  	v6 =	vsub.f32 $0.0e+00, v13;
	v14 =	vpop (erf)  }
0x1c0: {  	v7 =	vadd.f32 $1.000000000e+00, v14  }
0x1c1: {  	v6 =	vmul.f32 $1.442695020e+00, v6  }
0x1c2: {  	(erf) = vrcp.f32 v7  }
0x1c3: {  	(erf) = vpow2.f32 v6;
	_ =	sdelay $0x3  }
0x1c4: {  	v16 =	vld [tilespmem:$0xA60];
	_ =	sdelay $0x3  }
0x1c5: {  	v29 =	vpop (erf)  }
0x1c6: {  	v6 =	vsub.f32 $0.0e+00, v16;
	v17 =	vpop (erf)  }
0x1c7: {  	v7 =	vadd.f32 $1.000000000e+00, v17  }
0x1c8: {  	v6 =	vmul.f32 $1.442695020e+00, v6  }
0x1c9: {  	(erf) = vrcp.f32 v7  }
0x1ca: {  	(erf) = vpow2.f32 v6;
	_ =	sdelay $0x3  }
0x1cb: {  	v18 =	vld [tilespmem:$0xA70];
	_ =	sdelay $0x3  }
0x1cc: {  	v27 =	vpop (erf)  }
0x1cd: {  	v6 =	vsub.f32 $0.0e+00, v18;
	v19 =	vpop (erf)  }
0x1ce: {  	v7 =	vadd.f32 $1.000000000e+00, v19  }
0x1cf: {  	v6 =	vmul.f32 $1.442695020e+00, v6  }
0x1d0: {  	(erf) = vrcp.f32 v7  }
0x1d1: {  	(erf) = vpow2.f32 v6;
	_ =	sdelay $0x3  }
0x1d2: {  	v20 =	vld [tilespmem:$0xA80];
	_ =	sdelay $0x3  }
0x1d3: {  	v26 =	vpop (erf)  }
0x1d4: {  	v6 =	vsub.f32 $0.0e+00, v20;
	v21 =	vpop (erf)  }
0x1d5: {  	v7 =	vadd.f32 $1.000000000e+00, v21  }
0x1d6: {  	v6 =	vmul.f32 $1.442695020e+00, v6  }
0x1d7: {  	(erf) = vrcp.f32 v7  }
0x1d8: {  	(erf) = vpow2.f32 v6;
	_ =	sdelay $0x3  }
0x1d9: {  	v23 =	vld [tilespmem:$0xA90];
	_ =	sdelay $0x3  }
0x1da: {  	v25 =	vpop (erf)  }
0x1db: {  	v6 =	vsub.f32 $0.0e+00, v23;
	v24 =	vpop (erf)  }
0x1dc: {  	v7 =	vadd.f32 $1.000000000e+00, v24  }
0x1dd: {  	v6 =	vmul.f32 $1.442695020e+00, v6  }
0x1de: {  	(erf) = vrcp.f32 v7  }
0x1df: {  	(erf) = vpow2.f32 v6;
	_ =	sdelay $0x3  }
0x1e0: {  	v58 =	vld [tilespmem:$0xAA0];
	_ =	sdelay $0x3  }
0x1e1: {  	v24 =	vpop (erf)  }
0x1e2: {  	v6 =	vsub.f32 $0.0e+00, v58;
	v59 =	vpop (erf)  }
0x1e3: {  	v7 =	vadd.f32 $1.000000000e+00, v59  }
0x1e4: {  	v6 =	vmul.f32 $1.442695020e+00, v6  }
0x1e5: {  	(erf) = vrcp.f32 v7  }
0x1e6: {  	(erf) = vpow2.f32 v6;
	_ =	sdelay $0x3  }
0x1e7: {  	v60 =	vld [tilespmem:$0xAB0];
	_ =	sdelay $0x3  }
0x1e8: {  	v23 =	vpop (erf)  }
0x1e9: {  	v6 =	vsub.f32 $0.0e+00, v60;
	v61 =	vpop (erf)  }
0x1ea: {  	v7 =	vadd.f32 $1.000000000e+00, v61  }
0x1eb: {  	v6 =	vmul.f32 $1.442695020e+00, v6  }
0x1ec: {  	(erf) = vrcp.f32 v7  }
0x1ed: {  	(erf) = vpow2.f32 v6;
	_ =	sdelay $0x3  }
0x1ee: {  	v62 =	vld [tilespmem:$0xAC0];
	_ =	sdelay $0x3  }
0x1ef: {  	v21 =	vpop (erf)  }
0x1f0: {  	v6 =	vsub.f32 $0.0e+00, v62;
	v63 =	vpop (erf)  }
0x1f1: {  	v7 =	vadd.f32 $1.000000000e+00, v63  }
0x1f2: {  	v6 =	vmul.f32 $1.442695020e+00, v6  }
0x1f3: {  	(erf) = vrcp.f32 v7  }
0x1f4: {  	(erf) = vpow2.f32 v6;
	_ =	sdelay $0x3  }
0x1f5: {  	v10 =	vld [tilespmem:$0xAD0];
	_ =	sdelay $0x3  }
0x1f6: {  	v20 =	vpop (erf)  }
0x1f7: {  	v6 =	vsub.f32 $0.0e+00, v10;
	v11 =	vpop (erf)  }
0x1f8: {  	v7 =	vadd.f32 $1.000000000e+00, v11  }
0x1f9: {  	v6 =	vmul.f32 $1.442695020e+00, v6  }
0x1fa: {  	(erf) = vrcp.f32 v7  }
0x1fb: {  	(erf) = vpow2.f32 v6;
	_ =	sdelay $0x3  }
0x1fc: {  	v12 =	vld [tilespmem:$0xAE0];
	_ =	sdelay $0x3  }
0x1fd: {  	v19 =	vpop (erf)  }
0x1fe: {  	v6 =	vsub.f32 $0.0e+00, v12;
	v13 =	vpop (erf)  }
0x1ff: {  	v7 =	vadd.f32 $1.000000000e+00, v13  }
0x200: {  	v6 =	vmul.f32 $1.442695020e+00, v6  }
0x201: {  	(erf) = vrcp.f32 v7  }
0x202: {  	(erf) = vpow2.f32 v6;
	_ =	sdelay $0x3  }
0x203: {  	v14 =	vld [tilespmem:$0xAF0];
	_ =	sdelay $0x3  }
0x204: {  	v18 =	vpop (erf)  }
0x205: {  	v6 =	vsub.f32 $0.0e+00, v14;
	v58 =	vpop (erf)  }
0x206: {  	v7 =	vadd.f32 $1.000000000e+00, v58  }
0x207: {  	v6 =	vmul.f32 $1.442695020e+00, v6  }
0x208: {  	(erf) = vrcp.f32 v7  }
0x209: {  	(erf) = vpow2.f32 v6;
	_ =	sdelay $0x3  }
0x20a: {  	v59 =	vld [tilespmem:$0xB00];
	_ =	sdelay $0x3  }
0x20b: {  	v17 =	vpop (erf)  }
0x20c: {  	v6 =	vsub.f32 $0.0e+00, v59;
	v60 =	vpop (erf)  }
0x20d: {  	v7 =	vadd.f32 $1.000000000e+00, v60  }
0x20e: {  	v6 =	vmul.f32 $1.442695020e+00, v6  }
0x20f: {  	(erf) = vrcp.f32 v7  }
0x210: {  	(erf) = vpow2.f32 v6;
	_ =	sdelay $0x3  }
0x211: {  	v61 =	vld [tilespmem:$0xB10];
	_ =	sdelay $0x3  }
0x212: {  	v16 =	vpop (erf)  }
0x213: {  	v6 =	vsub.f32 $0.0e+00, v61;
	v62 =	vpop (erf)  }
0x214: {  	v7 =	vadd.f32 $1.000000000e+00, v62  }
0x215: {  	v6 =	vmul.f32 $1.442695020e+00, v6  }
0x216: {  	(erf) = vrcp.f32 v7  }
0x217: {  	(erf) = vpow2.f32 v6;
	_ =	sdelay $0x3  }
0x218: {  	v63 =	vld [tilespmem:$0xB20];
	_ =	sdelay $0x3  }
0x219: {  	v14 =	vpop (erf)  }
0x21a: {  	v6 =	vsub.f32 $0.0e+00, v63;
	v10 =	vpop (erf)  }
0x21b: {  	v7 =	vadd.f32 $1.000000000e+00, v10  }
0x21c: {  	v6 =	vmul.f32 $1.442695020e+00, v6  }
0x21d: {  	(erf) = vrcp.f32 v7  }
0x21e: {  	(erf) = vpow2.f32 v6;
	_ =	sdelay $0x3  }
0x21f: {  	v11 =	vld [tilespmem:$0xB30];
	_ =	sdelay $0x3  }
0x220: {  	v13 =	vpop (erf)  }
0x221: {  	v6 =	vsub.f32 $0.0e+00, v11;
	v58 =	vpop (erf)  }
0x222: {  	v7 =	vadd.f32 $1.000000000e+00, v58  }
0x223: {  	v6 =	vmul.f32 $1.442695020e+00, v6  }
0x224: {  	(erf) = vrcp.f32 v7  }
0x225: {  	(erf) = vpow2.f32 v6;
	_ =	sdelay $0x3  }
0x226: {  	v59 =	vld [tilespmem:$0xB40];
	_ =	sdelay $0x3  }
0x227: {  	v12 =	vpop (erf)  }
0x228: {  	v6 =	vsub.f32 $0.0e+00, v59;
	v60 =	vpop (erf)  }
0x229: {  	v7 =	vadd.f32 $1.000000000e+00, v60  }
0x22a: {  	v6 =	vmul.f32 $1.442695020e+00, v6  }
0x22b: {  	(erf) = vrcp.f32 v7  }
0x22c: {  	(erf) = vpow2.f32 v6;
	_ =	sdelay $0x3  }
0x22d: {  	v61 =	vld [tilespmem:$0xB50];
	_ =	sdelay $0x3  }
0x22e: {  	v11 =	vpop (erf)  }
0x22f: {  	v6 =	vsub.f32 $0.0e+00, v61;
	v62 =	vpop (erf)  }
0x230: {  	v7 =	vadd.f32 $1.000000000e+00, v62  }
0x231: {  	v6 =	vmul.f32 $1.442695020e+00, v6  }
0x232: {  	(erf) = vrcp.f32 v7  }
0x233: {  	(erf) = vpow2.f32 v6;
	_ =	sdelay $0x3  }
0x234: {  	v63 =	vld [tilespmem:$0xB60];
	_ =	sdelay $0x3  }
0x235: {  	v10 =	vpop (erf)  }
0x236: {  	v6 =	vsub.f32 $0.0e+00, v63;
	v58 =	vpop (erf)  }
0x237: {  	v7 =	vadd.f32 $1.000000000e+00, v58  }
0x238: {  	v6 =	vmul.f32 $1.442695020e+00, v6  }
0x239: {  	(erf) = vrcp.f32 v7  }
0x23a: {  	(erf) = vpow2.f32 v6;
	_ =	sdelay $0x3  }
0x23b: {  	v59 =	vld [tilespmem:$0xB70];
	_ =	sdelay $0x3  }
0x23c: {  	v8 =	vpop (erf)  }
0x23d: {  	v6 =	vsub.f32 $0.0e+00, v59;
	v60 =	vpop (erf)  }
0x23e: {  	v7 =	vadd.f32 $1.000000000e+00, v60  }
0x23f: {  	v6 =	vmul.f32 $1.442695020e+00, v6  }
0x240: {  	(erf) = vrcp.f32 v7  }
0x241: {  	(erf) = vpow2.f32 v6;
	_ =	sdelay $0x3  }
0x242: {  	v61 =	vld [tilespmem:$0xB80];
	_ =	sdelay $0x3  }
0x243: {  	v7 =	vpop (erf)  }
0x244: {  	v6 =	vsub.f32 $0.0e+00, v61;
	v58 =	vpop (erf)  }
0x245: {  	v58 =	vadd.f32 $1.000000000e+00, v58  }
0x246: {  	v6 =	vmul.f32 $1.442695020e+00, v6  }
0x247: {  	(erf) = vrcp.f32 v58  }
0x248: {  	(erf) = vpow2.f32 v6;
	_ =	sdelay $0x3  }
0x249: {  	v62 =	vld [tilespmem:$0xB90];
	_ =	sdelay $0x3  }
0x24a: {  	v6 =	vpop (erf)  }
0x24b: {  	v58 =	vsub.f32 $0.0e+00, v62;
	v59 =	vpop (erf)  }
0x24c: {  	v59 =	vadd.f32 $1.000000000e+00, v59  }
0x24d: {  	v58 =	vmul.f32 $1.442695020e+00, v58  }
0x24e: {  	(erf) = vrcp.f32 v59  }
0x24f: {  	(erf) = vpow2.f32 v58  }
0x250: {  	vm0 =	vgt.s32 v5, $0x0  }
0x251: {  	v5 =	vsel vm0, $0x3F800000, v0;
	v59 =	vadd.f32 v57, v57  }
0x252: {  	v58 =	vmul.f32 v57, v5  }
0x253: {  	vm0 =	vgt.s32 v9, $0x0;
	vm1 =	veq.s32 v1, $0x0;
	v60 =	vld [tilespmem:$0xBA0];
	v63 =	vsub.f32 $1.000000000e+00, v59  }
0x254: {  	vm1 =	vmand vm1, vm0;
	v57 =	vmul.f32 v58, v57  }
0x255: {  	v59 =	vnsel vm1, $0x0, v63  }
0x256: {  	v57 =	vadd.f32 $0.0e+00, v57  }
0x257: {  	v9 =	vpop (erf)  }
0x258: {  	v60 =	vsub.f32 $0.0e+00, v60;
	v57 =	vadd.f32 v59, v57;
	v59 =	vpop (erf)  }
0x259: {  	v61 =	vmul.f32 v56, v5;
	v59 =	vadd.f32 $1.000000000e+00, v59  }
0x25a: {  	v62 =	vmul.f32 $1.442695020e+00, v60  }
0x25b: {  	v58 =	vmul.f32 v61, v56;
	v56 =	vadd.f32 v56, v56;
	(erf) = vrcp.f32 v59  }
0x25c: {  	(erf) = vpow2.f32 v62  }
0x25d: {  	vm9 =	veq.s32 v1, $0x1;
	v56 =	vsub.f32 $1.000000000e+00, v56  }
0x25e: {  	vm1 =	vmand vm9, vm0;
	v63 =	vmul.f32 v55, v5;
	v57 =	vadd.f32 v57, v58  }
0x25f: {  	v60 =	vadd.f32 v55, v55;
	v56 =	vnsel vm1, $0x0, v56  }
0x260: {  	v55 =	vmul.f32 v63, v55;
	v63 =	vld [tilespmem:$0xBB0];
	v56 =	vadd.f32 v57, v56  }
0x261: {  	vm10 =	veq.s32 v1, $0x2;
	v61 =	vsub.f32 $1.000000000e+00, v60;
	v62 =	vmul.f32 v15, v5  }
0x262: {  	vm1 =	vmand vm10, vm0;
	v55 =	vadd.f32 v56, v55  }
0x263: {  	v60 =	vadd.f32 v15, v15;
	v57 =	vnsel vm1, $0x0, v61  }
0x264: {  	vm11 =	veq.s32 v1, $0x3;
	v55 =	vadd.f32 v55, v57;
	v56 =	vmul.f32 v62, v15;
	v15 =	vpop (erf)  }
0x265: {  	v61 =	vsub.f32 $1.000000000e+00, v60;
	v58 =	vsub.f32 $0.0e+00, v63;
	vm1 =	vmand vm11, vm0;
	v62 =	vpop (erf)  }
0x266: {  	v59 =	vmul.f32 v54, v5;
	v55 =	vadd.f32 v55, v56;
	v57 =	vadd.f32 $1.000000000e+00, v62  }
0x267: {  	v60 =	vadd.f32 v54, v54;
	v58 =	vmul.f32 $1.442695020e+00, v58;
	v56 =	vnsel vm1, $0x0, v61  }
0x268: {  	v54 =	vmul.f32 v59, v54;
	v55 =	vadd.f32 v55, v56;
	(erf) = vrcp.f32 v57  }
0x269: {  	vm12 =	veq.s32 v1, $0x4;
	v63 =	vsub.f32 $1.000000000e+00, v60;
	(erf) = vpow2.f32 v58  }
0x26a: {  	v60 =	vmul.f32 v53, v5;
	vm1 =	vmand vm12, vm0;
	v54 =	vadd.f32 v55, v54  }
0x26b: {  	v61 =	vadd.f32 v53, v53;
	v56 =	vnsel vm1, $0x0, v63  }
0x26c: {  	v53 =	vmul.f32 v60, v53;
	v63 =	vld [tilespmem:$0xBC0];
	v54 =	vadd.f32 v54, v56  }
0x26d: {  	vm13 =	veq.s32 v1, $0x5;
	v62 =	vsub.f32 $1.000000000e+00, v61  }
0x26e: {  	v60 =	vmul.f32 v22, v5;
	vm1 =	vmand vm13, vm0;
	v53 =	vadd.f32 v54, v53  }
0x26f: {  	v61 =	vadd.f32 v22, v22;
	v55 =	vnsel vm1, $0x0, v62  }
0x270: {  	vm14 =	veq.s32 v1, $0x6;
	v54 =	vmul.f32 v60, v22;
	v53 =	vadd.f32 v53, v55  }
0x271: {  	vm15 =	veq.s32 v1, $0x7;
	v56 =	vsub.f32 $0.0e+00, v63;
	v55 =	vsub.f32 $1.000000000e+00, v61;
	v22 =	vpop (erf)  }
0x272: {  	v63 =	vmul.f32 v52, v5;
	vm1 =	vmand vm14, vm0;
	v53 =	vadd.f32 v53, v54;
	v62 =	vpop (erf)  }
0x273: {  	v59 =	vadd.f32 v52, v52;
	v55 =	vnsel vm1, $0x0, v55;
	v54 =	vadd.f32 $1.000000000e+00, v62  }
0x274: {  	v56 =	vmul.f32 $1.442695020e+00, v56;
	v52 =	vmul.f32 v63, v52;
	v53 =	vadd.f32 v53, v55  }
0x275: {  	v60 =	vmul.f32 v28, v5;
	(erf) = vrcp.f32 v54;
	v54 =	vsub.f32 $1.000000000e+00, v59  }
0x276: {  	vm1 =	vmand vm15, vm0;
	v52 =	vadd.f32 v53, v52;
	(erf) = vpow2.f32 v56  }
0x277: {  	v54 =	vnsel vm1, $0x0, v54  }
0x278: {  	v61 =	vadd.f32 v28, v28;
	v28 =	vmul.f32 v60, v28;
	v52 =	vadd.f32 v52, v54;
	_ =	sdelay $0x1  }
0x279: {  	v62 =	vld [tilespmem:$0xBD0];
	v28 =	vadd.f32 v52, v28  }
0x27a: {  	vm4 =	veq.s32 v1, $0x8;
	v63 =	vsub.f32 $1.000000000e+00, v61  }
0x27b: {  	vm1 =	vmand vm4, vm0  }
0x27c: {  	v54 =	vnsel vm1, $0x0, v63  }
0x27d: {  	v57 =	vmul.f32 v51, v5;
	v54 =	vadd.f32 v28, v54;
	v28 =	vpop (erf)  }
0x27e: {  	v53 =	vsub.f32 $0.0e+00, v62;
	v58 =	vpop (erf)  }
0x27f: {  	v52 =	vmul.f32 v57, v51;
	v51 =	vadd.f32 v51, v51;
	v59 =	vadd.f32 $1.000000000e+00, v58  }
0x280: {  	vm5 =	veq.s32 v1, $0x9;
	v53 =	vmul.f32 $1.442695020e+00, v53  }
0x281: {  	v60 =	vmul.f32 v50, v5;
	v51 =	vsub.f32 $1.000000000e+00, v51;
	(erf) = vrcp.f32 v59  }
0x282: {  	vm1 =	vmand vm5, vm0;
	v52 =	vadd.f32 v54, v52;
	(erf) = vpow2.f32 v53  }
0x283: {  	v61 =	vadd.f32 v50, v50;
	v51 =	vnsel vm1, $0x0, v51  }
0x284: {  	v50 =	vmul.f32 v60, v50;
	v63 =	vmul.f32 v34, v5;
	v51 =	vadd.f32 v52, v51  }
0x285: {  	vm6 =	veq.s32 v1, $0xA;
	v62 =	vsub.f32 $1.000000000e+00, v61;
	v57 =	vadd.f32 v34, v34  }
0x286: {  	v34 =	vmul.f32 v63, v34;
	vm1 =	vmand vm6, vm0;
	v58 =	vld [tilespmem:$0xBE0];
	v50 =	vadd.f32 v51, v50  }
0x287: {  	v52 =	vnsel vm1, $0x0, v62  }
0x288: {  	v50 =	vadd.f32 v50, v52;
	_ =	sdelay $0x1  }
0x289: {  	v50 =	vadd.f32 v50, v34;
	v34 =	vpop (erf)  }
0x28a: {  	v60 =	vmul.f32 v49, v5;
	v63 =	vsub.f32 $0.0e+00, v58;
	v62 =	vpop (erf)  }
0x28b: {  	vm7 =	veq.s32 v1, $0xB;
	v59 =	vsub.f32 $1.000000000e+00, v57;
	v52 =	vadd.f32 $1.000000000e+00, v62  }
0x28c: {  	v61 =	vmul.f32 v60, v49;
	vm1 =	vmand vm7, vm0;
	v56 =	vmul.f32 $1.442695020e+00, v63  }
0x28d: {  	v49 =	vadd.f32 v49, v49;
	v51 =	vnsel vm1, $0x0, v59;
	(erf) = vrcp.f32 v52  }
0x28e: {  	v50 =	vadd.f32 v50, v51;
	(erf) = vpow2.f32 v56  }
0x28f: {  	vm8 =	veq.s32 v1, $0xC;
	v49 =	vsub.f32 $1.000000000e+00, v49  }
0x290: {  	v57 =	vmul.f32 v48, v5;
	vm1 =	vmand vm8, vm0;
	v50 =	vadd.f32 v50, v61  }
0x291: {  	v49 =	vnsel vm1, $0x0, v49;
	v58 =	vadd.f32 v48, v48  }
0x292: {  	v48 =	vmul.f32 v57, v48;
	v61 =	vld [tilespmem:$0xBF0];
	v49 =	vadd.f32 v50, v49  }
0x293: {  	vm9 =	veq.s32 v1, $0xD;
	v59 =	vsub.f32 $1.000000000e+00, v58  }
0x294: {  	v60 =	vmul.f32 v40, v5;
	vm1 =	vmand vm9, vm0;
	v48 =	vadd.f32 v49, v48  }
0x295: {  	v50 =	vnsel vm1, $0x0, v59;
	v62 =	vadd.f32 v40, v40  }
0x296: {  	vm10 =	veq.s32 v1, $0xE;
	v49 =	vmul.f32 v60, v40;
	v48 =	vadd.f32 v48, v50;
	v40 =	vpop (erf)  }
0x297: {  	v57 =	vmul.f32 v47, v5;
	v63 =	vsub.f32 $1.000000000e+00, v62;
	v51 =	vsub.f32 $0.0e+00, v61;
	v56 =	vpop (erf)  }
0x298: {  	vm1 =	vmand vm10, vm0;
	v48 =	vadd.f32 v48, v49;
	v50 =	vadd.f32 $1.000000000e+00, v56  }
0x299: {  	v58 =	vadd.f32 v47, v47;
	v51 =	vmul.f32 $1.442695020e+00, v51;
	v49 =	vnsel vm1, $0x0, v63  }
0x29a: {  	v47 =	vmul.f32 v57, v47;
	v48 =	vadd.f32 v48, v49;
	(erf) = vrcp.f32 v50  }
0x29b: {  	vm11 =	veq.s32 v1, $0xF;
	v59 =	vsub.f32 $1.000000000e+00, v58;
	(erf) = vpow2.f32 v51  }
0x29c: {  	v60 =	vmul.f32 v46, v5;
	vm1 =	vmand vm11, vm0;
	v47 =	vadd.f32 v48, v47  }
0x29d: {  	v61 =	vadd.f32 v46, v46;
	v49 =	vnsel vm1, $0x0, v59  }
0x29e: {  	v46 =	vmul.f32 v60, v46;
	v47 =	vadd.f32 v47, v49  }
0x29f: {  	vm12 =	veq.s32 v1, $0x10;
	v62 =	vsub.f32 $1.000000000e+00, v61;
	v63 =	vld [tilespmem:$0xC00]  }
0x2a0: {  	v52 =	vmul.f32 v45, v5;
	vm1 =	vmand vm12, vm0;
	v46 =	vadd.f32 v47, v46  }
0x2a1: {  	v53 =	vadd.f32 v45, v45;
	v48 =	vnsel vm1, $0x0, v62  }
0x2a2: {  	vm13 =	veq.s32 v1, $0x11;
	v47 =	vmul.f32 v52, v45;
	v46 =	vadd.f32 v46, v48  }
0x2a3: {  	vm14 =	veq.s32 v1, $0x12;
	v55 =	vmul.f32 v44, v5;
	v48 =	vsub.f32 $1.000000000e+00, v53;
	v45 =	vpop (erf)  }
0x2a4: {  	vm1 =	vmand vm13, vm0;
	v49 =	vsub.f32 $0.0e+00, v63;
	v46 =	vadd.f32 v46, v47;
	v54 =	vpop (erf)  }
0x2a5: {  	v56 =	vadd.f32 v44, v44;
	v48 =	vnsel vm1, $0x0, v48;
	v47 =	vadd.f32 $1.000000000e+00, v54  }
0x2a6: {  	v49 =	vmul.f32 $1.442695020e+00, v49;
	v44 =	vmul.f32 v55, v44;
	v46 =	vadd.f32 v46, v48  }
0x2a7: {  	v57 =	vmul.f32 v43, v5;
	(erf) = vrcp.f32 v47;
	v47 =	vsub.f32 $1.000000000e+00, v56  }
0x2a8: {  	vm1 =	vmand vm14, vm0;
	v44 =	vadd.f32 v46, v44;
	(erf) = vpow2.f32 v49  }
0x2a9: {  	v47 =	vnsel vm1, $0x0, v47  }
0x2aa: {  	v58 =	vadd.f32 v43, v43;
	v43 =	vmul.f32 v57, v43;
	v44 =	vadd.f32 v44, v47;
	_ =	sdelay $0x1  }
0x2ab: {  	v59 =	vld [tilespmem:$0xC10];
	v43 =	vadd.f32 v44, v43  }
0x2ac: {  	vm15 =	veq.s32 v1, $0x13;
	v60 =	vsub.f32 $1.000000000e+00, v58  }
0x2ad: {  	vm1 =	vmand vm15, vm0  }
0x2ae: {  	v47 =	vnsel vm1, $0x0, v60  }
0x2af: {  	v61 =	vmul.f32 v42, v5;
	v47 =	vadd.f32 v43, v47;
	v43 =	vpop (erf)  }
0x2b0: {  	v46 =	vsub.f32 $0.0e+00, v59;
	v62 =	vpop (erf)  }
0x2b1: {  	v44 =	vmul.f32 v61, v42;
	v42 =	vadd.f32 v42, v42;
	v63 =	vadd.f32 $1.000000000e+00, v62  }
0x2b2: {  	vm4 =	veq.s32 v1, $0x14;
	v46 =	vmul.f32 $1.442695020e+00, v46  }
0x2b3: {  	v48 =	vmul.f32 v41, v5;
	v42 =	vsub.f32 $1.000000000e+00, v42;
	(erf) = vrcp.f32 v63  }
0x2b4: {  	vm1 =	vmand vm4, vm0;
	v44 =	vadd.f32 v47, v44;
	(erf) = vpow2.f32 v46  }
0x2b5: {  	v49 =	vadd.f32 v41, v41;
	v42 =	vnsel vm1, $0x0, v42  }
0x2b6: {  	v51 =	vmul.f32 v39, v5;
	v41 =	vmul.f32 v48, v41;
	v42 =	vadd.f32 v44, v42  }
0x2b7: {  	vm5 =	veq.s32 v1, $0x15;
	v52 =	vadd.f32 v39, v39;
	v50 =	vsub.f32 $1.000000000e+00, v49  }
0x2b8: {  	v53 =	vld [tilespmem:$0xC20];
	v39 =	vmul.f32 v51, v39;
	vm1 =	vmand vm5, vm0;
	v41 =	vadd.f32 v42, v41  }
0x2b9: {  	v44 =	vnsel vm1, $0x0, v50  }
0x2ba: {  	v41 =	vadd.f32 v41, v44;
	_ =	sdelay $0x1  }
0x2bb: {  	v41 =	vadd.f32 v41, v39;
	v39 =	vpop (erf)  }
0x2bc: {  	v55 =	vmul.f32 v38, v5;
	v58 =	vsub.f32 $0.0e+00, v53;
	v57 =	vpop (erf)  }
0x2bd: {  	vm6 =	veq.s32 v1, $0x16;
	v54 =	vsub.f32 $1.000000000e+00, v52;
	v44 =	vadd.f32 $1.000000000e+00, v57  }
0x2be: {  	v59 =	vmul.f32 $1.442695020e+00, v58;
	v56 =	vmul.f32 v55, v38;
	vm1 =	vmand vm6, vm0  }
0x2bf: {  	v38 =	vadd.f32 v38, v38;
	v42 =	vnsel vm1, $0x0, v54;
	(erf) = vrcp.f32 v44  }
0x2c0: {  	v41 =	vadd.f32 v41, v42;
	(erf) = vpow2.f32 v59  }
0x2c1: {  	vm7 =	veq.s32 v1, $0x17;
	v38 =	vsub.f32 $1.000000000e+00, v38  }
0x2c2: {  	v60 =	vmul.f32 v37, v5;
	vm1 =	vmand vm7, vm0;
	v41 =	vadd.f32 v41, v56  }
0x2c3: {  	v61 =	vadd.f32 v37, v37;
	v38 =	vnsel vm1, $0x0, v38  }
0x2c4: {  	v37 =	vmul.f32 v60, v37;
	v46 =	vld [tilespmem:$0xC30];
	v38 =	vadd.f32 v41, v38  }
0x2c5: {  	vm8 =	veq.s32 v1, $0x18;
	v62 =	vsub.f32 $1.000000000e+00, v61  }
0x2c6: {  	v63 =	vmul.f32 v36, v5;
	vm1 =	vmand vm8, vm0;
	v37 =	vadd.f32 v38, v37  }
0x2c7: {  	v47 =	vadd.f32 v36, v36;
	v41 =	vnsel vm1, $0x0, v62  }
0x2c8: {  	vm9 =	veq.s32 v1, $0x19;
	v38 =	vmul.f32 v63, v36;
	v37 =	vadd.f32 v37, v41;
	v36 =	vpop (erf)  }
0x2c9: {  	v48 =	vsub.f32 $1.000000000e+00, v47;
	v50 =	vmul.f32 v35, v5;
	v42 =	vsub.f32 $0.0e+00, v46;
	v49 =	vpop (erf)  }
0x2ca: {  	vm1 =	vmand vm9, vm0;
	v37 =	vadd.f32 v37, v38;
	v41 =	vadd.f32 $1.000000000e+00, v49  }
0x2cb: {  	v51 =	vadd.f32 v35, v35;
	v42 =	vmul.f32 $1.442695020e+00, v42;
	v38 =	vnsel vm1, $0x0, v48  }
0x2cc: {  	v35 =	vmul.f32 v50, v35;
	v37 =	vadd.f32 v37, v38;
	(erf) = vrcp.f32 v41  }
0x2cd: {  	vm10 =	veq.s32 v1, $0x1A;
	v52 =	vsub.f32 $1.000000000e+00, v51;
	(erf) = vpow2.f32 v42  }
0x2ce: {  	v53 =	vmul.f32 v33, v5;
	vm1 =	vmand vm10, vm0;
	v35 =	vadd.f32 v37, v35  }
0x2cf: {  	v54 =	vadd.f32 v33, v33;
	v38 =	vnsel vm1, $0x0, v52  }
0x2d0: {  	v33 =	vmul.f32 v53, v33;
	v35 =	vadd.f32 v35, v38  }
0x2d1: {  	vm11 =	veq.s32 v1, $0x1B;
	v55 =	vsub.f32 $1.000000000e+00, v54;
	v56 =	vld [tilespmem:$0xC40]  }
0x2d2: {  	v57 =	vmul.f32 v32, v5;
	vm1 =	vmand vm11, vm0;
	v33 =	vadd.f32 v35, v33  }
0x2d3: {  	v58 =	vadd.f32 v32, v32;
	v37 =	vnsel vm1, $0x0, v55  }
0x2d4: {  	vm12 =	veq.s32 v1, $0x1C;
	v35 =	vmul.f32 v57, v32;
	v33 =	vadd.f32 v33, v37  }
0x2d5: {  	vm13 =	veq.s32 v1, $0x1D;
	v60 =	vmul.f32 v31, v5;
	v37 =	vsub.f32 $1.000000000e+00, v58;
	v32 =	vpop (erf)  }
0x2d6: {  	vm1 =	vmand vm12, vm0;
	v38 =	vsub.f32 $0.0e+00, v56;
	v33 =	vadd.f32 v33, v35;
	v59 =	vpop (erf)  }
0x2d7: {  	v61 =	vadd.f32 v31, v31;
	v37 =	vnsel vm1, $0x0, v37;
	v35 =	vadd.f32 $1.000000000e+00, v59  }
0x2d8: {  	v31 =	vmul.f32 v60, v31;
	v38 =	vmul.f32 $1.442695020e+00, v38;
	v33 =	vadd.f32 v33, v37  }
0x2d9: {  	v62 =	vmul.f32 v30, v5;
	(erf) = vrcp.f32 v35;
	v35 =	vsub.f32 $1.000000000e+00, v61  }
0x2da: {  	vm1 =	vmand vm13, vm0;
	v31 =	vadd.f32 v33, v31;
	(erf) = vpow2.f32 v38  }
0x2db: {  	v35 =	vnsel vm1, $0x0, v35  }
0x2dc: {  	v63 =	vadd.f32 v30, v30;
	v30 =	vmul.f32 v62, v30;
	v31 =	vadd.f32 v31, v35;
	_ =	sdelay $0x1  }
0x2dd: {  	v41 =	vld [tilespmem:$0xC50];
	v30 =	vadd.f32 v31, v30  }
0x2de: {  	vm14 =	veq.s32 v1, $0x1E;
	v42 =	vsub.f32 $1.000000000e+00, v63  }
0x2df: {  	vm1 =	vmand vm14, vm0  }
0x2e0: {  	v35 =	vnsel vm1, $0x0, v42  }
0x2e1: {  	v44 =	vmul.f32 v29, v5;
	v35 =	vadd.f32 v30, v35;
	v30 =	vpop (erf)  }
0x2e2: {  	v33 =	vsub.f32 $0.0e+00, v41;
	v46 =	vpop (erf)  }
0x2e3: {  	v31 =	vmul.f32 v44, v29;
	v29 =	vadd.f32 v29, v29;
	v47 =	vadd.f32 $1.000000000e+00, v46  }
0x2e4: {  	vm15 =	veq.s32 v1, $0x1F;
	v33 =	vmul.f32 $1.442695020e+00, v33  }
0x2e5: {  	v48 =	vmul.f32 v27, v5;
	v29 =	vsub.f32 $1.000000000e+00, v29;
	(erf) = vrcp.f32 v47  }
0x2e6: {  	vm1 =	vmand vm15, vm0;
	v31 =	vadd.f32 v35, v31;
	(erf) = vpow2.f32 v33  }
0x2e7: {  	v49 =	vadd.f32 v27, v27;
	v29 =	vnsel vm1, $0x0, v29  }
0x2e8: {  	v51 =	vmul.f32 v26, v5;
	v27 =	vmul.f32 v48, v27;
	v29 =	vadd.f32 v31, v29  }
0x2e9: {  	vm4 =	veq.s32 v1, $0x20;
	v52 =	vadd.f32 v26, v26;
	v50 =	vsub.f32 $1.000000000e+00, v49  }
0x2ea: {  	v53 =	vld [tilespmem:$0xC60];
	v26 =	vmul.f32 v51, v26;
	vm1 =	vmand vm4, vm0;
	v27 =	vadd.f32 v29, v27  }
0x2eb: {  	v31 =	vnsel vm1, $0x0, v50  }
0x2ec: {  	v27 =	vadd.f32 v27, v31;
	_ =	sdelay $0x1  }
0x2ed: {  	v27 =	vadd.f32 v27, v26;
	v26 =	vpop (erf)  }
0x2ee: {  	v55 =	vmul.f32 v25, v5;
	v58 =	vsub.f32 $0.0e+00, v53;
	v57 =	vpop (erf)  }
0x2ef: {  	vm5 =	veq.s32 v1, $0x21;
	v54 =	vsub.f32 $1.000000000e+00, v52;
	v31 =	vadd.f32 $1.000000000e+00, v57  }
0x2f0: {  	v56 =	vmul.f32 v55, v25;
	v59 =	vmul.f32 $1.442695020e+00, v58;
	vm1 =	vmand vm5, vm0  }
0x2f1: {  	v25 =	vadd.f32 v25, v25;
	v29 =	vnsel vm1, $0x0, v54;
	(erf) = vrcp.f32 v31  }
0x2f2: {  	v27 =	vadd.f32 v27, v29;
	(erf) = vpow2.f32 v59  }
0x2f3: {  	vm6 =	veq.s32 v1, $0x22;
	v25 =	vsub.f32 $1.000000000e+00, v25  }
0x2f4: {  	v60 =	vmul.f32 v24, v5;
	vm1 =	vmand vm6, vm0;
	v27 =	vadd.f32 v27, v56  }
0x2f5: {  	v61 =	vadd.f32 v24, v24;
	v25 =	vnsel vm1, $0x0, v25  }
0x2f6: {  	v24 =	vmul.f32 v60, v24;
	v33 =	vld [tilespmem:$0xC70];
	v25 =	vadd.f32 v27, v25  }
0x2f7: {  	vm7 =	veq.s32 v1, $0x23;
	v62 =	vsub.f32 $1.000000000e+00, v61  }
0x2f8: {  	v63 =	vmul.f32 v23, v5;
	vm1 =	vmand vm7, vm0;
	v24 =	vadd.f32 v25, v24  }
0x2f9: {  	v35 =	vadd.f32 v23, v23;
	v27 =	vnsel vm1, $0x0, v62  }
0x2fa: {  	vm8 =	veq.s32 v1, $0x24;
	v25 =	vmul.f32 v63, v23;
	v24 =	vadd.f32 v24, v27;
	v23 =	vpop (erf)  }
0x2fb: {  	v41 =	vmul.f32 v21, v5;
	v37 =	vsub.f32 $1.000000000e+00, v35;
	v29 =	vsub.f32 $0.0e+00, v33;
	v38 =	vpop (erf)  }
0x2fc: {  	vm1 =	vmand vm8, vm0;
	v24 =	vadd.f32 v24, v25;
	v27 =	vadd.f32 $1.000000000e+00, v38  }
0x2fd: {  	v42 =	vadd.f32 v21, v21;
	v29 =	vmul.f32 $1.442695020e+00, v29;
	v25 =	vnsel vm1, $0x0, v37  }
0x2fe: {  	v21 =	vmul.f32 v41, v21;
	v24 =	vadd.f32 v24, v25;
	(erf) = vrcp.f32 v27  }
0x2ff: {  	vm9 =	veq.s32 v1, $0x25;
	v44 =	vsub.f32 $1.000000000e+00, v42;
	(erf) = vpow2.f32 v29  }
0x300: {  	v46 =	vmul.f32 v20, v5;
	vm1 =	vmand vm9, vm0;
	v21 =	vadd.f32 v24, v21  }
0x301: {  	v47 =	vadd.f32 v20, v20;
	v25 =	vnsel vm1, $0x0, v44  }
0x302: {  	v20 =	vmul.f32 v46, v20;
	v21 =	vadd.f32 v21, v25  }
0x303: {  	vm10 =	veq.s32 v1, $0x26;
	v49 =	vld [tilespmem:$0xC80];
	v48 =	vsub.f32 $1.000000000e+00, v47  }
0x304: {  	v50 =	vmul.f32 v19, v5;
	vm1 =	vmand vm10, vm0;
	v20 =	vadd.f32 v21, v20  }
0x305: {  	v51 =	vadd.f32 v19, v19;
	v24 =	vnsel vm1, $0x0, v48  }
0x306: {  	vm11 =	veq.s32 v1, $0x27;
	v21 =	vmul.f32 v50, v19;
	v20 =	vadd.f32 v20, v24  }
0x307: {  	vm12 =	veq.s32 v1, $0x28;
	v53 =	vmul.f32 v18, v5;
	v24 =	vsub.f32 $1.000000000e+00, v51;
	v19 =	vpop (erf)  }
0x308: {  	vm1 =	vmand vm11, vm0;
	v25 =	vsub.f32 $0.0e+00, v49;
	v20 =	vadd.f32 v20, v21;
	v52 =	vpop (erf)  }
0x309: {  	v54 =	vadd.f32 v18, v18;
	v24 =	vnsel vm1, $0x0, v24;
	v21 =	vadd.f32 $1.000000000e+00, v52  }
0x30a: {  	v18 =	vmul.f32 v53, v18;
	v25 =	vmul.f32 $1.442695020e+00, v25;
	v20 =	vadd.f32 v20, v24  }
0x30b: {  	v55 =	vmul.f32 v17, v5;
	(erf) = vrcp.f32 v21;
	v21 =	vsub.f32 $1.000000000e+00, v54  }
0x30c: {  	vm1 =	vmand vm12, vm0;
	v18 =	vadd.f32 v20, v18;
	(erf) = vpow2.f32 v25  }
0x30d: {  	v21 =	vnsel vm1, $0x0, v21  }
0x30e: {  	v56 =	vadd.f32 v17, v17;
	v17 =	vmul.f32 v55, v17;
	v18 =	vadd.f32 v18, v21;
	_ =	sdelay $0x1  }
0x30f: {  	v57 =	vld [tilespmem:$0xC90];
	v17 =	vadd.f32 v18, v17  }
0x310: {  	vm13 =	veq.s32 v1, $0x29;
	v58 =	vsub.f32 $1.000000000e+00, v56  }
0x311: {  	vm1 =	vmand vm13, vm0  }
0x312: {  	v21 =	vnsel vm1, $0x0, v58  }
0x313: {  	v59 =	vmul.f32 v16, v5;
	v21 =	vadd.f32 v17, v21;
	v17 =	vpop (erf)  }
0x314: {  	v20 =	vsub.f32 $0.0e+00, v57;
	v60 =	vpop (erf)  }
0x315: {  	v18 =	vmul.f32 v59, v16;
	v16 =	vadd.f32 v16, v16;
	v61 =	vadd.f32 $1.000000000e+00, v60  }
0x316: {  	vm14 =	veq.s32 v1, $0x2A;
	v20 =	vmul.f32 $1.442695020e+00, v20  }
0x317: {  	v62 =	vmul.f32 v14, v5;
	v16 =	vsub.f32 $1.000000000e+00, v16;
	(erf) = vrcp.f32 v61  }
0x318: {  	vm1 =	vmand vm14, vm0;
	v18 =	vadd.f32 v21, v18;
	(erf) = vpow2.f32 v20  }
0x319: {  	v63 =	vadd.f32 v14, v14;
	v16 =	vnsel vm1, $0x0, v16  }
0x31a: {  	v14 =	vmul.f32 v62, v14;
	v25 =	vmul.f32 v13, v5;
	v16 =	vadd.f32 v18, v16  }
0x31b: {  	vm15 =	veq.s32 v1, $0x2B;
	v27 =	vadd.f32 v13, v13;
	v24 =	vsub.f32 $1.000000000e+00, v63  }
0x31c: {  	v29 =	vld [tilespmem:$0xCA0];
	v13 =	vmul.f32 v25, v13;
	vm1 =	vmand vm15, vm0;
	v14 =	vadd.f32 v16, v14  }
0x31d: {  	v18 =	vnsel vm1, $0x0, v24  }
0x31e: {  	v14 =	vadd.f32 v14, v18;
	_ =	sdelay $0x1  }
0x31f: {  	v14 =	vadd.f32 v14, v13;
	v13 =	vpop (erf)  }
0x320: {  	v33 =	vmul.f32 v12, v5;
	v38 =	vsub.f32 $0.0e+00, v29;
	v37 =	vpop (erf)  }
0x321: {  	vm4 =	veq.s32 v1, $0x2C;
	v31 =	vsub.f32 $1.000000000e+00, v27;
	v18 =	vadd.f32 $1.000000000e+00, v37  }
0x322: {  	v35 =	vmul.f32 v33, v12;
	v41 =	vmul.f32 $1.442695020e+00, v38;
	vm1 =	vmand vm4, vm0  }
0x323: {  	v12 =	vadd.f32 v12, v12;
	v16 =	vnsel vm1, $0x0, v31;
	(erf) = vrcp.f32 v18  }
0x324: {  	v14 =	vadd.f32 v14, v16;
	(erf) = vpow2.f32 v41  }
0x325: {  	vm5 =	veq.s32 v1, $0x2D;
	v12 =	vsub.f32 $1.000000000e+00, v12  }
0x326: {  	v42 =	vmul.f32 v11, v5;
	vm1 =	vmand vm5, vm0;
	v14 =	vadd.f32 v14, v35  }
0x327: {  	v44 =	vadd.f32 v11, v11;
	v12 =	vnsel vm1, $0x0, v12  }
0x328: {  	v11 =	vmul.f32 v42, v11;
	v48 =	vld [tilespmem:$0xCB0];
	v12 =	vadd.f32 v14, v12  }
0x329: {  	vm6 =	veq.s32 v1, $0x2E;
	v46 =	vsub.f32 $1.000000000e+00, v44  }
0x32a: {  	v47 =	vmul.f32 v10, v5;
	vm1 =	vmand vm6, vm0;
	v11 =	vadd.f32 v12, v11  }
0x32b: {  	v49 =	vadd.f32 v10, v10;
	v14 =	vnsel vm1, $0x0, v46  }
0x32c: {  	vm7 =	veq.s32 v1, $0x2F;
	v12 =	vmul.f32 v47, v10;
	v11 =	vadd.f32 v11, v14;
	v10 =	vpop (erf)  }
0x32d: {  	v50 =	vsub.f32 $1.000000000e+00, v49;
	v52 =	vmul.f32 v8, v5;
	v16 =	vsub.f32 $0.0e+00, v48;
	v51 =	vpop (erf)  }
0x32e: {  	vm1 =	vmand vm7, vm0;
	v11 =	vadd.f32 v11, v12;
	v14 =	vadd.f32 $1.000000000e+00, v51  }
0x32f: {  	v53 =	vadd.f32 v8, v8;
	v16 =	vmul.f32 $1.442695020e+00, v16;
	v12 =	vnsel vm1, $0x0, v50  }
0x330: {  	v8 =	vmul.f32 v52, v8;
	v11 =	vadd.f32 v11, v12;
	(erf) = vrcp.f32 v14  }
0x331: {  	vm8 =	veq.s32 v1, $0x30;
	v54 =	vsub.f32 $1.000000000e+00, v53;
	(erf) = vpow2.f32 v16  }
0x332: {  	v55 =	vmul.f32 v7, v5;
	vm1 =	vmand vm8, vm0;
	v8 =	vadd.f32 v11, v8  }
0x333: {  	v56 =	vadd.f32 v7, v7;
	v12 =	vnsel vm1, $0x0, v54  }
0x334: {  	v7 =	vmul.f32 v55, v7;
	v8 =	vadd.f32 v8, v12  }
0x335: {  	vm9 =	veq.s32 v1, $0x31;
	v57 =	vsub.f32 $1.000000000e+00, v56;
	v58 =	vld [tilespmem:$0xCC0]  }
0x336: {  	v59 =	vmul.f32 v6, v5;
	vm1 =	vmand vm9, vm0;
	v7 =	vadd.f32 v8, v7  }
0x337: {  	v60 =	vadd.f32 v6, v6;
	v11 =	vnsel vm1, $0x0, v57  }
0x338: {  	v62 =	vmul.f32 v9, v5;
	v8 =	vmul.f32 v59, v6;
	v7 =	vadd.f32 v7, v11  }
0x339: {  	vm10 =	veq.s32 v1, $0x32;
	vm11 =	veq.s32 v1, $0x33;
	v11 =	vsub.f32 $1.000000000e+00, v60;
	v6 =	vpop (erf)  }
0x33a: {  	vm1 =	vmand vm10, vm0;
	v12 =	vsub.f32 $0.0e+00, v58;
	v7 =	vadd.f32 v7, v8;
	v61 =	vpop (erf)  }
0x33b: {  	v63 =	vadd.f32 v9, v9;
	v11 =	vnsel vm1, $0x0, v11;
	v8 =	vadd.f32 $1.000000000e+00, v61  }
0x33c: {  	v9 =	vmul.f32 v62, v9;
	v12 =	vmul.f32 $1.442695020e+00, v12;
	v7 =	vadd.f32 v7, v11  }
0x33d: {  	v14 =	vmul.f32 v15, v5;
	(erf) = vrcp.f32 v8;
	v8 =	vsub.f32 $1.000000000e+00, v63  }
0x33e: {  	vm1 =	vmand vm11, vm0;
	v7 =	vadd.f32 v7, v9;
	(erf) = vpow2.f32 v12  }
0x33f: {  	v8 =	vnsel vm1, $0x0, v8  }
0x340: {  	v18 =	vmul.f32 v14, v15;
	v7 =	vadd.f32 v7, v8  }
0x341: {  	v16 =	vadd.f32 v15, v15  }
0x342: {  	v20 =	vld [tilespmem:$0xCD0];
	v7 =	vadd.f32 v7, v18  }
0x343: {  	vm12 =	veq.s32 v1, $0x34;
	v11 =	vsub.f32 $1.000000000e+00, v16  }
0x344: {  	vm1 =	vmand vm12, vm0  }
0x345: {  	v21 =	vmul.f32 v22, v5;
	v11 =	vnsel vm1, $0x0, v11  }
0x346: {  	v24 =	vadd.f32 v22, v22;
	v11 =	vadd.f32 v7, v11;
	v7 =	vpop (erf)  }
0x347: {  	v29 =	vmul.f32 v28, v5;
	v9 =	vsub.f32 $0.0e+00, v20;
	v8 =	vmul.f32 v21, v22;
	v25 =	vpop (erf)  }
0x348: {  	vm13 =	veq.s32 v1, $0x35;
	v12 =	vsub.f32 $1.000000000e+00, v24;
	v27 =	vadd.f32 $1.000000000e+00, v25  }
0x349: {  	v9 =	vmul.f32 $1.442695020e+00, v9;
	vm1 =	vmand vm13, vm0;
	v8 =	vadd.f32 v11, v8  }
0x34a: {  	v31 =	vadd.f32 v28, v28;
	v12 =	vnsel vm1, $0x0, v12;
	(erf) = vrcp.f32 v27  }
0x34b: {  	v11 =	vmul.f32 v29, v28;
	v8 =	vadd.f32 v8, v12;
	(erf) = vpow2.f32 v9  }
0x34c: {  	vm14 =	veq.s32 v1, $0x36;
	v9 =	vsub.f32 $1.000000000e+00, v31  }
0x34d: {  	vm1 =	vmand vm14, vm0;
	v8 =	vadd.f32 v8, v11  }
0x34e: {  	v33 =	vmul.f32 v34, v5;
	v9 =	vnsel vm1, $0x0, v9  }
0x34f: {  	v35 =	vadd.f32 v34, v34;
	v37 =	vld [tilespmem:$0xCE0];
	v8 =	vadd.f32 v8, v9  }
0x350: {  	v38 =	vmul.f32 v33, v34  }
0x351: {  	v42 =	vmul.f32 v40, v5;
	vm15 =	veq.s32 v1, $0x37;
	v41 =	vsub.f32 $1.000000000e+00, v35  }
0x352: {  	vm1 =	vmand vm15, vm0;
	v9 =	vadd.f32 v8, v38  }
0x353: {  	v44 =	vmul.f32 v42, v40;
	v47 =	vadd.f32 v40, v40;
	v11 =	vnsel vm1, $0x0, v41;
	v8 =	vpop (erf)  }
0x354: {  	vm4 =	veq.s32 v1, $0x38;
	v14 =	vsub.f32 $0.0e+00, v37;
	v9 =	vadd.f32 v9, v11;
	v46 =	vpop (erf)  }
0x355: {  	v49 =	vsub.f32 $1.000000000e+00, v47;
	v50 =	vmul.f32 v45, v5;
	v12 =	vadd.f32 $1.000000000e+00, v46  }
0x356: {  	v48 =	vmul.f32 $1.442695020e+00, v14;
	vm1 =	vmand vm4, vm0;
	v9 =	vadd.f32 v9, v44  }
0x357: {  	v52 =	vadd.f32 v45, v45;
	v51 =	vnsel vm1, $0x0, v49;
	(erf) = vrcp.f32 v12  }
0x358: {  	v53 =	vmul.f32 v50, v45;
	v9 =	vadd.f32 v9, v51;
	(erf) = vpow2.f32 v48  }
0x359: {  	vm5 =	veq.s32 v1, $0x39;
	v54 =	vsub.f32 $1.000000000e+00, v52  }
0x35a: {  	vm1 =	vmand vm5, vm0;
	v9 =	vadd.f32 v9, v53  }
0x35b: {  	v12 =	vnsel vm1, $0x0, v54  }
0x35c: {  	v55 =	vmul.f32 v43, v5;
	v56 =	vld [tilespmem:$0xCF0];
	v9 =	vadd.f32 v9, v12;
	_ =	sdelay $0x1  }
0x35d: {  	v57 =	vadd.f32 v43, v43;
	v11 =	vmul.f32 v55, v43  }
0x35e: {  	vm6 =	veq.s32 v1, $0x3A  }
0x35f: {  	vm7 =	veq.s32 v1, $0x3B;
	v12 =	vsub.f32 $1.000000000e+00, v57;
	v11 =	vadd.f32 v9, v11;
	v9 =	vpop (erf)  }
0x360: {  	v59 =	vmul.f32 v39, v5;
	v14 =	vsub.f32 $0.0e+00, v56;
	vm1 =	vmand vm6, vm0;
	v58 =	vpop (erf)  }
0x361: {  	v60 =	vadd.f32 v39, v39;
	v12 =	vnsel vm1, $0x0, v12;
	v15 =	vadd.f32 $1.000000000e+00, v58  }
0x362: {  	v14 =	vmul.f32 $1.442695020e+00, v14;
	v61 =	vmul.f32 v59, v39;
	v11 =	vadd.f32 v11, v12  }
0x363: {  	v62 =	vsub.f32 $1.000000000e+00, v60;
	v63 =	vmul.f32 v36, v5;
	(erf) = vrcp.f32 v15  }
0x364: {  	vm1 =	vmand vm7, vm0;
	v11 =	vadd.f32 v11, v61;
	(erf) = vpow2.f32 v14  }
0x365: {  	v18 =	vnsel vm1, $0x0, v62  }
0x366: {  	v12 =	vmul.f32 v63, v36;
	v11 =	vadd.f32 v11, v18  }
0x367: {  	v20 =	vadd.f32 v36, v36  }
0x368: {  	v22 =	vld [tilespmem:$0xD00];
	v11 =	vadd.f32 v11, v12  }
0x369: {  	vm8 =	veq.s32 v1, $0x3C;
	v21 =	vsub.f32 $1.000000000e+00, v20  }
0x36a: {  	v24 =	vmul.f32 v32, v5;
	vm1 =	vmand vm8, vm0  }
0x36b: {  	v14 =	vnsel vm1, $0x0, v21  }
0x36c: {  	v12 =	vmul.f32 v24, v32;
	v14 =	vadd.f32 v11, v14;
	v11 =	vpop (erf)  }
0x36d: {  	v15 =	vsub.f32 $0.0e+00, v22;
	v27 =	vpop (erf)  }
0x36e: {  	v12 =	vadd.f32 v14, v12;
	v14 =	vadd.f32 $1.000000000e+00, v27  }
0x36f: {  	v25 =	vadd.f32 v32, v32;
	v15 =	vmul.f32 $1.442695020e+00, v15  }
0x370: {  	(erf) = vrcp.f32 v14  }
0x371: {  	vm9 =	veq.s32 v1, $0x3D;
	v16 =	vsub.f32 $1.000000000e+00, v25;
	(erf) = vpow2.f32 v15  }
0x372: {  	v28 =	vmul.f32 v30, v5;
	vm1 =	vmand vm9, vm0  }
0x373: {  	v29 =	vadd.f32 v30, v30;
	v16 =	vnsel vm1, $0x0, v16  }
0x374: {  	v31 =	vmul.f32 v28, v30;
	v12 =	vadd.f32 v12, v16  }
0x375: {  	v35 =	vld [tilespmem:$0xD10];
	vm10 =	veq.s32 v1, $0x3E;
	v14 =	vsub.f32 $1.000000000e+00, v29  }
0x376: {  	v32 =	vmul.f32 v26, v5;
	vm1 =	vmand vm10, vm0;
	v12 =	vadd.f32 v12, v31  }
0x377: {  	v33 =	vadd.f32 v26, v26;
	v14 =	vnsel vm1, $0x0, v14  }
0x378: {  	vm11 =	veq.s32 v1, $0x3F;
	v34 =	vmul.f32 v32, v26;
	v12 =	vadd.f32 v12, v14  }
0x379: {  	vm12 =	veq.s32 v1, $0x40;
	v36 =	vmul.f32 v23, v5;
	v16 =	vsub.f32 $1.000000000e+00, v33;
	v37 =	vpop (erf)  }
0x37a: {  	v15 =	vsub.f32 $0.0e+00, v35;
	vm1 =	vmand vm11, vm0;
	v12 =	vadd.f32 v12, v34;
	v39 =	vpop (erf)  }
0x37b: {  	v38 =	vadd.f32 v23, v23;
	v16 =	vnsel vm1, $0x0, v16;
	v40 =	vadd.f32 $1.000000000e+00, v39  }
0x37c: {  	v14 =	vmul.f32 v36, v23;
	v15 =	vmul.f32 $1.442695020e+00, v15;
	v12 =	vadd.f32 v12, v16  }
0x37d: {  	v41 =	vmul.f32 v19, v5;
	v18 =	vsub.f32 $1.000000000e+00, v38;
	(erf) = vrcp.f32 v40  }
0x37e: {  	vm1 =	vmand vm12, vm0;
	v12 =	vadd.f32 v12, v14;
	(erf) = vpow2.f32 v15  }
0x37f: {  	v42 =	vadd.f32 v19, v19;
	v18 =	vnsel vm1, $0x0, v18  }
0x380: {  	v14 =	vmul.f32 v41, v19;
	v12 =	vadd.f32 v12, v18  }
0x381: {  	vm13 =	veq.s32 v1, $0x41;
	v15 =	vsub.f32 $1.000000000e+00, v42  }
0x382: {  	v45 =	vld [tilespmem:$0xD20];
	v43 =	vmul.f32 v17, v5;
	vm1 =	vmand vm13, vm0;
	v12 =	vadd.f32 v12, v14  }
0x383: {  	v44 =	vadd.f32 v17, v17;
	v15 =	vnsel vm1, $0x0, v15  }
0x384: {  	v14 =	vmul.f32 v43, v17;
	v12 =	vadd.f32 v12, v15  }
0x385: {  	vm14 =	veq.s32 v1, $0x42;
	v46 =	vsub.f32 $1.000000000e+00, v44  }
0x386: {  	vm1 =	vmand vm14, vm0;
	v12 =	vadd.f32 v12, v14;
	v48 =	vpop (erf)  }
0x387: {  	v50 =	vsub.f32 $0.0e+00, v45;
	v15 =	vnsel vm1, $0x0, v46;
	v49 =	vpop (erf)  }
0x388: {  	v12 =	vadd.f32 v12, v15;
	v15 =	vadd.f32 $1.000000000e+00, v49  }
0x389: {  	v47 =	vmul.f32 v13, v5;
	v51 =	vmul.f32 $1.442695020e+00, v50  }
0x38a: {  	(erf) = vrcp.f32 v15  }
0x38b: {  	v14 =	vmul.f32 v47, v13;
	v13 =	vadd.f32 v13, v13;
	(erf) = vpow2.f32 v51;
	_ =	sdelay $0x1  }
0x38c: {  	vm15 =	veq.s32 v1, $0x43;
	v13 =	vsub.f32 $1.000000000e+00, v13  }
0x38d: {  	v52 =	vmul.f32 v10, v5;
	vm1 =	vmand vm15, vm0;
	v12 =	vadd.f32 v12, v14  }
0x38e: {  	v56 =	vld [tilespmem:$0xD30];
	v53 =	vadd.f32 v10, v10;
	v13 =	vnsel vm1, $0x0, v13  }
0x38f: {  	v10 =	vmul.f32 v52, v10;
	v12 =	vadd.f32 v12, v13  }
0x390: {  	vm4 =	veq.s32 v1, $0x44;
	v55 =	vmul.f32 v6, v5;
	v54 =	vsub.f32 $1.000000000e+00, v53  }
0x391: {  	vm1 =	vmand vm4, vm0;
	v10 =	vadd.f32 v12, v10  }
0x392: {  	v13 =	vnsel vm1, $0x0, v54;
	v12 =	vmul.f32 v55, v6;
	v6 =	vadd.f32 v6, v6;
	v57 =	vpop (erf)  }
0x393: {  	v59 =	vmul.f32 v7, v5;
	v14 =	vsub.f32 $0.0e+00, v56;
	v10 =	vadd.f32 v10, v13;
	v58 =	vpop (erf)  }
0x394: {  	vm5 =	veq.s32 v1, $0x45;
	v6 =	vsub.f32 $1.000000000e+00, v6;
	v13 =	vadd.f32 $1.000000000e+00, v58  }
0x395: {  	vm1 =	vmand vm5, vm0;
	v14 =	vmul.f32 $1.442695020e+00, v14;
	v10 =	vadd.f32 v10, v12  }
0x396: {  	v60 =	vadd.f32 v7, v7;
	v6 =	vnsel vm1, $0x0, v6;
	(erf) = vrcp.f32 v13  }
0x397: {  	v7 =	vmul.f32 v59, v7;
	v6 =	vadd.f32 v10, v6;
	(erf) = vpow2.f32 v14  }
0x398: {  	vm6 =	veq.s32 v1, $0x46;
	v61 =	vsub.f32 $1.000000000e+00, v60  }
0x399: {  	v62 =	vmul.f32 v8, v5;
	vm1 =	vmand vm6, vm0;
	v6 =	vadd.f32 v6, v7  }
0x39a: {  	v63 =	vadd.f32 v8, v8;
	v10 =	vnsel vm1, $0x0, v61  }
0x39b: {  	v19 =	vld [tilespmem:$0xD40];
	v7 =	vmul.f32 v62, v8;
	v6 =	vadd.f32 v6, v10  }
0x39c: {  	vm7 =	veq.s32 v1, $0x47;
	v18 =	vsub.f32 $1.000000000e+00, v63  }
0x39d: {  	v20 =	vmul.f32 v9, v5;
	vm1 =	vmand vm7, vm0;
	v6 =	vadd.f32 v6, v7  }
0x39e: {  	v21 =	vadd.f32 v9, v9;
	v8 =	vnsel vm1, $0x0, v18  }
0x39f: {  	v7 =	vmul.f32 v20, v9;
	v6 =	vadd.f32 v6, v8;
	v22 =	vpop (erf)  }
0x3a0: {  	v28 =	vld [tilespmem:$0x1090];
	v10 =	vsub.f32 $0.0e+00, v19;
	v8 =	vsub.f32 $1.000000000e+00, v21;
	v24 =	vpop (erf)  }
0x3a1: {  	v45 =	vld [tilespmem:$0x830];
	vm8 =	veq.s32 v1, $0x48;
	v6 =	vadd.f32 v6, v7;
	v7 =	vadd.f32 $1.000000000e+00, v24  }
0x3a2: {  	v44 =	vld [tilespmem:$0x10B0];
	v25 =	vmul.f32 v11, v5;
	vm1 =	vmand vm8, vm0;
	v10 =	vmul.f32 $1.442695020e+00, v10  }
0x3a3: {  	v30 =	vld [tilespmem:$0x10A0];
	v26 =	vadd.f32 v11, v11;
	v8 =	vnsel vm1, $0x0, v8;
	(erf) = vrcp.f32 v7  }
0x3a4: {  	v32 =	vld [tilespmem:$0x820];
	v27 =	vmul.f32 v25, v11;
	v6 =	vadd.f32 v6, v8;
	(erf) = vpow2.f32 v10  }
0x3a5: {  	v3 =	vsub.f32 v3, v28;
	vm9 =	veq.s32 v1, $0x49;
	v29 =	vsub.f32 $1.000000000e+00, v26  }
0x3a6: {  	v31 =	vmul.f32 v37, v5;
	vm1 =	vmand vm9, vm0;
	v6 =	vadd.f32 v6, v27  }
0x3a7: {  	v52 =	vsub.f32 v45, v44;
	v34 =	vadd.f32 v37, v37;
	v10 =	vnsel vm1, $0x0, v29  }
0x3a8: {  	vm10 =	veq.s32 v1, $0x4A;
	v23 =	vld [tilespmem:$0x1080];
	v7 =	vmul.f32 v31, v37;
	v6 =	vadd.f32 v6, v10  }
0x3a9: {  	v11 =	vsub.f32 v32, v30;
	vm11 =	veq.s32 v1, $0x4B;
	v35 =	vsub.f32 $1.000000000e+00, v34  }
0x3aa: {  	v36 =	vmul.f32 v48, v5;
	vm1 =	vmand vm10, vm0;
	v6 =	vadd.f32 v6, v7  }
0x3ab: {  	vm12 =	veq.s32 v1, $0x4C;
	v38 =	vadd.f32 v48, v48;
	v37 =	vnsel vm1, $0x0, v35  }
0x3ac: {  	vm13 =	veq.s32 v1, $0x4D;
	v7 =	vmul.f32 v36, v48;
	v6 =	vadd.f32 v6, v37;
	v39 =	vpop (erf)  }
0x3ad: {  	v4 =	vsub.f32 v4, v23;
	v40 =	vsub.f32 $1.000000000e+00, v38;
	v41 =	vmul.f32 v57, v5;
	v42 =	vpop (erf)  }
0x3ae: {  	vm1 =	vmand vm11, vm0;
	v6 =	vadd.f32 v6, v7;
	v43 =	vadd.f32 $1.000000000e+00, v42  }
0x3af: {  	v33 =	vmul.f32 v4, v5;
	v12 =	vadd.f32 v57, v57;
	v8 =	vnsel vm1, $0x0, v40  }
0x3b0: {  	v10 =	vmul.f32 v41, v57;
	v6 =	vadd.f32 v6, v8;
	(erf) = vrcp.f32 v43  }
0x3b1: {  	v4 =	vmul.f32 v33, v4;
	vm14 =	veq.s32 v1, $0x4E;
	v12 =	vsub.f32 $1.000000000e+00, v12  }
0x3b2: {  	vm1 =	vmand vm12, vm0;
	v48 =	vmul.f32 v22, v5;
	v6 =	vadd.f32 v6, v10  }
0x3b3: {  	v46 =	vmul.f32 v3, v5;
	v50 =	vadd.f32 v22, v22;
	v49 =	vnsel vm1, $0x0, v12  }
0x3b4: {  	v47 =	vmul.f32 v11, v5;
	v51 =	vmul.f32 v48, v22;
	v6 =	vadd.f32 v6, v49  }
0x3b5: {  	v3 =	vmul.f32 v46, v3;
	v55 =	vmul.f32 $-5.000000000e-01, v2;
	v53 =	vsub.f32 $1.000000000e+00, v50  }
0x3b6: {  	vm1 =	vmand vm13, vm0;
	v54 =	vmul.f32 v39, v5;
	v6 =	vadd.f32 v6, v51  }
0x3b7: {  	v62 =	vmul.f32 v52, v5;
	v56 =	vadd.f32 v39, v39;
	v10 =	vnsel vm1, $0x0, v53  }
0x3b8: {  	v57 =	vadd.f32 $-1.000000000e+00, v2;
	v8 =	vmul.f32 v54, v39;
	v6 =	vadd.f32 v6, v10  }
0x3b9: {  	v2 =	vmul.f32 v55, v2;
	v7 =	vmul.f32 v47, v11;
	v58 =	vsub.f32 $1.000000000e+00, v56;
	v59 =	vpop (erf)  }
0x3ba: {  	vm1 =	vmand vm14, vm0;
	v6 =	vadd.f32 v6, v8;
	v60 =	vmul.f32 v59, v5  }
0x3bb: {  	v11 =	vnsel vm1, $0x0, v58;
	v10 =	vmul.f32 v57, v57;
	v61 =	vadd.f32 v59, v59  }
0x3bc: {  	vm15 =	veq.s32 v1, $0x4F;
	v6 =	vadd.f32 v6, v11;
	v8 =	vmul.f32 v60, v59  }
0x3bd: {  	[tilespmem:$0x1110] =	vst v3;
	v3 =	vmul.f32 v62, v52;
	v2 =	vadd.f32 v2, v10;
	v1 =	vsub.f32 $1.000000000e+00, v61  }
0x3be: {  	[tilespmem:$0x1100] =	vst v4;
	vm0 =	vmand vm15, vm0;
	v63 =	vadd.f32 v6, v8  }
0x3bf: {  	[tilespmem:$0x1130] =	vst v3;
	v2 =	vmul.f32 v2, v5;
	v1 =	vnsel vm0, $0x0, v1  }
0x3c0: {  	[tilespmem:$0x1120] =	vst v7;
	v1 =	vadd.f32 v63, v1  }
0x3c1: {  	p0 =	sne.s32 s4, $0x1;
	[tilespmem:$0x1140] =	vst v2  }
.Ltmp0:
0x3c2: {  	s6 =	rddreg [dreg:$0xa];
	[tilespmem:$0x1150] =	vst v1;
	(pc) =	sbr.rel @p0 .LBB2_1-.Ltmp0, $4  }
0x3c3: {  	[hbm4b:s6+s2] =	stream.linear.scatter [tilespmem:s1], [sflag:$0x2], $0x60, $0x38;
	[tilespmem:$0x1180] =	vst v63  }
0x3c4: {  	_ =	swait.ge [sflag:s5], $0x60  }
0x3c5: {  	[sflag:s5] =	ssyncset.done $0x0  }
0x3c6: {  	s4 =	sadd.s32 $0xFFFFFFFF, s4;
	[sflag:s5] =	ssyncadd.s32 $0xFFFFFFA0  }
0x3c7: {  	_ =	sfence.sel $0x180000  }
0x3c8: {  	[bflag:$0x0] =	sbarrier.arrive $0xFFFF  }
0x3c9: {  	_ =	strace $0x90000047  }
0x3ca: {  	s0 =	stileid.u32;
	[bflag:$0x2] =	sbarrier.arrive $0xFFFF  }
0x3cb: {  	p0 =	sne.s32 s0, $0x0;
	s0 =	rddreg [dreg:$0x1]  }
0x3cc: {  	s0 =	sadd.s32 @!p0 $0x100000, s0  }
0x3cd: {  	[sflag:s0] =	ssyncadd.tile.s32 @!p0 $0x1;
	_ =	shalt  }
.Lfunc_end2:
_tile_overlayer_lowered:
.L_overlay_start_2:
0x3ce: {  	(tag) =	ssettag $0x2  }
0x3cf: {  	s0 =	rddreg [dreg:$0x0];
	s2 =	stileid.u32  }
0x3d0: {  	s1 =	rddreg [dreg:$0x1];
	p0 =	sne.s32 s2, $0x0  }
0x3d1: {  	s3 =	rddreg [dreg:$0x2];
	[bflag:$0x3] =	sbarrier.arrive $0xFFFF;
	s2 =	simm.s32 @!p0 $0x1C02  }
0x3d2: {  	[timem:s3], [sflag:s2] =	dma.local @!p0 [hbm:s0], s1  }
0x3d3: {  	s0 =	simm.s32 @!p0 $0x2  }
0x3d4: {  	_ =	swait.ge @!p0 [sflag:s0], s1  }
0x3d5: {  	s1 =	ssub.s32 @!p0 $0x0, s1;
	[sflag:s0] =	ssyncset.done @!p0 $0x0  }
0x3d6: {  	[sflag:s0] =	ssyncadd.s32 @!p0 s1  }
0x3d7: {  	[bflag:$0x3] =	sbarrier.arrive $0xFFFF  }
0x3d8: {  	_ =	shalt  }

</sc_bundles>
